<compile_context>
chip_gen: v7x
topology: tpu7x:2x2x1
jax: 0.10.2.dev20260603
libtpu: 0.0.44.dev20260713+nightly
codegen_flags: <defaults>
</compile_context>

<pallas_src>
import jax
import jax.numpy as jnp
from jax import lax
from jax.experimental import pallas as pl
from jax.experimental.pallas import tpu as pltpu
from jax.experimental.pallas import tpu_sc as plsc

NC = 2
NS = 16
NW = NC * NS
K = 128
LANES = 16


def _mesh():
  return plsc.VectorSubcoreMesh(core_axis_name="c", subcore_axis_name="s")


def _fill_rows(buf, nrows, ncols, value):
  v = jnp.full((LANES,), value, jnp.float32)

  def row(i, carry):
    for l in range(ncols // LANES):
      buf[i, pl.ds(l * LANES, LANES)] = v
    return carry

  lax.fori_loop(0, nrows, row, 0)


def _nblk(n):
  return (n + 1 + K - 1) // K


def _init_acc(zeros_v, acc, sid, nblk):
  for i in range(-(-nblk // NS)):
    blk = sid + i * NS
    @pl.when(blk < nblk)
    def _():
      pltpu.sync_copy(zeros_v, acc.at[pl.ds(blk * K, K)])


def _drain_acc(acc, out_hbm, cid, sid, nblk):
  for i in range(-(-nblk // NS)):
    blk = sid + i * NS
    @pl.when(blk < nblk)
    def _():
      pltpu.sync_copy(acc.at[pl.ds(blk * K, K)],
                      out_hbm.at[cid, pl.ds(blk * K, K)])


DEGW = 128


def _make_deg(n, nch):
  nblk = _nblk(n)
  acc_rows = nblk * K

  def body(dstv_hbm, out_hbm, dst_v, ones_v, acc):
    cid = lax.axis_index("c")
    sid = lax.axis_index("s")
    wid = sid * NC + cid
    pltpu.sync_copy(dstv_hbm.at[wid], dst_v)
    _fill_rows(ones_v, K, DEGW, 0.0)
    _init_acc(ones_v, acc, sid, nblk)
    _fill_rows(ones_v, K, DEGW, 1.0)
    plsc.subcore_barrier()

    def chunk(j, carry):
      pltpu.sync_copy(ones_v, acc.at[dst_v.at[j]], add=True)
      return carry

    lax.fori_loop(0, nch, chunk, 0)
    plsc.subcore_barrier()
    _drain_acc(acc, out_hbm, cid, sid, nblk)

  return pl.kernel(
      body,
      out_type=jax.ShapeDtypeStruct((NC, acc_rows, DEGW), jnp.float32),
      mesh=_mesh(),
      scratch_types=[
          pltpu.VMEM((nch, K), jnp.int32),
          pltpu.VMEM((K, DEGW), jnp.float32),
          pltpu.VMEM_SHARED((acc_rows, DEGW), jnp.float32),
      ],
  )


IDXBITS = 14


def _make_agg(n, d, c0, c1):
  pa = -(-(c0 // 2) // 8) * 8
  pb = c0 - pa
  assert pb >= 0 and pb % 2 == 0 and c1 % 2 == 0 and c1 <= pa
  assert n < (1 << IDXBITS)
  nblk = _nblk(n)
  acc_rows = nblk * K
  mask = (1 << IDXBITS) - 1

  def body(xs_hbm, pidx_hbm, out_hbm, pidx_v, idx_v, buf0, buf1, gsem0,
           gsem1, acc):
    bufs = [buf0, buf1]
    gsem = [gsem0, gsem1]
    cid = lax.axis_index("c")
    sid = lax.axis_index("s")
    wid = sid * NC + cid
    nch = lax.select(cid == 0, c0, c1)
    pltpu.sync_copy(pidx_hbm.at[wid, pl.ds(0, pa)], pidx_v)
    _fill_rows(buf0, K, d, 0.0)
    _init_acc(buf0, acc, sid, nblk)
    plsc.subcore_barrier()

    def unpack(j, b):
      def row(l, carry):
        w = pidx_v[j, pl.ds(l * LANES, LANES)]
        idx_v[b, 0, pl.ds(l * LANES, LANES)] = w & mask
        idx_v[b, 1, pl.ds(l * LANES, LANES)] = w >> IDXBITS
        return carry

      lax.fori_loop(0, K // LANES, row, 0)

    def fire(j, b):
      pltpu.async_copy(xs_hbm.at[idx_v.at[b, 0]], bufs[b], gsem[b])

    def wait_gather(b):
      pltpu.make_async_copy(xs_hbm.at[pl.ds(0, K)], bufs[b], gsem[b]).wait()

    def scatter(b):
      pltpu.sync_copy(bufs[b], acc.at[idx_v.at[b, 1]], add=True)

    def run_chunks(count):

      @pl.when(count > 0)
      def _():
        unpack(0, 0)
        fire(0, 0)

      def step(t, carry):
        j = 2 * t
        unpack(j + 1, 1)
        fire(j + 1, 1)
        wait_gather(0)
        scatter(0)

        @pl.when(j + 2 < count)
        def _():
          unpack(j + 2, 0)
          fire(j + 2, 0)

        wait_gather(1)
        scatter(1)
        return carry

      lax.fori_loop(0, count // 2, step, 0)

    n_a = lax.min(nch, pa)
    run_chunks(n_a)

    if pb > 0:
      @pl.when(nch > pa)
      def _():
        pltpu.sync_copy(pidx_hbm.at[wid, pl.ds(pa, pb)],
                        pidx_v.at[pl.ds(0, pb)])
        run_chunks(nch - pa)

    plsc.subcore_barrier()
    _drain_acc(acc, out_hbm, cid, sid, nblk)

  return pl.kernel(
      body,
      out_type=jax.ShapeDtypeStruct((NC, acc_rows, d), jnp.float32),
      mesh=_mesh(),
      scratch_types=[
          pltpu.VMEM((pa, K), jnp.int32),
          pltpu.VMEM((2, 2, K), jnp.int32),
          pltpu.VMEM((K, d), jnp.float32),
          pltpu.VMEM((K, d), jnp.float32),
          pltpu.SemaphoreType.DMA,
          pltpu.SemaphoreType.DMA,
          pltpu.VMEM_SHARED((acc_rows, d), jnp.float32),
      ],
  )


BN = 512


def _prep_body(x_ref, w_ref, degp_ref, xs_ref, dinv_ref):
  deg = degp_ref[0, :, 0:1] + degp_ref[1, :, 0:1] + 1.0
  dinv = lax.rsqrt(deg)
  xw = jnp.dot(x_ref[...], w_ref[...], preferred_element_type=jnp.float32)
  xs_ref[...] = dinv * xw
  dinv_ref[...] = dinv


def _mid_body(p_ref, xs_ref, dinv_ref, b1_ref, z_ref, u_ref):
  dinv = dinv_ref[...]
  agg = p_ref[0] + p_ref[1] + xs_ref[...]
  z = jnp.maximum(dinv * agg + b1_ref[...], 0.0)
  z_ref[...] = z
  u_ref[...] = dinv * z


def _fin_body(q_ref, u_ref, dinv_ref, w2_ref, b2_ref, out_ref):
  acc = q_ref[0] + q_ref[1] + u_ref[...]
  out_ref[...] = (dinv_ref[...]
                  * jnp.dot(acc, w2_ref[...],
                            preferred_element_type=jnp.float32)
                  + b2_ref[...])


def kernel(x, edge_index, W1, b1, W2, b2):
  n, in_dim = x.shape
  hid = W1.shape[1]
  out_dim = W2.shape[1]
  e = edge_index.shape[1]

  src = edge_index[0].astype(jnp.int32)
  dst = edge_index[1].astype(jnp.int32)

  nchd = -(-e // (NW * K))
  padd = NW * nchd * K - e
  dstv = jnp.concatenate([dst, jnp.full((padd,), n, jnp.int32)]).reshape(
      NW, nchd, K)
  degp = _make_deg(n, nchd)(dstv)

  need = -(-e // K)
  c1 = 2 * max(1, round(need * 0.167 / (2 * NS)))
  rem = -(-(need - NS * c1) // NS)
  c0 = -(-rem // 4) * 4
  e_pad = NS * (c0 + c1) * K
  pad = e_pad - e
  src_p = jnp.concatenate([src, jnp.zeros((pad,), jnp.int32)])
  dst_p = jnp.concatenate([dst, jnp.full((pad,), n, jnp.int32)])
  pidx_flat = (src_p | (dst_p << IDXBITS)).reshape(NS * (c0 + c1), K)
  p0 = pidx_flat[:NS * c0].reshape(NS, c0, K)
  p1 = pidx_flat[NS * c0:].reshape(NS, c1, K)
  p1 = jnp.pad(p1, ((0, 0), (0, c0 - c1), (0, 0)))
  pidx = jnp.stack([p0, p1], axis=1).reshape(NW, c0, K)

  grid = (pl.cdiv(n, BN),)
  xs, dinv = pl.pallas_call(
      _prep_body,
      grid=grid,
      in_specs=[
          pl.BlockSpec((BN, in_dim), lambda i: (i, 0)),
          pl.BlockSpec((in_dim, hid), lambda i: (0, 0)),
          pl.BlockSpec((NC, BN, DEGW), lambda i: (0, i, 0)),
      ],
      out_specs=[
          pl.BlockSpec((BN, hid), lambda i: (i, 0)),
          pl.BlockSpec((BN, 1), lambda i: (i, 0)),
      ],
      out_shape=[
          jax.ShapeDtypeStruct((n, hid), jnp.float32),
          jax.ShapeDtypeStruct((n, 1), jnp.float32),
      ],
  )(x, W1, degp)

  agg = _make_agg(n, hid, c0, c1)
  p = agg(xs, pidx)

  z, u = pl.pallas_call(
      _mid_body,
      grid=grid,
      in_specs=[
          pl.BlockSpec((NC, BN, hid), lambda i: (0, i, 0)),
          pl.BlockSpec((BN, hid), lambda i: (i, 0)),
          pl.BlockSpec((BN, 1), lambda i: (i, 0)),
          pl.BlockSpec((1, hid), lambda i: (0, 0)),
      ],
      out_specs=[
          pl.BlockSpec((BN, hid), lambda i: (i, 0)),
          pl.BlockSpec((BN, hid), lambda i: (i, 0)),
      ],
      out_shape=[
          jax.ShapeDtypeStruct((n, hid), jnp.float32),
          jax.ShapeDtypeStruct((n, hid), jnp.float32),
      ],
  )(p, xs, dinv, b1.reshape(1, hid))

  q = agg(u, pidx)

  logits = pl.pallas_call(
      _fin_body,
      grid=grid,
      in_specs=[
          pl.BlockSpec((NC, BN, hid), lambda i: (0, i, 0)),
          pl.BlockSpec((BN, hid), lambda i: (i, 0)),
          pl.BlockSpec((BN, 1), lambda i: (i, 0)),
          pl.BlockSpec((hid, out_dim), lambda i: (0, 0)),
          pl.BlockSpec((1, out_dim), lambda i: (0, 0)),
      ],
      out_specs=pl.BlockSpec((BN, out_dim), lambda i: (i, 0)),
      out_shape=jax.ShapeDtypeStruct((n, out_dim), jnp.float32),
  )(q, u, dinv, W2, b2.reshape(1, out_dim))

  return logits, z

# --- scband reference (transcript-rebuilt; emitter-appended) ---
"""Pipeline reference for scband-gcn-2516850835648 (READ-ONLY COPY).

The authoritative reference and input builder live on the scoring server;
editing this copy changes nothing except your own understanding.
"""

import jax, jax.numpy as jnp
import numpy as np

NUM_NODES = 10000
NUM_EDGES = 320000
IN_DIM = 128
HID_DIM = 128
OUT_DIM = 64


def setup_inputs(seed: int = 0) -> dict:
    key = jax.random.key(seed)
    k1, k2, k3, k4, k5, k6 = jax.random.split(key, 6)
    x = jax.random.normal(k1, (NUM_NODES, IN_DIM), dtype=jnp.float32)
    edge_index = jax.random.randint(k2, (2, NUM_EDGES), 0, NUM_NODES, dtype=jnp.int64)
    # Glorot-style init for GCNConv weights
    W1 = jax.random.normal(k3, (IN_DIM, HID_DIM), dtype=jnp.float32) * (1.0 / np.sqrt(IN_DIM))
    b1 = jnp.zeros((HID_DIM,), dtype=jnp.float32)
    W2 = jax.random.normal(k4, (HID_DIM, OUT_DIM), dtype=jnp.float32) * (1.0 / np.sqrt(HID_DIM))
    b2 = jnp.zeros((OUT_DIM,), dtype=jnp.float32)
    return {"x": x, "edge_index": edge_index, "W1": W1, "b1": b1, "W2": W2, "b2": b2}


def _gcn_conv(x, src, dst, W, b, num_nodes):
    # x' = D^{-1/2} (A + I) D^{-1/2} X W + b  (PyG GCNConv semantics)
    xw = x @ W
    deg = jnp.zeros((num_nodes,), dtype=xw.dtype).at[dst].add(1.0)
    deg_inv_sqrt = jnp.where(deg > 0, 1.0 / jnp.sqrt(deg), 0.0)
    norm = deg_inv_sqrt[src] * deg_inv_sqrt[dst]
    msg = xw[src] * norm[:, None]
    out = jnp.zeros((num_nodes, xw.shape[1]), dtype=xw.dtype).at[dst].add(msg)
    return out + b


def reference(x, edge_index, W1, b1, W2, b2):
    num_nodes = x.shape[0]
    # add self loops once, reuse for both conv layers
    loop = jnp.arange(num_nodes, dtype=edge_index.dtype)
    src = jnp.concatenate([edge_index[0], loop])
    dst = jnp.concatenate([edge_index[1], loop])
    z = _gcn_conv(x, src, dst, W1, b1, num_nodes)
    z = jax.nn.relu(z)
    # dropout is identity in deterministic/eval reference
    embedding = z
    logits = _gcn_conv(embedding, src, dst, W2, b2, num_nodes)
    return (logits, embedding)

if __name__ == "__main__":
    import jax
    _d = setup_inputs()
    print(jax.jit(kernel)(*tuple(_d.values())))

</pallas_src>

<mosaic_0001>
#map = affine_map<(d0, d1) -> (0, 0)>
#map1 = affine_map<(d0, d1) -> (0, 0, 0)>
module attributes {stable_mosaic.version = 14 : i64} {
  func.func @body(%arg0: i32, %arg1: i32, %arg2: memref<10000x128xf32, #tpu.memory_space<hbm>>, %arg3: memref<32x132x128xi32, #tpu.memory_space<hbm>>, %arg4: memref<2x10112x128xf32, #tpu.memory_space<hbm>>, %arg5: memref<72x128xi32, #tpu.memory_space<vmem>>, %arg6: memref<2x2x128xi32, #tpu.memory_space<vmem>>, %arg7: memref<128x128xf32, #tpu.memory_space<vmem>>, %arg8: memref<128x128xf32, #tpu.memory_space<vmem>>, %arg9: memref<!tpu.dma_semaphore, #tpu.memory_space<semaphore_mem>>, %arg10: memref<!tpu.dma_semaphore, #tpu.memory_space<semaphore_mem>>, %arg11: memref<10112x128xf32, #tpu.memory_space<vmem_shared>>) attributes {dimension_semantics = [#tpu.dimension_semantics<core_parallel>, #tpu.dimension_semantics<subcore_parallel>], iteration_bounds = array<i64: 2, 16>, scalar_prefetch = 0 : i64, scratch_operands = 7 : i64, tpu.core_type = #tpu.core_type<sc_vector_subcore>, window_params = [{transform_indices = #map}, {transform_indices = #map1}, {transform_indices = #map1}]} {
    %mul3A = arith.constant 2 : i32
    %mul3A_0 = arith.muli %arg1, %mul3A : i32
    %add3A = arith.addi %mul3A_0, %arg0 : i32
    %eq3A = arith.constant 0 : i32
    %eq3A_1 = arith.cmpi eq, %arg0, %eq3A : i32
    %select_n3A = arith.constant 26 : i32
    %select_n3A_2 = arith.constant 132 : i32
    %select_n3A_3 = arith.select %eq3A_1, %select_n3A_2, %select_n3A : i32
    "tpu.region"() ({
      %run_scoped3A = tpu.sem_alloc : memref<!tpu.dma_semaphore, #tpu.memory_space<semaphore_mem>>
      %dma_start3A = arith.constant 0 : i32
      %dma_start3A_114 = arith.constant 0 : i32
      %dma_start3A_115 = tpu.memref_slice %arg3[%add3A, %dma_start3A, %dma_start3A_114] : memref<32x132x128xi32, #tpu.memory_space<hbm>> -> memref<1x72x128xi32, #tpu.memory_space<hbm>>
      %dma_start3A_116 = tpu.memref_squeeze %dma_start3A_115 : memref<1x72x128xi32, #tpu.memory_space<hbm>> -> memref<72x128xi32, #tpu.memory_space<hbm>>
      %dma_start3A_117 = arith.constant 0 : i32
      %dma_start3A_118 = arith.constant 0 : i32
      %dma_start3A_119 = tpu.memref_slice %arg3[%add3A, %dma_start3A_117, %dma_start3A_118] : memref<32x132x128xi32, #tpu.memory_space<hbm>> -> memref<1x72x128xi32, #tpu.memory_space<hbm>>
      %dma_start3A_120 = tpu.memref_squeeze %dma_start3A_119 : memref<1x72x128xi32, #tpu.memory_space<hbm>> -> memref<72x128xi32, #tpu.memory_space<hbm>>
      tpu.enqueue_dma source(%dma_start3A_120 : memref<72x128xi32, #tpu.memory_space<hbm>>) target(%arg5 : memref<72x128xi32, #tpu.memory_space<vmem>>) target_semaphore(%run_scoped3A : memref<!tpu.dma_semaphore, #tpu.memory_space<semaphore_mem>>)
      %dma_wait3A = arith.constant 0 : i32
      %dma_wait3A_121 = arith.constant 0 : i32
      %dma_wait3A_122 = tpu.memref_slice %arg3[%add3A, %dma_wait3A, %dma_wait3A_121] : memref<32x132x128xi32, #tpu.memory_space<hbm>> -> memref<1x72x128xi32, #tpu.memory_space<hbm>>
      %dma_wait3A_123 = tpu.memref_squeeze %dma_wait3A_122 : memref<1x72x128xi32, #tpu.memory_space<hbm>> -> memref<72x128xi32, #tpu.memory_space<hbm>>
      %dma_wait3A_124 = arith.constant 0 : i32
      %dma_wait3A_125 = arith.constant 0 : i32
      %dma_wait3A_126 = tpu.memref_slice %arg3[%add3A, %dma_wait3A_124, %dma_wait3A_125] : memref<32x132x128xi32, #tpu.memory_space<hbm>> -> memref<1x72x128xi32, #tpu.memory_space<hbm>>
      %dma_wait3A_127 = tpu.memref_squeeze %dma_wait3A_126 : memref<1x72x128xi32, #tpu.memory_space<hbm>> -> memref<72x128xi32, #tpu.memory_space<hbm>>
      tpu.wait_dma2 semaphore(%run_scoped3A : memref<!tpu.dma_semaphore, #tpu.memory_space<semaphore_mem>>) src(%dma_wait3A_127 : memref<72x128xi32, #tpu.memory_space<hbm>>) dst(%arg5 : memref<72x128xi32, #tpu.memory_space<vmem>>)
      tpu.yield
    }) : () -> ()
    %broadcast_in_dim3A = arith.constant 0.000000e+00 : f32
    %broadcast_in_dim3A_4 = vector.broadcast %broadcast_in_dim3A : f32 to vector<16xf32>
    %scan3A = arith.constant 0 : i32
    %scan3A_5 = arith.constant 0 : i32
    %scan3A_6 = arith.constant 128 : i32
    %scan3A_7 = arith.addi %scan3A_5, %scan3A_6 : i32
    %scan3A_8 = arith.constant 1 : i32
    scf.for %scan3A_114 = %scan3A_5 to %scan3A_7 step %scan3A_8  : i32 {
      %swap3A = arith.index_cast %scan3A_114 : i32 to index
      %swap3A_115 = arith.constant 0 : index
      %swap3A_116 = tpu.vector_load %arg7[%swap3A, %swap3A_115] {strides = array<i32>} : memref<128x128xf32, #tpu.memory_space<vmem>>, vector<1x16xf32>,
      %swap3A_117 = vector.shape_cast %swap3A_116 : vector<1x16xf32> to vector<16xf32>
      %swap3A_118 = vector.shape_cast %broadcast_in_dim3A_4 : vector<16xf32> to vector<1x16xf32>
      tpu.vector_store %arg7[%swap3A, %swap3A_115], %swap3A_118 {strides = array<i32>} : memref<128x128xf32, #tpu.memory_space<vmem>>, vector<1x16xf32>,
      %swap3A_119 = arith.index_cast %scan3A_114 : i32 to index
      %swap3A_120 = arith.constant 16 : index
      %swap3A_121 = tpu.vector_load %arg7[%swap3A_119, %swap3A_120] {strides = array<i32>} : memref<128x128xf32, #tpu.memory_space<vmem>>, vector<1x16xf32>,
      %swap3A_122 = vector.shape_cast %swap3A_121 : vector<1x16xf32> to vector<16xf32>
      %swap3A_123 = vector.shape_cast %broadcast_in_dim3A_4 : vector<16xf32> to vector<1x16xf32>
      tpu.vector_store %arg7[%swap3A_119, %swap3A_120], %swap3A_123 {strides = array<i32>} : memref<128x128xf32, #tpu.memory_space<vmem>>, vector<1x16xf32>,
      %swap3A_124 = arith.index_cast %scan3A_114 : i32 to index
      %swap3A_125 = arith.constant 32 : index
      %swap3A_126 = tpu.vector_load %arg7[%swap3A_124, %swap3A_125] {strides = array<i32>} : memref<128x128xf32, #tpu.memory_space<vmem>>, vector<1x16xf32>,
      %swap3A_127 = vector.shape_cast %swap3A_126 : vector<1x16xf32> to vector<16xf32>
      %swap3A_128 = vector.shape_cast %broadcast_in_dim3A_4 : vector<16xf32> to vector<1x16xf32>
      tpu.vector_store %arg7[%swap3A_124, %swap3A_125], %swap3A_128 {strides = array<i32>} : memref<128x128xf32, #tpu.memory_space<vmem>>, vector<1x16xf32>,
      %swap3A_129 = arith.index_cast %scan3A_114 : i32 to index
      %swap3A_130 = arith.constant 48 : index
      %swap3A_131 = tpu.vector_load %arg7[%swap3A_129, %swap3A_130] {strides = array<i32>} : memref<128x128xf32, #tpu.memory_space<vmem>>, vector<1x16xf32>,
      %swap3A_132 = vector.shape_cast %swap3A_131 : vector<1x16xf32> to vector<16xf32>
      %swap3A_133 = vector.shape_cast %broadcast_in_dim3A_4 : vector<16xf32> to vector<1x16xf32>
      tpu.vector_store %arg7[%swap3A_129, %swap3A_130], %swap3A_133 {strides = array<i32>} : memref<128x128xf32, #tpu.memory_space<vmem>>, vector<1x16xf32>,
      %swap3A_134 = arith.index_cast %scan3A_114 : i32 to index
      %swap3A_135 = arith.constant 64 : index
      %swap3A_136 = tpu.vector_load %arg7[%swap3A_134, %swap3A_135] {strides = array<i32>} : memref<128x128xf32, #tpu.memory_space<vmem>>, vector<1x16xf32>,
      %swap3A_137 = vector.shape_cast %swap3A_136 : vector<1x16xf32> to vector<16xf32>
      %swap3A_138 = vector.shape_cast %broadcast_in_dim3A_4 : vector<16xf32> to vector<1x16xf32>
      tpu.vector_store %arg7[%swap3A_134, %swap3A_135], %swap3A_138 {strides = array<i32>} : memref<128x128xf32, #tpu.memory_space<vmem>>, vector<1x16xf32>,
      %swap3A_139 = arith.index_cast %scan3A_114 : i32 to index
      %swap3A_140 = arith.constant 80 : index
      %swap3A_141 = tpu.vector_load %arg7[%swap3A_139, %swap3A_140] {strides = array<i32>} : memref<128x128xf32, #tpu.memory_space<vmem>>, vector<1x16xf32>,
      %swap3A_142 = vector.shape_cast %swap3A_141 : vector<1x16xf32> to vector<16xf32>
      %swap3A_143 = vector.shape_cast %broadcast_in_dim3A_4 : vector<16xf32> to vector<1x16xf32>
      tpu.vector_store %arg7[%swap3A_139, %swap3A_140], %swap3A_143 {strides = array<i32>} : memref<128x128xf32, #tpu.memory_space<vmem>>, vector<1x16xf32>,
      %swap3A_144 = arith.index_cast %scan3A_114 : i32 to index
      %swap3A_145 = arith.constant 96 : index
      %swap3A_146 = tpu.vector_load %arg7[%swap3A_144, %swap3A_145] {strides = array<i32>} : memref<128x128xf32, #tpu.memory_space<vmem>>, vector<1x16xf32>,
      %swap3A_147 = vector.shape_cast %swap3A_146 : vector<1x16xf32> to vector<16xf32>
      %swap3A_148 = vector.shape_cast %broadcast_in_dim3A_4 : vector<16xf32> to vector<1x16xf32>
      tpu.vector_store %arg7[%swap3A_144, %swap3A_145], %swap3A_148 {strides = array<i32>} : memref<128x128xf32, #tpu.memory_space<vmem>>, vector<1x16xf32>,
      %swap3A_149 = arith.index_cast %scan3A_114 : i32 to index
      %swap3A_150 = arith.constant 112 : index
      %swap3A_151 = tpu.vector_load %arg7[%swap3A_149, %swap3A_150] {strides = array<i32>} : memref<128x128xf32, #tpu.memory_space<vmem>>, vector<1x16xf32>,
      %swap3A_152 = vector.shape_cast %swap3A_151 : vector<1x16xf32> to vector<16xf32>
      %swap3A_153 = vector.shape_cast %broadcast_in_dim3A_4 : vector<16xf32> to vector<1x16xf32>
      tpu.vector_store %arg7[%swap3A_149, %swap3A_150], %swap3A_153 {strides = array<i32>} : memref<128x128xf32, #tpu.memory_space<vmem>>, vector<1x16xf32>,
    }
    %scan3A_9 = arith.constant 128 : i32
    %add3A_10 = arith.constant 0 : i32
    %add3A_11 = arith.addi %arg1, %add3A_10 : i32
    %lt3A = arith.constant 79 : i32
    %lt3A_12 = arith.cmpi slt, %add3A_11, %lt3A : i32
    %convert_element_type3A = arith.extui %lt3A_12 : i1 to i32
    %cond3A = arith.constant 0 : i32
    %cond3A_13 = arith.cmpi ne, %convert_element_type3A, %cond3A : i32
    scf.if %cond3A_13 {
      %mul3A_114 = arith.constant 128 : i32
      %mul3A_115 = arith.muli %add3A_11, %mul3A_114 : i32
      "tpu.region"() ({
        %run_scoped3A = tpu.sem_alloc : memref<!tpu.dma_semaphore, #tpu.memory_space<semaphore_mem>>
        %dma_start3A = arith.constant 0 : i32
        %dma_start3A_116 = tpu.memref_slice %arg11[%mul3A_115, %dma_start3A] : memref<10112x128xf32, #tpu.memory_space<vmem_shared>> -> memref<128x128xf32, #tpu.memory_space<vmem_shared>>
        %dma_start3A_117 = arith.constant 0 : i32
        %dma_start3A_118 = tpu.memref_slice %arg11[%mul3A_115, %dma_start3A_117] : memref<10112x128xf32, #tpu.memory_space<vmem_shared>> -> memref<128x128xf32, #tpu.memory_space<vmem_shared>>
        tpu.enqueue_dma source(%arg7 : memref<128x128xf32, #tpu.memory_space<vmem>>) target(%dma_start3A_118 : memref<128x128xf32, #tpu.memory_space<vmem_shared>>) target_semaphore(%run_scoped3A : memref<!tpu.dma_semaphore, #tpu.memory_space<semaphore_mem>>)
        %dma_wait3A = arith.constant 0 : i32
        %dma_wait3A_119 = tpu.memref_slice %arg11[%mul3A_115, %dma_wait3A] : memref<10112x128xf32, #tpu.memory_space<vmem_shared>> -> memref<128x128xf32, #tpu.memory_space<vmem_shared>>
        %dma_wait3A_120 = arith.constant 0 : i32
        %dma_wait3A_121 = tpu.memref_slice %arg11[%mul3A_115, %dma_wait3A_120] : memref<10112x128xf32, #tpu.memory_space<vmem_shared>> -> memref<128x128xf32, #tpu.memory_space<vmem_shared>>
        tpu.wait_dma2 semaphore(%run_scoped3A : memref<!tpu.dma_semaphore, #tpu.memory_space<semaphore_mem>>) src(%arg7 : memref<128x128xf32, #tpu.memory_space<vmem>>) dst(%dma_wait3A_121 : memref<128x128xf32, #tpu.memory_space<vmem_shared>>)
        tpu.yield
      }) : () -> ()
    } else {
    }
    %add3A_14 = arith.constant 16 : i32
    %add3A_15 = arith.addi %arg1, %add3A_14 : i32
    %lt3A_16 = arith.constant 79 : i32
    %lt3A_17 = arith.cmpi slt, %add3A_15, %lt3A_16 : i32
    %convert_element_type3A_18 = arith.extui %lt3A_17 : i1 to i32
    %cond3A_19 = arith.constant 0 : i32
    %cond3A_20 = arith.cmpi ne, %convert_element_type3A_18, %cond3A_19 : i32
    scf.if %cond3A_20 {
      %mul3A_114 = arith.constant 128 : i32
      %mul3A_115 = arith.muli %add3A_15, %mul3A_114 : i32
      "tpu.region"() ({
        %run_scoped3A = tpu.sem_alloc : memref<!tpu.dma_semaphore, #tpu.memory_space<semaphore_mem>>
        %dma_start3A = arith.constant 0 : i32
        %dma_start3A_116 = tpu.memref_slice %arg11[%mul3A_115, %dma_start3A] : memref<10112x128xf32, #tpu.memory_space<vmem_shared>> -> memref<128x128xf32, #tpu.memory_space<vmem_shared>>
        %dma_start3A_117 = arith.constant 0 : i32
        %dma_start3A_118 = tpu.memref_slice %arg11[%mul3A_115, %dma_start3A_117] : memref<10112x128xf32, #tpu.memory_space<vmem_shared>> -> memref<128x128xf32, #tpu.memory_space<vmem_shared>>
        tpu.enqueue_dma source(%arg7 : memref<128x128xf32, #tpu.memory_space<vmem>>) target(%dma_start3A_118 : memref<128x128xf32, #tpu.memory_space<vmem_shared>>) target_semaphore(%run_scoped3A : memref<!tpu.dma_semaphore, #tpu.memory_space<semaphore_mem>>)
        %dma_wait3A = arith.constant 0 : i32
        %dma_wait3A_119 = tpu.memref_slice %arg11[%mul3A_115, %dma_wait3A] : memref<10112x128xf32, #tpu.memory_space<vmem_shared>> -> memref<128x128xf32, #tpu.memory_space<vmem_shared>>
        %dma_wait3A_120 = arith.constant 0 : i32
        %dma_wait3A_121 = tpu.memref_slice %arg11[%mul3A_115, %dma_wait3A_120] : memref<10112x128xf32, #tpu.memory_space<vmem_shared>> -> memref<128x128xf32, #tpu.memory_space<vmem_shared>>
        tpu.wait_dma2 semaphore(%run_scoped3A : memref<!tpu.dma_semaphore, #tpu.memory_space<semaphore_mem>>) src(%arg7 : memref<128x128xf32, #tpu.memory_space<vmem>>) dst(%dma_wait3A_121 : memref<128x128xf32, #tpu.memory_space<vmem_shared>>)
        tpu.yield
      }) : () -> ()
    } else {
    }
    %add3A_21 = arith.constant 32 : i32
    %add3A_22 = arith.addi %arg1, %add3A_21 : i32
    %lt3A_23 = arith.constant 79 : i32
    %lt3A_24 = arith.cmpi slt, %add3A_22, %lt3A_23 : i32
    %convert_element_type3A_25 = arith.extui %lt3A_24 : i1 to i32
    %cond3A_26 = arith.constant 0 : i32
    %cond3A_27 = arith.cmpi ne, %convert_element_type3A_25, %cond3A_26 : i32
    scf.if %cond3A_27 {
      %mul3A_114 = arith.constant 128 : i32
      %mul3A_115 = arith.muli %add3A_22, %mul3A_114 : i32
      "tpu.region"() ({
        %run_scoped3A = tpu.sem_alloc : memref<!tpu.dma_semaphore, #tpu.memory_space<semaphore_mem>>
        %dma_start3A = arith.constant 0 : i32
        %dma_start3A_116 = tpu.memref_slice %arg11[%mul3A_115, %dma_start3A] : memref<10112x128xf32, #tpu.memory_space<vmem_shared>> -> memref<128x128xf32, #tpu.memory_space<vmem_shared>>
        %dma_start3A_117 = arith.constant 0 : i32
        %dma_start3A_118 = tpu.memref_slice %arg11[%mul3A_115, %dma_start3A_117] : memref<10112x128xf32, #tpu.memory_space<vmem_shared>> -> memref<128x128xf32, #tpu.memory_space<vmem_shared>>
        tpu.enqueue_dma source(%arg7 : memref<128x128xf32, #tpu.memory_space<vmem>>) target(%dma_start3A_118 : memref<128x128xf32, #tpu.memory_space<vmem_shared>>) target_semaphore(%run_scoped3A : memref<!tpu.dma_semaphore, #tpu.memory_space<semaphore_mem>>)
        %dma_wait3A = arith.constant 0 : i32
        %dma_wait3A_119 = tpu.memref_slice %arg11[%mul3A_115, %dma_wait3A] : memref<10112x128xf32, #tpu.memory_space<vmem_shared>> -> memref<128x128xf32, #tpu.memory_space<vmem_shared>>
        %dma_wait3A_120 = arith.constant 0 : i32
        %dma_wait3A_121 = tpu.memref_slice %arg11[%mul3A_115, %dma_wait3A_120] : memref<10112x128xf32, #tpu.memory_space<vmem_shared>> -> memref<128x128xf32, #tpu.memory_space<vmem_shared>>
        tpu.wait_dma2 semaphore(%run_scoped3A : memref<!tpu.dma_semaphore, #tpu.memory_space<semaphore_mem>>) src(%arg7 : memref<128x128xf32, #tpu.memory_space<vmem>>) dst(%dma_wait3A_121 : memref<128x128xf32, #tpu.memory_space<vmem_shared>>)
        tpu.yield
      }) : () -> ()
    } else {
    }
    %add3A_28 = arith.constant 48 : i32
    %add3A_29 = arith.addi %arg1, %add3A_28 : i32
    %lt3A_30 = arith.constant 79 : i32
    %lt3A_31 = arith.cmpi slt, %add3A_29, %lt3A_30 : i32
    %convert_element_type3A_32 = arith.extui %lt3A_31 : i1 to i32
    %cond3A_33 = arith.constant 0 : i32
    %cond3A_34 = arith.cmpi ne, %convert_element_type3A_32, %cond3A_33 : i32
    scf.if %cond3A_34 {
      %mul3A_114 = arith.constant 128 : i32
      %mul3A_115 = arith.muli %add3A_29, %mul3A_114 : i32
      "tpu.region"() ({
        %run_scoped3A = tpu.sem_alloc : memref<!tpu.dma_semaphore, #tpu.memory_space<semaphore_mem>>
        %dma_start3A = arith.constant 0 : i32
        %dma_start3A_116 = tpu.memref_slice %arg11[%mul3A_115, %dma_start3A] : memref<10112x128xf32, #tpu.memory_space<vmem_shared>> -> memref<128x128xf32, #tpu.memory_space<vmem_shared>>
        %dma_start3A_117 = arith.constant 0 : i32
        %dma_start3A_118 = tpu.memref_slice %arg11[%mul3A_115, %dma_start3A_117] : memref<10112x128xf32, #tpu.memory_space<vmem_shared>> -> memref<128x128xf32, #tpu.memory_space<vmem_shared>>
        tpu.enqueue_dma source(%arg7 : memref<128x128xf32, #tpu.memory_space<vmem>>) target(%dma_start3A_118 : memref<128x128xf32, #tpu.memory_space<vmem_shared>>) target_semaphore(%run_scoped3A : memref<!tpu.dma_semaphore, #tpu.memory_space<semaphore_mem>>)
        %dma_wait3A = arith.constant 0 : i32
        %dma_wait3A_119 = tpu.memref_slice %arg11[%mul3A_115, %dma_wait3A] : memref<10112x128xf32, #tpu.memory_space<vmem_shared>> -> memref<128x128xf32, #tpu.memory_space<vmem_shared>>
        %dma_wait3A_120 = arith.constant 0 : i32
        %dma_wait3A_121 = tpu.memref_slice %arg11[%mul3A_115, %dma_wait3A_120] : memref<10112x128xf32, #tpu.memory_space<vmem_shared>> -> memref<128x128xf32, #tpu.memory_space<vmem_shared>>
        tpu.wait_dma2 semaphore(%run_scoped3A : memref<!tpu.dma_semaphore, #tpu.memory_space<semaphore_mem>>) src(%arg7 : memref<128x128xf32, #tpu.memory_space<vmem>>) dst(%dma_wait3A_121 : memref<128x128xf32, #tpu.memory_space<vmem_shared>>)
        tpu.yield
      }) : () -> ()
    } else {
    }
    %add3A_35 = arith.constant 64 : i32
    %add3A_36 = arith.addi %arg1, %add3A_35 : i32
    %lt3A_37 = arith.constant 79 : i32
    %lt3A_38 = arith.cmpi slt, %add3A_36, %lt3A_37 : i32
    %convert_element_type3A_39 = arith.extui %lt3A_38 : i1 to i32
    %cond3A_40 = arith.constant 0 : i32
    %cond3A_41 = arith.cmpi ne, %convert_element_type3A_39, %cond3A_40 : i32
    scf.if %cond3A_41 {
      %mul3A_114 = arith.constant 128 : i32
      %mul3A_115 = arith.muli %add3A_36, %mul3A_114 : i32
      "tpu.region"() ({
        %run_scoped3A = tpu.sem_alloc : memref<!tpu.dma_semaphore, #tpu.memory_space<semaphore_mem>>
        %dma_start3A = arith.constant 0 : i32
        %dma_start3A_116 = tpu.memref_slice %arg11[%mul3A_115, %dma_start3A] : memref<10112x128xf32, #tpu.memory_space<vmem_shared>> -> memref<128x128xf32, #tpu.memory_space<vmem_shared>>
        %dma_start3A_117 = arith.constant 0 : i32
        %dma_start3A_118 = tpu.memref_slice %arg11[%mul3A_115, %dma_start3A_117] : memref<10112x128xf32, #tpu.memory_space<vmem_shared>> -> memref<128x128xf32, #tpu.memory_space<vmem_shared>>
        tpu.enqueue_dma source(%arg7 : memref<128x128xf32, #tpu.memory_space<vmem>>) target(%dma_start3A_118 : memref<128x128xf32, #tpu.memory_space<vmem_shared>>) target_semaphore(%run_scoped3A : memref<!tpu.dma_semaphore, #tpu.memory_space<semaphore_mem>>)
        %dma_wait3A = arith.constant 0 : i32
        %dma_wait3A_119 = tpu.memref_slice %arg11[%mul3A_115, %dma_wait3A] : memref<10112x128xf32, #tpu.memory_space<vmem_shared>> -> memref<128x128xf32, #tpu.memory_space<vmem_shared>>
        %dma_wait3A_120 = arith.constant 0 : i32
        %dma_wait3A_121 = tpu.memref_slice %arg11[%mul3A_115, %dma_wait3A_120] : memref<10112x128xf32, #tpu.memory_space<vmem_shared>> -> memref<128x128xf32, #tpu.memory_space<vmem_shared>>
        tpu.wait_dma2 semaphore(%run_scoped3A : memref<!tpu.dma_semaphore, #tpu.memory_space<semaphore_mem>>) src(%arg7 : memref<128x128xf32, #tpu.memory_space<vmem>>) dst(%dma_wait3A_121 : memref<128x128xf32, #tpu.memory_space<vmem_shared>>)
        tpu.yield
      }) : () -> ()
    } else {
    }
    %barrier3A = arith.constant 0 : index
    tpu.barrier barrier_id(%barrier3A)
    %min3A = arith.constant 72 : i32
    %min3A_42 = arith.minsi %select_n3A_3, %min3A : i32
    %gt3A = arith.constant 0 : i32
    %gt3A_43 = arith.cmpi sgt, %min3A_42, %gt3A : i32
    %convert_element_type3A_44 = arith.extui %gt3A_43 : i1 to i32
    %cond3A_45 = arith.constant 0 : i32
    %cond3A_46 = arith.cmpi ne, %convert_element_type3A_44, %cond3A_45 : i32
    scf.if %cond3A_46 {
      %scan3A_114 = arith.constant 0 : i32
      %scan3A_115 = arith.constant 0 : i32
      %scan3A_116 = arith.constant 8 : i32
      %scan3A_117 = arith.addi %scan3A_115, %scan3A_116 : i32
      %scan3A_118 = arith.constant 1 : i32
      scf.for %scan3A_127 = %scan3A_115 to %scan3A_117 step %scan3A_118  : i32 {
        %mul3A_128 = arith.constant 16 : i32
        %mul3A_129 = arith.muli %scan3A_127, %mul3A_128 : i32
        %get3A = arith.constant 0 : i32
        %get3A_130 = arith.index_cast %get3A : i32 to index
        %get3A_131 = arith.index_cast %mul3A_129 : i32 to index
        %get3A_132 = tpu.vector_load %arg5[%get3A_130, %get3A_131] {strides = array<i32>} : memref<72x128xi32, #tpu.memory_space<vmem>>, vector<1x16xi32>,
        %get3A_133 = vector.shape_cast %get3A_132 : vector<1x16xi32> to vector<16xi32>
        %and3A_134 = arith.constant 16383 : i32
        %and3A_135 = vector.broadcast %and3A_134 : i32 to vector<16xi32>
        %and3A_136 = arith.andi %get3A_133, %and3A_135 : vector<16xi32>
        %mul3A_137 = arith.constant 16 : i32
        %mul3A_138 = arith.muli %scan3A_127, %mul3A_137 : i32
        %swap3A = arith.constant 0 : i32
        %swap3A_139 = arith.constant 0 : i32
        %swap3A_140 = arith.index_cast %swap3A : i32 to index
        %swap3A_141 = arith.index_cast %swap3A_139 : i32 to index
        %swap3A_142 = arith.index_cast %mul3A_138 : i32 to index
        %swap3A_143 = tpu.vector_load %arg6[%swap3A_140, %swap3A_141, %swap3A_142] {strides = array<i32>} : memref<2x2x128xi32, #tpu.memory_space<vmem>>, vector<1x1x16xi32>,
        %swap3A_144 = vector.shape_cast %swap3A_143 : vector<1x1x16xi32> to vector<16xi32>
        %swap3A_145 = vector.shape_cast %and3A_136 : vector<16xi32> to vector<1x1x16xi32>
        tpu.vector_store %arg6[%swap3A_140, %swap3A_141, %swap3A_142], %swap3A_145 {strides = array<i32>} : memref<2x2x128xi32, #tpu.memory_space<vmem>>, vector<1x1x16xi32>,
        %shift_right_arithmetic3A = arith.constant 14 : i32
        %shift_right_arithmetic3A_146 = vector.broadcast %shift_right_arithmetic3A : i32 to vector<16xi32>
        %shift_right_arithmetic3A_147 = arith.shrsi %get3A_133, %shift_right_arithmetic3A_146 : vector<16xi32>
        %mul3A_148 = arith.constant 16 : i32
        %mul3A_149 = arith.muli %scan3A_127, %mul3A_148 : i32
        %swap3A_150 = arith.constant 0 : i32
        %swap3A_151 = arith.constant 1 : i32
        %swap3A_152 = arith.index_cast %swap3A_150 : i32 to index
        %swap3A_153 = arith.index_cast %swap3A_151 : i32 to index
        %swap3A_154 = arith.index_cast %mul3A_149 : i32 to index
        %swap3A_155 = tpu.vector_load %arg6[%swap3A_152, %swap3A_153, %swap3A_154] {strides = array<i32>} : memref<2x2x128xi32, #tpu.memory_space<vmem>>, vector<1x1x16xi32>,
        %swap3A_156 = vector.shape_cast %swap3A_155 : vector<1x1x16xi32> to vector<16xi32>
        %swap3A_157 = vector.shape_cast %shift_right_arithmetic3A_147 : vector<16xi32> to vector<1x1x16xi32>
        tpu.vector_store %arg6[%swap3A_152, %swap3A_153, %swap3A_154], %swap3A_157 {strides = array<i32>} : memref<2x2x128xi32, #tpu.memory_space<vmem>>, vector<1x1x16xi32>,
      }
      %scan3A_119 = arith.constant 8 : i32
      %dma_start3A = arith.constant 0 : i32
      %dma_start3A_120 = arith.constant 0 : i32
      %dma_start3A_121 = arith.constant 0 : i32
      %dma_start3A_122 = tpu.memref_slice %arg6[%dma_start3A, %dma_start3A_120, %dma_start3A_121] : memref<2x2x128xi32, #tpu.memory_space<vmem>> -> memref<1x1x128xi32, #tpu.memory_space<vmem>>
      %dma_start3A_123 = tpu.memref_squeeze %dma_start3A_122 : memref<1x1x128xi32, #tpu.memory_space<vmem>> -> memref<128xi32, #tpu.memory_space<vmem>>
      %dma_start3A_124 = arith.constant 0 : i32
      %dma_start3A_125 = arith.constant 0 : i32
      %dma_start3A_126 = tpu.memref_slice %arg2[%dma_start3A_124, %dma_start3A_125] : memref<10000x128xf32, #tpu.memory_space<hbm>> -> memref<10000x128xf32, #tpu.memory_space<hbm>>
      tpu.enqueue_indirect_dma source(%dma_start3A_126 : memref<10000x128xf32, #tpu.memory_space<hbm>>) target(%arg7 : memref<128x128xf32, #tpu.memory_space<vmem>>) offsets(%dma_start3A_123 : memref<128xi32, #tpu.memory_space<vmem>>) semaphore(%arg9 : memref<!tpu.dma_semaphore, #tpu.memory_space<semaphore_mem>>)
    } else {
    }
    %jit3A = arith.constant 2 : i32
    %div3A = arith.divsi %min3A_42, %jit3A : i32
    %sign3A = arith.constant 0 : i32
    %sign3A_47 = arith.cmpi sgt, %min3A_42, %sign3A : i32
    %sign3A_48 = arith.extui %sign3A_47 : i1 to i32
    %sign3A_49 = arith.constant 0 : i32
    %sign3A_50 = arith.cmpi slt, %min3A_42, %sign3A_49 : i32
    %sign3A_51 = arith.extui %sign3A_50 : i1 to i32
    %sign3A_52 = arith.subi %sign3A_48, %sign3A_51 : i32
    %sign3A_53 = arith.constant 0 : i32
    %sign3A_54 = arith.cmpi sgt, %jit3A, %sign3A_53 : i32
    %sign3A_55 = arith.extui %sign3A_54 : i1 to i32
    %sign3A_56 = arith.constant 0 : i32
    %sign3A_57 = arith.cmpi slt, %jit3A, %sign3A_56 : i32
    %sign3A_58 = arith.extui %sign3A_57 : i1 to i32
    %sign3A_59 = arith.subi %sign3A_55, %sign3A_58 : i32
    %ne3A = arith.cmpi ne, %sign3A_52, %sign3A_59 : i32
    %rem3A = arith.remsi %min3A_42, %jit3A : i32
    %ne3A_60 = arith.constant 0 : i32
    %ne3A_61 = arith.cmpi ne, %rem3A, %ne3A_60 : i32
    %and3A = arith.andi %ne3A, %ne3A_61 : i1
    %sub3A = arith.constant 1 : i32
    %sub3A_62 = arith.subi %div3A, %sub3A : i32
    %select_n3A_63 = arith.select %and3A, %sub3A_62, %div3A : i32
    %while3A = arith.constant 0 : i32
    %while3A_64 = arith.constant 0 : i32
    %while3A_65 = arith.subi %select_n3A_63, %while3A_64 : i32
    %while3A_66 = arith.addi %while3A_64, %while3A_65 : i32
    %while3A_67 = arith.constant 1 : i32
    %while3A_68 = arith.divsi %while3A_65, %while3A_67 : i32
    %while3A_69 = arith.muli %while3A_68, %while3A_67 : i32
    %while3A_70 = arith.addi %while3A_64, %while3A_69 : i32
    %while3A_71 = arith.constant 1 : i32
    scf.for %while3A_114 = %while3A_64 to %while3A_70 step %while3A_71  : i32 {
      %mul3A_115 = arith.constant 2 : i32
      %mul3A_116 = arith.muli %mul3A_115, %while3A_114 : i32
      %add3A_117 = arith.constant 1 : i32
      %add3A_118 = arith.addi %mul3A_116, %add3A_117 : i32
      %scan3A_119 = arith.constant 0 : i32
      %scan3A_120 = arith.constant 0 : i32
      %scan3A_121 = arith.constant 8 : i32
      %scan3A_122 = arith.addi %scan3A_120, %scan3A_121 : i32
      %scan3A_123 = arith.constant 1 : i32
      scf.for %scan3A_154 = %scan3A_120 to %scan3A_122 step %scan3A_123  : i32 {
        %mul3A_155 = arith.constant 16 : i32
        %mul3A_156 = arith.muli %scan3A_154, %mul3A_155 : i32
        %get3A = arith.index_cast %add3A_118 : i32 to index
        %get3A_157 = arith.index_cast %mul3A_156 : i32 to index
        %get3A_158 = tpu.vector_load %arg5[%get3A, %get3A_157] {strides = array<i32>} : memref<72x128xi32, #tpu.memory_space<vmem>>, vector<1x16xi32>,
        %get3A_159 = vector.shape_cast %get3A_158 : vector<1x16xi32> to vector<16xi32>
        %and3A_160 = arith.constant 16383 : i32
        %and3A_161 = vector.broadcast %and3A_160 : i32 to vector<16xi32>
        %and3A_162 = arith.andi %get3A_159, %and3A_161 : vector<16xi32>
        %mul3A_163 = arith.constant 16 : i32
        %mul3A_164 = arith.muli %scan3A_154, %mul3A_163 : i32
        %swap3A = arith.constant 1 : i32
        %swap3A_165 = arith.constant 0 : i32
        %swap3A_166 = arith.index_cast %swap3A : i32 to index
        %swap3A_167 = arith.index_cast %swap3A_165 : i32 to index
        %swap3A_168 = arith.index_cast %mul3A_164 : i32 to index
        %swap3A_169 = tpu.vector_load %arg6[%swap3A_166, %swap3A_167, %swap3A_168] {strides = array<i32>} : memref<2x2x128xi32, #tpu.memory_space<vmem>>, vector<1x1x16xi32>,
        %swap3A_170 = vector.shape_cast %swap3A_169 : vector<1x1x16xi32> to vector<16xi32>
        %swap3A_171 = vector.shape_cast %and3A_162 : vector<16xi32> to vector<1x1x16xi32>
        tpu.vector_store %arg6[%swap3A_166, %swap3A_167, %swap3A_168], %swap3A_171 {strides = array<i32>} : memref<2x2x128xi32, #tpu.memory_space<vmem>>, vector<1x1x16xi32>,
        %shift_right_arithmetic3A = arith.constant 14 : i32
        %shift_right_arithmetic3A_172 = vector.broadcast %shift_right_arithmetic3A : i32 to vector<16xi32>
        %shift_right_arithmetic3A_173 = arith.shrsi %get3A_159, %shift_right_arithmetic3A_172 : vector<16xi32>
        %mul3A_174 = arith.constant 16 : i32
        %mul3A_175 = arith.muli %scan3A_154, %mul3A_174 : i32
        %swap3A_176 = arith.constant 1 : i32
        %swap3A_177 = arith.constant 1 : i32
        %swap3A_178 = arith.index_cast %swap3A_176 : i32 to index
        %swap3A_179 = arith.index_cast %swap3A_177 : i32 to index
        %swap3A_180 = arith.index_cast %mul3A_175 : i32 to index
        %swap3A_181 = tpu.vector_load %arg6[%swap3A_178, %swap3A_179, %swap3A_180] {strides = array<i32>} : memref<2x2x128xi32, #tpu.memory_space<vmem>>, vector<1x1x16xi32>,
        %swap3A_182 = vector.shape_cast %swap3A_181 : vector<1x1x16xi32> to vector<16xi32>
        %swap3A_183 = vector.shape_cast %shift_right_arithmetic3A_173 : vector<16xi32> to vector<1x1x16xi32>
        tpu.vector_store %arg6[%swap3A_178, %swap3A_179, %swap3A_180], %swap3A_183 {strides = array<i32>} : memref<2x2x128xi32, #tpu.memory_space<vmem>>, vector<1x1x16xi32>,
      }
      %scan3A_124 = arith.constant 8 : i32
      %add3A_125 = arith.constant 1 : i32
      %add3A_126 = arith.addi %mul3A_116, %add3A_125 : i32
      %dma_start3A = arith.constant 1 : i32
      %dma_start3A_127 = arith.constant 0 : i32
      %dma_start3A_128 = arith.constant 0 : i32
      %dma_start3A_129 = tpu.memref_slice %arg6[%dma_start3A, %dma_start3A_127, %dma_start3A_128] : memref<2x2x128xi32, #tpu.memory_space<vmem>> -> memref<1x1x128xi32, #tpu.memory_space<vmem>>
      %dma_start3A_130 = tpu.memref_squeeze %dma_start3A_129 : memref<1x1x128xi32, #tpu.memory_space<vmem>> -> memref<128xi32, #tpu.memory_space<vmem>>
      %dma_start3A_131 = arith.constant 0 : i32
      %dma_start3A_132 = arith.constant 0 : i32
      %dma_start3A_133 = tpu.memref_slice %arg2[%dma_start3A_131, %dma_start3A_132] : memref<10000x128xf32, #tpu.memory_space<hbm>> -> memref<10000x128xf32, #tpu.memory_space<hbm>>
      tpu.enqueue_indirect_dma source(%dma_start3A_133 : memref<10000x128xf32, #tpu.memory_space<hbm>>) target(%arg8 : memref<128x128xf32, #tpu.memory_space<vmem>>) offsets(%dma_start3A_130 : memref<128xi32, #tpu.memory_space<vmem>>) semaphore(%arg10 : memref<!tpu.dma_semaphore, #tpu.memory_space<semaphore_mem>>)
      %dma_wait3A = arith.constant 0 : i32
      %dma_wait3A_134 = arith.constant 0 : i32
      %dma_wait3A_135 = tpu.memref_slice %arg2[%dma_wait3A, %dma_wait3A_134] : memref<10000x128xf32, #tpu.memory_space<hbm>> -> memref<128x128xf32, #tpu.memory_space<hbm>>
      %dma_wait3A_136 = arith.constant 0 : i32
      %dma_wait3A_137 = arith.constant 0 : i32
      %dma_wait3A_138 = tpu.memref_slice %arg2[%dma_wait3A_136, %dma_wait3A_137] : memref<10000x128xf32, #tpu.memory_space<hbm>> -> memref<128x128xf32, #tpu.memory_space<hbm>>
      tpu.wait_dma2 semaphore(%arg9 : memref<!tpu.dma_semaphore, #tpu.memory_space<semaphore_mem>>) src(%dma_wait3A_138 : memref<128x128xf32, #tpu.memory_space<hbm>>) dst(%arg7 : memref<128x128xf32, #tpu.memory_space<vmem>>)
      %run_scoped3A = arith.constant 0 : i32
      %run_scoped3A_139 = arith.constant 1 : i32
      "tpu.region"() ({
        %run_scoped3A_154 = tpu.sem_alloc : memref<!tpu.dma_semaphore, #tpu.memory_space<semaphore_mem>>
        %dma_start3A_155 = arith.constant 0 : i32
        %dma_start3A_156 = tpu.memref_slice %arg6[%run_scoped3A, %run_scoped3A_139, %dma_start3A_155] : memref<2x2x128xi32, #tpu.memory_space<vmem>> -> memref<1x1x128xi32, #tpu.memory_space<vmem>>
        %dma_start3A_157 = tpu.memref_squeeze %dma_start3A_156 : memref<1x1x128xi32, #tpu.memory_space<vmem>> -> memref<128xi32, #tpu.memory_space<vmem>>
        %dma_start3A_158 = arith.constant 0 : i32
        %dma_start3A_159 = arith.constant 0 : i32
        %dma_start3A_160 = tpu.memref_slice %arg11[%dma_start3A_158, %dma_start3A_159] : memref<10112x128xf32, #tpu.memory_space<vmem_shared>> -> memref<10112x128xf32, #tpu.memory_space<vmem_shared>>
        tpu.enqueue_indirect_dma source(%arg7 : memref<128x128xf32, #tpu.memory_space<vmem>>) target(%dma_start3A_160 : memref<10112x128xf32, #tpu.memory_space<vmem_shared>>) offsets(%dma_start3A_157 : memref<128xi32, #tpu.memory_space<vmem>>) semaphore(%run_scoped3A_154 : memref<!tpu.dma_semaphore, #tpu.memory_space<semaphore_mem>>) {add = true}
        %dma_wait3A_161 = arith.constant 0 : i32
        %dma_wait3A_162 = tpu.memref_slice %arg6[%run_scoped3A, %run_scoped3A_139, %dma_wait3A_161] : memref<2x2x128xi32, #tpu.memory_space<vmem>> -> memref<1x1x128xi32, #tpu.memory_space<vmem>>
        %dma_wait3A_163 = tpu.memref_squeeze %dma_wait3A_162 : memref<1x1x128xi32, #tpu.memory_space<vmem>> -> memref<128xi32, #tpu.memory_space<vmem>>
        %dma_wait3A_164 = arith.constant 0 : i32
        %dma_wait3A_165 = arith.constant 0 : i32
        %dma_wait3A_166 = tpu.memref_slice %arg11[%dma_wait3A_164, %dma_wait3A_165] : memref<10112x128xf32, #tpu.memory_space<vmem_shared>> -> memref<10112x128xf32, #tpu.memory_space<vmem_shared>>
        tpu.wait_indirect_dma semaphore(%run_scoped3A_154 : memref<!tpu.dma_semaphore, #tpu.memory_space<semaphore_mem>>) src(%arg7 : memref<128x128xf32, #tpu.memory_space<vmem>>) dst(%dma_wait3A_166 : memref<10112x128xf32, #tpu.memory_space<vmem_shared>>)
        tpu.yield
      }) : () -> ()
      %add3A_140 = arith.constant 2 : i32
      %add3A_141 = arith.addi %mul3A_116, %add3A_140 : i32
      %lt3A_142 = arith.cmpi slt, %add3A_141, %min3A_42 : i32
      %convert_element_type3A_143 = arith.extui %lt3A_142 : i1 to i32
      %cond3A_144 = arith.constant 0 : i32
      %cond3A_145 = arith.cmpi ne, %convert_element_type3A_143, %cond3A_144 : i32
      scf.if %cond3A_145 {
        %add3A_154 = arith.constant 2 : i32
        %add3A_155 = arith.addi %mul3A_116, %add3A_154 : i32
        %scan3A_156 = arith.constant 0 : i32
        %scan3A_157 = arith.constant 0 : i32
        %scan3A_158 = arith.constant 8 : i32
        %scan3A_159 = arith.addi %scan3A_157, %scan3A_158 : i32
        %scan3A_160 = arith.constant 1 : i32
        scf.for %scan3A_172 = %scan3A_157 to %scan3A_159 step %scan3A_160  : i32 {
          %mul3A_173 = arith.constant 16 : i32
          %mul3A_174 = arith.muli %scan3A_172, %mul3A_173 : i32
          %get3A = arith.index_cast %add3A_155 : i32 to index
          %get3A_175 = arith.index_cast %mul3A_174 : i32 to index
          %get3A_176 = tpu.vector_load %arg5[%get3A, %get3A_175] {strides = array<i32>} : memref<72x128xi32, #tpu.memory_space<vmem>>, vector<1x16xi32>,
          %get3A_177 = vector.shape_cast %get3A_176 : vector<1x16xi32> to vector<16xi32>
          %and3A_178 = arith.constant 16383 : i32
          %and3A_179 = vector.broadcast %and3A_178 : i32 to vector<16xi32>
          %and3A_180 = arith.andi %get3A_177, %and3A_179 : vector<16xi32>
          %mul3A_181 = arith.constant 16 : i32
          %mul3A_182 = arith.muli %scan3A_172, %mul3A_181 : i32
          %swap3A = arith.constant 0 : i32
          %swap3A_183 = arith.constant 0 : i32
          %swap3A_184 = arith.index_cast %swap3A : i32 to index
          %swap3A_185 = arith.index_cast %swap3A_183 : i32 to index
          %swap3A_186 = arith.index_cast %mul3A_182 : i32 to index
          %swap3A_187 = tpu.vector_load %arg6[%swap3A_184, %swap3A_185, %swap3A_186] {strides = array<i32>} : memref<2x2x128xi32, #tpu.memory_space<vmem>>, vector<1x1x16xi32>,
          %swap3A_188 = vector.shape_cast %swap3A_187 : vector<1x1x16xi32> to vector<16xi32>
          %swap3A_189 = vector.shape_cast %and3A_180 : vector<16xi32> to vector<1x1x16xi32>
          tpu.vector_store %arg6[%swap3A_184, %swap3A_185, %swap3A_186], %swap3A_189 {strides = array<i32>} : memref<2x2x128xi32, #tpu.memory_space<vmem>>, vector<1x1x16xi32>,
          %shift_right_arithmetic3A = arith.constant 14 : i32
          %shift_right_arithmetic3A_190 = vector.broadcast %shift_right_arithmetic3A : i32 to vector<16xi32>
          %shift_right_arithmetic3A_191 = arith.shrsi %get3A_177, %shift_right_arithmetic3A_190 : vector<16xi32>
          %mul3A_192 = arith.constant 16 : i32
          %mul3A_193 = arith.muli %scan3A_172, %mul3A_192 : i32
          %swap3A_194 = arith.constant 0 : i32
          %swap3A_195 = arith.constant 1 : i32
          %swap3A_196 = arith.index_cast %swap3A_194 : i32 to index
          %swap3A_197 = arith.index_cast %swap3A_195 : i32 to index
          %swap3A_198 = arith.index_cast %mul3A_193 : i32 to index
          %swap3A_199 = tpu.vector_load %arg6[%swap3A_196, %swap3A_197, %swap3A_198] {strides = array<i32>} : memref<2x2x128xi32, #tpu.memory_space<vmem>>, vector<1x1x16xi32>,
          %swap3A_200 = vector.shape_cast %swap3A_199 : vector<1x1x16xi32> to vector<16xi32>
          %swap3A_201 = vector.shape_cast %shift_right_arithmetic3A_191 : vector<16xi32> to vector<1x1x16xi32>
          tpu.vector_store %arg6[%swap3A_196, %swap3A_197, %swap3A_198], %swap3A_201 {strides = array<i32>} : memref<2x2x128xi32, #tpu.memory_space<vmem>>, vector<1x1x16xi32>,
        }
        %scan3A_161 = arith.constant 8 : i32
        %add3A_162 = arith.constant 2 : i32
        %add3A_163 = arith.addi %mul3A_116, %add3A_162 : i32
        %dma_start3A_164 = arith.constant 0 : i32
        %dma_start3A_165 = arith.constant 0 : i32
        %dma_start3A_166 = arith.constant 0 : i32
        %dma_start3A_167 = tpu.memref_slice %arg6[%dma_start3A_164, %dma_start3A_165, %dma_start3A_166] : memref<2x2x128xi32, #tpu.memory_space<vmem>> -> memref<1x1x128xi32, #tpu.memory_space<vmem>>
        %dma_start3A_168 = tpu.memref_squeeze %dma_start3A_167 : memref<1x1x128xi32, #tpu.memory_space<vmem>> -> memref<128xi32, #tpu.memory_space<vmem>>
        %dma_start3A_169 = arith.constant 0 : i32
        %dma_start3A_170 = arith.constant 0 : i32
        %dma_start3A_171 = tpu.memref_slice %arg2[%dma_start3A_169, %dma_start3A_170] : memref<10000x128xf32, #tpu.memory_space<hbm>> -> memref<10000x128xf32, #tpu.memory_space<hbm>>
        tpu.enqueue_indirect_dma source(%dma_start3A_171 : memref<10000x128xf32, #tpu.memory_space<hbm>>) target(%arg7 : memref<128x128xf32, #tpu.memory_space<vmem>>) offsets(%dma_start3A_168 : memref<128xi32, #tpu.memory_space<vmem>>) semaphore(%arg9 : memref<!tpu.dma_semaphore, #tpu.memory_space<semaphore_mem>>)
      } else {
      }
      %dma_wait3A_146 = arith.constant 0 : i32
      %dma_wait3A_147 = arith.constant 0 : i32
      %dma_wait3A_148 = tpu.memref_slice %arg2[%dma_wait3A_146, %dma_wait3A_147] : memref<10000x128xf32, #tpu.memory_space<hbm>> -> memref<128x128xf32, #tpu.memory_space<hbm>>
      %dma_wait3A_149 = arith.constant 0 : i32
      %dma_wait3A_150 = arith.constant 0 : i32
      %dma_wait3A_151 = tpu.memref_slice %arg2[%dma_wait3A_149, %dma_wait3A_150] : memref<10000x128xf32, #tpu.memory_space<hbm>> -> memref<128x128xf32, #tpu.memory_space<hbm>>
      tpu.wait_dma2 semaphore(%arg10 : memref<!tpu.dma_semaphore, #tpu.memory_space<semaphore_mem>>) src(%dma_wait3A_151 : memref<128x128xf32, #tpu.memory_space<hbm>>) dst(%arg8 : memref<128x128xf32, #tpu.memory_space<vmem>>)
      %run_scoped3A_152 = arith.constant 1 : i32
      %run_scoped3A_153 = arith.constant 1 : i32
      "tpu.region"() ({
        %run_scoped3A_154 = tpu.sem_alloc : memref<!tpu.dma_semaphore, #tpu.memory_space<semaphore_mem>>
        %dma_start3A_155 = arith.constant 0 : i32
        %dma_start3A_156 = tpu.memref_slice %arg6[%run_scoped3A_152, %run_scoped3A_153, %dma_start3A_155] : memref<2x2x128xi32, #tpu.memory_space<vmem>> -> memref<1x1x128xi32, #tpu.memory_space<vmem>>
        %dma_start3A_157 = tpu.memref_squeeze %dma_start3A_156 : memref<1x1x128xi32, #tpu.memory_space<vmem>> -> memref<128xi32, #tpu.memory_space<vmem>>
        %dma_start3A_158 = arith.constant 0 : i32
        %dma_start3A_159 = arith.constant 0 : i32
        %dma_start3A_160 = tpu.memref_slice %arg11[%dma_start3A_158, %dma_start3A_159] : memref<10112x128xf32, #tpu.memory_space<vmem_shared>> -> memref<10112x128xf32, #tpu.memory_space<vmem_shared>>
        tpu.enqueue_indirect_dma source(%arg8 : memref<128x128xf32, #tpu.memory_space<vmem>>) target(%dma_start3A_160 : memref<10112x128xf32, #tpu.memory_space<vmem_shared>>) offsets(%dma_start3A_157 : memref<128xi32, #tpu.memory_space<vmem>>) semaphore(%run_scoped3A_154 : memref<!tpu.dma_semaphore, #tpu.memory_space<semaphore_mem>>) {add = true}
        %dma_wait3A_161 = arith.constant 0 : i32
        %dma_wait3A_162 = tpu.memref_slice %arg6[%run_scoped3A_152, %run_scoped3A_153, %dma_wait3A_161] : memref<2x2x128xi32, #tpu.memory_space<vmem>> -> memref<1x1x128xi32, #tpu.memory_space<vmem>>
        %dma_wait3A_163 = tpu.memref_squeeze %dma_wait3A_162 : memref<1x1x128xi32, #tpu.memory_space<vmem>> -> memref<128xi32, #tpu.memory_space<vmem>>
        %dma_wait3A_164 = arith.constant 0 : i32
        %dma_wait3A_165 = arith.constant 0 : i32
        %dma_wait3A_166 = tpu.memref_slice %arg11[%dma_wait3A_164, %dma_wait3A_165] : memref<10112x128xf32, #tpu.memory_space<vmem_shared>> -> memref<10112x128xf32, #tpu.memory_space<vmem_shared>>
        tpu.wait_indirect_dma semaphore(%run_scoped3A_154 : memref<!tpu.dma_semaphore, #tpu.memory_space<semaphore_mem>>) src(%arg8 : memref<128x128xf32, #tpu.memory_space<vmem>>) dst(%dma_wait3A_166 : memref<10112x128xf32, #tpu.memory_space<vmem_shared>>)
        tpu.yield
      }) : () -> ()
    }
    %while3A_72 = arith.constant 1 : i32
    scf.for %while3A_114 = %while3A_70 to %while3A_66 step %while3A_72  : i32 {
      %mul3A_115 = arith.constant 2 : i32
      %mul3A_116 = arith.muli %mul3A_115, %while3A_114 : i32
      %add3A_117 = arith.constant 1 : i32
      %add3A_118 = arith.addi %mul3A_116, %add3A_117 : i32
      %scan3A_119 = arith.constant 0 : i32
      %scan3A_120 = arith.constant 0 : i32
      %scan3A_121 = arith.constant 8 : i32
      %scan3A_122 = arith.addi %scan3A_120, %scan3A_121 : i32
      %scan3A_123 = arith.constant 1 : i32
      scf.for %scan3A_154 = %scan3A_120 to %scan3A_122 step %scan3A_123  : i32 {
        %mul3A_155 = arith.constant 16 : i32
        %mul3A_156 = arith.muli %scan3A_154, %mul3A_155 : i32
        %get3A = arith.index_cast %add3A_118 : i32 to index
        %get3A_157 = arith.index_cast %mul3A_156 : i32 to index
        %get3A_158 = tpu.vector_load %arg5[%get3A, %get3A_157] {strides = array<i32>} : memref<72x128xi32, #tpu.memory_space<vmem>>, vector<1x16xi32>,
        %get3A_159 = vector.shape_cast %get3A_158 : vector<1x16xi32> to vector<16xi32>
        %and3A_160 = arith.constant 16383 : i32
        %and3A_161 = vector.broadcast %and3A_160 : i32 to vector<16xi32>
        %and3A_162 = arith.andi %get3A_159, %and3A_161 : vector<16xi32>
        %mul3A_163 = arith.constant 16 : i32
        %mul3A_164 = arith.muli %scan3A_154, %mul3A_163 : i32
        %swap3A = arith.constant 1 : i32
        %swap3A_165 = arith.constant 0 : i32
        %swap3A_166 = arith.index_cast %swap3A : i32 to index
        %swap3A_167 = arith.index_cast %swap3A_165 : i32 to index
        %swap3A_168 = arith.index_cast %mul3A_164 : i32 to index
        %swap3A_169 = tpu.vector_load %arg6[%swap3A_166, %swap3A_167, %swap3A_168] {strides = array<i32>} : memref<2x2x128xi32, #tpu.memory_space<vmem>>, vector<1x1x16xi32>,
        %swap3A_170 = vector.shape_cast %swap3A_169 : vector<1x1x16xi32> to vector<16xi32>
        %swap3A_171 = vector.shape_cast %and3A_162 : vector<16xi32> to vector<1x1x16xi32>
        tpu.vector_store %arg6[%swap3A_166, %swap3A_167, %swap3A_168], %swap3A_171 {strides = array<i32>} : memref<2x2x128xi32, #tpu.memory_space<vmem>>, vector<1x1x16xi32>,
        %shift_right_arithmetic3A = arith.constant 14 : i32
        %shift_right_arithmetic3A_172 = vector.broadcast %shift_right_arithmetic3A : i32 to vector<16xi32>
        %shift_right_arithmetic3A_173 = arith.shrsi %get3A_159, %shift_right_arithmetic3A_172 : vector<16xi32>
        %mul3A_174 = arith.constant 16 : i32
        %mul3A_175 = arith.muli %scan3A_154, %mul3A_174 : i32
        %swap3A_176 = arith.constant 1 : i32
        %swap3A_177 = arith.constant 1 : i32
        %swap3A_178 = arith.index_cast %swap3A_176 : i32 to index
        %swap3A_179 = arith.index_cast %swap3A_177 : i32 to index
        %swap3A_180 = arith.index_cast %mul3A_175 : i32 to index
        %swap3A_181 = tpu.vector_load %arg6[%swap3A_178, %swap3A_179, %swap3A_180] {strides = array<i32>} : memref<2x2x128xi32, #tpu.memory_space<vmem>>, vector<1x1x16xi32>,
        %swap3A_182 = vector.shape_cast %swap3A_181 : vector<1x1x16xi32> to vector<16xi32>
        %swap3A_183 = vector.shape_cast %shift_right_arithmetic3A_173 : vector<16xi32> to vector<1x1x16xi32>
        tpu.vector_store %arg6[%swap3A_178, %swap3A_179, %swap3A_180], %swap3A_183 {strides = array<i32>} : memref<2x2x128xi32, #tpu.memory_space<vmem>>, vector<1x1x16xi32>,
      }
      %scan3A_124 = arith.constant 8 : i32
      %add3A_125 = arith.constant 1 : i32
      %add3A_126 = arith.addi %mul3A_116, %add3A_125 : i32
      %dma_start3A = arith.constant 1 : i32
      %dma_start3A_127 = arith.constant 0 : i32
      %dma_start3A_128 = arith.constant 0 : i32
      %dma_start3A_129 = tpu.memref_slice %arg6[%dma_start3A, %dma_start3A_127, %dma_start3A_128] : memref<2x2x128xi32, #tpu.memory_space<vmem>> -> memref<1x1x128xi32, #tpu.memory_space<vmem>>
      %dma_start3A_130 = tpu.memref_squeeze %dma_start3A_129 : memref<1x1x128xi32, #tpu.memory_space<vmem>> -> memref<128xi32, #tpu.memory_space<vmem>>
      %dma_start3A_131 = arith.constant 0 : i32
      %dma_start3A_132 = arith.constant 0 : i32
      %dma_start3A_133 = tpu.memref_slice %arg2[%dma_start3A_131, %dma_start3A_132] : memref<10000x128xf32, #tpu.memory_space<hbm>> -> memref<10000x128xf32, #tpu.memory_space<hbm>>
      tpu.enqueue_indirect_dma source(%dma_start3A_133 : memref<10000x128xf32, #tpu.memory_space<hbm>>) target(%arg8 : memref<128x128xf32, #tpu.memory_space<vmem>>) offsets(%dma_start3A_130 : memref<128xi32, #tpu.memory_space<vmem>>) semaphore(%arg10 : memref<!tpu.dma_semaphore, #tpu.memory_space<semaphore_mem>>)
      %dma_wait3A = arith.constant 0 : i32
      %dma_wait3A_134 = arith.constant 0 : i32
      %dma_wait3A_135 = tpu.memref_slice %arg2[%dma_wait3A, %dma_wait3A_134] : memref<10000x128xf32, #tpu.memory_space<hbm>> -> memref<128x128xf32, #tpu.memory_space<hbm>>
      %dma_wait3A_136 = arith.constant 0 : i32
      %dma_wait3A_137 = arith.constant 0 : i32
      %dma_wait3A_138 = tpu.memref_slice %arg2[%dma_wait3A_136, %dma_wait3A_137] : memref<10000x128xf32, #tpu.memory_space<hbm>> -> memref<128x128xf32, #tpu.memory_space<hbm>>
      tpu.wait_dma2 semaphore(%arg9 : memref<!tpu.dma_semaphore, #tpu.memory_space<semaphore_mem>>) src(%dma_wait3A_138 : memref<128x128xf32, #tpu.memory_space<hbm>>) dst(%arg7 : memref<128x128xf32, #tpu.memory_space<vmem>>)
      %run_scoped3A = arith.constant 0 : i32
      %run_scoped3A_139 = arith.constant 1 : i32
      "tpu.region"() ({
        %run_scoped3A_154 = tpu.sem_alloc : memref<!tpu.dma_semaphore, #tpu.memory_space<semaphore_mem>>
        %dma_start3A_155 = arith.constant 0 : i32
        %dma_start3A_156 = tpu.memref_slice %arg6[%run_scoped3A, %run_scoped3A_139, %dma_start3A_155] : memref<2x2x128xi32, #tpu.memory_space<vmem>> -> memref<1x1x128xi32, #tpu.memory_space<vmem>>
        %dma_start3A_157 = tpu.memref_squeeze %dma_start3A_156 : memref<1x1x128xi32, #tpu.memory_space<vmem>> -> memref<128xi32, #tpu.memory_space<vmem>>
        %dma_start3A_158 = arith.constant 0 : i32
        %dma_start3A_159 = arith.constant 0 : i32
        %dma_start3A_160 = tpu.memref_slice %arg11[%dma_start3A_158, %dma_start3A_159] : memref<10112x128xf32, #tpu.memory_space<vmem_shared>> -> memref<10112x128xf32, #tpu.memory_space<vmem_shared>>
        tpu.enqueue_indirect_dma source(%arg7 : memref<128x128xf32, #tpu.memory_space<vmem>>) target(%dma_start3A_160 : memref<10112x128xf32, #tpu.memory_space<vmem_shared>>) offsets(%dma_start3A_157 : memref<128xi32, #tpu.memory_space<vmem>>) semaphore(%run_scoped3A_154 : memref<!tpu.dma_semaphore, #tpu.memory_space<semaphore_mem>>) {add = true}
        %dma_wait3A_161 = arith.constant 0 : i32
        %dma_wait3A_162 = tpu.memref_slice %arg6[%run_scoped3A, %run_scoped3A_139, %dma_wait3A_161] : memref<2x2x128xi32, #tpu.memory_space<vmem>> -> memref<1x1x128xi32, #tpu.memory_space<vmem>>
        %dma_wait3A_163 = tpu.memref_squeeze %dma_wait3A_162 : memref<1x1x128xi32, #tpu.memory_space<vmem>> -> memref<128xi32, #tpu.memory_space<vmem>>
        %dma_wait3A_164 = arith.constant 0 : i32
        %dma_wait3A_165 = arith.constant 0 : i32
        %dma_wait3A_166 = tpu.memref_slice %arg11[%dma_wait3A_164, %dma_wait3A_165] : memref<10112x128xf32, #tpu.memory_space<vmem_shared>> -> memref<10112x128xf32, #tpu.memory_space<vmem_shared>>
        tpu.wait_indirect_dma semaphore(%run_scoped3A_154 : memref<!tpu.dma_semaphore, #tpu.memory_space<semaphore_mem>>) src(%arg7 : memref<128x128xf32, #tpu.memory_space<vmem>>) dst(%dma_wait3A_166 : memref<10112x128xf32, #tpu.memory_space<vmem_shared>>)
        tpu.yield
      }) : () -> ()
      %add3A_140 = arith.constant 2 : i32
      %add3A_141 = arith.addi %mul3A_116, %add3A_140 : i32
      %lt3A_142 = arith.cmpi slt, %add3A_141, %min3A_42 : i32
      %convert_element_type3A_143 = arith.extui %lt3A_142 : i1 to i32
      %cond3A_144 = arith.constant 0 : i32
      %cond3A_145 = arith.cmpi ne, %convert_element_type3A_143, %cond3A_144 : i32
      scf.if %cond3A_145 {
        %add3A_154 = arith.constant 2 : i32
        %add3A_155 = arith.addi %mul3A_116, %add3A_154 : i32
        %scan3A_156 = arith.constant 0 : i32
        %scan3A_157 = arith.constant 0 : i32
        %scan3A_158 = arith.constant 8 : i32
        %scan3A_159 = arith.addi %scan3A_157, %scan3A_158 : i32
        %scan3A_160 = arith.constant 1 : i32
        scf.for %scan3A_172 = %scan3A_157 to %scan3A_159 step %scan3A_160  : i32 {
          %mul3A_173 = arith.constant 16 : i32
          %mul3A_174 = arith.muli %scan3A_172, %mul3A_173 : i32
          %get3A = arith.index_cast %add3A_155 : i32 to index
          %get3A_175 = arith.index_cast %mul3A_174 : i32 to index
          %get3A_176 = tpu.vector_load %arg5[%get3A, %get3A_175] {strides = array<i32>} : memref<72x128xi32, #tpu.memory_space<vmem>>, vector<1x16xi32>,
          %get3A_177 = vector.shape_cast %get3A_176 : vector<1x16xi32> to vector<16xi32>
          %and3A_178 = arith.constant 16383 : i32
          %and3A_179 = vector.broadcast %and3A_178 : i32 to vector<16xi32>
          %and3A_180 = arith.andi %get3A_177, %and3A_179 : vector<16xi32>
          %mul3A_181 = arith.constant 16 : i32
          %mul3A_182 = arith.muli %scan3A_172, %mul3A_181 : i32
          %swap3A = arith.constant 0 : i32
          %swap3A_183 = arith.constant 0 : i32
          %swap3A_184 = arith.index_cast %swap3A : i32 to index
          %swap3A_185 = arith.index_cast %swap3A_183 : i32 to index
          %swap3A_186 = arith.index_cast %mul3A_182 : i32 to index
          %swap3A_187 = tpu.vector_load %arg6[%swap3A_184, %swap3A_185, %swap3A_186] {strides = array<i32>} : memref<2x2x128xi32, #tpu.memory_space<vmem>>, vector<1x1x16xi32>,
          %swap3A_188 = vector.shape_cast %swap3A_187 : vector<1x1x16xi32> to vector<16xi32>
          %swap3A_189 = vector.shape_cast %and3A_180 : vector<16xi32> to vector<1x1x16xi32>
          tpu.vector_store %arg6[%swap3A_184, %swap3A_185, %swap3A_186], %swap3A_189 {strides = array<i32>} : memref<2x2x128xi32, #tpu.memory_space<vmem>>, vector<1x1x16xi32>,
          %shift_right_arithmetic3A = arith.constant 14 : i32
          %shift_right_arithmetic3A_190 = vector.broadcast %shift_right_arithmetic3A : i32 to vector<16xi32>
          %shift_right_arithmetic3A_191 = arith.shrsi %get3A_177, %shift_right_arithmetic3A_190 : vector<16xi32>
          %mul3A_192 = arith.constant 16 : i32
          %mul3A_193 = arith.muli %scan3A_172, %mul3A_192 : i32
          %swap3A_194 = arith.constant 0 : i32
          %swap3A_195 = arith.constant 1 : i32
          %swap3A_196 = arith.index_cast %swap3A_194 : i32 to index
          %swap3A_197 = arith.index_cast %swap3A_195 : i32 to index
          %swap3A_198 = arith.index_cast %mul3A_193 : i32 to index
          %swap3A_199 = tpu.vector_load %arg6[%swap3A_196, %swap3A_197, %swap3A_198] {strides = array<i32>} : memref<2x2x128xi32, #tpu.memory_space<vmem>>, vector<1x1x16xi32>,
          %swap3A_200 = vector.shape_cast %swap3A_199 : vector<1x1x16xi32> to vector<16xi32>
          %swap3A_201 = vector.shape_cast %shift_right_arithmetic3A_191 : vector<16xi32> to vector<1x1x16xi32>
          tpu.vector_store %arg6[%swap3A_196, %swap3A_197, %swap3A_198], %swap3A_201 {strides = array<i32>} : memref<2x2x128xi32, #tpu.memory_space<vmem>>, vector<1x1x16xi32>,
        }
        %scan3A_161 = arith.constant 8 : i32
        %add3A_162 = arith.constant 2 : i32
        %add3A_163 = arith.addi %mul3A_116, %add3A_162 : i32
        %dma_start3A_164 = arith.constant 0 : i32
        %dma_start3A_165 = arith.constant 0 : i32
        %dma_start3A_166 = arith.constant 0 : i32
        %dma_start3A_167 = tpu.memref_slice %arg6[%dma_start3A_164, %dma_start3A_165, %dma_start3A_166] : memref<2x2x128xi32, #tpu.memory_space<vmem>> -> memref<1x1x128xi32, #tpu.memory_space<vmem>>
        %dma_start3A_168 = tpu.memref_squeeze %dma_start3A_167 : memref<1x1x128xi32, #tpu.memory_space<vmem>> -> memref<128xi32, #tpu.memory_space<vmem>>
        %dma_start3A_169 = arith.constant 0 : i32
        %dma_start3A_170 = arith.constant 0 : i32
        %dma_start3A_171 = tpu.memref_slice %arg2[%dma_start3A_169, %dma_start3A_170] : memref<10000x128xf32, #tpu.memory_space<hbm>> -> memref<10000x128xf32, #tpu.memory_space<hbm>>
        tpu.enqueue_indirect_dma source(%dma_start3A_171 : memref<10000x128xf32, #tpu.memory_space<hbm>>) target(%arg7 : memref<128x128xf32, #tpu.memory_space<vmem>>) offsets(%dma_start3A_168 : memref<128xi32, #tpu.memory_space<vmem>>) semaphore(%arg9 : memref<!tpu.dma_semaphore, #tpu.memory_space<semaphore_mem>>)
      } else {
      }
      %dma_wait3A_146 = arith.constant 0 : i32
      %dma_wait3A_147 = arith.constant 0 : i32
      %dma_wait3A_148 = tpu.memref_slice %arg2[%dma_wait3A_146, %dma_wait3A_147] : memref<10000x128xf32, #tpu.memory_space<hbm>> -> memref<128x128xf32, #tpu.memory_space<hbm>>
      %dma_wait3A_149 = arith.constant 0 : i32
      %dma_wait3A_150 = arith.constant 0 : i32
      %dma_wait3A_151 = tpu.memref_slice %arg2[%dma_wait3A_149, %dma_wait3A_150] : memref<10000x128xf32, #tpu.memory_space<hbm>> -> memref<128x128xf32, #tpu.memory_space<hbm>>
      tpu.wait_dma2 semaphore(%arg10 : memref<!tpu.dma_semaphore, #tpu.memory_space<semaphore_mem>>) src(%dma_wait3A_151 : memref<128x128xf32, #tpu.memory_space<hbm>>) dst(%arg8 : memref<128x128xf32, #tpu.memory_space<vmem>>)
      %run_scoped3A_152 = arith.constant 1 : i32
      %run_scoped3A_153 = arith.constant 1 : i32
      "tpu.region"() ({
        %run_scoped3A_154 = tpu.sem_alloc : memref<!tpu.dma_semaphore, #tpu.memory_space<semaphore_mem>>
        %dma_start3A_155 = arith.constant 0 : i32
        %dma_start3A_156 = tpu.memref_slice %arg6[%run_scoped3A_152, %run_scoped3A_153, %dma_start3A_155] : memref<2x2x128xi32, #tpu.memory_space<vmem>> -> memref<1x1x128xi32, #tpu.memory_space<vmem>>
        %dma_start3A_157 = tpu.memref_squeeze %dma_start3A_156 : memref<1x1x128xi32, #tpu.memory_space<vmem>> -> memref<128xi32, #tpu.memory_space<vmem>>
        %dma_start3A_158 = arith.constant 0 : i32
        %dma_start3A_159 = arith.constant 0 : i32
        %dma_start3A_160 = tpu.memref_slice %arg11[%dma_start3A_158, %dma_start3A_159] : memref<10112x128xf32, #tpu.memory_space<vmem_shared>> -> memref<10112x128xf32, #tpu.memory_space<vmem_shared>>
        tpu.enqueue_indirect_dma source(%arg8 : memref<128x128xf32, #tpu.memory_space<vmem>>) target(%dma_start3A_160 : memref<10112x128xf32, #tpu.memory_space<vmem_shared>>) offsets(%dma_start3A_157 : memref<128xi32, #tpu.memory_space<vmem>>) semaphore(%run_scoped3A_154 : memref<!tpu.dma_semaphore, #tpu.memory_space<semaphore_mem>>) {add = true}
        %dma_wait3A_161 = arith.constant 0 : i32
        %dma_wait3A_162 = tpu.memref_slice %arg6[%run_scoped3A_152, %run_scoped3A_153, %dma_wait3A_161] : memref<2x2x128xi32, #tpu.memory_space<vmem>> -> memref<1x1x128xi32, #tpu.memory_space<vmem>>
        %dma_wait3A_163 = tpu.memref_squeeze %dma_wait3A_162 : memref<1x1x128xi32, #tpu.memory_space<vmem>> -> memref<128xi32, #tpu.memory_space<vmem>>
        %dma_wait3A_164 = arith.constant 0 : i32
        %dma_wait3A_165 = arith.constant 0 : i32
        %dma_wait3A_166 = tpu.memref_slice %arg11[%dma_wait3A_164, %dma_wait3A_165] : memref<10112x128xf32, #tpu.memory_space<vmem_shared>> -> memref<10112x128xf32, #tpu.memory_space<vmem_shared>>
        tpu.wait_indirect_dma semaphore(%run_scoped3A_154 : memref<!tpu.dma_semaphore, #tpu.memory_space<semaphore_mem>>) src(%arg8 : memref<128x128xf32, #tpu.memory_space<vmem>>) dst(%dma_wait3A_166 : memref<10112x128xf32, #tpu.memory_space<vmem_shared>>)
        tpu.yield
      }) : () -> ()
    }
    %gt3A_73 = arith.constant 72 : i32
    %gt3A_74 = arith.cmpi sgt, %select_n3A_3, %gt3A_73 : i32
    %convert_element_type3A_75 = arith.extui %gt3A_74 : i1 to i32
    %cond3A_76 = arith.constant 0 : i32
    %cond3A_77 = arith.cmpi ne, %convert_element_type3A_75, %cond3A_76 : i32
    scf.if %cond3A_77 {
      "tpu.region"() ({
        %run_scoped3A = tpu.sem_alloc : memref<!tpu.dma_semaphore, #tpu.memory_space<semaphore_mem>>
        %dma_start3A = arith.constant 0 : i32
        %dma_start3A_155 = arith.constant 0 : i32
        %dma_start3A_156 = tpu.memref_slice %arg5[%dma_start3A, %dma_start3A_155] : memref<72x128xi32, #tpu.memory_space<vmem>> -> memref<60x128xi32, #tpu.memory_space<vmem>>
        %dma_start3A_157 = arith.constant 72 : i32
        %dma_start3A_158 = arith.constant 0 : i32
        %dma_start3A_159 = tpu.memref_slice %arg3[%add3A, %dma_start3A_157, %dma_start3A_158] : memref<32x132x128xi32, #tpu.memory_space<hbm>> -> memref<1x60x128xi32, #tpu.memory_space<hbm>>
        %dma_start3A_160 = tpu.memref_squeeze %dma_start3A_159 : memref<1x60x128xi32, #tpu.memory_space<hbm>> -> memref<60x128xi32, #tpu.memory_space<hbm>>
        %dma_start3A_161 = arith.constant 0 : i32
        %dma_start3A_162 = arith.constant 0 : i32
        %dma_start3A_163 = tpu.memref_slice %arg5[%dma_start3A_161, %dma_start3A_162] : memref<72x128xi32, #tpu.memory_space<vmem>> -> memref<60x128xi32, #tpu.memory_space<vmem>>
        %dma_start3A_164 = arith.constant 72 : i32
        %dma_start3A_165 = arith.constant 0 : i32
        %dma_start3A_166 = tpu.memref_slice %arg3[%add3A, %dma_start3A_164, %dma_start3A_165] : memref<32x132x128xi32, #tpu.memory_space<hbm>> -> memref<1x60x128xi32, #tpu.memory_space<hbm>>
        %dma_start3A_167 = tpu.memref_squeeze %dma_start3A_166 : memref<1x60x128xi32, #tpu.memory_space<hbm>> -> memref<60x128xi32, #tpu.memory_space<hbm>>
        tpu.enqueue_dma source(%dma_start3A_167 : memref<60x128xi32, #tpu.memory_space<hbm>>) target(%dma_start3A_163 : memref<60x128xi32, #tpu.memory_space<vmem>>) target_semaphore(%run_scoped3A : memref<!tpu.dma_semaphore, #tpu.memory_space<semaphore_mem>>)
        %dma_wait3A = arith.constant 0 : i32
        %dma_wait3A_168 = arith.constant 0 : i32
        %dma_wait3A_169 = tpu.memref_slice %arg5[%dma_wait3A, %dma_wait3A_168] : memref<72x128xi32, #tpu.memory_space<vmem>> -> memref<60x128xi32, #tpu.memory_space<vmem>>
        %dma_wait3A_170 = arith.constant 72 : i32
        %dma_wait3A_171 = arith.constant 0 : i32
        %dma_wait3A_172 = tpu.memref_slice %arg3[%add3A, %dma_wait3A_170, %dma_wait3A_171] : memref<32x132x128xi32, #tpu.memory_space<hbm>> -> memref<1x60x128xi32, #tpu.memory_space<hbm>>
        %dma_wait3A_173 = tpu.memref_squeeze %dma_wait3A_172 : memref<1x60x128xi32, #tpu.memory_space<hbm>> -> memref<60x128xi32, #tpu.memory_space<hbm>>
        %dma_wait3A_174 = arith.constant 0 : i32
        %dma_wait3A_175 = arith.constant 0 : i32
        %dma_wait3A_176 = tpu.memref_slice %arg5[%dma_wait3A_174, %dma_wait3A_175] : memref<72x128xi32, #tpu.memory_space<vmem>> -> memref<60x128xi32, #tpu.memory_space<vmem>>
        %dma_wait3A_177 = arith.constant 72 : i32
        %dma_wait3A_178 = arith.constant 0 : i32
        %dma_wait3A_179 = tpu.memref_slice %arg3[%add3A, %dma_wait3A_177, %dma_wait3A_178] : memref<32x132x128xi32, #tpu.memory_space<hbm>> -> memref<1x60x128xi32, #tpu.memory_space<hbm>>
        %dma_wait3A_180 = tpu.memref_squeeze %dma_wait3A_179 : memref<1x60x128xi32, #tpu.memory_space<hbm>> -> memref<60x128xi32, #tpu.memory_space<hbm>>
        tpu.wait_dma2 semaphore(%run_scoped3A : memref<!tpu.dma_semaphore, #tpu.memory_space<semaphore_mem>>) src(%dma_wait3A_180 : memref<60x128xi32, #tpu.memory_space<hbm>>) dst(%dma_wait3A_176 : memref<60x128xi32, #tpu.memory_space<vmem>>)
        tpu.yield
      }) : () -> ()
      %sub3A_114 = arith.constant 72 : i32
      %sub3A_115 = arith.subi %select_n3A_3, %sub3A_114 : i32
      %gt3A_116 = arith.constant 0 : i32
      %gt3A_117 = arith.cmpi sgt, %sub3A_115, %gt3A_116 : i32
      %convert_element_type3A_118 = arith.extui %gt3A_117 : i1 to i32
      %cond3A_119 = arith.constant 0 : i32
      %cond3A_120 = arith.cmpi ne, %convert_element_type3A_118, %cond3A_119 : i32
      scf.if %cond3A_120 {
        %scan3A_155 = arith.constant 0 : i32
        %scan3A_156 = arith.constant 0 : i32
        %scan3A_157 = arith.constant 8 : i32
        %scan3A_158 = arith.addi %scan3A_156, %scan3A_157 : i32
        %scan3A_159 = arith.constant 1 : i32
        scf.for %scan3A_168 = %scan3A_156 to %scan3A_158 step %scan3A_159  : i32 {
          %mul3A_169 = arith.constant 16 : i32
          %mul3A_170 = arith.muli %scan3A_168, %mul3A_169 : i32
          %get3A = arith.constant 0 : i32
          %get3A_171 = arith.index_cast %get3A : i32 to index
          %get3A_172 = arith.index_cast %mul3A_170 : i32 to index
          %get3A_173 = tpu.vector_load %arg5[%get3A_171, %get3A_172] {strides = array<i32>} : memref<72x128xi32, #tpu.memory_space<vmem>>, vector<1x16xi32>,
          %get3A_174 = vector.shape_cast %get3A_173 : vector<1x16xi32> to vector<16xi32>
          %and3A_175 = arith.constant 16383 : i32
          %and3A_176 = vector.broadcast %and3A_175 : i32 to vector<16xi32>
          %and3A_177 = arith.andi %get3A_174, %and3A_176 : vector<16xi32>
          %mul3A_178 = arith.constant 16 : i32
          %mul3A_179 = arith.muli %scan3A_168, %mul3A_178 : i32
          %swap3A = arith.constant 0 : i32
          %swap3A_180 = arith.constant 0 : i32
          %swap3A_181 = arith.index_cast %swap3A : i32 to index
          %swap3A_182 = arith.index_cast %swap3A_180 : i32 to index
          %swap3A_183 = arith.index_cast %mul3A_179 : i32 to index
          %swap3A_184 = tpu.vector_load %arg6[%swap3A_181, %swap3A_182, %swap3A_183] {strides = array<i32>} : memref<2x2x128xi32, #tpu.memory_space<vmem>>, vector<1x1x16xi32>,
          %swap3A_185 = vector.shape_cast %swap3A_184 : vector<1x1x16xi32> to vector<16xi32>
          %swap3A_186 = vector.shape_cast %and3A_177 : vector<16xi32> to vector<1x1x16xi32>
          tpu.vector_store %arg6[%swap3A_181, %swap3A_182, %swap3A_183], %swap3A_186 {strides = array<i32>} : memref<2x2x128xi32, #tpu.memory_space<vmem>>, vector<1x1x16xi32>,
          %shift_right_arithmetic3A = arith.constant 14 : i32
          %shift_right_arithmetic3A_187 = vector.broadcast %shift_right_arithmetic3A : i32 to vector<16xi32>
          %shift_right_arithmetic3A_188 = arith.shrsi %get3A_174, %shift_right_arithmetic3A_187 : vector<16xi32>
          %mul3A_189 = arith.constant 16 : i32
          %mul3A_190 = arith.muli %scan3A_168, %mul3A_189 : i32
          %swap3A_191 = arith.constant 0 : i32
          %swap3A_192 = arith.constant 1 : i32
          %swap3A_193 = arith.index_cast %swap3A_191 : i32 to index
          %swap3A_194 = arith.index_cast %swap3A_192 : i32 to index
          %swap3A_195 = arith.index_cast %mul3A_190 : i32 to index
          %swap3A_196 = tpu.vector_load %arg6[%swap3A_193, %swap3A_194, %swap3A_195] {strides = array<i32>} : memref<2x2x128xi32, #tpu.memory_space<vmem>>, vector<1x1x16xi32>,
          %swap3A_197 = vector.shape_cast %swap3A_196 : vector<1x1x16xi32> to vector<16xi32>
          %swap3A_198 = vector.shape_cast %shift_right_arithmetic3A_188 : vector<16xi32> to vector<1x1x16xi32>
          tpu.vector_store %arg6[%swap3A_193, %swap3A_194, %swap3A_195], %swap3A_198 {strides = array<i32>} : memref<2x2x128xi32, #tpu.memory_space<vmem>>, vector<1x1x16xi32>,
        }
        %scan3A_160 = arith.constant 8 : i32
        %dma_start3A = arith.constant 0 : i32
        %dma_start3A_161 = arith.constant 0 : i32
        %dma_start3A_162 = arith.constant 0 : i32
        %dma_start3A_163 = tpu.memref_slice %arg6[%dma_start3A, %dma_start3A_161, %dma_start3A_162] : memref<2x2x128xi32, #tpu.memory_space<vmem>> -> memref<1x1x128xi32, #tpu.memory_space<vmem>>
        %dma_start3A_164 = tpu.memref_squeeze %dma_start3A_163 : memref<1x1x128xi32, #tpu.memory_space<vmem>> -> memref<128xi32, #tpu.memory_space<vmem>>
        %dma_start3A_165 = arith.constant 0 : i32
        %dma_start3A_166 = arith.constant 0 : i32
        %dma_start3A_167 = tpu.memref_slice %arg2[%dma_start3A_165, %dma_start3A_166] : memref<10000x128xf32, #tpu.memory_space<hbm>> -> memref<10000x128xf32, #tpu.memory_space<hbm>>
        tpu.enqueue_indirect_dma source(%dma_start3A_167 : memref<10000x128xf32, #tpu.memory_space<hbm>>) target(%arg7 : memref<128x128xf32, #tpu.memory_space<vmem>>) offsets(%dma_start3A_164 : memref<128xi32, #tpu.memory_space<vmem>>) semaphore(%arg9 : memref<!tpu.dma_semaphore, #tpu.memory_space<semaphore_mem>>)
      } else {
      }
      %jit3A_121 = arith.constant 2 : i32
      %div3A_122 = arith.divsi %sub3A_115, %jit3A_121 : i32
      %sign3A_123 = arith.constant 0 : i32
      %sign3A_124 = arith.cmpi sgt, %sub3A_115, %sign3A_123 : i32
      %sign3A_125 = arith.extui %sign3A_124 : i1 to i32
      %sign3A_126 = arith.constant 0 : i32
      %sign3A_127 = arith.cmpi slt, %sub3A_115, %sign3A_126 : i32
      %sign3A_128 = arith.extui %sign3A_127 : i1 to i32
      %sign3A_129 = arith.subi %sign3A_125, %sign3A_128 : i32
      %sign3A_130 = arith.constant 0 : i32
      %sign3A_131 = arith.cmpi sgt, %jit3A_121, %sign3A_130 : i32
      %sign3A_132 = arith.extui %sign3A_131 : i1 to i32
      %sign3A_133 = arith.constant 0 : i32
      %sign3A_134 = arith.cmpi slt, %jit3A_121, %sign3A_133 : i32
      %sign3A_135 = arith.extui %sign3A_134 : i1 to i32
      %sign3A_136 = arith.subi %sign3A_132, %sign3A_135 : i32
      %ne3A_137 = arith.cmpi ne, %sign3A_129, %sign3A_136 : i32
      %rem3A_138 = arith.remsi %sub3A_115, %jit3A_121 : i32
      %ne3A_139 = arith.constant 0 : i32
      %ne3A_140 = arith.cmpi ne, %rem3A_138, %ne3A_139 : i32
      %and3A_141 = arith.andi %ne3A_137, %ne3A_140 : i1
      %sub3A_142 = arith.constant 1 : i32
      %sub3A_143 = arith.subi %div3A_122, %sub3A_142 : i32
      %select_n3A_144 = arith.select %and3A_141, %sub3A_143, %div3A_122 : i32
      %while3A_145 = arith.constant 0 : i32
      %while3A_146 = arith.constant 0 : i32
      %while3A_147 = arith.subi %select_n3A_144, %while3A_146 : i32
      %while3A_148 = arith.addi %while3A_146, %while3A_147 : i32
      %while3A_149 = arith.constant 1 : i32
      %while3A_150 = arith.divsi %while3A_147, %while3A_149 : i32
      %while3A_151 = arith.muli %while3A_150, %while3A_149 : i32
      %while3A_152 = arith.addi %while3A_146, %while3A_151 : i32
      %while3A_153 = arith.constant 1 : i32
      scf.for %while3A_155 = %while3A_146 to %while3A_152 step %while3A_153  : i32 {
        %mul3A_156 = arith.constant 2 : i32
        %mul3A_157 = arith.muli %mul3A_156, %while3A_155 : i32
        %add3A_158 = arith.constant 1 : i32
        %add3A_159 = arith.addi %mul3A_157, %add3A_158 : i32
        %scan3A_160 = arith.constant 0 : i32
        %scan3A_161 = arith.constant 0 : i32
        %scan3A_162 = arith.constant 8 : i32
        %scan3A_163 = arith.addi %scan3A_161, %scan3A_162 : i32
        %scan3A_164 = arith.constant 1 : i32
        scf.for %scan3A_195 = %scan3A_161 to %scan3A_163 step %scan3A_164  : i32 {
          %mul3A_196 = arith.constant 16 : i32
          %mul3A_197 = arith.muli %scan3A_195, %mul3A_196 : i32
          %get3A = arith.index_cast %add3A_159 : i32 to index
          %get3A_198 = arith.index_cast %mul3A_197 : i32 to index
          %get3A_199 = tpu.vector_load %arg5[%get3A, %get3A_198] {strides = array<i32>} : memref<72x128xi32, #tpu.memory_space<vmem>>, vector<1x16xi32>,
          %get3A_200 = vector.shape_cast %get3A_199 : vector<1x16xi32> to vector<16xi32>
          %and3A_201 = arith.constant 16383 : i32
          %and3A_202 = vector.broadcast %and3A_201 : i32 to vector<16xi32>
          %and3A_203 = arith.andi %get3A_200, %and3A_202 : vector<16xi32>
          %mul3A_204 = arith.constant 16 : i32
          %mul3A_205 = arith.muli %scan3A_195, %mul3A_204 : i32
          %swap3A = arith.constant 1 : i32
          %swap3A_206 = arith.constant 0 : i32
          %swap3A_207 = arith.index_cast %swap3A : i32 to index
          %swap3A_208 = arith.index_cast %swap3A_206 : i32 to index
          %swap3A_209 = arith.index_cast %mul3A_205 : i32 to index
          %swap3A_210 = tpu.vector_load %arg6[%swap3A_207, %swap3A_208, %swap3A_209] {strides = array<i32>} : memref<2x2x128xi32, #tpu.memory_space<vmem>>, vector<1x1x16xi32>,
          %swap3A_211 = vector.shape_cast %swap3A_210 : vector<1x1x16xi32> to vector<16xi32>
          %swap3A_212 = vector.shape_cast %and3A_203 : vector<16xi32> to vector<1x1x16xi32>
          tpu.vector_store %arg6[%swap3A_207, %swap3A_208, %swap3A_209], %swap3A_212 {strides = array<i32>} : memref<2x2x128xi32, #tpu.memory_space<vmem>>, vector<1x1x16xi32>,
          %shift_right_arithmetic3A = arith.constant 14 : i32
          %shift_right_arithmetic3A_213 = vector.broadcast %shift_right_arithmetic3A : i32 to vector<16xi32>
          %shift_right_arithmetic3A_214 = arith.shrsi %get3A_200, %shift_right_arithmetic3A_213 : vector<16xi32>
          %mul3A_215 = arith.constant 16 : i32
          %mul3A_216 = arith.muli %scan3A_195, %mul3A_215 : i32
          %swap3A_217 = arith.constant 1 : i32
          %swap3A_218 = arith.constant 1 : i32
          %swap3A_219 = arith.index_cast %swap3A_217 : i32 to index
          %swap3A_220 = arith.index_cast %swap3A_218 : i32 to index
          %swap3A_221 = arith.index_cast %mul3A_216 : i32 to index
          %swap3A_222 = tpu.vector_load %arg6[%swap3A_219, %swap3A_220, %swap3A_221] {strides = array<i32>} : memref<2x2x128xi32, #tpu.memory_space<vmem>>, vector<1x1x16xi32>,
          %swap3A_223 = vector.shape_cast %swap3A_222 : vector<1x1x16xi32> to vector<16xi32>
          %swap3A_224 = vector.shape_cast %shift_right_arithmetic3A_214 : vector<16xi32> to vector<1x1x16xi32>
          tpu.vector_store %arg6[%swap3A_219, %swap3A_220, %swap3A_221], %swap3A_224 {strides = array<i32>} : memref<2x2x128xi32, #tpu.memory_space<vmem>>, vector<1x1x16xi32>,
        }
        %scan3A_165 = arith.constant 8 : i32
        %add3A_166 = arith.constant 1 : i32
        %add3A_167 = arith.addi %mul3A_157, %add3A_166 : i32
        %dma_start3A = arith.constant 1 : i32
        %dma_start3A_168 = arith.constant 0 : i32
        %dma_start3A_169 = arith.constant 0 : i32
        %dma_start3A_170 = tpu.memref_slice %arg6[%dma_start3A, %dma_start3A_168, %dma_start3A_169] : memref<2x2x128xi32, #tpu.memory_space<vmem>> -> memref<1x1x128xi32, #tpu.memory_space<vmem>>
        %dma_start3A_171 = tpu.memref_squeeze %dma_start3A_170 : memref<1x1x128xi32, #tpu.memory_space<vmem>> -> memref<128xi32, #tpu.memory_space<vmem>>
        %dma_start3A_172 = arith.constant 0 : i32
        %dma_start3A_173 = arith.constant 0 : i32
        %dma_start3A_174 = tpu.memref_slice %arg2[%dma_start3A_172, %dma_start3A_173] : memref<10000x128xf32, #tpu.memory_space<hbm>> -> memref<10000x128xf32, #tpu.memory_space<hbm>>
        tpu.enqueue_indirect_dma source(%dma_start3A_174 : memref<10000x128xf32, #tpu.memory_space<hbm>>) target(%arg8 : memref<128x128xf32, #tpu.memory_space<vmem>>) offsets(%dma_start3A_171 : memref<128xi32, #tpu.memory_space<vmem>>) semaphore(%arg10 : memref<!tpu.dma_semaphore, #tpu.memory_space<semaphore_mem>>)
        %dma_wait3A = arith.constant 0 : i32
        %dma_wait3A_175 = arith.constant 0 : i32
        %dma_wait3A_176 = tpu.memref_slice %arg2[%dma_wait3A, %dma_wait3A_175] : memref<10000x128xf32, #tpu.memory_space<hbm>> -> memref<128x128xf32, #tpu.memory_space<hbm>>
        %dma_wait3A_177 = arith.constant 0 : i32
        %dma_wait3A_178 = arith.constant 0 : i32
        %dma_wait3A_179 = tpu.memref_slice %arg2[%dma_wait3A_177, %dma_wait3A_178] : memref<10000x128xf32, #tpu.memory_space<hbm>> -> memref<128x128xf32, #tpu.memory_space<hbm>>
        tpu.wait_dma2 semaphore(%arg9 : memref<!tpu.dma_semaphore, #tpu.memory_space<semaphore_mem>>) src(%dma_wait3A_179 : memref<128x128xf32, #tpu.memory_space<hbm>>) dst(%arg7 : memref<128x128xf32, #tpu.memory_space<vmem>>)
        %run_scoped3A = arith.constant 0 : i32
        %run_scoped3A_180 = arith.constant 1 : i32
        "tpu.region"() ({
          %run_scoped3A_195 = tpu.sem_alloc : memref<!tpu.dma_semaphore, #tpu.memory_space<semaphore_mem>>
          %dma_start3A_196 = arith.constant 0 : i32
          %dma_start3A_197 = tpu.memref_slice %arg6[%run_scoped3A, %run_scoped3A_180, %dma_start3A_196] : memref<2x2x128xi32, #tpu.memory_space<vmem>> -> memref<1x1x128xi32, #tpu.memory_space<vmem>>
          %dma_start3A_198 = tpu.memref_squeeze %dma_start3A_197 : memref<1x1x128xi32, #tpu.memory_space<vmem>> -> memref<128xi32, #tpu.memory_space<vmem>>
          %dma_start3A_199 = arith.constant 0 : i32
          %dma_start3A_200 = arith.constant 0 : i32
          %dma_start3A_201 = tpu.memref_slice %arg11[%dma_start3A_199, %dma_start3A_200] : memref<10112x128xf32, #tpu.memory_space<vmem_shared>> -> memref<10112x128xf32, #tpu.memory_space<vmem_shared>>
          tpu.enqueue_indirect_dma source(%arg7 : memref<128x128xf32, #tpu.memory_space<vmem>>) target(%dma_start3A_201 : memref<10112x128xf32, #tpu.memory_space<vmem_shared>>) offsets(%dma_start3A_198 : memref<128xi32, #tpu.memory_space<vmem>>) semaphore(%run_scoped3A_195 : memref<!tpu.dma_semaphore, #tpu.memory_space<semaphore_mem>>) {add = true}
          %dma_wait3A_202 = arith.constant 0 : i32
          %dma_wait3A_203 = tpu.memref_slice %arg6[%run_scoped3A, %run_scoped3A_180, %dma_wait3A_202] : memref<2x2x128xi32, #tpu.memory_space<vmem>> -> memref<1x1x128xi32, #tpu.memory_space<vmem>>
          %dma_wait3A_204 = tpu.memref_squeeze %dma_wait3A_203 : memref<1x1x128xi32, #tpu.memory_space<vmem>> -> memref<128xi32, #tpu.memory_space<vmem>>
          %dma_wait3A_205 = arith.constant 0 : i32
          %dma_wait3A_206 = arith.constant 0 : i32
          %dma_wait3A_207 = tpu.memref_slice %arg11[%dma_wait3A_205, %dma_wait3A_206] : memref<10112x128xf32, #tpu.memory_space<vmem_shared>> -> memref<10112x128xf32, #tpu.memory_space<vmem_shared>>
          tpu.wait_indirect_dma semaphore(%run_scoped3A_195 : memref<!tpu.dma_semaphore, #tpu.memory_space<semaphore_mem>>) src(%arg7 : memref<128x128xf32, #tpu.memory_space<vmem>>) dst(%dma_wait3A_207 : memref<10112x128xf32, #tpu.memory_space<vmem_shared>>)
          tpu.yield
        }) : () -> ()
        %add3A_181 = arith.constant 2 : i32
        %add3A_182 = arith.addi %mul3A_157, %add3A_181 : i32
        %lt3A_183 = arith.cmpi slt, %add3A_182, %sub3A_115 : i32
        %convert_element_type3A_184 = arith.extui %lt3A_183 : i1 to i32
        %cond3A_185 = arith.constant 0 : i32
        %cond3A_186 = arith.cmpi ne, %convert_element_type3A_184, %cond3A_185 : i32
        scf.if %cond3A_186 {
          %add3A_195 = arith.constant 2 : i32
          %add3A_196 = arith.addi %mul3A_157, %add3A_195 : i32
          %scan3A_197 = arith.constant 0 : i32
          %scan3A_198 = arith.constant 0 : i32
          %scan3A_199 = arith.constant 8 : i32
          %scan3A_200 = arith.addi %scan3A_198, %scan3A_199 : i32
          %scan3A_201 = arith.constant 1 : i32
          scf.for %scan3A_213 = %scan3A_198 to %scan3A_200 step %scan3A_201  : i32 {
            %mul3A_214 = arith.constant 16 : i32
            %mul3A_215 = arith.muli %scan3A_213, %mul3A_214 : i32
            %get3A = arith.index_cast %add3A_196 : i32 to index
            %get3A_216 = arith.index_cast %mul3A_215 : i32 to index
            %get3A_217 = tpu.vector_load %arg5[%get3A, %get3A_216] {strides = array<i32>} : memref<72x128xi32, #tpu.memory_space<vmem>>, vector<1x16xi32>,
            %get3A_218 = vector.shape_cast %get3A_217 : vector<1x16xi32> to vector<16xi32>
            %and3A_219 = arith.constant 16383 : i32
            %and3A_220 = vector.broadcast %and3A_219 : i32 to vector<16xi32>
            %and3A_221 = arith.andi %get3A_218, %and3A_220 : vector<16xi32>
            %mul3A_222 = arith.constant 16 : i32
            %mul3A_223 = arith.muli %scan3A_213, %mul3A_222 : i32
            %swap3A = arith.constant 0 : i32
            %swap3A_224 = arith.constant 0 : i32
            %swap3A_225 = arith.index_cast %swap3A : i32 to index
            %swap3A_226 = arith.index_cast %swap3A_224 : i32 to index
            %swap3A_227 = arith.index_cast %mul3A_223 : i32 to index
            %swap3A_228 = tpu.vector_load %arg6[%swap3A_225, %swap3A_226, %swap3A_227] {strides = array<i32>} : memref<2x2x128xi32, #tpu.memory_space<vmem>>, vector<1x1x16xi32>,
            %swap3A_229 = vector.shape_cast %swap3A_228 : vector<1x1x16xi32> to vector<16xi32>
            %swap3A_230 = vector.shape_cast %and3A_221 : vector<16xi32> to vector<1x1x16xi32>
            tpu.vector_store %arg6[%swap3A_225, %swap3A_226, %swap3A_227], %swap3A_230 {strides = array<i32>} : memref<2x2x128xi32, #tpu.memory_space<vmem>>, vector<1x1x16xi32>,
            %shift_right_arithmetic3A = arith.constant 14 : i32
            %shift_right_arithmetic3A_231 = vector.broadcast %shift_right_arithmetic3A : i32 to vector<16xi32>
            %shift_right_arithmetic3A_232 = arith.shrsi %get3A_218, %shift_right_arithmetic3A_231 : vector<16xi32>
            %mul3A_233 = arith.constant 16 : i32
            %mul3A_234 = arith.muli %scan3A_213, %mul3A_233 : i32
            %swap3A_235 = arith.constant 0 : i32
            %swap3A_236 = arith.constant 1 : i32
            %swap3A_237 = arith.index_cast %swap3A_235 : i32 to index
            %swap3A_238 = arith.index_cast %swap3A_236 : i32 to index
            %swap3A_239 = arith.index_cast %mul3A_234 : i32 to index
            %swap3A_240 = tpu.vector_load %arg6[%swap3A_237, %swap3A_238, %swap3A_239] {strides = array<i32>} : memref<2x2x128xi32, #tpu.memory_space<vmem>>, vector<1x1x16xi32>,
            %swap3A_241 = vector.shape_cast %swap3A_240 : vector<1x1x16xi32> to vector<16xi32>
            %swap3A_242 = vector.shape_cast %shift_right_arithmetic3A_232 : vector<16xi32> to vector<1x1x16xi32>
            tpu.vector_store %arg6[%swap3A_237, %swap3A_238, %swap3A_239], %swap3A_242 {strides = array<i32>} : memref<2x2x128xi32, #tpu.memory_space<vmem>>, vector<1x1x16xi32>,
          }
          %scan3A_202 = arith.constant 8 : i32
          %add3A_203 = arith.constant 2 : i32
          %add3A_204 = arith.addi %mul3A_157, %add3A_203 : i32
          %dma_start3A_205 = arith.constant 0 : i32
          %dma_start3A_206 = arith.constant 0 : i32
          %dma_start3A_207 = arith.constant 0 : i32
          %dma_start3A_208 = tpu.memref_slice %arg6[%dma_start3A_205, %dma_start3A_206, %dma_start3A_207] : memref<2x2x128xi32, #tpu.memory_space<vmem>> -> memref<1x1x128xi32, #tpu.memory_space<vmem>>
          %dma_start3A_209 = tpu.memref_squeeze %dma_start3A_208 : memref<1x1x128xi32, #tpu.memory_space<vmem>> -> memref<128xi32, #tpu.memory_space<vmem>>
          %dma_start3A_210 = arith.constant 0 : i32
          %dma_start3A_211 = arith.constant 0 : i32
          %dma_start3A_212 = tpu.memref_slice %arg2[%dma_start3A_210, %dma_start3A_211] : memref<10000x128xf32, #tpu.memory_space<hbm>> -> memref<10000x128xf32, #tpu.memory_space<hbm>>
          tpu.enqueue_indirect_dma source(%dma_start3A_212 : memref<10000x128xf32, #tpu.memory_space<hbm>>) target(%arg7 : memref<128x128xf32, #tpu.memory_space<vmem>>) offsets(%dma_start3A_209 : memref<128xi32, #tpu.memory_space<vmem>>) semaphore(%arg9 : memref<!tpu.dma_semaphore, #tpu.memory_space<semaphore_mem>>)
        } else {
        }
        %dma_wait3A_187 = arith.constant 0 : i32
        %dma_wait3A_188 = arith.constant 0 : i32
        %dma_wait3A_189 = tpu.memref_slice %arg2[%dma_wait3A_187, %dma_wait3A_188] : memref<10000x128xf32, #tpu.memory_space<hbm>> -> memref<128x128xf32, #tpu.memory_space<hbm>>
        %dma_wait3A_190 = arith.constant 0 : i32
        %dma_wait3A_191 = arith.constant 0 : i32
        %dma_wait3A_192 = tpu.memref_slice %arg2[%dma_wait3A_190, %dma_wait3A_191] : memref<10000x128xf32, #tpu.memory_space<hbm>> -> memref<128x128xf32, #tpu.memory_space<hbm>>
        tpu.wait_dma2 semaphore(%arg10 : memref<!tpu.dma_semaphore, #tpu.memory_space<semaphore_mem>>) src(%dma_wait3A_192 : memref<128x128xf32, #tpu.memory_space<hbm>>) dst(%arg8 : memref<128x128xf32, #tpu.memory_space<vmem>>)
        %run_scoped3A_193 = arith.constant 1 : i32
        %run_scoped3A_194 = arith.constant 1 : i32
        "tpu.region"() ({
          %run_scoped3A_195 = tpu.sem_alloc : memref<!tpu.dma_semaphore, #tpu.memory_space<semaphore_mem>>
          %dma_start3A_196 = arith.constant 0 : i32
          %dma_start3A_197 = tpu.memref_slice %arg6[%run_scoped3A_193, %run_scoped3A_194, %dma_start3A_196] : memref<2x2x128xi32, #tpu.memory_space<vmem>> -> memref<1x1x128xi32, #tpu.memory_space<vmem>>
          %dma_start3A_198 = tpu.memref_squeeze %dma_start3A_197 : memref<1x1x128xi32, #tpu.memory_space<vmem>> -> memref<128xi32, #tpu.memory_space<vmem>>
          %dma_start3A_199 = arith.constant 0 : i32
          %dma_start3A_200 = arith.constant 0 : i32
          %dma_start3A_201 = tpu.memref_slice %arg11[%dma_start3A_199, %dma_start3A_200] : memref<10112x128xf32, #tpu.memory_space<vmem_shared>> -> memref<10112x128xf32, #tpu.memory_space<vmem_shared>>
          tpu.enqueue_indirect_dma source(%arg8 : memref<128x128xf32, #tpu.memory_space<vmem>>) target(%dma_start3A_201 : memref<10112x128xf32, #tpu.memory_space<vmem_shared>>) offsets(%dma_start3A_198 : memref<128xi32, #tpu.memory_space<vmem>>) semaphore(%run_scoped3A_195 : memref<!tpu.dma_semaphore, #tpu.memory_space<semaphore_mem>>) {add = true}
          %dma_wait3A_202 = arith.constant 0 : i32
          %dma_wait3A_203 = tpu.memref_slice %arg6[%run_scoped3A_193, %run_scoped3A_194, %dma_wait3A_202] : memref<2x2x128xi32, #tpu.memory_space<vmem>> -> memref<1x1x128xi32, #tpu.memory_space<vmem>>
          %dma_wait3A_204 = tpu.memref_squeeze %dma_wait3A_203 : memref<1x1x128xi32, #tpu.memory_space<vmem>> -> memref<128xi32, #tpu.memory_space<vmem>>
          %dma_wait3A_205 = arith.constant 0 : i32
          %dma_wait3A_206 = arith.constant 0 : i32
          %dma_wait3A_207 = tpu.memref_slice %arg11[%dma_wait3A_205, %dma_wait3A_206] : memref<10112x128xf32, #tpu.memory_space<vmem_shared>> -> memref<10112x128xf32, #tpu.memory_space<vmem_shared>>
          tpu.wait_indirect_dma semaphore(%run_scoped3A_195 : memref<!tpu.dma_semaphore, #tpu.memory_space<semaphore_mem>>) src(%arg8 : memref<128x128xf32, #tpu.memory_space<vmem>>) dst(%dma_wait3A_207 : memref<10112x128xf32, #tpu.memory_space<vmem_shared>>)
          tpu.yield
        }) : () -> ()
      }
      %while3A_154 = arith.constant 1 : i32
      scf.for %while3A_155 = %while3A_152 to %while3A_148 step %while3A_154  : i32 {
        %mul3A_156 = arith.constant 2 : i32
        %mul3A_157 = arith.muli %mul3A_156, %while3A_155 : i32
        %add3A_158 = arith.constant 1 : i32
        %add3A_159 = arith.addi %mul3A_157, %add3A_158 : i32
        %scan3A_160 = arith.constant 0 : i32
        %scan3A_161 = arith.constant 0 : i32
        %scan3A_162 = arith.constant 8 : i32
        %scan3A_163 = arith.addi %scan3A_161, %scan3A_162 : i32
        %scan3A_164 = arith.constant 1 : i32
        scf.for %scan3A_195 = %scan3A_161 to %scan3A_163 step %scan3A_164  : i32 {
          %mul3A_196 = arith.constant 16 : i32
          %mul3A_197 = arith.muli %scan3A_195, %mul3A_196 : i32
          %get3A = arith.index_cast %add3A_159 : i32 to index
          %get3A_198 = arith.index_cast %mul3A_197 : i32 to index
          %get3A_199 = tpu.vector_load %arg5[%get3A, %get3A_198] {strides = array<i32>} : memref<72x128xi32, #tpu.memory_space<vmem>>, vector<1x16xi32>,
          %get3A_200 = vector.shape_cast %get3A_199 : vector<1x16xi32> to vector<16xi32>
          %and3A_201 = arith.constant 16383 : i32
          %and3A_202 = vector.broadcast %and3A_201 : i32 to vector<16xi32>
          %and3A_203 = arith.andi %get3A_200, %and3A_202 : vector<16xi32>
          %mul3A_204 = arith.constant 16 : i32
          %mul3A_205 = arith.muli %scan3A_195, %mul3A_204 : i32
          %swap3A = arith.constant 1 : i32
          %swap3A_206 = arith.constant 0 : i32
          %swap3A_207 = arith.index_cast %swap3A : i32 to index
          %swap3A_208 = arith.index_cast %swap3A_206 : i32 to index
          %swap3A_209 = arith.index_cast %mul3A_205 : i32 to index
          %swap3A_210 = tpu.vector_load %arg6[%swap3A_207, %swap3A_208, %swap3A_209] {strides = array<i32>} : memref<2x2x128xi32, #tpu.memory_space<vmem>>, vector<1x1x16xi32>,
          %swap3A_211 = vector.shape_cast %swap3A_210 : vector<1x1x16xi32> to vector<16xi32>
          %swap3A_212 = vector.shape_cast %and3A_203 : vector<16xi32> to vector<1x1x16xi32>
          tpu.vector_store %arg6[%swap3A_207, %swap3A_208, %swap3A_209], %swap3A_212 {strides = array<i32>} : memref<2x2x128xi32, #tpu.memory_space<vmem>>, vector<1x1x16xi32>,
          %shift_right_arithmetic3A = arith.constant 14 : i32
          %shift_right_arithmetic3A_213 = vector.broadcast %shift_right_arithmetic3A : i32 to vector<16xi32>
          %shift_right_arithmetic3A_214 = arith.shrsi %get3A_200, %shift_right_arithmetic3A_213 : vector<16xi32>
          %mul3A_215 = arith.constant 16 : i32
          %mul3A_216 = arith.muli %scan3A_195, %mul3A_215 : i32
          %swap3A_217 = arith.constant 1 : i32
          %swap3A_218 = arith.constant 1 : i32
          %swap3A_219 = arith.index_cast %swap3A_217 : i32 to index
          %swap3A_220 = arith.index_cast %swap3A_218 : i32 to index
          %swap3A_221 = arith.index_cast %mul3A_216 : i32 to index
          %swap3A_222 = tpu.vector_load %arg6[%swap3A_219, %swap3A_220, %swap3A_221] {strides = array<i32>} : memref<2x2x128xi32, #tpu.memory_space<vmem>>, vector<1x1x16xi32>,
          %swap3A_223 = vector.shape_cast %swap3A_222 : vector<1x1x16xi32> to vector<16xi32>
          %swap3A_224 = vector.shape_cast %shift_right_arithmetic3A_214 : vector<16xi32> to vector<1x1x16xi32>
          tpu.vector_store %arg6[%swap3A_219, %swap3A_220, %swap3A_221], %swap3A_224 {strides = array<i32>} : memref<2x2x128xi32, #tpu.memory_space<vmem>>, vector<1x1x16xi32>,
        }
        %scan3A_165 = arith.constant 8 : i32
        %add3A_166 = arith.constant 1 : i32
        %add3A_167 = arith.addi %mul3A_157, %add3A_166 : i32
        %dma_start3A = arith.constant 1 : i32
        %dma_start3A_168 = arith.constant 0 : i32
        %dma_start3A_169 = arith.constant 0 : i32
        %dma_start3A_170 = tpu.memref_slice %arg6[%dma_start3A, %dma_start3A_168, %dma_start3A_169] : memref<2x2x128xi32, #tpu.memory_space<vmem>> -> memref<1x1x128xi32, #tpu.memory_space<vmem>>
        %dma_start3A_171 = tpu.memref_squeeze %dma_start3A_170 : memref<1x1x128xi32, #tpu.memory_space<vmem>> -> memref<128xi32, #tpu.memory_space<vmem>>
        %dma_start3A_172 = arith.constant 0 : i32
        %dma_start3A_173 = arith.constant 0 : i32
        %dma_start3A_174 = tpu.memref_slice %arg2[%dma_start3A_172, %dma_start3A_173] : memref<10000x128xf32, #tpu.memory_space<hbm>> -> memref<10000x128xf32, #tpu.memory_space<hbm>>
        tpu.enqueue_indirect_dma source(%dma_start3A_174 : memref<10000x128xf32, #tpu.memory_space<hbm>>) target(%arg8 : memref<128x128xf32, #tpu.memory_space<vmem>>) offsets(%dma_start3A_171 : memref<128xi32, #tpu.memory_space<vmem>>) semaphore(%arg10 : memref<!tpu.dma_semaphore, #tpu.memory_space<semaphore_mem>>)
        %dma_wait3A = arith.constant 0 : i32
        %dma_wait3A_175 = arith.constant 0 : i32
        %dma_wait3A_176 = tpu.memref_slice %arg2[%dma_wait3A, %dma_wait3A_175] : memref<10000x128xf32, #tpu.memory_space<hbm>> -> memref<128x128xf32, #tpu.memory_space<hbm>>
        %dma_wait3A_177 = arith.constant 0 : i32
        %dma_wait3A_178 = arith.constant 0 : i32
        %dma_wait3A_179 = tpu.memref_slice %arg2[%dma_wait3A_177, %dma_wait3A_178] : memref<10000x128xf32, #tpu.memory_space<hbm>> -> memref<128x128xf32, #tpu.memory_space<hbm>>
        tpu.wait_dma2 semaphore(%arg9 : memref<!tpu.dma_semaphore, #tpu.memory_space<semaphore_mem>>) src(%dma_wait3A_179 : memref<128x128xf32, #tpu.memory_space<hbm>>) dst(%arg7 : memref<128x128xf32, #tpu.memory_space<vmem>>)
        %run_scoped3A = arith.constant 0 : i32
        %run_scoped3A_180 = arith.constant 1 : i32
        "tpu.region"() ({
          %run_scoped3A_195 = tpu.sem_alloc : memref<!tpu.dma_semaphore, #tpu.memory_space<semaphore_mem>>
          %dma_start3A_196 = arith.constant 0 : i32
          %dma_start3A_197 = tpu.memref_slice %arg6[%run_scoped3A, %run_scoped3A_180, %dma_start3A_196] : memref<2x2x128xi32, #tpu.memory_space<vmem>> -> memref<1x1x128xi32, #tpu.memory_space<vmem>>
          %dma_start3A_198 = tpu.memref_squeeze %dma_start3A_197 : memref<1x1x128xi32, #tpu.memory_space<vmem>> -> memref<128xi32, #tpu.memory_space<vmem>>
          %dma_start3A_199 = arith.constant 0 : i32
          %dma_start3A_200 = arith.constant 0 : i32
          %dma_start3A_201 = tpu.memref_slice %arg11[%dma_start3A_199, %dma_start3A_200] : memref<10112x128xf32, #tpu.memory_space<vmem_shared>> -> memref<10112x128xf32, #tpu.memory_space<vmem_shared>>
          tpu.enqueue_indirect_dma source(%arg7 : memref<128x128xf32, #tpu.memory_space<vmem>>) target(%dma_start3A_201 : memref<10112x128xf32, #tpu.memory_space<vmem_shared>>) offsets(%dma_start3A_198 : memref<128xi32, #tpu.memory_space<vmem>>) semaphore(%run_scoped3A_195 : memref<!tpu.dma_semaphore, #tpu.memory_space<semaphore_mem>>) {add = true}
          %dma_wait3A_202 = arith.constant 0 : i32
          %dma_wait3A_203 = tpu.memref_slice %arg6[%run_scoped3A, %run_scoped3A_180, %dma_wait3A_202] : memref<2x2x128xi32, #tpu.memory_space<vmem>> -> memref<1x1x128xi32, #tpu.memory_space<vmem>>
          %dma_wait3A_204 = tpu.memref_squeeze %dma_wait3A_203 : memref<1x1x128xi32, #tpu.memory_space<vmem>> -> memref<128xi32, #tpu.memory_space<vmem>>
          %dma_wait3A_205 = arith.constant 0 : i32
          %dma_wait3A_206 = arith.constant 0 : i32
          %dma_wait3A_207 = tpu.memref_slice %arg11[%dma_wait3A_205, %dma_wait3A_206] : memref<10112x128xf32, #tpu.memory_space<vmem_shared>> -> memref<10112x128xf32, #tpu.memory_space<vmem_shared>>
          tpu.wait_indirect_dma semaphore(%run_scoped3A_195 : memref<!tpu.dma_semaphore, #tpu.memory_space<semaphore_mem>>) src(%arg7 : memref<128x128xf32, #tpu.memory_space<vmem>>) dst(%dma_wait3A_207 : memref<10112x128xf32, #tpu.memory_space<vmem_shared>>)
          tpu.yield
        }) : () -> ()
        %add3A_181 = arith.constant 2 : i32
        %add3A_182 = arith.addi %mul3A_157, %add3A_181 : i32
        %lt3A_183 = arith.cmpi slt, %add3A_182, %sub3A_115 : i32
        %convert_element_type3A_184 = arith.extui %lt3A_183 : i1 to i32
        %cond3A_185 = arith.constant 0 : i32
        %cond3A_186 = arith.cmpi ne, %convert_element_type3A_184, %cond3A_185 : i32
        scf.if %cond3A_186 {
          %add3A_195 = arith.constant 2 : i32
          %add3A_196 = arith.addi %mul3A_157, %add3A_195 : i32
          %scan3A_197 = arith.constant 0 : i32
          %scan3A_198 = arith.constant 0 : i32
          %scan3A_199 = arith.constant 8 : i32
          %scan3A_200 = arith.addi %scan3A_198, %scan3A_199 : i32
          %scan3A_201 = arith.constant 1 : i32
          scf.for %scan3A_213 = %scan3A_198 to %scan3A_200 step %scan3A_201  : i32 {
            %mul3A_214 = arith.constant 16 : i32
            %mul3A_215 = arith.muli %scan3A_213, %mul3A_214 : i32
            %get3A = arith.index_cast %add3A_196 : i32 to index
            %get3A_216 = arith.index_cast %mul3A_215 : i32 to index
            %get3A_217 = tpu.vector_load %arg5[%get3A, %get3A_216] {strides = array<i32>} : memref<72x128xi32, #tpu.memory_space<vmem>>, vector<1x16xi32>,
            %get3A_218 = vector.shape_cast %get3A_217 : vector<1x16xi32> to vector<16xi32>
            %and3A_219 = arith.constant 16383 : i32
            %and3A_220 = vector.broadcast %and3A_219 : i32 to vector<16xi32>
            %and3A_221 = arith.andi %get3A_218, %and3A_220 : vector<16xi32>
            %mul3A_222 = arith.constant 16 : i32
            %mul3A_223 = arith.muli %scan3A_213, %mul3A_222 : i32
            %swap3A = arith.constant 0 : i32
            %swap3A_224 = arith.constant 0 : i32
            %swap3A_225 = arith.index_cast %swap3A : i32 to index
            %swap3A_226 = arith.index_cast %swap3A_224 : i32 to index
            %swap3A_227 = arith.index_cast %mul3A_223 : i32 to index
            %swap3A_228 = tpu.vector_load %arg6[%swap3A_225, %swap3A_226, %swap3A_227] {strides = array<i32>} : memref<2x2x128xi32, #tpu.memory_space<vmem>>, vector<1x1x16xi32>,
            %swap3A_229 = vector.shape_cast %swap3A_228 : vector<1x1x16xi32> to vector<16xi32>
            %swap3A_230 = vector.shape_cast %and3A_221 : vector<16xi32> to vector<1x1x16xi32>
            tpu.vector_store %arg6[%swap3A_225, %swap3A_226, %swap3A_227], %swap3A_230 {strides = array<i32>} : memref<2x2x128xi32, #tpu.memory_space<vmem>>, vector<1x1x16xi32>,
            %shift_right_arithmetic3A = arith.constant 14 : i32
            %shift_right_arithmetic3A_231 = vector.broadcast %shift_right_arithmetic3A : i32 to vector<16xi32>
            %shift_right_arithmetic3A_232 = arith.shrsi %get3A_218, %shift_right_arithmetic3A_231 : vector<16xi32>
            %mul3A_233 = arith.constant 16 : i32
            %mul3A_234 = arith.muli %scan3A_213, %mul3A_233 : i32
            %swap3A_235 = arith.constant 0 : i32
            %swap3A_236 = arith.constant 1 : i32
            %swap3A_237 = arith.index_cast %swap3A_235 : i32 to index
            %swap3A_238 = arith.index_cast %swap3A_236 : i32 to index
            %swap3A_239 = arith.index_cast %mul3A_234 : i32 to index
            %swap3A_240 = tpu.vector_load %arg6[%swap3A_237, %swap3A_238, %swap3A_239] {strides = array<i32>} : memref<2x2x128xi32, #tpu.memory_space<vmem>>, vector<1x1x16xi32>,
            %swap3A_241 = vector.shape_cast %swap3A_240 : vector<1x1x16xi32> to vector<16xi32>
            %swap3A_242 = vector.shape_cast %shift_right_arithmetic3A_232 : vector<16xi32> to vector<1x1x16xi32>
            tpu.vector_store %arg6[%swap3A_237, %swap3A_238, %swap3A_239], %swap3A_242 {strides = array<i32>} : memref<2x2x128xi32, #tpu.memory_space<vmem>>, vector<1x1x16xi32>,
          }
          %scan3A_202 = arith.constant 8 : i32
          %add3A_203 = arith.constant 2 : i32
          %add3A_204 = arith.addi %mul3A_157, %add3A_203 : i32
          %dma_start3A_205 = arith.constant 0 : i32
          %dma_start3A_206 = arith.constant 0 : i32
          %dma_start3A_207 = arith.constant 0 : i32
          %dma_start3A_208 = tpu.memref_slice %arg6[%dma_start3A_205, %dma_start3A_206, %dma_start3A_207] : memref<2x2x128xi32, #tpu.memory_space<vmem>> -> memref<1x1x128xi32, #tpu.memory_space<vmem>>
          %dma_start3A_209 = tpu.memref_squeeze %dma_start3A_208 : memref<1x1x128xi32, #tpu.memory_space<vmem>> -> memref<128xi32, #tpu.memory_space<vmem>>
          %dma_start3A_210 = arith.constant 0 : i32
          %dma_start3A_211 = arith.constant 0 : i32
          %dma_start3A_212 = tpu.memref_slice %arg2[%dma_start3A_210, %dma_start3A_211] : memref<10000x128xf32, #tpu.memory_space<hbm>> -> memref<10000x128xf32, #tpu.memory_space<hbm>>
          tpu.enqueue_indirect_dma source(%dma_start3A_212 : memref<10000x128xf32, #tpu.memory_space<hbm>>) target(%arg7 : memref<128x128xf32, #tpu.memory_space<vmem>>) offsets(%dma_start3A_209 : memref<128xi32, #tpu.memory_space<vmem>>) semaphore(%arg9 : memref<!tpu.dma_semaphore, #tpu.memory_space<semaphore_mem>>)
        } else {
        }
        %dma_wait3A_187 = arith.constant 0 : i32
        %dma_wait3A_188 = arith.constant 0 : i32
        %dma_wait3A_189 = tpu.memref_slice %arg2[%dma_wait3A_187, %dma_wait3A_188] : memref<10000x128xf32, #tpu.memory_space<hbm>> -> memref<128x128xf32, #tpu.memory_space<hbm>>
        %dma_wait3A_190 = arith.constant 0 : i32
        %dma_wait3A_191 = arith.constant 0 : i32
        %dma_wait3A_192 = tpu.memref_slice %arg2[%dma_wait3A_190, %dma_wait3A_191] : memref<10000x128xf32, #tpu.memory_space<hbm>> -> memref<128x128xf32, #tpu.memory_space<hbm>>
        tpu.wait_dma2 semaphore(%arg10 : memref<!tpu.dma_semaphore, #tpu.memory_space<semaphore_mem>>) src(%dma_wait3A_192 : memref<128x128xf32, #tpu.memory_space<hbm>>) dst(%arg8 : memref<128x128xf32, #tpu.memory_space<vmem>>)
        %run_scoped3A_193 = arith.constant 1 : i32
        %run_scoped3A_194 = arith.constant 1 : i32
        "tpu.region"() ({
          %run_scoped3A_195 = tpu.sem_alloc : memref<!tpu.dma_semaphore, #tpu.memory_space<semaphore_mem>>
          %dma_start3A_196 = arith.constant 0 : i32
          %dma_start3A_197 = tpu.memref_slice %arg6[%run_scoped3A_193, %run_scoped3A_194, %dma_start3A_196] : memref<2x2x128xi32, #tpu.memory_space<vmem>> -> memref<1x1x128xi32, #tpu.memory_space<vmem>>
          %dma_start3A_198 = tpu.memref_squeeze %dma_start3A_197 : memref<1x1x128xi32, #tpu.memory_space<vmem>> -> memref<128xi32, #tpu.memory_space<vmem>>
          %dma_start3A_199 = arith.constant 0 : i32
          %dma_start3A_200 = arith.constant 0 : i32
          %dma_start3A_201 = tpu.memref_slice %arg11[%dma_start3A_199, %dma_start3A_200] : memref<10112x128xf32, #tpu.memory_space<vmem_shared>> -> memref<10112x128xf32, #tpu.memory_space<vmem_shared>>
          tpu.enqueue_indirect_dma source(%arg8 : memref<128x128xf32, #tpu.memory_space<vmem>>) target(%dma_start3A_201 : memref<10112x128xf32, #tpu.memory_space<vmem_shared>>) offsets(%dma_start3A_198 : memref<128xi32, #tpu.memory_space<vmem>>) semaphore(%run_scoped3A_195 : memref<!tpu.dma_semaphore, #tpu.memory_space<semaphore_mem>>) {add = true}
          %dma_wait3A_202 = arith.constant 0 : i32
          %dma_wait3A_203 = tpu.memref_slice %arg6[%run_scoped3A_193, %run_scoped3A_194, %dma_wait3A_202] : memref<2x2x128xi32, #tpu.memory_space<vmem>> -> memref<1x1x128xi32, #tpu.memory_space<vmem>>
          %dma_wait3A_204 = tpu.memref_squeeze %dma_wait3A_203 : memref<1x1x128xi32, #tpu.memory_space<vmem>> -> memref<128xi32, #tpu.memory_space<vmem>>
          %dma_wait3A_205 = arith.constant 0 : i32
          %dma_wait3A_206 = arith.constant 0 : i32
          %dma_wait3A_207 = tpu.memref_slice %arg11[%dma_wait3A_205, %dma_wait3A_206] : memref<10112x128xf32, #tpu.memory_space<vmem_shared>> -> memref<10112x128xf32, #tpu.memory_space<vmem_shared>>
          tpu.wait_indirect_dma semaphore(%run_scoped3A_195 : memref<!tpu.dma_semaphore, #tpu.memory_space<semaphore_mem>>) src(%arg8 : memref<128x128xf32, #tpu.memory_space<vmem>>) dst(%dma_wait3A_207 : memref<10112x128xf32, #tpu.memory_space<vmem_shared>>)
          tpu.yield
        }) : () -> ()
      }
    } else {
    }
    %barrier3A_78 = arith.constant 0 : index
    tpu.barrier barrier_id(%barrier3A_78)
    %add3A_79 = arith.constant 0 : i32
    %add3A_80 = arith.addi %arg1, %add3A_79 : i32
    %lt3A_81 = arith.constant 79 : i32
    %lt3A_82 = arith.cmpi slt, %add3A_80, %lt3A_81 : i32
    %convert_element_type3A_83 = arith.extui %lt3A_82 : i1 to i32
    %cond3A_84 = arith.constant 0 : i32
    %cond3A_85 = arith.cmpi ne, %convert_element_type3A_83, %cond3A_84 : i32
    scf.if %cond3A_85 {
      %mul3A_114 = arith.constant 128 : i32
      %mul3A_115 = arith.muli %add3A_80, %mul3A_114 : i32
      %mul3A_116 = arith.constant 128 : i32
      %mul3A_117 = arith.muli %add3A_80, %mul3A_116 : i32
      "tpu.region"() ({
        %run_scoped3A = tpu.sem_alloc : memref<!tpu.dma_semaphore, #tpu.memory_space<semaphore_mem>>
        %dma_start3A = arith.constant 0 : i32
        %dma_start3A_118 = tpu.memref_slice %arg4[%arg0, %mul3A_117, %dma_start3A] : memref<2x10112x128xf32, #tpu.memory_space<hbm>> -> memref<1x128x128xf32, #tpu.memory_space<hbm>>
        %dma_start3A_119 = tpu.memref_squeeze %dma_start3A_118 : memref<1x128x128xf32, #tpu.memory_space<hbm>> -> memref<128x128xf32, #tpu.memory_space<hbm>>
        %dma_start3A_120 = arith.constant 0 : i32
        %dma_start3A_121 = tpu.memref_slice %arg11[%mul3A_115, %dma_start3A_120] : memref<10112x128xf32, #tpu.memory_space<vmem_shared>> -> memref<128x128xf32, #tpu.memory_space<vmem_shared>>
        tpu.enqueue_dma source(%dma_start3A_121 : memref<128x128xf32, #tpu.memory_space<vmem_shared>>) target(%dma_start3A_119 : memref<128x128xf32, #tpu.memory_space<hbm>>) target_semaphore(%run_scoped3A : memref<!tpu.dma_semaphore, #tpu.memory_space<semaphore_mem>>)
        %dma_wait3A = arith.constant 0 : i32
        %dma_wait3A_122 = tpu.memref_slice %arg4[%arg0, %mul3A_117, %dma_wait3A] : memref<2x10112x128xf32, #tpu.memory_space<hbm>> -> memref<1x128x128xf32, #tpu.memory_space<hbm>>
        %dma_wait3A_123 = tpu.memref_squeeze %dma_wait3A_122 : memref<1x128x128xf32, #tpu.memory_space<hbm>> -> memref<128x128xf32, #tpu.memory_space<hbm>>
        %dma_wait3A_124 = arith.constant 0 : i32
        %dma_wait3A_125 = tpu.memref_slice %arg11[%mul3A_115, %dma_wait3A_124] : memref<10112x128xf32, #tpu.memory_space<vmem_shared>> -> memref<128x128xf32, #tpu.memory_space<vmem_shared>>
        tpu.wait_dma2 semaphore(%run_scoped3A : memref<!tpu.dma_semaphore, #tpu.memory_space<semaphore_mem>>) src(%dma_wait3A_125 : memref<128x128xf32, #tpu.memory_space<vmem_shared>>) dst(%dma_wait3A_123 : memref<128x128xf32, #tpu.memory_space<hbm>>)
        tpu.yield
      }) : () -> ()
    } else {
    }
    %add3A_86 = arith.constant 16 : i32
    %add3A_87 = arith.addi %arg1, %add3A_86 : i32
    %lt3A_88 = arith.constant 79 : i32
    %lt3A_89 = arith.cmpi slt, %add3A_87, %lt3A_88 : i32
    %convert_element_type3A_90 = arith.extui %lt3A_89 : i1 to i32
    %cond3A_91 = arith.constant 0 : i32
    %cond3A_92 = arith.cmpi ne, %convert_element_type3A_90, %cond3A_91 : i32
    scf.if %cond3A_92 {
      %mul3A_114 = arith.constant 128 : i32
      %mul3A_115 = arith.muli %add3A_87, %mul3A_114 : i32
      %mul3A_116 = arith.constant 128 : i32
      %mul3A_117 = arith.muli %add3A_87, %mul3A_116 : i32
      "tpu.region"() ({
        %run_scoped3A = tpu.sem_alloc : memref<!tpu.dma_semaphore, #tpu.memory_space<semaphore_mem>>
        %dma_start3A = arith.constant 0 : i32
        %dma_start3A_118 = tpu.memref_slice %arg4[%arg0, %mul3A_117, %dma_start3A] : memref<2x10112x128xf32, #tpu.memory_space<hbm>> -> memref<1x128x128xf32, #tpu.memory_space<hbm>>
        %dma_start3A_119 = tpu.memref_squeeze %dma_start3A_118 : memref<1x128x128xf32, #tpu.memory_space<hbm>> -> memref<128x128xf32, #tpu.memory_space<hbm>>
        %dma_start3A_120 = arith.constant 0 : i32
        %dma_start3A_121 = tpu.memref_slice %arg11[%mul3A_115, %dma_start3A_120] : memref<10112x128xf32, #tpu.memory_space<vmem_shared>> -> memref<128x128xf32, #tpu.memory_space<vmem_shared>>
        tpu.enqueue_dma source(%dma_start3A_121 : memref<128x128xf32, #tpu.memory_space<vmem_shared>>) target(%dma_start3A_119 : memref<128x128xf32, #tpu.memory_space<hbm>>) target_semaphore(%run_scoped3A : memref<!tpu.dma_semaphore, #tpu.memory_space<semaphore_mem>>)
        %dma_wait3A = arith.constant 0 : i32
        %dma_wait3A_122 = tpu.memref_slice %arg4[%arg0, %mul3A_117, %dma_wait3A] : memref<2x10112x128xf32, #tpu.memory_space<hbm>> -> memref<1x128x128xf32, #tpu.memory_space<hbm>>
        %dma_wait3A_123 = tpu.memref_squeeze %dma_wait3A_122 : memref<1x128x128xf32, #tpu.memory_space<hbm>> -> memref<128x128xf32, #tpu.memory_space<hbm>>
        %dma_wait3A_124 = arith.constant 0 : i32
        %dma_wait3A_125 = tpu.memref_slice %arg11[%mul3A_115, %dma_wait3A_124] : memref<10112x128xf32, #tpu.memory_space<vmem_shared>> -> memref<128x128xf32, #tpu.memory_space<vmem_shared>>
        tpu.wait_dma2 semaphore(%run_scoped3A : memref<!tpu.dma_semaphore, #tpu.memory_space<semaphore_mem>>) src(%dma_wait3A_125 : memref<128x128xf32, #tpu.memory_space<vmem_shared>>) dst(%dma_wait3A_123 : memref<128x128xf32, #tpu.memory_space<hbm>>)
        tpu.yield
      }) : () -> ()
    } else {
    }
    %add3A_93 = arith.constant 32 : i32
    %add3A_94 = arith.addi %arg1, %add3A_93 : i32
    %lt3A_95 = arith.constant 79 : i32
    %lt3A_96 = arith.cmpi slt, %add3A_94, %lt3A_95 : i32
    %convert_element_type3A_97 = arith.extui %lt3A_96 : i1 to i32
    %cond3A_98 = arith.constant 0 : i32
    %cond3A_99 = arith.cmpi ne, %convert_element_type3A_97, %cond3A_98 : i32
    scf.if %cond3A_99 {
      %mul3A_114 = arith.constant 128 : i32
      %mul3A_115 = arith.muli %add3A_94, %mul3A_114 : i32
      %mul3A_116 = arith.constant 128 : i32
      %mul3A_117 = arith.muli %add3A_94, %mul3A_116 : i32
      "tpu.region"() ({
        %run_scoped3A = tpu.sem_alloc : memref<!tpu.dma_semaphore, #tpu.memory_space<semaphore_mem>>
        %dma_start3A = arith.constant 0 : i32
        %dma_start3A_118 = tpu.memref_slice %arg4[%arg0, %mul3A_117, %dma_start3A] : memref<2x10112x128xf32, #tpu.memory_space<hbm>> -> memref<1x128x128xf32, #tpu.memory_space<hbm>>
        %dma_start3A_119 = tpu.memref_squeeze %dma_start3A_118 : memref<1x128x128xf32, #tpu.memory_space<hbm>> -> memref<128x128xf32, #tpu.memory_space<hbm>>
        %dma_start3A_120 = arith.constant 0 : i32
        %dma_start3A_121 = tpu.memref_slice %arg11[%mul3A_115, %dma_start3A_120] : memref<10112x128xf32, #tpu.memory_space<vmem_shared>> -> memref<128x128xf32, #tpu.memory_space<vmem_shared>>
        tpu.enqueue_dma source(%dma_start3A_121 : memref<128x128xf32, #tpu.memory_space<vmem_shared>>) target(%dma_start3A_119 : memref<128x128xf32, #tpu.memory_space<hbm>>) target_semaphore(%run_scoped3A : memref<!tpu.dma_semaphore, #tpu.memory_space<semaphore_mem>>)
        %dma_wait3A = arith.constant 0 : i32
        %dma_wait3A_122 = tpu.memref_slice %arg4[%arg0, %mul3A_117, %dma_wait3A] : memref<2x10112x128xf32, #tpu.memory_space<hbm>> -> memref<1x128x128xf32, #tpu.memory_space<hbm>>
        %dma_wait3A_123 = tpu.memref_squeeze %dma_wait3A_122 : memref<1x128x128xf32, #tpu.memory_space<hbm>> -> memref<128x128xf32, #tpu.memory_space<hbm>>
        %dma_wait3A_124 = arith.constant 0 : i32
        %dma_wait3A_125 = tpu.memref_slice %arg11[%mul3A_115, %dma_wait3A_124] : memref<10112x128xf32, #tpu.memory_space<vmem_shared>> -> memref<128x128xf32, #tpu.memory_space<vmem_shared>>
        tpu.wait_dma2 semaphore(%run_scoped3A : memref<!tpu.dma_semaphore, #tpu.memory_space<semaphore_mem>>) src(%dma_wait3A_125 : memref<128x128xf32, #tpu.memory_space<vmem_shared>>) dst(%dma_wait3A_123 : memref<128x128xf32, #tpu.memory_space<hbm>>)
        tpu.yield
      }) : () -> ()
    } else {
    }
    %add3A_100 = arith.constant 48 : i32
    %add3A_101 = arith.addi %arg1, %add3A_100 : i32
    %lt3A_102 = arith.constant 79 : i32
    %lt3A_103 = arith.cmpi slt, %add3A_101, %lt3A_102 : i32
    %convert_element_type3A_104 = arith.extui %lt3A_103 : i1 to i32
    %cond3A_105 = arith.constant 0 : i32
    %cond3A_106 = arith.cmpi ne, %convert_element_type3A_104, %cond3A_105 : i32
    scf.if %cond3A_106 {
      %mul3A_114 = arith.constant 128 : i32
      %mul3A_115 = arith.muli %add3A_101, %mul3A_114 : i32
      %mul3A_116 = arith.constant 128 : i32
      %mul3A_117 = arith.muli %add3A_101, %mul3A_116 : i32
      "tpu.region"() ({
        %run_scoped3A = tpu.sem_alloc : memref<!tpu.dma_semaphore, #tpu.memory_space<semaphore_mem>>
        %dma_start3A = arith.constant 0 : i32
        %dma_start3A_118 = tpu.memref_slice %arg4[%arg0, %mul3A_117, %dma_start3A] : memref<2x10112x128xf32, #tpu.memory_space<hbm>> -> memref<1x128x128xf32, #tpu.memory_space<hbm>>
        %dma_start3A_119 = tpu.memref_squeeze %dma_start3A_118 : memref<1x128x128xf32, #tpu.memory_space<hbm>> -> memref<128x128xf32, #tpu.memory_space<hbm>>
        %dma_start3A_120 = arith.constant 0 : i32
        %dma_start3A_121 = tpu.memref_slice %arg11[%mul3A_115, %dma_start3A_120] : memref<10112x128xf32, #tpu.memory_space<vmem_shared>> -> memref<128x128xf32, #tpu.memory_space<vmem_shared>>
        tpu.enqueue_dma source(%dma_start3A_121 : memref<128x128xf32, #tpu.memory_space<vmem_shared>>) target(%dma_start3A_119 : memref<128x128xf32, #tpu.memory_space<hbm>>) target_semaphore(%run_scoped3A : memref<!tpu.dma_semaphore, #tpu.memory_space<semaphore_mem>>)
        %dma_wait3A = arith.constant 0 : i32
        %dma_wait3A_122 = tpu.memref_slice %arg4[%arg0, %mul3A_117, %dma_wait3A] : memref<2x10112x128xf32, #tpu.memory_space<hbm>> -> memref<1x128x128xf32, #tpu.memory_space<hbm>>
        %dma_wait3A_123 = tpu.memref_squeeze %dma_wait3A_122 : memref<1x128x128xf32, #tpu.memory_space<hbm>> -> memref<128x128xf32, #tpu.memory_space<hbm>>
        %dma_wait3A_124 = arith.constant 0 : i32
        %dma_wait3A_125 = tpu.memref_slice %arg11[%mul3A_115, %dma_wait3A_124] : memref<10112x128xf32, #tpu.memory_space<vmem_shared>> -> memref<128x128xf32, #tpu.memory_space<vmem_shared>>
        tpu.wait_dma2 semaphore(%run_scoped3A : memref<!tpu.dma_semaphore, #tpu.memory_space<semaphore_mem>>) src(%dma_wait3A_125 : memref<128x128xf32, #tpu.memory_space<vmem_shared>>) dst(%dma_wait3A_123 : memref<128x128xf32, #tpu.memory_space<hbm>>)
        tpu.yield
      }) : () -> ()
    } else {
    }
    %add3A_107 = arith.constant 64 : i32
    %add3A_108 = arith.addi %arg1, %add3A_107 : i32
    %lt3A_109 = arith.constant 79 : i32
    %lt3A_110 = arith.cmpi slt, %add3A_108, %lt3A_109 : i32
    %convert_element_type3A_111 = arith.extui %lt3A_110 : i1 to i32
    %cond3A_112 = arith.constant 0 : i32
    %cond3A_113 = arith.cmpi ne, %convert_element_type3A_111, %cond3A_112 : i32
    scf.if %cond3A_113 {
      %mul3A_114 = arith.constant 128 : i32
      %mul3A_115 = arith.muli %add3A_108, %mul3A_114 : i32
      %mul3A_116 = arith.constant 128 : i32
      %mul3A_117 = arith.muli %add3A_108, %mul3A_116 : i32
      "tpu.region"() ({
        %run_scoped3A = tpu.sem_alloc : memref<!tpu.dma_semaphore, #tpu.memory_space<semaphore_mem>>
        %dma_start3A = arith.constant 0 : i32
        %dma_start3A_118 = tpu.memref_slice %arg4[%arg0, %mul3A_117, %dma_start3A] : memref<2x10112x128xf32, #tpu.memory_space<hbm>> -> memref<1x128x128xf32, #tpu.memory_space<hbm>>
        %dma_start3A_119 = tpu.memref_squeeze %dma_start3A_118 : memref<1x128x128xf32, #tpu.memory_space<hbm>> -> memref<128x128xf32, #tpu.memory_space<hbm>>
        %dma_start3A_120 = arith.constant 0 : i32
        %dma_start3A_121 = tpu.memref_slice %arg11[%mul3A_115, %dma_start3A_120] : memref<10112x128xf32, #tpu.memory_space<vmem_shared>> -> memref<128x128xf32, #tpu.memory_space<vmem_shared>>
        tpu.enqueue_dma source(%dma_start3A_121 : memref<128x128xf32, #tpu.memory_space<vmem_shared>>) target(%dma_start3A_119 : memref<128x128xf32, #tpu.memory_space<hbm>>) target_semaphore(%run_scoped3A : memref<!tpu.dma_semaphore, #tpu.memory_space<semaphore_mem>>)
        %dma_wait3A = arith.constant 0 : i32
        %dma_wait3A_122 = tpu.memref_slice %arg4[%arg0, %mul3A_117, %dma_wait3A] : memref<2x10112x128xf32, #tpu.memory_space<hbm>> -> memref<1x128x128xf32, #tpu.memory_space<hbm>>
        %dma_wait3A_123 = tpu.memref_squeeze %dma_wait3A_122 : memref<1x128x128xf32, #tpu.memory_space<hbm>> -> memref<128x128xf32, #tpu.memory_space<hbm>>
        %dma_wait3A_124 = arith.constant 0 : i32
        %dma_wait3A_125 = tpu.memref_slice %arg11[%mul3A_115, %dma_wait3A_124] : memref<10112x128xf32, #tpu.memory_space<vmem_shared>> -> memref<128x128xf32, #tpu.memory_space<vmem_shared>>
        tpu.wait_dma2 semaphore(%run_scoped3A : memref<!tpu.dma_semaphore, #tpu.memory_space<semaphore_mem>>) src(%dma_wait3A_125 : memref<128x128xf32, #tpu.memory_space<vmem_shared>>) dst(%dma_wait3A_123 : memref<128x128xf32, #tpu.memory_space<hbm>>)
        tpu.yield
      }) : () -> ()
    } else {
    }
    return
  }
}

#map = affine_map<(d0, d1) -> (0, 0, 0)>
module attributes {stable_mosaic.version = 14 : i64} {
  func.func @body(%arg0: i32, %arg1: i32, %arg2: memref<32x79x128xi32, #tpu.memory_space<hbm>>, %arg3: memref<2x10112x128xf32, #tpu.memory_space<hbm>>, %arg4: memref<79x128xi32, #tpu.memory_space<vmem>>, %arg5: memref<128x128xf32, #tpu.memory_space<vmem>>, %arg6: memref<10112x128xf32, #tpu.memory_space<vmem_shared>>) attributes {dimension_semantics = [#tpu.dimension_semantics<core_parallel>, #tpu.dimension_semantics<subcore_parallel>], iteration_bounds = array<i64: 2, 16>, scalar_prefetch = 0 : i64, scratch_operands = 3 : i64, tpu.core_type = #tpu.core_type<sc_vector_subcore>, window_params = [{transform_indices = #map}, {transform_indices = #map}]} {
    %mul3A = arith.constant 2 : i32
    %mul3A_0 = arith.muli %arg1, %mul3A : i32
    %add3A = arith.addi %mul3A_0, %arg0 : i32
    "tpu.region"() ({
      %run_scoped3A = tpu.sem_alloc : memref<!tpu.dma_semaphore, #tpu.memory_space<semaphore_mem>>
      %dma_start3A = arith.constant 0 : i32
      %dma_start3A_89 = arith.constant 0 : i32
      %dma_start3A_90 = tpu.memref_slice %arg2[%add3A, %dma_start3A, %dma_start3A_89] : memref<32x79x128xi32, #tpu.memory_space<hbm>> -> memref<1x79x128xi32, #tpu.memory_space<hbm>>
      %dma_start3A_91 = tpu.memref_squeeze %dma_start3A_90 : memref<1x79x128xi32, #tpu.memory_space<hbm>> -> memref<79x128xi32, #tpu.memory_space<hbm>>
      %dma_start3A_92 = arith.constant 0 : i32
      %dma_start3A_93 = arith.constant 0 : i32
      %dma_start3A_94 = tpu.memref_slice %arg2[%add3A, %dma_start3A_92, %dma_start3A_93] : memref<32x79x128xi32, #tpu.memory_space<hbm>> -> memref<1x79x128xi32, #tpu.memory_space<hbm>>
      %dma_start3A_95 = tpu.memref_squeeze %dma_start3A_94 : memref<1x79x128xi32, #tpu.memory_space<hbm>> -> memref<79x128xi32, #tpu.memory_space<hbm>>
      tpu.enqueue_dma source(%dma_start3A_95 : memref<79x128xi32, #tpu.memory_space<hbm>>) target(%arg4 : memref<79x128xi32, #tpu.memory_space<vmem>>) target_semaphore(%run_scoped3A : memref<!tpu.dma_semaphore, #tpu.memory_space<semaphore_mem>>)
      %dma_wait3A = arith.constant 0 : i32
      %dma_wait3A_96 = arith.constant 0 : i32
      %dma_wait3A_97 = tpu.memref_slice %arg2[%add3A, %dma_wait3A, %dma_wait3A_96] : memref<32x79x128xi32, #tpu.memory_space<hbm>> -> memref<1x79x128xi32, #tpu.memory_space<hbm>>
      %dma_wait3A_98 = tpu.memref_squeeze %dma_wait3A_97 : memref<1x79x128xi32, #tpu.memory_space<hbm>> -> memref<79x128xi32, #tpu.memory_space<hbm>>
      %dma_wait3A_99 = arith.constant 0 : i32
      %dma_wait3A_100 = arith.constant 0 : i32
      %dma_wait3A_101 = tpu.memref_slice %arg2[%add3A, %dma_wait3A_99, %dma_wait3A_100] : memref<32x79x128xi32, #tpu.memory_space<hbm>> -> memref<1x79x128xi32, #tpu.memory_space<hbm>>
      %dma_wait3A_102 = tpu.memref_squeeze %dma_wait3A_101 : memref<1x79x128xi32, #tpu.memory_space<hbm>> -> memref<79x128xi32, #tpu.memory_space<hbm>>
      tpu.wait_dma2 semaphore(%run_scoped3A : memref<!tpu.dma_semaphore, #tpu.memory_space<semaphore_mem>>) src(%dma_wait3A_102 : memref<79x128xi32, #tpu.memory_space<hbm>>) dst(%arg4 : memref<79x128xi32, #tpu.memory_space<vmem>>)
      tpu.yield
    }) : () -> ()
    %broadcast_in_dim3A = arith.constant 0.000000e+00 : f32
    %broadcast_in_dim3A_1 = vector.broadcast %broadcast_in_dim3A : f32 to vector<16xf32>
    %scan3A = arith.constant 0 : i32
    %scan3A_2 = arith.constant 0 : i32
    %scan3A_3 = arith.constant 128 : i32
    %scan3A_4 = arith.addi %scan3A_2, %scan3A_3 : i32
    %scan3A_5 = arith.constant 1 : i32
    scf.for %scan3A_89 = %scan3A_2 to %scan3A_4 step %scan3A_5  : i32 {
      %swap3A = arith.index_cast %scan3A_89 : i32 to index
      %swap3A_90 = arith.constant 0 : index
      %swap3A_91 = tpu.vector_load %arg5[%swap3A, %swap3A_90] {strides = array<i32>} : memref<128x128xf32, #tpu.memory_space<vmem>>, vector<1x16xf32>,
      %swap3A_92 = vector.shape_cast %swap3A_91 : vector<1x16xf32> to vector<16xf32>
      %swap3A_93 = vector.shape_cast %broadcast_in_dim3A_1 : vector<16xf32> to vector<1x16xf32>
      tpu.vector_store %arg5[%swap3A, %swap3A_90], %swap3A_93 {strides = array<i32>} : memref<128x128xf32, #tpu.memory_space<vmem>>, vector<1x16xf32>,
      %swap3A_94 = arith.index_cast %scan3A_89 : i32 to index
      %swap3A_95 = arith.constant 16 : index
      %swap3A_96 = tpu.vector_load %arg5[%swap3A_94, %swap3A_95] {strides = array<i32>} : memref<128x128xf32, #tpu.memory_space<vmem>>, vector<1x16xf32>,
      %swap3A_97 = vector.shape_cast %swap3A_96 : vector<1x16xf32> to vector<16xf32>
      %swap3A_98 = vector.shape_cast %broadcast_in_dim3A_1 : vector<16xf32> to vector<1x16xf32>
      tpu.vector_store %arg5[%swap3A_94, %swap3A_95], %swap3A_98 {strides = array<i32>} : memref<128x128xf32, #tpu.memory_space<vmem>>, vector<1x16xf32>,
      %swap3A_99 = arith.index_cast %scan3A_89 : i32 to index
      %swap3A_100 = arith.constant 32 : index
      %swap3A_101 = tpu.vector_load %arg5[%swap3A_99, %swap3A_100] {strides = array<i32>} : memref<128x128xf32, #tpu.memory_space<vmem>>, vector<1x16xf32>,
      %swap3A_102 = vector.shape_cast %swap3A_101 : vector<1x16xf32> to vector<16xf32>
      %swap3A_103 = vector.shape_cast %broadcast_in_dim3A_1 : vector<16xf32> to vector<1x16xf32>
      tpu.vector_store %arg5[%swap3A_99, %swap3A_100], %swap3A_103 {strides = array<i32>} : memref<128x128xf32, #tpu.memory_space<vmem>>, vector<1x16xf32>,
      %swap3A_104 = arith.index_cast %scan3A_89 : i32 to index
      %swap3A_105 = arith.constant 48 : index
      %swap3A_106 = tpu.vector_load %arg5[%swap3A_104, %swap3A_105] {strides = array<i32>} : memref<128x128xf32, #tpu.memory_space<vmem>>, vector<1x16xf32>,
      %swap3A_107 = vector.shape_cast %swap3A_106 : vector<1x16xf32> to vector<16xf32>
      %swap3A_108 = vector.shape_cast %broadcast_in_dim3A_1 : vector<16xf32> to vector<1x16xf32>
      tpu.vector_store %arg5[%swap3A_104, %swap3A_105], %swap3A_108 {strides = array<i32>} : memref<128x128xf32, #tpu.memory_space<vmem>>, vector<1x16xf32>,
      %swap3A_109 = arith.index_cast %scan3A_89 : i32 to index
      %swap3A_110 = arith.constant 64 : index
      %swap3A_111 = tpu.vector_load %arg5[%swap3A_109, %swap3A_110] {strides = array<i32>} : memref<128x128xf32, #tpu.memory_space<vmem>>, vector<1x16xf32>,
      %swap3A_112 = vector.shape_cast %swap3A_111 : vector<1x16xf32> to vector<16xf32>
      %swap3A_113 = vector.shape_cast %broadcast_in_dim3A_1 : vector<16xf32> to vector<1x16xf32>
      tpu.vector_store %arg5[%swap3A_109, %swap3A_110], %swap3A_113 {strides = array<i32>} : memref<128x128xf32, #tpu.memory_space<vmem>>, vector<1x16xf32>,
      %swap3A_114 = arith.index_cast %scan3A_89 : i32 to index
      %swap3A_115 = arith.constant 80 : index
      %swap3A_116 = tpu.vector_load %arg5[%swap3A_114, %swap3A_115] {strides = array<i32>} : memref<128x128xf32, #tpu.memory_space<vmem>>, vector<1x16xf32>,
      %swap3A_117 = vector.shape_cast %swap3A_116 : vector<1x16xf32> to vector<16xf32>
      %swap3A_118 = vector.shape_cast %broadcast_in_dim3A_1 : vector<16xf32> to vector<1x16xf32>
      tpu.vector_store %arg5[%swap3A_114, %swap3A_115], %swap3A_118 {strides = array<i32>} : memref<128x128xf32, #tpu.memory_space<vmem>>, vector<1x16xf32>,
      %swap3A_119 = arith.index_cast %scan3A_89 : i32 to index
      %swap3A_120 = arith.constant 96 : index
      %swap3A_121 = tpu.vector_load %arg5[%swap3A_119, %swap3A_120] {strides = array<i32>} : memref<128x128xf32, #tpu.memory_space<vmem>>, vector<1x16xf32>,
      %swap3A_122 = vector.shape_cast %swap3A_121 : vector<1x16xf32> to vector<16xf32>
      %swap3A_123 = vector.shape_cast %broadcast_in_dim3A_1 : vector<16xf32> to vector<1x16xf32>
      tpu.vector_store %arg5[%swap3A_119, %swap3A_120], %swap3A_123 {strides = array<i32>} : memref<128x128xf32, #tpu.memory_space<vmem>>, vector<1x16xf32>,
      %swap3A_124 = arith.index_cast %scan3A_89 : i32 to index
      %swap3A_125 = arith.constant 112 : index
      %swap3A_126 = tpu.vector_load %arg5[%swap3A_124, %swap3A_125] {strides = array<i32>} : memref<128x128xf32, #tpu.memory_space<vmem>>, vector<1x16xf32>,
      %swap3A_127 = vector.shape_cast %swap3A_126 : vector<1x16xf32> to vector<16xf32>
      %swap3A_128 = vector.shape_cast %broadcast_in_dim3A_1 : vector<16xf32> to vector<1x16xf32>
      tpu.vector_store %arg5[%swap3A_124, %swap3A_125], %swap3A_128 {strides = array<i32>} : memref<128x128xf32, #tpu.memory_space<vmem>>, vector<1x16xf32>,
    }
    %scan3A_6 = arith.constant 128 : i32
    %add3A_7 = arith.constant 0 : i32
    %add3A_8 = arith.addi %arg1, %add3A_7 : i32
    %lt3A = arith.constant 79 : i32
    %lt3A_9 = arith.cmpi slt, %add3A_8, %lt3A : i32
    %convert_element_type3A = arith.extui %lt3A_9 : i1 to i32
    %cond3A = arith.constant 0 : i32
    %cond3A_10 = arith.cmpi ne, %convert_element_type3A, %cond3A : i32
    scf.if %cond3A_10 {
      %mul3A_89 = arith.constant 128 : i32
      %mul3A_90 = arith.muli %add3A_8, %mul3A_89 : i32
      "tpu.region"() ({
        %run_scoped3A = tpu.sem_alloc : memref<!tpu.dma_semaphore, #tpu.memory_space<semaphore_mem>>
        %dma_start3A = arith.constant 0 : i32
        %dma_start3A_91 = tpu.memref_slice %arg6[%mul3A_90, %dma_start3A] : memref<10112x128xf32, #tpu.memory_space<vmem_shared>> -> memref<128x128xf32, #tpu.memory_space<vmem_shared>>
        %dma_start3A_92 = arith.constant 0 : i32
        %dma_start3A_93 = tpu.memref_slice %arg6[%mul3A_90, %dma_start3A_92] : memref<10112x128xf32, #tpu.memory_space<vmem_shared>> -> memref<128x128xf32, #tpu.memory_space<vmem_shared>>
        tpu.enqueue_dma source(%arg5 : memref<128x128xf32, #tpu.memory_space<vmem>>) target(%dma_start3A_93 : memref<128x128xf32, #tpu.memory_space<vmem_shared>>) target_semaphore(%run_scoped3A : memref<!tpu.dma_semaphore, #tpu.memory_space<semaphore_mem>>)
        %dma_wait3A = arith.constant 0 : i32
        %dma_wait3A_94 = tpu.memref_slice %arg6[%mul3A_90, %dma_wait3A] : memref<10112x128xf32, #tpu.memory_space<vmem_shared>> -> memref<128x128xf32, #tpu.memory_space<vmem_shared>>
        %dma_wait3A_95 = arith.constant 0 : i32
        %dma_wait3A_96 = tpu.memref_slice %arg6[%mul3A_90, %dma_wait3A_95] : memref<10112x128xf32, #tpu.memory_space<vmem_shared>> -> memref<128x128xf32, #tpu.memory_space<vmem_shared>>
        tpu.wait_dma2 semaphore(%run_scoped3A : memref<!tpu.dma_semaphore, #tpu.memory_space<semaphore_mem>>) src(%arg5 : memref<128x128xf32, #tpu.memory_space<vmem>>) dst(%dma_wait3A_96 : memref<128x128xf32, #tpu.memory_space<vmem_shared>>)
        tpu.yield
      }) : () -> ()
    } else {
    }
    %add3A_11 = arith.constant 16 : i32
    %add3A_12 = arith.addi %arg1, %add3A_11 : i32
    %lt3A_13 = arith.constant 79 : i32
    %lt3A_14 = arith.cmpi slt, %add3A_12, %lt3A_13 : i32
    %convert_element_type3A_15 = arith.extui %lt3A_14 : i1 to i32
    %cond3A_16 = arith.constant 0 : i32
    %cond3A_17 = arith.cmpi ne, %convert_element_type3A_15, %cond3A_16 : i32
    scf.if %cond3A_17 {
      %mul3A_89 = arith.constant 128 : i32
      %mul3A_90 = arith.muli %add3A_12, %mul3A_89 : i32
      "tpu.region"() ({
        %run_scoped3A = tpu.sem_alloc : memref<!tpu.dma_semaphore, #tpu.memory_space<semaphore_mem>>
        %dma_start3A = arith.constant 0 : i32
        %dma_start3A_91 = tpu.memref_slice %arg6[%mul3A_90, %dma_start3A] : memref<10112x128xf32, #tpu.memory_space<vmem_shared>> -> memref<128x128xf32, #tpu.memory_space<vmem_shared>>
        %dma_start3A_92 = arith.constant 0 : i32
        %dma_start3A_93 = tpu.memref_slice %arg6[%mul3A_90, %dma_start3A_92] : memref<10112x128xf32, #tpu.memory_space<vmem_shared>> -> memref<128x128xf32, #tpu.memory_space<vmem_shared>>
        tpu.enqueue_dma source(%arg5 : memref<128x128xf32, #tpu.memory_space<vmem>>) target(%dma_start3A_93 : memref<128x128xf32, #tpu.memory_space<vmem_shared>>) target_semaphore(%run_scoped3A : memref<!tpu.dma_semaphore, #tpu.memory_space<semaphore_mem>>)
        %dma_wait3A = arith.constant 0 : i32
        %dma_wait3A_94 = tpu.memref_slice %arg6[%mul3A_90, %dma_wait3A] : memref<10112x128xf32, #tpu.memory_space<vmem_shared>> -> memref<128x128xf32, #tpu.memory_space<vmem_shared>>
        %dma_wait3A_95 = arith.constant 0 : i32
        %dma_wait3A_96 = tpu.memref_slice %arg6[%mul3A_90, %dma_wait3A_95] : memref<10112x128xf32, #tpu.memory_space<vmem_shared>> -> memref<128x128xf32, #tpu.memory_space<vmem_shared>>
        tpu.wait_dma2 semaphore(%run_scoped3A : memref<!tpu.dma_semaphore, #tpu.memory_space<semaphore_mem>>) src(%arg5 : memref<128x128xf32, #tpu.memory_space<vmem>>) dst(%dma_wait3A_96 : memref<128x128xf32, #tpu.memory_space<vmem_shared>>)
        tpu.yield
      }) : () -> ()
    } else {
    }
    %add3A_18 = arith.constant 32 : i32
    %add3A_19 = arith.addi %arg1, %add3A_18 : i32
    %lt3A_20 = arith.constant 79 : i32
    %lt3A_21 = arith.cmpi slt, %add3A_19, %lt3A_20 : i32
    %convert_element_type3A_22 = arith.extui %lt3A_21 : i1 to i32
    %cond3A_23 = arith.constant 0 : i32
    %cond3A_24 = arith.cmpi ne, %convert_element_type3A_22, %cond3A_23 : i32
    scf.if %cond3A_24 {
      %mul3A_89 = arith.constant 128 : i32
      %mul3A_90 = arith.muli %add3A_19, %mul3A_89 : i32
      "tpu.region"() ({
        %run_scoped3A = tpu.sem_alloc : memref<!tpu.dma_semaphore, #tpu.memory_space<semaphore_mem>>
        %dma_start3A = arith.constant 0 : i32
        %dma_start3A_91 = tpu.memref_slice %arg6[%mul3A_90, %dma_start3A] : memref<10112x128xf32, #tpu.memory_space<vmem_shared>> -> memref<128x128xf32, #tpu.memory_space<vmem_shared>>
        %dma_start3A_92 = arith.constant 0 : i32
        %dma_start3A_93 = tpu.memref_slice %arg6[%mul3A_90, %dma_start3A_92] : memref<10112x128xf32, #tpu.memory_space<vmem_shared>> -> memref<128x128xf32, #tpu.memory_space<vmem_shared>>
        tpu.enqueue_dma source(%arg5 : memref<128x128xf32, #tpu.memory_space<vmem>>) target(%dma_start3A_93 : memref<128x128xf32, #tpu.memory_space<vmem_shared>>) target_semaphore(%run_scoped3A : memref<!tpu.dma_semaphore, #tpu.memory_space<semaphore_mem>>)
        %dma_wait3A = arith.constant 0 : i32
        %dma_wait3A_94 = tpu.memref_slice %arg6[%mul3A_90, %dma_wait3A] : memref<10112x128xf32, #tpu.memory_space<vmem_shared>> -> memref<128x128xf32, #tpu.memory_space<vmem_shared>>
        %dma_wait3A_95 = arith.constant 0 : i32
        %dma_wait3A_96 = tpu.memref_slice %arg6[%mul3A_90, %dma_wait3A_95] : memref<10112x128xf32, #tpu.memory_space<vmem_shared>> -> memref<128x128xf32, #tpu.memory_space<vmem_shared>>
        tpu.wait_dma2 semaphore(%run_scoped3A : memref<!tpu.dma_semaphore, #tpu.memory_space<semaphore_mem>>) src(%arg5 : memref<128x128xf32, #tpu.memory_space<vmem>>) dst(%dma_wait3A_96 : memref<128x128xf32, #tpu.memory_space<vmem_shared>>)
        tpu.yield
      }) : () -> ()
    } else {
    }
    %add3A_25 = arith.constant 48 : i32
    %add3A_26 = arith.addi %arg1, %add3A_25 : i32
    %lt3A_27 = arith.constant 79 : i32
    %lt3A_28 = arith.cmpi slt, %add3A_26, %lt3A_27 : i32
    %convert_element_type3A_29 = arith.extui %lt3A_28 : i1 to i32
    %cond3A_30 = arith.constant 0 : i32
    %cond3A_31 = arith.cmpi ne, %convert_element_type3A_29, %cond3A_30 : i32
    scf.if %cond3A_31 {
      %mul3A_89 = arith.constant 128 : i32
      %mul3A_90 = arith.muli %add3A_26, %mul3A_89 : i32
      "tpu.region"() ({
        %run_scoped3A = tpu.sem_alloc : memref<!tpu.dma_semaphore, #tpu.memory_space<semaphore_mem>>
        %dma_start3A = arith.constant 0 : i32
        %dma_start3A_91 = tpu.memref_slice %arg6[%mul3A_90, %dma_start3A] : memref<10112x128xf32, #tpu.memory_space<vmem_shared>> -> memref<128x128xf32, #tpu.memory_space<vmem_shared>>
        %dma_start3A_92 = arith.constant 0 : i32
        %dma_start3A_93 = tpu.memref_slice %arg6[%mul3A_90, %dma_start3A_92] : memref<10112x128xf32, #tpu.memory_space<vmem_shared>> -> memref<128x128xf32, #tpu.memory_space<vmem_shared>>
        tpu.enqueue_dma source(%arg5 : memref<128x128xf32, #tpu.memory_space<vmem>>) target(%dma_start3A_93 : memref<128x128xf32, #tpu.memory_space<vmem_shared>>) target_semaphore(%run_scoped3A : memref<!tpu.dma_semaphore, #tpu.memory_space<semaphore_mem>>)
        %dma_wait3A = arith.constant 0 : i32
        %dma_wait3A_94 = tpu.memref_slice %arg6[%mul3A_90, %dma_wait3A] : memref<10112x128xf32, #tpu.memory_space<vmem_shared>> -> memref<128x128xf32, #tpu.memory_space<vmem_shared>>
        %dma_wait3A_95 = arith.constant 0 : i32
        %dma_wait3A_96 = tpu.memref_slice %arg6[%mul3A_90, %dma_wait3A_95] : memref<10112x128xf32, #tpu.memory_space<vmem_shared>> -> memref<128x128xf32, #tpu.memory_space<vmem_shared>>
        tpu.wait_dma2 semaphore(%run_scoped3A : memref<!tpu.dma_semaphore, #tpu.memory_space<semaphore_mem>>) src(%arg5 : memref<128x128xf32, #tpu.memory_space<vmem>>) dst(%dma_wait3A_96 : memref<128x128xf32, #tpu.memory_space<vmem_shared>>)
        tpu.yield
      }) : () -> ()
    } else {
    }
    %add3A_32 = arith.constant 64 : i32
    %add3A_33 = arith.addi %arg1, %add3A_32 : i32
    %lt3A_34 = arith.constant 79 : i32
    %lt3A_35 = arith.cmpi slt, %add3A_33, %lt3A_34 : i32
    %convert_element_type3A_36 = arith.extui %lt3A_35 : i1 to i32
    %cond3A_37 = arith.constant 0 : i32
    %cond3A_38 = arith.cmpi ne, %convert_element_type3A_36, %cond3A_37 : i32
    scf.if %cond3A_38 {
      %mul3A_89 = arith.constant 128 : i32
      %mul3A_90 = arith.muli %add3A_33, %mul3A_89 : i32
      "tpu.region"() ({
        %run_scoped3A = tpu.sem_alloc : memref<!tpu.dma_semaphore, #tpu.memory_space<semaphore_mem>>
        %dma_start3A = arith.constant 0 : i32
        %dma_start3A_91 = tpu.memref_slice %arg6[%mul3A_90, %dma_start3A] : memref<10112x128xf32, #tpu.memory_space<vmem_shared>> -> memref<128x128xf32, #tpu.memory_space<vmem_shared>>
        %dma_start3A_92 = arith.constant 0 : i32
        %dma_start3A_93 = tpu.memref_slice %arg6[%mul3A_90, %dma_start3A_92] : memref<10112x128xf32, #tpu.memory_space<vmem_shared>> -> memref<128x128xf32, #tpu.memory_space<vmem_shared>>
        tpu.enqueue_dma source(%arg5 : memref<128x128xf32, #tpu.memory_space<vmem>>) target(%dma_start3A_93 : memref<128x128xf32, #tpu.memory_space<vmem_shared>>) target_semaphore(%run_scoped3A : memref<!tpu.dma_semaphore, #tpu.memory_space<semaphore_mem>>)
        %dma_wait3A = arith.constant 0 : i32
        %dma_wait3A_94 = tpu.memref_slice %arg6[%mul3A_90, %dma_wait3A] : memref<10112x128xf32, #tpu.memory_space<vmem_shared>> -> memref<128x128xf32, #tpu.memory_space<vmem_shared>>
        %dma_wait3A_95 = arith.constant 0 : i32
        %dma_wait3A_96 = tpu.memref_slice %arg6[%mul3A_90, %dma_wait3A_95] : memref<10112x128xf32, #tpu.memory_space<vmem_shared>> -> memref<128x128xf32, #tpu.memory_space<vmem_shared>>
        tpu.wait_dma2 semaphore(%run_scoped3A : memref<!tpu.dma_semaphore, #tpu.memory_space<semaphore_mem>>) src(%arg5 : memref<128x128xf32, #tpu.memory_space<vmem>>) dst(%dma_wait3A_96 : memref<128x128xf32, #tpu.memory_space<vmem_shared>>)
        tpu.yield
      }) : () -> ()
    } else {
    }
    %broadcast_in_dim3A_39 = arith.constant 1.000000e+00 : f32
    %broadcast_in_dim3A_40 = vector.broadcast %broadcast_in_dim3A_39 : f32 to vector<16xf32>
    %scan3A_41 = arith.constant 0 : i32
    %scan3A_42 = arith.constant 0 : i32
    %scan3A_43 = arith.constant 128 : i32
    %scan3A_44 = arith.addi %scan3A_42, %scan3A_43 : i32
    %scan3A_45 = arith.constant 1 : i32
    scf.for %scan3A_89 = %scan3A_42 to %scan3A_44 step %scan3A_45  : i32 {
      %swap3A = arith.index_cast %scan3A_89 : i32 to index
      %swap3A_90 = arith.constant 0 : index
      %swap3A_91 = tpu.vector_load %arg5[%swap3A, %swap3A_90] {strides = array<i32>} : memref<128x128xf32, #tpu.memory_space<vmem>>, vector<1x16xf32>,
      %swap3A_92 = vector.shape_cast %swap3A_91 : vector<1x16xf32> to vector<16xf32>
      %swap3A_93 = vector.shape_cast %broadcast_in_dim3A_40 : vector<16xf32> to vector<1x16xf32>
      tpu.vector_store %arg5[%swap3A, %swap3A_90], %swap3A_93 {strides = array<i32>} : memref<128x128xf32, #tpu.memory_space<vmem>>, vector<1x16xf32>,
      %swap3A_94 = arith.index_cast %scan3A_89 : i32 to index
      %swap3A_95 = arith.constant 16 : index
      %swap3A_96 = tpu.vector_load %arg5[%swap3A_94, %swap3A_95] {strides = array<i32>} : memref<128x128xf32, #tpu.memory_space<vmem>>, vector<1x16xf32>,
      %swap3A_97 = vector.shape_cast %swap3A_96 : vector<1x16xf32> to vector<16xf32>
      %swap3A_98 = vector.shape_cast %broadcast_in_dim3A_40 : vector<16xf32> to vector<1x16xf32>
      tpu.vector_store %arg5[%swap3A_94, %swap3A_95], %swap3A_98 {strides = array<i32>} : memref<128x128xf32, #tpu.memory_space<vmem>>, vector<1x16xf32>,
      %swap3A_99 = arith.index_cast %scan3A_89 : i32 to index
      %swap3A_100 = arith.constant 32 : index
      %swap3A_101 = tpu.vector_load %arg5[%swap3A_99, %swap3A_100] {strides = array<i32>} : memref<128x128xf32, #tpu.memory_space<vmem>>, vector<1x16xf32>,
      %swap3A_102 = vector.shape_cast %swap3A_101 : vector<1x16xf32> to vector<16xf32>
      %swap3A_103 = vector.shape_cast %broadcast_in_dim3A_40 : vector<16xf32> to vector<1x16xf32>
      tpu.vector_store %arg5[%swap3A_99, %swap3A_100], %swap3A_103 {strides = array<i32>} : memref<128x128xf32, #tpu.memory_space<vmem>>, vector<1x16xf32>,
      %swap3A_104 = arith.index_cast %scan3A_89 : i32 to index
      %swap3A_105 = arith.constant 48 : index
      %swap3A_106 = tpu.vector_load %arg5[%swap3A_104, %swap3A_105] {strides = array<i32>} : memref<128x128xf32, #tpu.memory_space<vmem>>, vector<1x16xf32>,
      %swap3A_107 = vector.shape_cast %swap3A_106 : vector<1x16xf32> to vector<16xf32>
      %swap3A_108 = vector.shape_cast %broadcast_in_dim3A_40 : vector<16xf32> to vector<1x16xf32>
      tpu.vector_store %arg5[%swap3A_104, %swap3A_105], %swap3A_108 {strides = array<i32>} : memref<128x128xf32, #tpu.memory_space<vmem>>, vector<1x16xf32>,
      %swap3A_109 = arith.index_cast %scan3A_89 : i32 to index
      %swap3A_110 = arith.constant 64 : index
      %swap3A_111 = tpu.vector_load %arg5[%swap3A_109, %swap3A_110] {strides = array<i32>} : memref<128x128xf32, #tpu.memory_space<vmem>>, vector<1x16xf32>,
      %swap3A_112 = vector.shape_cast %swap3A_111 : vector<1x16xf32> to vector<16xf32>
      %swap3A_113 = vector.shape_cast %broadcast_in_dim3A_40 : vector<16xf32> to vector<1x16xf32>
      tpu.vector_store %arg5[%swap3A_109, %swap3A_110], %swap3A_113 {strides = array<i32>} : memref<128x128xf32, #tpu.memory_space<vmem>>, vector<1x16xf32>,
      %swap3A_114 = arith.index_cast %scan3A_89 : i32 to index
      %swap3A_115 = arith.constant 80 : index
      %swap3A_116 = tpu.vector_load %arg5[%swap3A_114, %swap3A_115] {strides = array<i32>} : memref<128x128xf32, #tpu.memory_space<vmem>>, vector<1x16xf32>,
      %swap3A_117 = vector.shape_cast %swap3A_116 : vector<1x16xf32> to vector<16xf32>
      %swap3A_118 = vector.shape_cast %broadcast_in_dim3A_40 : vector<16xf32> to vector<1x16xf32>
      tpu.vector_store %arg5[%swap3A_114, %swap3A_115], %swap3A_118 {strides = array<i32>} : memref<128x128xf32, #tpu.memory_space<vmem>>, vector<1x16xf32>,
      %swap3A_119 = arith.index_cast %scan3A_89 : i32 to index
      %swap3A_120 = arith.constant 96 : index
      %swap3A_121 = tpu.vector_load %arg5[%swap3A_119, %swap3A_120] {strides = array<i32>} : memref<128x128xf32, #tpu.memory_space<vmem>>, vector<1x16xf32>,
      %swap3A_122 = vector.shape_cast %swap3A_121 : vector<1x16xf32> to vector<16xf32>
      %swap3A_123 = vector.shape_cast %broadcast_in_dim3A_40 : vector<16xf32> to vector<1x16xf32>
      tpu.vector_store %arg5[%swap3A_119, %swap3A_120], %swap3A_123 {strides = array<i32>} : memref<128x128xf32, #tpu.memory_space<vmem>>, vector<1x16xf32>,
      %swap3A_124 = arith.index_cast %scan3A_89 : i32 to index
      %swap3A_125 = arith.constant 112 : index
      %swap3A_126 = tpu.vector_load %arg5[%swap3A_124, %swap3A_125] {strides = array<i32>} : memref<128x128xf32, #tpu.memory_space<vmem>>, vector<1x16xf32>,
      %swap3A_127 = vector.shape_cast %swap3A_126 : vector<1x16xf32> to vector<16xf32>
      %swap3A_128 = vector.shape_cast %broadcast_in_dim3A_40 : vector<16xf32> to vector<1x16xf32>
      tpu.vector_store %arg5[%swap3A_124, %swap3A_125], %swap3A_128 {strides = array<i32>} : memref<128x128xf32, #tpu.memory_space<vmem>>, vector<1x16xf32>,
    }
    %scan3A_46 = arith.constant 128 : i32
    %barrier3A = arith.constant 0 : index
    tpu.barrier barrier_id(%barrier3A)
    %scan3A_47 = arith.constant 0 : i32
    %scan3A_48 = arith.constant 0 : i32
    %scan3A_49 = arith.constant 79 : i32
    %scan3A_50 = arith.addi %scan3A_48, %scan3A_49 : i32
    %scan3A_51 = arith.constant 1 : i32
    scf.for %scan3A_89 = %scan3A_48 to %scan3A_50 step %scan3A_51  : i32 {
      "tpu.region"() ({
        %run_scoped3A = tpu.sem_alloc : memref<!tpu.dma_semaphore, #tpu.memory_space<semaphore_mem>>
        %dma_start3A = arith.constant 0 : i32
        %dma_start3A_90 = tpu.memref_slice %arg4[%scan3A_89, %dma_start3A] : memref<79x128xi32, #tpu.memory_space<vmem>> -> memref<1x128xi32, #tpu.memory_space<vmem>>
        %dma_start3A_91 = tpu.memref_squeeze %dma_start3A_90 : memref<1x128xi32, #tpu.memory_space<vmem>> -> memref<128xi32, #tpu.memory_space<vmem>>
        %dma_start3A_92 = arith.constant 0 : i32
        %dma_start3A_93 = arith.constant 0 : i32
        %dma_start3A_94 = tpu.memref_slice %arg6[%dma_start3A_92, %dma_start3A_93] : memref<10112x128xf32, #tpu.memory_space<vmem_shared>> -> memref<10112x128xf32, #tpu.memory_space<vmem_shared>>
        tpu.enqueue_indirect_dma source(%arg5 : memref<128x128xf32, #tpu.memory_space<vmem>>) target(%dma_start3A_94 : memref<10112x128xf32, #tpu.memory_space<vmem_shared>>) offsets(%dma_start3A_91 : memref<128xi32, #tpu.memory_space<vmem>>) semaphore(%run_scoped3A : memref<!tpu.dma_semaphore, #tpu.memory_space<semaphore_mem>>) {add = true}
        %dma_wait3A = arith.constant 0 : i32
        %dma_wait3A_95 = tpu.memref_slice %arg4[%scan3A_89, %dma_wait3A] : memref<79x128xi32, #tpu.memory_space<vmem>> -> memref<1x128xi32, #tpu.memory_space<vmem>>
        %dma_wait3A_96 = tpu.memref_squeeze %dma_wait3A_95 : memref<1x128xi32, #tpu.memory_space<vmem>> -> memref<128xi32, #tpu.memory_space<vmem>>
        %dma_wait3A_97 = arith.constant 0 : i32
        %dma_wait3A_98 = arith.constant 0 : i32
        %dma_wait3A_99 = tpu.memref_slice %arg6[%dma_wait3A_97, %dma_wait3A_98] : memref<10112x128xf32, #tpu.memory_space<vmem_shared>> -> memref<10112x128xf32, #tpu.memory_space<vmem_shared>>
        tpu.wait_indirect_dma semaphore(%run_scoped3A : memref<!tpu.dma_semaphore, #tpu.memory_space<semaphore_mem>>) src(%arg5 : memref<128x128xf32, #tpu.memory_space<vmem>>) dst(%dma_wait3A_99 : memref<10112x128xf32, #tpu.memory_space<vmem_shared>>)
        tpu.yield
      }) : () -> ()
    }
    %scan3A_52 = arith.constant 79 : i32
    %barrier3A_53 = arith.constant 0 : index
    tpu.barrier barrier_id(%barrier3A_53)
    %add3A_54 = arith.constant 0 : i32
    %add3A_55 = arith.addi %arg1, %add3A_54 : i32
    %lt3A_56 = arith.constant 79 : i32
    %lt3A_57 = arith.cmpi slt, %add3A_55, %lt3A_56 : i32
    %convert_element_type3A_58 = arith.extui %lt3A_57 : i1 to i32
    %cond3A_59 = arith.constant 0 : i32
    %cond3A_60 = arith.cmpi ne, %convert_element_type3A_58, %cond3A_59 : i32
    scf.if %cond3A_60 {
      %mul3A_89 = arith.constant 128 : i32
      %mul3A_90 = arith.muli %add3A_55, %mul3A_89 : i32
      %mul3A_91 = arith.constant 128 : i32
      %mul3A_92 = arith.muli %add3A_55, %mul3A_91 : i32
      "tpu.region"() ({
        %run_scoped3A = tpu.sem_alloc : memref<!tpu.dma_semaphore, #tpu.memory_space<semaphore_mem>>
        %dma_start3A = arith.constant 0 : i32
        %dma_start3A_93 = tpu.memref_slice %arg3[%arg0, %mul3A_92, %dma_start3A] : memref<2x10112x128xf32, #tpu.memory_space<hbm>> -> memref<1x128x128xf32, #tpu.memory_space<hbm>>
        %dma_start3A_94 = tpu.memref_squeeze %dma_start3A_93 : memref<1x128x128xf32, #tpu.memory_space<hbm>> -> memref<128x128xf32, #tpu.memory_space<hbm>>
        %dma_start3A_95 = arith.constant 0 : i32
        %dma_start3A_96 = tpu.memref_slice %arg6[%mul3A_90, %dma_start3A_95] : memref<10112x128xf32, #tpu.memory_space<vmem_shared>> -> memref<128x128xf32, #tpu.memory_space<vmem_shared>>
        tpu.enqueue_dma source(%dma_start3A_96 : memref<128x128xf32, #tpu.memory_space<vmem_shared>>) target(%dma_start3A_94 : memref<128x128xf32, #tpu.memory_space<hbm>>) target_semaphore(%run_scoped3A : memref<!tpu.dma_semaphore, #tpu.memory_space<semaphore_mem>>)
        %dma_wait3A = arith.constant 0 : i32
        %dma_wait3A_97 = tpu.memref_slice %arg3[%arg0, %mul3A_92, %dma_wait3A] : memref<2x10112x128xf32, #tpu.memory_space<hbm>> -> memref<1x128x128xf32, #tpu.memory_space<hbm>>
        %dma_wait3A_98 = tpu.memref_squeeze %dma_wait3A_97 : memref<1x128x128xf32, #tpu.memory_space<hbm>> -> memref<128x128xf32, #tpu.memory_space<hbm>>
        %dma_wait3A_99 = arith.constant 0 : i32
        %dma_wait3A_100 = tpu.memref_slice %arg6[%mul3A_90, %dma_wait3A_99] : memref<10112x128xf32, #tpu.memory_space<vmem_shared>> -> memref<128x128xf32, #tpu.memory_space<vmem_shared>>
        tpu.wait_dma2 semaphore(%run_scoped3A : memref<!tpu.dma_semaphore, #tpu.memory_space<semaphore_mem>>) src(%dma_wait3A_100 : memref<128x128xf32, #tpu.memory_space<vmem_shared>>) dst(%dma_wait3A_98 : memref<128x128xf32, #tpu.memory_space<hbm>>)
        tpu.yield
      }) : () -> ()
    } else {
    }
    %add3A_61 = arith.constant 16 : i32
    %add3A_62 = arith.addi %arg1, %add3A_61 : i32
    %lt3A_63 = arith.constant 79 : i32
    %lt3A_64 = arith.cmpi slt, %add3A_62, %lt3A_63 : i32
    %convert_element_type3A_65 = arith.extui %lt3A_64 : i1 to i32
    %cond3A_66 = arith.constant 0 : i32
    %cond3A_67 = arith.cmpi ne, %convert_element_type3A_65, %cond3A_66 : i32
    scf.if %cond3A_67 {
      %mul3A_89 = arith.constant 128 : i32
      %mul3A_90 = arith.muli %add3A_62, %mul3A_89 : i32
      %mul3A_91 = arith.constant 128 : i32
      %mul3A_92 = arith.muli %add3A_62, %mul3A_91 : i32
      "tpu.region"() ({
        %run_scoped3A = tpu.sem_alloc : memref<!tpu.dma_semaphore, #tpu.memory_space<semaphore_mem>>
        %dma_start3A = arith.constant 0 : i32
        %dma_start3A_93 = tpu.memref_slice %arg3[%arg0, %mul3A_92, %dma_start3A] : memref<2x10112x128xf32, #tpu.memory_space<hbm>> -> memref<1x128x128xf32, #tpu.memory_space<hbm>>
        %dma_start3A_94 = tpu.memref_squeeze %dma_start3A_93 : memref<1x128x128xf32, #tpu.memory_space<hbm>> -> memref<128x128xf32, #tpu.memory_space<hbm>>
        %dma_start3A_95 = arith.constant 0 : i32
        %dma_start3A_96 = tpu.memref_slice %arg6[%mul3A_90, %dma_start3A_95] : memref<10112x128xf32, #tpu.memory_space<vmem_shared>> -> memref<128x128xf32, #tpu.memory_space<vmem_shared>>
        tpu.enqueue_dma source(%dma_start3A_96 : memref<128x128xf32, #tpu.memory_space<vmem_shared>>) target(%dma_start3A_94 : memref<128x128xf32, #tpu.memory_space<hbm>>) target_semaphore(%run_scoped3A : memref<!tpu.dma_semaphore, #tpu.memory_space<semaphore_mem>>)
        %dma_wait3A = arith.constant 0 : i32
        %dma_wait3A_97 = tpu.memref_slice %arg3[%arg0, %mul3A_92, %dma_wait3A] : memref<2x10112x128xf32, #tpu.memory_space<hbm>> -> memref<1x128x128xf32, #tpu.memory_space<hbm>>
        %dma_wait3A_98 = tpu.memref_squeeze %dma_wait3A_97 : memref<1x128x128xf32, #tpu.memory_space<hbm>> -> memref<128x128xf32, #tpu.memory_space<hbm>>
        %dma_wait3A_99 = arith.constant 0 : i32
        %dma_wait3A_100 = tpu.memref_slice %arg6[%mul3A_90, %dma_wait3A_99] : memref<10112x128xf32, #tpu.memory_space<vmem_shared>> -> memref<128x128xf32, #tpu.memory_space<vmem_shared>>
        tpu.wait_dma2 semaphore(%run_scoped3A : memref<!tpu.dma_semaphore, #tpu.memory_space<semaphore_mem>>) src(%dma_wait3A_100 : memref<128x128xf32, #tpu.memory_space<vmem_shared>>) dst(%dma_wait3A_98 : memref<128x128xf32, #tpu.memory_space<hbm>>)
        tpu.yield
      }) : () -> ()
    } else {
    }
    %add3A_68 = arith.constant 32 : i32
    %add3A_69 = arith.addi %arg1, %add3A_68 : i32
    %lt3A_70 = arith.constant 79 : i32
    %lt3A_71 = arith.cmpi slt, %add3A_69, %lt3A_70 : i32
    %convert_element_type3A_72 = arith.extui %lt3A_71 : i1 to i32
    %cond3A_73 = arith.constant 0 : i32
    %cond3A_74 = arith.cmpi ne, %convert_element_type3A_72, %cond3A_73 : i32
    scf.if %cond3A_74 {
      %mul3A_89 = arith.constant 128 : i32
      %mul3A_90 = arith.muli %add3A_69, %mul3A_89 : i32
      %mul3A_91 = arith.constant 128 : i32
      %mul3A_92 = arith.muli %add3A_69, %mul3A_91 : i32
      "tpu.region"() ({
        %run_scoped3A = tpu.sem_alloc : memref<!tpu.dma_semaphore, #tpu.memory_space<semaphore_mem>>
        %dma_start3A = arith.constant 0 : i32
        %dma_start3A_93 = tpu.memref_slice %arg3[%arg0, %mul3A_92, %dma_start3A] : memref<2x10112x128xf32, #tpu.memory_space<hbm>> -> memref<1x128x128xf32, #tpu.memory_space<hbm>>
        %dma_start3A_94 = tpu.memref_squeeze %dma_start3A_93 : memref<1x128x128xf32, #tpu.memory_space<hbm>> -> memref<128x128xf32, #tpu.memory_space<hbm>>
        %dma_start3A_95 = arith.constant 0 : i32
        %dma_start3A_96 = tpu.memref_slice %arg6[%mul3A_90, %dma_start3A_95] : memref<10112x128xf32, #tpu.memory_space<vmem_shared>> -> memref<128x128xf32, #tpu.memory_space<vmem_shared>>
        tpu.enqueue_dma source(%dma_start3A_96 : memref<128x128xf32, #tpu.memory_space<vmem_shared>>) target(%dma_start3A_94 : memref<128x128xf32, #tpu.memory_space<hbm>>) target_semaphore(%run_scoped3A : memref<!tpu.dma_semaphore, #tpu.memory_space<semaphore_mem>>)
        %dma_wait3A = arith.constant 0 : i32
        %dma_wait3A_97 = tpu.memref_slice %arg3[%arg0, %mul3A_92, %dma_wait3A] : memref<2x10112x128xf32, #tpu.memory_space<hbm>> -> memref<1x128x128xf32, #tpu.memory_space<hbm>>
        %dma_wait3A_98 = tpu.memref_squeeze %dma_wait3A_97 : memref<1x128x128xf32, #tpu.memory_space<hbm>> -> memref<128x128xf32, #tpu.memory_space<hbm>>
        %dma_wait3A_99 = arith.constant 0 : i32
        %dma_wait3A_100 = tpu.memref_slice %arg6[%mul3A_90, %dma_wait3A_99] : memref<10112x128xf32, #tpu.memory_space<vmem_shared>> -> memref<128x128xf32, #tpu.memory_space<vmem_shared>>
        tpu.wait_dma2 semaphore(%run_scoped3A : memref<!tpu.dma_semaphore, #tpu.memory_space<semaphore_mem>>) src(%dma_wait3A_100 : memref<128x128xf32, #tpu.memory_space<vmem_shared>>) dst(%dma_wait3A_98 : memref<128x128xf32, #tpu.memory_space<hbm>>)
        tpu.yield
      }) : () -> ()
    } else {
    }
    %add3A_75 = arith.constant 48 : i32
    %add3A_76 = arith.addi %arg1, %add3A_75 : i32
    %lt3A_77 = arith.constant 79 : i32
    %lt3A_78 = arith.cmpi slt, %add3A_76, %lt3A_77 : i32
    %convert_element_type3A_79 = arith.extui %lt3A_78 : i1 to i32
    %cond3A_80 = arith.constant 0 : i32
    %cond3A_81 = arith.cmpi ne, %convert_element_type3A_79, %cond3A_80 : i32
    scf.if %cond3A_81 {
      %mul3A_89 = arith.constant 128 : i32
      %mul3A_90 = arith.muli %add3A_76, %mul3A_89 : i32
      %mul3A_91 = arith.constant 128 : i32
      %mul3A_92 = arith.muli %add3A_76, %mul3A_91 : i32
      "tpu.region"() ({
        %run_scoped3A = tpu.sem_alloc : memref<!tpu.dma_semaphore, #tpu.memory_space<semaphore_mem>>
        %dma_start3A = arith.constant 0 : i32
        %dma_start3A_93 = tpu.memref_slice %arg3[%arg0, %mul3A_92, %dma_start3A] : memref<2x10112x128xf32, #tpu.memory_space<hbm>> -> memref<1x128x128xf32, #tpu.memory_space<hbm>>
        %dma_start3A_94 = tpu.memref_squeeze %dma_start3A_93 : memref<1x128x128xf32, #tpu.memory_space<hbm>> -> memref<128x128xf32, #tpu.memory_space<hbm>>
        %dma_start3A_95 = arith.constant 0 : i32
        %dma_start3A_96 = tpu.memref_slice %arg6[%mul3A_90, %dma_start3A_95] : memref<10112x128xf32, #tpu.memory_space<vmem_shared>> -> memref<128x128xf32, #tpu.memory_space<vmem_shared>>
        tpu.enqueue_dma source(%dma_start3A_96 : memref<128x128xf32, #tpu.memory_space<vmem_shared>>) target(%dma_start3A_94 : memref<128x128xf32, #tpu.memory_space<hbm>>) target_semaphore(%run_scoped3A : memref<!tpu.dma_semaphore, #tpu.memory_space<semaphore_mem>>)
        %dma_wait3A = arith.constant 0 : i32
        %dma_wait3A_97 = tpu.memref_slice %arg3[%arg0, %mul3A_92, %dma_wait3A] : memref<2x10112x128xf32, #tpu.memory_space<hbm>> -> memref<1x128x128xf32, #tpu.memory_space<hbm>>
        %dma_wait3A_98 = tpu.memref_squeeze %dma_wait3A_97 : memref<1x128x128xf32, #tpu.memory_space<hbm>> -> memref<128x128xf32, #tpu.memory_space<hbm>>
        %dma_wait3A_99 = arith.constant 0 : i32
        %dma_wait3A_100 = tpu.memref_slice %arg6[%mul3A_90, %dma_wait3A_99] : memref<10112x128xf32, #tpu.memory_space<vmem_shared>> -> memref<128x128xf32, #tpu.memory_space<vmem_shared>>
        tpu.wait_dma2 semaphore(%run_scoped3A : memref<!tpu.dma_semaphore, #tpu.memory_space<semaphore_mem>>) src(%dma_wait3A_100 : memref<128x128xf32, #tpu.memory_space<vmem_shared>>) dst(%dma_wait3A_98 : memref<128x128xf32, #tpu.memory_space<hbm>>)
        tpu.yield
      }) : () -> ()
    } else {
    }
    %add3A_82 = arith.constant 64 : i32
    %add3A_83 = arith.addi %arg1, %add3A_82 : i32
    %lt3A_84 = arith.constant 79 : i32
    %lt3A_85 = arith.cmpi slt, %add3A_83, %lt3A_84 : i32
    %convert_element_type3A_86 = arith.extui %lt3A_85 : i1 to i32
    %cond3A_87 = arith.constant 0 : i32
    %cond3A_88 = arith.cmpi ne, %convert_element_type3A_86, %cond3A_87 : i32
    scf.if %cond3A_88 {
      %mul3A_89 = arith.constant 128 : i32
      %mul3A_90 = arith.muli %add3A_83, %mul3A_89 : i32
      %mul3A_91 = arith.constant 128 : i32
      %mul3A_92 = arith.muli %add3A_83, %mul3A_91 : i32
      "tpu.region"() ({
        %run_scoped3A = tpu.sem_alloc : memref<!tpu.dma_semaphore, #tpu.memory_space<semaphore_mem>>
        %dma_start3A = arith.constant 0 : i32
        %dma_start3A_93 = tpu.memref_slice %arg3[%arg0, %mul3A_92, %dma_start3A] : memref<2x10112x128xf32, #tpu.memory_space<hbm>> -> memref<1x128x128xf32, #tpu.memory_space<hbm>>
        %dma_start3A_94 = tpu.memref_squeeze %dma_start3A_93 : memref<1x128x128xf32, #tpu.memory_space<hbm>> -> memref<128x128xf32, #tpu.memory_space<hbm>>
        %dma_start3A_95 = arith.constant 0 : i32
        %dma_start3A_96 = tpu.memref_slice %arg6[%mul3A_90, %dma_start3A_95] : memref<10112x128xf32, #tpu.memory_space<vmem_shared>> -> memref<128x128xf32, #tpu.memory_space<vmem_shared>>
        tpu.enqueue_dma source(%dma_start3A_96 : memref<128x128xf32, #tpu.memory_space<vmem_shared>>) target(%dma_start3A_94 : memref<128x128xf32, #tpu.memory_space<hbm>>) target_semaphore(%run_scoped3A : memref<!tpu.dma_semaphore, #tpu.memory_space<semaphore_mem>>)
        %dma_wait3A = arith.constant 0 : i32
        %dma_wait3A_97 = tpu.memref_slice %arg3[%arg0, %mul3A_92, %dma_wait3A] : memref<2x10112x128xf32, #tpu.memory_space<hbm>> -> memref<1x128x128xf32, #tpu.memory_space<hbm>>
        %dma_wait3A_98 = tpu.memref_squeeze %dma_wait3A_97 : memref<1x128x128xf32, #tpu.memory_space<hbm>> -> memref<128x128xf32, #tpu.memory_space<hbm>>
        %dma_wait3A_99 = arith.constant 0 : i32
        %dma_wait3A_100 = tpu.memref_slice %arg6[%mul3A_90, %dma_wait3A_99] : memref<10112x128xf32, #tpu.memory_space<vmem_shared>> -> memref<128x128xf32, #tpu.memory_space<vmem_shared>>
        tpu.wait_dma2 semaphore(%run_scoped3A : memref<!tpu.dma_semaphore, #tpu.memory_space<semaphore_mem>>) src(%dma_wait3A_100 : memref<128x128xf32, #tpu.memory_space<vmem_shared>>) dst(%dma_wait3A_98 : memref<128x128xf32, #tpu.memory_space<hbm>>)
        tpu.yield
      }) : () -> ()
    } else {
    }
    return
  }
}

#map = affine_map<(d0, d1) -> (0, 0)>
#map1 = affine_map<(d0, d1) -> (0, 0, 0)>
module attributes {stable_mosaic.version = 14 : i64} {
  func.func @body(%arg0: i32, %arg1: i32, %arg2: memref<10000x128xf32, #tpu.memory_space<hbm>>, %arg3: memref<32x132x128xi32, #tpu.memory_space<hbm>>, %arg4: memref<2x10112x128xf32, #tpu.memory_space<hbm>>, %arg5: memref<72x128xi32, #tpu.memory_space<vmem>>, %arg6: memref<2x2x128xi32, #tpu.memory_space<vmem>>, %arg7: memref<128x128xf32, #tpu.memory_space<vmem>>, %arg8: memref<128x128xf32, #tpu.memory_space<vmem>>, %arg9: memref<!tpu.dma_semaphore, #tpu.memory_space<semaphore_mem>>, %arg10: memref<!tpu.dma_semaphore, #tpu.memory_space<semaphore_mem>>, %arg11: memref<10112x128xf32, #tpu.memory_space<vmem_shared>>) attributes {dimension_semantics = [#tpu.dimension_semantics<core_parallel>, #tpu.dimension_semantics<subcore_parallel>], iteration_bounds = array<i64: 2, 16>, scalar_prefetch = 0 : i64, scratch_operands = 7 : i64, tpu.core_type = #tpu.core_type<sc_vector_subcore>, window_params = [{transform_indices = #map}, {transform_indices = #map1}, {transform_indices = #map1}]} {
    %mul3A = arith.constant 2 : i32
    %mul3A_0 = arith.muli %arg1, %mul3A : i32
    %add3A = arith.addi %mul3A_0, %arg0 : i32
    %eq3A = arith.constant 0 : i32
    %eq3A_1 = arith.cmpi eq, %arg0, %eq3A : i32
    %select_n3A = arith.constant 26 : i32
    %select_n3A_2 = arith.constant 132 : i32
    %select_n3A_3 = arith.select %eq3A_1, %select_n3A_2, %select_n3A : i32
    "tpu.region"() ({
      %run_scoped3A = tpu.sem_alloc : memref<!tpu.dma_semaphore, #tpu.memory_space<semaphore_mem>>
      %dma_start3A = arith.constant 0 : i32
      %dma_start3A_114 = arith.constant 0 : i32
      %dma_start3A_115 = tpu.memref_slice %arg3[%add3A, %dma_start3A, %dma_start3A_114] : memref<32x132x128xi32, #tpu.memory_space<hbm>> -> memref<1x72x128xi32, #tpu.memory_space<hbm>>
      %dma_start3A_116 = tpu.memref_squeeze %dma_start3A_115 : memref<1x72x128xi32, #tpu.memory_space<hbm>> -> memref<72x128xi32, #tpu.memory_space<hbm>>
      %dma_start3A_117 = arith.constant 0 : i32
      %dma_start3A_118 = arith.constant 0 : i32
      %dma_start3A_119 = tpu.memref_slice %arg3[%add3A, %dma_start3A_117, %dma_start3A_118] : memref<32x132x128xi32, #tpu.memory_space<hbm>> -> memref<1x72x128xi32, #tpu.memory_space<hbm>>
      %dma_start3A_120 = tpu.memref_squeeze %dma_start3A_119 : memref<1x72x128xi32, #tpu.memory_space<hbm>> -> memref<72x128xi32, #tpu.memory_space<hbm>>
      tpu.enqueue_dma source(%dma_start3A_120 : memref<72x128xi32, #tpu.memory_space<hbm>>) target(%arg5 : memref<72x128xi32, #tpu.memory_space<vmem>>) target_semaphore(%run_scoped3A : memref<!tpu.dma_semaphore, #tpu.memory_space<semaphore_mem>>)
      %dma_wait3A = arith.constant 0 : i32
      %dma_wait3A_121 = arith.constant 0 : i32
      %dma_wait3A_122 = tpu.memref_slice %arg3[%add3A, %dma_wait3A, %dma_wait3A_121] : memref<32x132x128xi32, #tpu.memory_space<hbm>> -> memref<1x72x128xi32, #tpu.memory_space<hbm>>
      %dma_wait3A_123 = tpu.memref_squeeze %dma_wait3A_122 : memref<1x72x128xi32, #tpu.memory_space<hbm>> -> memref<72x128xi32, #tpu.memory_space<hbm>>
      %dma_wait3A_124 = arith.constant 0 : i32
      %dma_wait3A_125 = arith.constant 0 : i32
      %dma_wait3A_126 = tpu.memref_slice %arg3[%add3A, %dma_wait3A_124, %dma_wait3A_125] : memref<32x132x128xi32, #tpu.memory_space<hbm>> -> memref<1x72x128xi32, #tpu.memory_space<hbm>>
      %dma_wait3A_127 = tpu.memref_squeeze %dma_wait3A_126 : memref<1x72x128xi32, #tpu.memory_space<hbm>> -> memref<72x128xi32, #tpu.memory_space<hbm>>
      tpu.wait_dma2 semaphore(%run_scoped3A : memref<!tpu.dma_semaphore, #tpu.memory_space<semaphore_mem>>) src(%dma_wait3A_127 : memref<72x128xi32, #tpu.memory_space<hbm>>) dst(%arg5 : memref<72x128xi32, #tpu.memory_space<vmem>>)
      tpu.yield
    }) : () -> ()
    %broadcast_in_dim3A = arith.constant 0.000000e+00 : f32
    %broadcast_in_dim3A_4 = vector.broadcast %broadcast_in_dim3A : f32 to vector<16xf32>
    %scan3A = arith.constant 0 : i32
    %scan3A_5 = arith.constant 0 : i32
    %scan3A_6 = arith.constant 128 : i32
    %scan3A_7 = arith.addi %scan3A_5, %scan3A_6 : i32
    %scan3A_8 = arith.constant 1 : i32
    scf.for %scan3A_114 = %scan3A_5 to %scan3A_7 step %scan3A_8  : i32 {
      %swap3A = arith.index_cast %scan3A_114 : i32 to index
      %swap3A_115 = arith.constant 0 : index
      %swap3A_116 = tpu.vector_load %arg7[%swap3A, %swap3A_115] {strides = array<i32>} : memref<128x128xf32, #tpu.memory_space<vmem>>, vector<1x16xf32>,
      %swap3A_117 = vector.shape_cast %swap3A_116 : vector<1x16xf32> to vector<16xf32>
      %swap3A_118 = vector.shape_cast %broadcast_in_dim3A_4 : vector<16xf32> to vector<1x16xf32>
      tpu.vector_store %arg7[%swap3A, %swap3A_115], %swap3A_118 {strides = array<i32>} : memref<128x128xf32, #tpu.memory_space<vmem>>, vector<1x16xf32>,
      %swap3A_119 = arith.index_cast %scan3A_114 : i32 to index
      %swap3A_120 = arith.constant 16 : index
      %swap3A_121 = tpu.vector_load %arg7[%swap3A_119, %swap3A_120] {strides = array<i32>} : memref<128x128xf32, #tpu.memory_space<vmem>>, vector<1x16xf32>,
      %swap3A_122 = vector.shape_cast %swap3A_121 : vector<1x16xf32> to vector<16xf32>
      %swap3A_123 = vector.shape_cast %broadcast_in_dim3A_4 : vector<16xf32> to vector<1x16xf32>
      tpu.vector_store %arg7[%swap3A_119, %swap3A_120], %swap3A_123 {strides = array<i32>} : memref<128x128xf32, #tpu.memory_space<vmem>>, vector<1x16xf32>,
      %swap3A_124 = arith.index_cast %scan3A_114 : i32 to index
      %swap3A_125 = arith.constant 32 : index
      %swap3A_126 = tpu.vector_load %arg7[%swap3A_124, %swap3A_125] {strides = array<i32>} : memref<128x128xf32, #tpu.memory_space<vmem>>, vector<1x16xf32>,
      %swap3A_127 = vector.shape_cast %swap3A_126 : vector<1x16xf32> to vector<16xf32>
      %swap3A_128 = vector.shape_cast %broadcast_in_dim3A_4 : vector<16xf32> to vector<1x16xf32>
      tpu.vector_store %arg7[%swap3A_124, %swap3A_125], %swap3A_128 {strides = array<i32>} : memref<128x128xf32, #tpu.memory_space<vmem>>, vector<1x16xf32>,
      %swap3A_129 = arith.index_cast %scan3A_114 : i32 to index
      %swap3A_130 = arith.constant 48 : index
      %swap3A_131 = tpu.vector_load %arg7[%swap3A_129, %swap3A_130] {strides = array<i32>} : memref<128x128xf32, #tpu.memory_space<vmem>>, vector<1x16xf32>,
      %swap3A_132 = vector.shape_cast %swap3A_131 : vector<1x16xf32> to vector<16xf32>
      %swap3A_133 = vector.shape_cast %broadcast_in_dim3A_4 : vector<16xf32> to vector<1x16xf32>
      tpu.vector_store %arg7[%swap3A_129, %swap3A_130], %swap3A_133 {strides = array<i32>} : memref<128x128xf32, #tpu.memory_space<vmem>>, vector<1x16xf32>,
      %swap3A_134 = arith.index_cast %scan3A_114 : i32 to index
      %swap3A_135 = arith.constant 64 : index
      %swap3A_136 = tpu.vector_load %arg7[%swap3A_134, %swap3A_135] {strides = array<i32>} : memref<128x128xf32, #tpu.memory_space<vmem>>, vector<1x16xf32>,
      %swap3A_137 = vector.shape_cast %swap3A_136 : vector<1x16xf32> to vector<16xf32>
      %swap3A_138 = vector.shape_cast %broadcast_in_dim3A_4 : vector<16xf32> to vector<1x16xf32>
      tpu.vector_store %arg7[%swap3A_134, %swap3A_135], %swap3A_138 {strides = array<i32>} : memref<128x128xf32, #tpu.memory_space<vmem>>, vector<1x16xf32>,
      %swap3A_139 = arith.index_cast %scan3A_114 : i32 to index
      %swap3A_140 = arith.constant 80 : index
      %swap3A_141 = tpu.vector_load %arg7[%swap3A_139, %swap3A_140] {strides = array<i32>} : memref<128x128xf32, #tpu.memory_space<vmem>>, vector<1x16xf32>,
      %swap3A_142 = vector.shape_cast %swap3A_141 : vector<1x16xf32> to vector<16xf32>
      %swap3A_143 = vector.shape_cast %broadcast_in_dim3A_4 : vector<16xf32> to vector<1x16xf32>
      tpu.vector_store %arg7[%swap3A_139, %swap3A_140], %swap3A_143 {strides = array<i32>} : memref<128x128xf32, #tpu.memory_space<vmem>>, vector<1x16xf32>,
      %swap3A_144 = arith.index_cast %scan3A_114 : i32 to index
      %swap3A_145 = arith.constant 96 : index
      %swap3A_146 = tpu.vector_load %arg7[%swap3A_144, %swap3A_145] {strides = array<i32>} : memref<128x128xf32, #tpu.memory_space<vmem>>, vector<1x16xf32>,
      %swap3A_147 = vector.shape_cast %swap3A_146 : vector<1x16xf32> to vector<16xf32>
      %swap3A_148 = vector.shape_cast %broadcast_in_dim3A_4 : vector<16xf32> to vector<1x16xf32>
      tpu.vector_store %arg7[%swap3A_144, %swap3A_145], %swap3A_148 {strides = array<i32>} : memref<128x128xf32, #tpu.memory_space<vmem>>, vector<1x16xf32>,
      %swap3A_149 = arith.index_cast %scan3A_114 : i32 to index
      %swap3A_150 = arith.constant 112 : index
      %swap3A_151 = tpu.vector_load %arg7[%swap3A_149, %swap3A_150] {strides = array<i32>} : memref<128x128xf32, #tpu.memory_space<vmem>>, vector<1x16xf32>,
      %swap3A_152 = vector.shape_cast %swap3A_151 : vector<1x16xf32> to vector<16xf32>
      %swap3A_153 = vector.shape_cast %broadcast_in_dim3A_4 : vector<16xf32> to vector<1x16xf32>
      tpu.vector_store %arg7[%swap3A_149, %swap3A_150], %swap3A_153 {strides = array<i32>} : memref<128x128xf32, #tpu.memory_space<vmem>>, vector<1x16xf32>,
    }
    %scan3A_9 = arith.constant 128 : i32
    %add3A_10 = arith.constant 0 : i32
    %add3A_11 = arith.addi %arg1, %add3A_10 : i32
    %lt3A = arith.constant 79 : i32
    %lt3A_12 = arith.cmpi slt, %add3A_11, %lt3A : i32
    %convert_element_type3A = arith.extui %lt3A_12 : i1 to i32
    %cond3A = arith.constant 0 : i32
    %cond3A_13 = arith.cmpi ne, %convert_element_type3A, %cond3A : i32
    scf.if %cond3A_13 {
      %mul3A_114 = arith.constant 128 : i32
      %mul3A_115 = arith.muli %add3A_11, %mul3A_114 : i32
      "tpu.region"() ({
        %run_scoped3A = tpu.sem_alloc : memref<!tpu.dma_semaphore, #tpu.memory_space<semaphore_mem>>
        %dma_start3A = arith.constant 0 : i32
        %dma_start3A_116 = tpu.memref_slice %arg11[%mul3A_115, %dma_start3A] : memref<10112x128xf32, #tpu.memory_space<vmem_shared>> -> memref<128x128xf32, #tpu.memory_space<vmem_shared>>
        %dma_start3A_117 = arith.constant 0 : i32
        %dma_start3A_118 = tpu.memref_slice %arg11[%mul3A_115, %dma_start3A_117] : memref<10112x128xf32, #tpu.memory_space<vmem_shared>> -> memref<128x128xf32, #tpu.memory_space<vmem_shared>>
        tpu.enqueue_dma source(%arg7 : memref<128x128xf32, #tpu.memory_space<vmem>>) target(%dma_start3A_118 : memref<128x128xf32, #tpu.memory_space<vmem_shared>>) target_semaphore(%run_scoped3A : memref<!tpu.dma_semaphore, #tpu.memory_space<semaphore_mem>>)
        %dma_wait3A = arith.constant 0 : i32
        %dma_wait3A_119 = tpu.memref_slice %arg11[%mul3A_115, %dma_wait3A] : memref<10112x128xf32, #tpu.memory_space<vmem_shared>> -> memref<128x128xf32, #tpu.memory_space<vmem_shared>>
        %dma_wait3A_120 = arith.constant 0 : i32
        %dma_wait3A_121 = tpu.memref_slice %arg11[%mul3A_115, %dma_wait3A_120] : memref<10112x128xf32, #tpu.memory_space<vmem_shared>> -> memref<128x128xf32, #tpu.memory_space<vmem_shared>>
        tpu.wait_dma2 semaphore(%run_scoped3A : memref<!tpu.dma_semaphore, #tpu.memory_space<semaphore_mem>>) src(%arg7 : memref<128x128xf32, #tpu.memory_space<vmem>>) dst(%dma_wait3A_121 : memref<128x128xf32, #tpu.memory_space<vmem_shared>>)
        tpu.yield
      }) : () -> ()
    } else {
    }
    %add3A_14 = arith.constant 16 : i32
    %add3A_15 = arith.addi %arg1, %add3A_14 : i32
    %lt3A_16 = arith.constant 79 : i32
    %lt3A_17 = arith.cmpi slt, %add3A_15, %lt3A_16 : i32
    %convert_element_type3A_18 = arith.extui %lt3A_17 : i1 to i32
    %cond3A_19 = arith.constant 0 : i32
    %cond3A_20 = arith.cmpi ne, %convert_element_type3A_18, %cond3A_19 : i32
    scf.if %cond3A_20 {
      %mul3A_114 = arith.constant 128 : i32
      %mul3A_115 = arith.muli %add3A_15, %mul3A_114 : i32
      "tpu.region"() ({
        %run_scoped3A = tpu.sem_alloc : memref<!tpu.dma_semaphore, #tpu.memory_space<semaphore_mem>>
        %dma_start3A = arith.constant 0 : i32
        %dma_start3A_116 = tpu.memref_slice %arg11[%mul3A_115, %dma_start3A] : memref<10112x128xf32, #tpu.memory_space<vmem_shared>> -> memref<128x128xf32, #tpu.memory_space<vmem_shared>>
        %dma_start3A_117 = arith.constant 0 : i32
        %dma_start3A_118 = tpu.memref_slice %arg11[%mul3A_115, %dma_start3A_117] : memref<10112x128xf32, #tpu.memory_space<vmem_shared>> -> memref<128x128xf32, #tpu.memory_space<vmem_shared>>
        tpu.enqueue_dma source(%arg7 : memref<128x128xf32, #tpu.memory_space<vmem>>) target(%dma_start3A_118 : memref<128x128xf32, #tpu.memory_space<vmem_shared>>) target_semaphore(%run_scoped3A : memref<!tpu.dma_semaphore, #tpu.memory_space<semaphore_mem>>)
        %dma_wait3A = arith.constant 0 : i32
        %dma_wait3A_119 = tpu.memref_slice %arg11[%mul3A_115, %dma_wait3A] : memref<10112x128xf32, #tpu.memory_space<vmem_shared>> -> memref<128x128xf32, #tpu.memory_space<vmem_shared>>
        %dma_wait3A_120 = arith.constant 0 : i32
        %dma_wait3A_121 = tpu.memref_slice %arg11[%mul3A_115, %dma_wait3A_120] : memref<10112x128xf32, #tpu.memory_space<vmem_shared>> -> memref<128x128xf32, #tpu.memory_space<vmem_shared>>
        tpu.wait_dma2 semaphore(%run_scoped3A : memref<!tpu.dma_semaphore, #tpu.memory_space<semaphore_mem>>) src(%arg7 : memref<128x128xf32, #tpu.memory_space<vmem>>) dst(%dma_wait3A_121 : memref<128x128xf32, #tpu.memory_space<vmem_shared>>)
        tpu.yield
      }) : () -> ()
    } else {
    }
    %add3A_21 = arith.constant 32 : i32
    %add3A_22 = arith.addi %arg1, %add3A_21 : i32
    %lt3A_23 = arith.constant 79 : i32
    %lt3A_24 = arith.cmpi slt, %add3A_22, %lt3A_23 : i32
    %convert_element_type3A_25 = arith.extui %lt3A_24 : i1 to i32
    %cond3A_26 = arith.constant 0 : i32
    %cond3A_27 = arith.cmpi ne, %convert_element_type3A_25, %cond3A_26 : i32
    scf.if %cond3A_27 {
      %mul3A_114 = arith.constant 128 : i32
      %mul3A_115 = arith.muli %add3A_22, %mul3A_114 : i32
      "tpu.region"() ({
        %run_scoped3A = tpu.sem_alloc : memref<!tpu.dma_semaphore, #tpu.memory_space<semaphore_mem>>
        %dma_start3A = arith.constant 0 : i32
        %dma_start3A_116 = tpu.memref_slice %arg11[%mul3A_115, %dma_start3A] : memref<10112x128xf32, #tpu.memory_space<vmem_shared>> -> memref<128x128xf32, #tpu.memory_space<vmem_shared>>
        %dma_start3A_117 = arith.constant 0 : i32
        %dma_start3A_118 = tpu.memref_slice %arg11[%mul3A_115, %dma_start3A_117] : memref<10112x128xf32, #tpu.memory_space<vmem_shared>> -> memref<128x128xf32, #tpu.memory_space<vmem_shared>>
        tpu.enqueue_dma source(%arg7 : memref<128x128xf32, #tpu.memory_space<vmem>>) target(%dma_start3A_118 : memref<128x128xf32, #tpu.memory_space<vmem_shared>>) target_semaphore(%run_scoped3A : memref<!tpu.dma_semaphore, #tpu.memory_space<semaphore_mem>>)
        %dma_wait3A = arith.constant 0 : i32
        %dma_wait3A_119 = tpu.memref_slice %arg11[%mul3A_115, %dma_wait3A] : memref<10112x128xf32, #tpu.memory_space<vmem_shared>> -> memref<128x128xf32, #tpu.memory_space<vmem_shared>>
        %dma_wait3A_120 = arith.constant 0 : i32
        %dma_wait3A_121 = tpu.memref_slice %arg11[%mul3A_115, %dma_wait3A_120] : memref<10112x128xf32, #tpu.memory_space<vmem_shared>> -> memref<128x128xf32, #tpu.memory_space<vmem_shared>>
        tpu.wait_dma2 semaphore(%run_scoped3A : memref<!tpu.dma_semaphore, #tpu.memory_space<semaphore_mem>>) src(%arg7 : memref<128x128xf32, #tpu.memory_space<vmem>>) dst(%dma_wait3A_121 : memref<128x128xf32, #tpu.memory_space<vmem_shared>>)
        tpu.yield
      }) : () -> ()
    } else {
    }
    %add3A_28 = arith.constant 48 : i32
    %add3A_29 = arith.addi %arg1, %add3A_28 : i32
    %lt3A_30 = arith.constant 79 : i32
    %lt3A_31 = arith.cmpi slt, %add3A_29, %lt3A_30 : i32
    %convert_element_type3A_32 = arith.extui %lt3A_31 : i1 to i32
    %cond3A_33 = arith.constant 0 : i32
    %cond3A_34 = arith.cmpi ne, %convert_element_type3A_32, %cond3A_33 : i32
    scf.if %cond3A_34 {
      %mul3A_114 = arith.constant 128 : i32
      %mul3A_115 = arith.muli %add3A_29, %mul3A_114 : i32
      "tpu.region"() ({
        %run_scoped3A = tpu.sem_alloc : memref<!tpu.dma_semaphore, #tpu.memory_space<semaphore_mem>>
        %dma_start3A = arith.constant 0 : i32
        %dma_start3A_116 = tpu.memref_slice %arg11[%mul3A_115, %dma_start3A] : memref<10112x128xf32, #tpu.memory_space<vmem_shared>> -> memref<128x128xf32, #tpu.memory_space<vmem_shared>>
        %dma_start3A_117 = arith.constant 0 : i32
        %dma_start3A_118 = tpu.memref_slice %arg11[%mul3A_115, %dma_start3A_117] : memref<10112x128xf32, #tpu.memory_space<vmem_shared>> -> memref<128x128xf32, #tpu.memory_space<vmem_shared>>
        tpu.enqueue_dma source(%arg7 : memref<128x128xf32, #tpu.memory_space<vmem>>) target(%dma_start3A_118 : memref<128x128xf32, #tpu.memory_space<vmem_shared>>) target_semaphore(%run_scoped3A : memref<!tpu.dma_semaphore, #tpu.memory_space<semaphore_mem>>)
        %dma_wait3A = arith.constant 0 : i32
        %dma_wait3A_119 = tpu.memref_slice %arg11[%mul3A_115, %dma_wait3A] : memref<10112x128xf32, #tpu.memory_space<vmem_shared>> -> memref<128x128xf32, #tpu.memory_space<vmem_shared>>
        %dma_wait3A_120 = arith.constant 0 : i32
        %dma_wait3A_121 = tpu.memref_slice %arg11[%mul3A_115, %dma_wait3A_120] : memref<10112x128xf32, #tpu.memory_space<vmem_shared>> -> memref<128x128xf32, #tpu.memory_space<vmem_shared>>
        tpu.wait_dma2 semaphore(%run_scoped3A : memref<!tpu.dma_semaphore, #tpu.memory_space<semaphore_mem>>) src(%arg7 : memref<128x128xf32, #tpu.memory_space<vmem>>) dst(%dma_wait3A_121 : memref<128x128xf32, #tpu.memory_space<vmem_shared>>)
        tpu.yield
      }) : () -> ()
    } else {
    }
    %add3A_35 = arith.constant 64 : i32
    %add3A_36 = arith.addi %arg1, %add3A_35 : i32
    %lt3A_37 = arith.constant 79 : i32
    %lt3A_38 = arith.cmpi slt, %add3A_36, %lt3A_37 : i32
    %convert_element_type3A_39 = arith.extui %lt3A_38 : i1 to i32
    %cond3A_40 = arith.constant 0 : i32
    %cond3A_41 = arith.cmpi ne, %convert_element_type3A_39, %cond3A_40 : i32
    scf.if %cond3A_41 {
      %mul3A_114 = arith.constant 128 : i32
      %mul3A_115 = arith.muli %add3A_36, %mul3A_114 : i32
      "tpu.region"() ({
        %run_scoped3A = tpu.sem_alloc : memref<!tpu.dma_semaphore, #tpu.memory_space<semaphore_mem>>
        %dma_start3A = arith.constant 0 : i32
        %dma_start3A_116 = tpu.memref_slice %arg11[%mul3A_115, %dma_start3A] : memref<10112x128xf32, #tpu.memory_space<vmem_shared>> -> memref<128x128xf32, #tpu.memory_space<vmem_shared>>
        %dma_start3A_117 = arith.constant 0 : i32
        %dma_start3A_118 = tpu.memref_slice %arg11[%mul3A_115, %dma_start3A_117] : memref<10112x128xf32, #tpu.memory_space<vmem_shared>> -> memref<128x128xf32, #tpu.memory_space<vmem_shared>>
        tpu.enqueue_dma source(%arg7 : memref<128x128xf32, #tpu.memory_space<vmem>>) target(%dma_start3A_118 : memref<128x128xf32, #tpu.memory_space<vmem_shared>>) target_semaphore(%run_scoped3A : memref<!tpu.dma_semaphore, #tpu.memory_space<semaphore_mem>>)
        %dma_wait3A = arith.constant 0 : i32
        %dma_wait3A_119 = tpu.memref_slice %arg11[%mul3A_115, %dma_wait3A] : memref<10112x128xf32, #tpu.memory_space<vmem_shared>> -> memref<128x128xf32, #tpu.memory_space<vmem_shared>>
        %dma_wait3A_120 = arith.constant 0 : i32
        %dma_wait3A_121 = tpu.memref_slice %arg11[%mul3A_115, %dma_wait3A_120] : memref<10112x128xf32, #tpu.memory_space<vmem_shared>> -> memref<128x128xf32, #tpu.memory_space<vmem_shared>>
        tpu.wait_dma2 semaphore(%run_scoped3A : memref<!tpu.dma_semaphore, #tpu.memory_space<semaphore_mem>>) src(%arg7 : memref<128x128xf32, #tpu.memory_space<vmem>>) dst(%dma_wait3A_121 : memref<128x128xf32, #tpu.memory_space<vmem_shared>>)
        tpu.yield
      }) : () -> ()
    } else {
    }
    %barrier3A = arith.constant 0 : index
    tpu.barrier barrier_id(%barrier3A)
    %min3A = arith.constant 72 : i32
    %min3A_42 = arith.minsi %select_n3A_3, %min3A : i32
    %gt3A = arith.constant 0 : i32
    %gt3A_43 = arith.cmpi sgt, %min3A_42, %gt3A : i32
    %convert_element_type3A_44 = arith.extui %gt3A_43 : i1 to i32
    %cond3A_45 = arith.constant 0 : i32
    %cond3A_46 = arith.cmpi ne, %convert_element_type3A_44, %cond3A_45 : i32
    scf.if %cond3A_46 {
      %scan3A_114 = arith.constant 0 : i32
      %scan3A_115 = arith.constant 0 : i32
      %scan3A_116 = arith.constant 8 : i32
      %scan3A_117 = arith.addi %scan3A_115, %scan3A_116 : i32
      %scan3A_118 = arith.constant 1 : i32
      scf.for %scan3A_127 = %scan3A_115 to %scan3A_117 step %scan3A_118  : i32 {
        %mul3A_128 = arith.constant 16 : i32
        %mul3A_129 = arith.muli %scan3A_127, %mul3A_128 : i32
        %get3A = arith.constant 0 : i32
        %get3A_130 = arith.index_cast %get3A : i32 to index
        %get3A_131 = arith.index_cast %mul3A_129 : i32 to index
        %get3A_132 = tpu.vector_load %arg5[%get3A_130, %get3A_131] {strides = array<i32>} : memref<72x128xi32, #tpu.memory_space<vmem>>, vector<1x16xi32>,
        %get3A_133 = vector.shape_cast %get3A_132 : vector<1x16xi32> to vector<16xi32>
        %and3A_134 = arith.constant 16383 : i32
        %and3A_135 = vector.broadcast %and3A_134 : i32 to vector<16xi32>
        %and3A_136 = arith.andi %get3A_133, %and3A_135 : vector<16xi32>
        %mul3A_137 = arith.constant 16 : i32
        %mul3A_138 = arith.muli %scan3A_127, %mul3A_137 : i32
        %swap3A = arith.constant 0 : i32
        %swap3A_139 = arith.constant 0 : i32
        %swap3A_140 = arith.index_cast %swap3A : i32 to index
        %swap3A_141 = arith.index_cast %swap3A_139 : i32 to index
        %swap3A_142 = arith.index_cast %mul3A_138 : i32 to index
        %swap3A_143 = tpu.vector_load %arg6[%swap3A_140, %swap3A_141, %swap3A_142] {strides = array<i32>} : memref<2x2x128xi32, #tpu.memory_space<vmem>>, vector<1x1x16xi32>,
        %swap3A_144 = vector.shape_cast %swap3A_143 : vector<1x1x16xi32> to vector<16xi32>
        %swap3A_145 = vector.shape_cast %and3A_136 : vector<16xi32> to vector<1x1x16xi32>
        tpu.vector_store %arg6[%swap3A_140, %swap3A_141, %swap3A_142], %swap3A_145 {strides = array<i32>} : memref<2x2x128xi32, #tpu.memory_space<vmem>>, vector<1x1x16xi32>,
        %shift_right_arithmetic3A = arith.constant 14 : i32
        %shift_right_arithmetic3A_146 = vector.broadcast %shift_right_arithmetic3A : i32 to vector<16xi32>
        %shift_right_arithmetic3A_147 = arith.shrsi %get3A_133, %shift_right_arithmetic3A_146 : vector<16xi32>
        %mul3A_148 = arith.constant 16 : i32
        %mul3A_149 = arith.muli %scan3A_127, %mul3A_148 : i32
        %swap3A_150 = arith.constant 0 : i32
        %swap3A_151 = arith.constant 1 : i32
        %swap3A_152 = arith.index_cast %swap3A_150 : i32 to index
        %swap3A_153 = arith.index_cast %swap3A_151 : i32 to index
        %swap3A_154 = arith.index_cast %mul3A_149 : i32 to index
        %swap3A_155 = tpu.vector_load %arg6[%swap3A_152, %swap3A_153, %swap3A_154] {strides = array<i32>} : memref<2x2x128xi32, #tpu.memory_space<vmem>>, vector<1x1x16xi32>,
        %swap3A_156 = vector.shape_cast %swap3A_155 : vector<1x1x16xi32> to vector<16xi32>
        %swap3A_157 = vector.shape_cast %shift_right_arithmetic3A_147 : vector<16xi32> to vector<1x1x16xi32>
        tpu.vector_store %arg6[%swap3A_152, %swap3A_153, %swap3A_154], %swap3A_157 {strides = array<i32>} : memref<2x2x128xi32, #tpu.memory_space<vmem>>, vector<1x1x16xi32>,
      }
      %scan3A_119 = arith.constant 8 : i32
      %dma_start3A = arith.constant 0 : i32
      %dma_start3A_120 = arith.constant 0 : i32
      %dma_start3A_121 = arith.constant 0 : i32
      %dma_start3A_122 = tpu.memref_slice %arg6[%dma_start3A, %dma_start3A_120, %dma_start3A_121] : memref<2x2x128xi32, #tpu.memory_space<vmem>> -> memref<1x1x128xi32, #tpu.memory_space<vmem>>
      %dma_start3A_123 = tpu.memref_squeeze %dma_start3A_122 : memref<1x1x128xi32, #tpu.memory_space<vmem>> -> memref<128xi32, #tpu.memory_space<vmem>>
      %dma_start3A_124 = arith.constant 0 : i32
      %dma_start3A_125 = arith.constant 0 : i32
      %dma_start3A_126 = tpu.memref_slice %arg2[%dma_start3A_124, %dma_start3A_125] : memref<10000x128xf32, #tpu.memory_space<hbm>> -> memref<10000x128xf32, #tpu.memory_space<hbm>>
      tpu.enqueue_indirect_dma source(%dma_start3A_126 : memref<10000x128xf32, #tpu.memory_space<hbm>>) target(%arg7 : memref<128x128xf32, #tpu.memory_space<vmem>>) offsets(%dma_start3A_123 : memref<128xi32, #tpu.memory_space<vmem>>) semaphore(%arg9 : memref<!tpu.dma_semaphore, #tpu.memory_space<semaphore_mem>>)
    } else {
    }
    %jit3A = arith.constant 2 : i32
    %div3A = arith.divsi %min3A_42, %jit3A : i32
    %sign3A = arith.constant 0 : i32
    %sign3A_47 = arith.cmpi sgt, %min3A_42, %sign3A : i32
    %sign3A_48 = arith.extui %sign3A_47 : i1 to i32
    %sign3A_49 = arith.constant 0 : i32
    %sign3A_50 = arith.cmpi slt, %min3A_42, %sign3A_49 : i32
    %sign3A_51 = arith.extui %sign3A_50 : i1 to i32
    %sign3A_52 = arith.subi %sign3A_48, %sign3A_51 : i32
    %sign3A_53 = arith.constant 0 : i32
    %sign3A_54 = arith.cmpi sgt, %jit3A, %sign3A_53 : i32
    %sign3A_55 = arith.extui %sign3A_54 : i1 to i32
    %sign3A_56 = arith.constant 0 : i32
    %sign3A_57 = arith.cmpi slt, %jit3A, %sign3A_56 : i32
    %sign3A_58 = arith.extui %sign3A_57 : i1 to i32
    %sign3A_59 = arith.subi %sign3A_55, %sign3A_58 : i32
    %ne3A = arith.cmpi ne, %sign3A_52, %sign3A_59 : i32
    %rem3A = arith.remsi %min3A_42, %jit3A : i32
    %ne3A_60 = arith.constant 0 : i32
    %ne3A_61 = arith.cmpi ne, %rem3A, %ne3A_60 : i32
    %and3A = arith.andi %ne3A, %ne3A_61 : i1
    %sub3A = arith.constant 1 : i32
    %sub3A_62 = arith.subi %div3A, %sub3A : i32
    %select_n3A_63 = arith.select %and3A, %sub3A_62, %div3A : i32
    %while3A = arith.constant 0 : i32
    %while3A_64 = arith.constant 0 : i32
    %while3A_65 = arith.subi %select_n3A_63, %while3A_64 : i32
    %while3A_66 = arith.addi %while3A_64, %while3A_65 : i32
    %while3A_67 = arith.constant 1 : i32
    %while3A_68 = arith.divsi %while3A_65, %while3A_67 : i32
    %while3A_69 = arith.muli %while3A_68, %while3A_67 : i32
    %while3A_70 = arith.addi %while3A_64, %while3A_69 : i32
    %while3A_71 = arith.constant 1 : i32
    scf.for %while3A_114 = %while3A_64 to %while3A_70 step %while3A_71  : i32 {
      %mul3A_115 = arith.constant 2 : i32
      %mul3A_116 = arith.muli %mul3A_115, %while3A_114 : i32
      %add3A_117 = arith.constant 1 : i32
      %add3A_118 = arith.addi %mul3A_116, %add3A_117 : i32
      %scan3A_119 = arith.constant 0 : i32
      %scan3A_120 = arith.constant 0 : i32
      %scan3A_121 = arith.constant 8 : i32
      %scan3A_122 = arith.addi %scan3A_120, %scan3A_121 : i32
      %scan3A_123 = arith.constant 1 : i32
      scf.for %scan3A_154 = %scan3A_120 to %scan3A_122 step %scan3A_123  : i32 {
        %mul3A_155 = arith.constant 16 : i32
        %mul3A_156 = arith.muli %scan3A_154, %mul3A_155 : i32
        %get3A = arith.index_cast %add3A_118 : i32 to index
        %get3A_157 = arith.index_cast %mul3A_156 : i32 to index
        %get3A_158 = tpu.vector_load %arg5[%get3A, %get3A_157] {strides = array<i32>} : memref<72x128xi32, #tpu.memory_space<vmem>>, vector<1x16xi32>,
        %get3A_159 = vector.shape_cast %get3A_158 : vector<1x16xi32> to vector<16xi32>
        %and3A_160 = arith.constant 16383 : i32
        %and3A_161 = vector.broadcast %and3A_160 : i32 to vector<16xi32>
        %and3A_162 = arith.andi %get3A_159, %and3A_161 : vector<16xi32>
        %mul3A_163 = arith.constant 16 : i32
        %mul3A_164 = arith.muli %scan3A_154, %mul3A_163 : i32
        %swap3A = arith.constant 1 : i32
        %swap3A_165 = arith.constant 0 : i32
        %swap3A_166 = arith.index_cast %swap3A : i32 to index
        %swap3A_167 = arith.index_cast %swap3A_165 : i32 to index
        %swap3A_168 = arith.index_cast %mul3A_164 : i32 to index
        %swap3A_169 = tpu.vector_load %arg6[%swap3A_166, %swap3A_167, %swap3A_168] {strides = array<i32>} : memref<2x2x128xi32, #tpu.memory_space<vmem>>, vector<1x1x16xi32>,
        %swap3A_170 = vector.shape_cast %swap3A_169 : vector<1x1x16xi32> to vector<16xi32>
        %swap3A_171 = vector.shape_cast %and3A_162 : vector<16xi32> to vector<1x1x16xi32>
        tpu.vector_store %arg6[%swap3A_166, %swap3A_167, %swap3A_168], %swap3A_171 {strides = array<i32>} : memref<2x2x128xi32, #tpu.memory_space<vmem>>, vector<1x1x16xi32>,
        %shift_right_arithmetic3A = arith.constant 14 : i32
        %shift_right_arithmetic3A_172 = vector.broadcast %shift_right_arithmetic3A : i32 to vector<16xi32>
        %shift_right_arithmetic3A_173 = arith.shrsi %get3A_159, %shift_right_arithmetic3A_172 : vector<16xi32>
        %mul3A_174 = arith.constant 16 : i32
        %mul3A_175 = arith.muli %scan3A_154, %mul3A_174 : i32
        %swap3A_176 = arith.constant 1 : i32
        %swap3A_177 = arith.constant 1 : i32
        %swap3A_178 = arith.index_cast %swap3A_176 : i32 to index
        %swap3A_179 = arith.index_cast %swap3A_177 : i32 to index
        %swap3A_180 = arith.index_cast %mul3A_175 : i32 to index
        %swap3A_181 = tpu.vector_load %arg6[%swap3A_178, %swap3A_179, %swap3A_180] {strides = array<i32>} : memref<2x2x128xi32, #tpu.memory_space<vmem>>, vector<1x1x16xi32>,
        %swap3A_182 = vector.shape_cast %swap3A_181 : vector<1x1x16xi32> to vector<16xi32>
        %swap3A_183 = vector.shape_cast %shift_right_arithmetic3A_173 : vector<16xi32> to vector<1x1x16xi32>
        tpu.vector_store %arg6[%swap3A_178, %swap3A_179, %swap3A_180], %swap3A_183 {strides = array<i32>} : memref<2x2x128xi32, #tpu.memory_space<vmem>>, vector<1x1x16xi32>,
      }
      %scan3A_124 = arith.constant 8 : i32
      %add3A_125 = arith.constant 1 : i32
      %add3A_126 = arith.addi %mul3A_116, %add3A_125 : i32
      %dma_start3A = arith.constant 1 : i32
      %dma_start3A_127 = arith.constant 0 : i32
      %dma_start3A_128 = arith.constant 0 : i32
      %dma_start3A_129 = tpu.memref_slice %arg6[%dma_start3A, %dma_start3A_127, %dma_start3A_128] : memref<2x2x128xi32, #tpu.memory_space<vmem>> -> memref<1x1x128xi32, #tpu.memory_space<vmem>>
      %dma_start3A_130 = tpu.memref_squeeze %dma_start3A_129 : memref<1x1x128xi32, #tpu.memory_space<vmem>> -> memref<128xi32, #tpu.memory_space<vmem>>
      %dma_start3A_131 = arith.constant 0 : i32
      %dma_start3A_132 = arith.constant 0 : i32
      %dma_start3A_133 = tpu.memref_slice %arg2[%dma_start3A_131, %dma_start3A_132] : memref<10000x128xf32, #tpu.memory_space<hbm>> -> memref<10000x128xf32, #tpu.memory_space<hbm>>
      tpu.enqueue_indirect_dma source(%dma_start3A_133 : memref<10000x128xf32, #tpu.memory_space<hbm>>) target(%arg8 : memref<128x128xf32, #tpu.memory_space<vmem>>) offsets(%dma_start3A_130 : memref<128xi32, #tpu.memory_space<vmem>>) semaphore(%arg10 : memref<!tpu.dma_semaphore, #tpu.memory_space<semaphore_mem>>)
      %dma_wait3A = arith.constant 0 : i32
      %dma_wait3A_134 = arith.constant 0 : i32
      %dma_wait3A_135 = tpu.memref_slice %arg2[%dma_wait3A, %dma_wait3A_134] : memref<10000x128xf32, #tpu.memory_space<hbm>> -> memref<128x128xf32, #tpu.memory_space<hbm>>
      %dma_wait3A_136 = arith.constant 0 : i32
      %dma_wait3A_137 = arith.constant 0 : i32
      %dma_wait3A_138 = tpu.memref_slice %arg2[%dma_wait3A_136, %dma_wait3A_137] : memref<10000x128xf32, #tpu.memory_space<hbm>> -> memref<128x128xf32, #tpu.memory_space<hbm>>
      tpu.wait_dma2 semaphore(%arg9 : memref<!tpu.dma_semaphore, #tpu.memory_space<semaphore_mem>>) src(%dma_wait3A_138 : memref<128x128xf32, #tpu.memory_space<hbm>>) dst(%arg7 : memref<128x128xf32, #tpu.memory_space<vmem>>)
      %run_scoped3A = arith.constant 0 : i32
      %run_scoped3A_139 = arith.constant 1 : i32
      "tpu.region"() ({
        %run_scoped3A_154 = tpu.sem_alloc : memref<!tpu.dma_semaphore, #tpu.memory_space<semaphore_mem>>
        %dma_start3A_155 = arith.constant 0 : i32
        %dma_start3A_156 = tpu.memref_slice %arg6[%run_scoped3A, %run_scoped3A_139, %dma_start3A_155] : memref<2x2x128xi32, #tpu.memory_space<vmem>> -> memref<1x1x128xi32, #tpu.memory_space<vmem>>
        %dma_start3A_157 = tpu.memref_squeeze %dma_start3A_156 : memref<1x1x128xi32, #tpu.memory_space<vmem>> -> memref<128xi32, #tpu.memory_space<vmem>>
        %dma_start3A_158 = arith.constant 0 : i32
        %dma_start3A_159 = arith.constant 0 : i32
        %dma_start3A_160 = tpu.memref_slice %arg11[%dma_start3A_158, %dma_start3A_159] : memref<10112x128xf32, #tpu.memory_space<vmem_shared>> -> memref<10112x128xf32, #tpu.memory_space<vmem_shared>>
        tpu.enqueue_indirect_dma source(%arg7 : memref<128x128xf32, #tpu.memory_space<vmem>>) target(%dma_start3A_160 : memref<10112x128xf32, #tpu.memory_space<vmem_shared>>) offsets(%dma_start3A_157 : memref<128xi32, #tpu.memory_space<vmem>>) semaphore(%run_scoped3A_154 : memref<!tpu.dma_semaphore, #tpu.memory_space<semaphore_mem>>) {add = true}
        %dma_wait3A_161 = arith.constant 0 : i32
        %dma_wait3A_162 = tpu.memref_slice %arg6[%run_scoped3A, %run_scoped3A_139, %dma_wait3A_161] : memref<2x2x128xi32, #tpu.memory_space<vmem>> -> memref<1x1x128xi32, #tpu.memory_space<vmem>>
        %dma_wait3A_163 = tpu.memref_squeeze %dma_wait3A_162 : memref<1x1x128xi32, #tpu.memory_space<vmem>> -> memref<128xi32, #tpu.memory_space<vmem>>
        %dma_wait3A_164 = arith.constant 0 : i32
        %dma_wait3A_165 = arith.constant 0 : i32
        %dma_wait3A_166 = tpu.memref_slice %arg11[%dma_wait3A_164, %dma_wait3A_165] : memref<10112x128xf32, #tpu.memory_space<vmem_shared>> -> memref<10112x128xf32, #tpu.memory_space<vmem_shared>>
        tpu.wait_indirect_dma semaphore(%run_scoped3A_154 : memref<!tpu.dma_semaphore, #tpu.memory_space<semaphore_mem>>) src(%arg7 : memref<128x128xf32, #tpu.memory_space<vmem>>) dst(%dma_wait3A_166 : memref<10112x128xf32, #tpu.memory_space<vmem_shared>>)
        tpu.yield
      }) : () -> ()
      %add3A_140 = arith.constant 2 : i32
      %add3A_141 = arith.addi %mul3A_116, %add3A_140 : i32
      %lt3A_142 = arith.cmpi slt, %add3A_141, %min3A_42 : i32
      %convert_element_type3A_143 = arith.extui %lt3A_142 : i1 to i32
      %cond3A_144 = arith.constant 0 : i32
      %cond3A_145 = arith.cmpi ne, %convert_element_type3A_143, %cond3A_144 : i32
      scf.if %cond3A_145 {
        %add3A_154 = arith.constant 2 : i32
        %add3A_155 = arith.addi %mul3A_116, %add3A_154 : i32
        %scan3A_156 = arith.constant 0 : i32
        %scan3A_157 = arith.constant 0 : i32
        %scan3A_158 = arith.constant 8 : i32
        %scan3A_159 = arith.addi %scan3A_157, %scan3A_158 : i32
        %scan3A_160 = arith.constant 1 : i32
        scf.for %scan3A_172 = %scan3A_157 to %scan3A_159 step %scan3A_160  : i32 {
          %mul3A_173 = arith.constant 16 : i32
          %mul3A_174 = arith.muli %scan3A_172, %mul3A_173 : i32
          %get3A = arith.index_cast %add3A_155 : i32 to index
          %get3A_175 = arith.index_cast %mul3A_174 : i32 to index
          %get3A_176 = tpu.vector_load %arg5[%get3A, %get3A_175] {strides = array<i32>} : memref<72x128xi32, #tpu.memory_space<vmem>>, vector<1x16xi32>,
          %get3A_177 = vector.shape_cast %get3A_176 : vector<1x16xi32> to vector<16xi32>
          %and3A_178 = arith.constant 16383 : i32
          %and3A_179 = vector.broadcast %and3A_178 : i32 to vector<16xi32>
          %and3A_180 = arith.andi %get3A_177, %and3A_179 : vector<16xi32>
          %mul3A_181 = arith.constant 16 : i32
          %mul3A_182 = arith.muli %scan3A_172, %mul3A_181 : i32
          %swap3A = arith.constant 0 : i32
          %swap3A_183 = arith.constant 0 : i32
          %swap3A_184 = arith.index_cast %swap3A : i32 to index
          %swap3A_185 = arith.index_cast %swap3A_183 : i32 to index
          %swap3A_186 = arith.index_cast %mul3A_182 : i32 to index
          %swap3A_187 = tpu.vector_load %arg6[%swap3A_184, %swap3A_185, %swap3A_186] {strides = array<i32>} : memref<2x2x128xi32, #tpu.memory_space<vmem>>, vector<1x1x16xi32>,
          %swap3A_188 = vector.shape_cast %swap3A_187 : vector<1x1x16xi32> to vector<16xi32>
          %swap3A_189 = vector.shape_cast %and3A_180 : vector<16xi32> to vector<1x1x16xi32>
          tpu.vector_store %arg6[%swap3A_184, %swap3A_185, %swap3A_186], %swap3A_189 {strides = array<i32>} : memref<2x2x128xi32, #tpu.memory_space<vmem>>, vector<1x1x16xi32>,
          %shift_right_arithmetic3A = arith.constant 14 : i32
          %shift_right_arithmetic3A_190 = vector.broadcast %shift_right_arithmetic3A : i32 to vector<16xi32>
          %shift_right_arithmetic3A_191 = arith.shrsi %get3A_177, %shift_right_arithmetic3A_190 : vector<16xi32>
          %mul3A_192 = arith.constant 16 : i32
          %mul3A_193 = arith.muli %scan3A_172, %mul3A_192 : i32
          %swap3A_194 = arith.constant 0 : i32
          %swap3A_195 = arith.constant 1 : i32
          %swap3A_196 = arith.index_cast %swap3A_194 : i32 to index
          %swap3A_197 = arith.index_cast %swap3A_195 : i32 to index
          %swap3A_198 = arith.index_cast %mul3A_193 : i32 to index
          %swap3A_199 = tpu.vector_load %arg6[%swap3A_196, %swap3A_197, %swap3A_198] {strides = array<i32>} : memref<2x2x128xi32, #tpu.memory_space<vmem>>, vector<1x1x16xi32>,
          %swap3A_200 = vector.shape_cast %swap3A_199 : vector<1x1x16xi32> to vector<16xi32>
          %swap3A_201 = vector.shape_cast %shift_right_arithmetic3A_191 : vector<16xi32> to vector<1x1x16xi32>
          tpu.vector_store %arg6[%swap3A_196, %swap3A_197, %swap3A_198], %swap3A_201 {strides = array<i32>} : memref<2x2x128xi32, #tpu.memory_space<vmem>>, vector<1x1x16xi32>,
        }
        %scan3A_161 = arith.constant 8 : i32
        %add3A_162 = arith.constant 2 : i32
        %add3A_163 = arith.addi %mul3A_116, %add3A_162 : i32
        %dma_start3A_164 = arith.constant 0 : i32
        %dma_start3A_165 = arith.constant 0 : i32
        %dma_start3A_166 = arith.constant 0 : i32
        %dma_start3A_167 = tpu.memref_slice %arg6[%dma_start3A_164, %dma_start3A_165, %dma_start3A_166] : memref<2x2x128xi32, #tpu.memory_space<vmem>> -> memref<1x1x128xi32, #tpu.memory_space<vmem>>
        %dma_start3A_168 = tpu.memref_squeeze %dma_start3A_167 : memref<1x1x128xi32, #tpu.memory_space<vmem>> -> memref<128xi32, #tpu.memory_space<vmem>>
        %dma_start3A_169 = arith.constant 0 : i32
        %dma_start3A_170 = arith.constant 0 : i32
        %dma_start3A_171 = tpu.memref_slice %arg2[%dma_start3A_169, %dma_start3A_170] : memref<10000x128xf32, #tpu.memory_space<hbm>> -> memref<10000x128xf32, #tpu.memory_space<hbm>>
        tpu.enqueue_indirect_dma source(%dma_start3A_171 : memref<10000x128xf32, #tpu.memory_space<hbm>>) target(%arg7 : memref<128x128xf32, #tpu.memory_space<vmem>>) offsets(%dma_start3A_168 : memref<128xi32, #tpu.memory_space<vmem>>) semaphore(%arg9 : memref<!tpu.dma_semaphore, #tpu.memory_space<semaphore_mem>>)
      } else {
      }
      %dma_wait3A_146 = arith.constant 0 : i32
      %dma_wait3A_147 = arith.constant 0 : i32
      %dma_wait3A_148 = tpu.memref_slice %arg2[%dma_wait3A_146, %dma_wait3A_147] : memref<10000x128xf32, #tpu.memory_space<hbm>> -> memref<128x128xf32, #tpu.memory_space<hbm>>
      %dma_wait3A_149 = arith.constant 0 : i32
      %dma_wait3A_150 = arith.constant 0 : i32
      %dma_wait3A_151 = tpu.memref_slice %arg2[%dma_wait3A_149, %dma_wait3A_150] : memref<10000x128xf32, #tpu.memory_space<hbm>> -> memref<128x128xf32, #tpu.memory_space<hbm>>
      tpu.wait_dma2 semaphore(%arg10 : memref<!tpu.dma_semaphore, #tpu.memory_space<semaphore_mem>>) src(%dma_wait3A_151 : memref<128x128xf32, #tpu.memory_space<hbm>>) dst(%arg8 : memref<128x128xf32, #tpu.memory_space<vmem>>)
      %run_scoped3A_152 = arith.constant 1 : i32
      %run_scoped3A_153 = arith.constant 1 : i32
      "tpu.region"() ({
        %run_scoped3A_154 = tpu.sem_alloc : memref<!tpu.dma_semaphore, #tpu.memory_space<semaphore_mem>>
        %dma_start3A_155 = arith.constant 0 : i32
        %dma_start3A_156 = tpu.memref_slice %arg6[%run_scoped3A_152, %run_scoped3A_153, %dma_start3A_155] : memref<2x2x128xi32, #tpu.memory_space<vmem>> -> memref<1x1x128xi32, #tpu.memory_space<vmem>>
        %dma_start3A_157 = tpu.memref_squeeze %dma_start3A_156 : memref<1x1x128xi32, #tpu.memory_space<vmem>> -> memref<128xi32, #tpu.memory_space<vmem>>
        %dma_start3A_158 = arith.constant 0 : i32
        %dma_start3A_159 = arith.constant 0 : i32
        %dma_start3A_160 = tpu.memref_slice %arg11[%dma_start3A_158, %dma_start3A_159] : memref<10112x128xf32, #tpu.memory_space<vmem_shared>> -> memref<10112x128xf32, #tpu.memory_space<vmem_shared>>
        tpu.enqueue_indirect_dma source(%arg8 : memref<128x128xf32, #tpu.memory_space<vmem>>) target(%dma_start3A_160 : memref<10112x128xf32, #tpu.memory_space<vmem_shared>>) offsets(%dma_start3A_157 : memref<128xi32, #tpu.memory_space<vmem>>) semaphore(%run_scoped3A_154 : memref<!tpu.dma_semaphore, #tpu.memory_space<semaphore_mem>>) {add = true}
        %dma_wait3A_161 = arith.constant 0 : i32
        %dma_wait3A_162 = tpu.memref_slice %arg6[%run_scoped3A_152, %run_scoped3A_153, %dma_wait3A_161] : memref<2x2x128xi32, #tpu.memory_space<vmem>> -> memref<1x1x128xi32, #tpu.memory_space<vmem>>
        %dma_wait3A_163 = tpu.memref_squeeze %dma_wait3A_162 : memref<1x1x128xi32, #tpu.memory_space<vmem>> -> memref<128xi32, #tpu.memory_space<vmem>>
        %dma_wait3A_164 = arith.constant 0 : i32
        %dma_wait3A_165 = arith.constant 0 : i32
        %dma_wait3A_166 = tpu.memref_slice %arg11[%dma_wait3A_164, %dma_wait3A_165] : memref<10112x128xf32, #tpu.memory_space<vmem_shared>> -> memref<10112x128xf32, #tpu.memory_space<vmem_shared>>
        tpu.wait_indirect_dma semaphore(%run_scoped3A_154 : memref<!tpu.dma_semaphore, #tpu.memory_space<semaphore_mem>>) src(%arg8 : memref<128x128xf32, #tpu.memory_space<vmem>>) dst(%dma_wait3A_166 : memref<10112x128xf32, #tpu.memory_space<vmem_shared>>)
        tpu.yield
      }) : () -> ()
    }
    %while3A_72 = arith.constant 1 : i32
    scf.for %while3A_114 = %while3A_70 to %while3A_66 step %while3A_72  : i32 {
      %mul3A_115 = arith.constant 2 : i32
      %mul3A_116 = arith.muli %mul3A_115, %while3A_114 : i32
      %add3A_117 = arith.constant 1 : i32
      %add3A_118 = arith.addi %mul3A_116, %add3A_117 : i32
      %scan3A_119 = arith.constant 0 : i32
      %scan3A_120 = arith.constant 0 : i32
      %scan3A_121 = arith.constant 8 : i32
      %scan3A_122 = arith.addi %scan3A_120, %scan3A_121 : i32
      %scan3A_123 = arith.constant 1 : i32
      scf.for %scan3A_154 = %scan3A_120 to %scan3A_122 step %scan3A_123  : i32 {
        %mul3A_155 = arith.constant 16 : i32
        %mul3A_156 = arith.muli %scan3A_154, %mul3A_155 : i32
        %get3A = arith.index_cast %add3A_118 : i32 to index
        %get3A_157 = arith.index_cast %mul3A_156 : i32 to index
        %get3A_158 = tpu.vector_load %arg5[%get3A, %get3A_157] {strides = array<i32>} : memref<72x128xi32, #tpu.memory_space<vmem>>, vector<1x16xi32>,
        %get3A_159 = vector.shape_cast %get3A_158 : vector<1x16xi32> to vector<16xi32>
        %and3A_160 = arith.constant 16383 : i32
        %and3A_161 = vector.broadcast %and3A_160 : i32 to vector<16xi32>
        %and3A_162 = arith.andi %get3A_159, %and3A_161 : vector<16xi32>
        %mul3A_163 = arith.constant 16 : i32
        %mul3A_164 = arith.muli %scan3A_154, %mul3A_163 : i32
        %swap3A = arith.constant 1 : i32
        %swap3A_165 = arith.constant 0 : i32
        %swap3A_166 = arith.index_cast %swap3A : i32 to index
        %swap3A_167 = arith.index_cast %swap3A_165 : i32 to index
        %swap3A_168 = arith.index_cast %mul3A_164 : i32 to index
        %swap3A_169 = tpu.vector_load %arg6[%swap3A_166, %swap3A_167, %swap3A_168] {strides = array<i32>} : memref<2x2x128xi32, #tpu.memory_space<vmem>>, vector<1x1x16xi32>,
        %swap3A_170 = vector.shape_cast %swap3A_169 : vector<1x1x16xi32> to vector<16xi32>
        %swap3A_171 = vector.shape_cast %and3A_162 : vector<16xi32> to vector<1x1x16xi32>
        tpu.vector_store %arg6[%swap3A_166, %swap3A_167, %swap3A_168], %swap3A_171 {strides = array<i32>} : memref<2x2x128xi32, #tpu.memory_space<vmem>>, vector<1x1x16xi32>,
        %shift_right_arithmetic3A = arith.constant 14 : i32
        %shift_right_arithmetic3A_172 = vector.broadcast %shift_right_arithmetic3A : i32 to vector<16xi32>
        %shift_right_arithmetic3A_173 = arith.shrsi %get3A_159, %shift_right_arithmetic3A_172 : vector<16xi32>
        %mul3A_174 = arith.constant 16 : i32
        %mul3A_175 = arith.muli %scan3A_154, %mul3A_174 : i32
        %swap3A_176 = arith.constant 1 : i32
        %swap3A_177 = arith.constant 1 : i32
        %swap3A_178 = arith.index_cast %swap3A_176 : i32 to index
        %swap3A_179 = arith.index_cast %swap3A_177 : i32 to index
        %swap3A_180 = arith.index_cast %mul3A_175 : i32 to index
        %swap3A_181 = tpu.vector_load %arg6[%swap3A_178, %swap3A_179, %swap3A_180] {strides = array<i32>} : memref<2x2x128xi32, #tpu.memory_space<vmem>>, vector<1x1x16xi32>,
        %swap3A_182 = vector.shape_cast %swap3A_181 : vector<1x1x16xi32> to vector<16xi32>
        %swap3A_183 = vector.shape_cast %shift_right_arithmetic3A_173 : vector<16xi32> to vector<1x1x16xi32>
        tpu.vector_store %arg6[%swap3A_178, %swap3A_179, %swap3A_180], %swap3A_183 {strides = array<i32>} : memref<2x2x128xi32, #tpu.memory_space<vmem>>, vector<1x1x16xi32>,
      }
      %scan3A_124 = arith.constant 8 : i32
      %add3A_125 = arith.constant 1 : i32
      %add3A_126 = arith.addi %mul3A_116, %add3A_125 : i32
      %dma_start3A = arith.constant 1 : i32
      %dma_start3A_127 = arith.constant 0 : i32
      %dma_start3A_128 = arith.constant 0 : i32
      %dma_start3A_129 = tpu.memref_slice %arg6[%dma_start3A, %dma_start3A_127, %dma_start3A_128] : memref<2x2x128xi32, #tpu.memory_space<vmem>> -> memref<1x1x128xi32, #tpu.memory_space<vmem>>
      %dma_start3A_130 = tpu.memref_squeeze %dma_start3A_129 : memref<1x1x128xi32, #tpu.memory_space<vmem>> -> memref<128xi32, #tpu.memory_space<vmem>>
      %dma_start3A_131 = arith.constant 0 : i32
      %dma_start3A_132 = arith.constant 0 : i32
      %dma_start3A_133 = tpu.memref_slice %arg2[%dma_start3A_131, %dma_start3A_132] : memref<10000x128xf32, #tpu.memory_space<hbm>> -> memref<10000x128xf32, #tpu.memory_space<hbm>>
      tpu.enqueue_indirect_dma source(%dma_start3A_133 : memref<10000x128xf32, #tpu.memory_space<hbm>>) target(%arg8 : memref<128x128xf32, #tpu.memory_space<vmem>>) offsets(%dma_start3A_130 : memref<128xi32, #tpu.memory_space<vmem>>) semaphore(%arg10 : memref<!tpu.dma_semaphore, #tpu.memory_space<semaphore_mem>>)
      %dma_wait3A = arith.constant 0 : i32
      %dma_wait3A_134 = arith.constant 0 : i32
      %dma_wait3A_135 = tpu.memref_slice %arg2[%dma_wait3A, %dma_wait3A_134] : memref<10000x128xf32, #tpu.memory_space<hbm>> -> memref<128x128xf32, #tpu.memory_space<hbm>>
      %dma_wait3A_136 = arith.constant 0 : i32
      %dma_wait3A_137 = arith.constant 0 : i32
      %dma_wait3A_138 = tpu.memref_slice %arg2[%dma_wait3A_136, %dma_wait3A_137] : memref<10000x128xf32, #tpu.memory_space<hbm>> -> memref<128x128xf32, #tpu.memory_space<hbm>>
      tpu.wait_dma2 semaphore(%arg9 : memref<!tpu.dma_semaphore, #tpu.memory_space<semaphore_mem>>) src(%dma_wait3A_138 : memref<128x128xf32, #tpu.memory_space<hbm>>) dst(%arg7 : memref<128x128xf32, #tpu.memory_space<vmem>>)
      %run_scoped3A = arith.constant 0 : i32
      %run_scoped3A_139 = arith.constant 1 : i32
      "tpu.region"() ({
        %run_scoped3A_154 = tpu.sem_alloc : memref<!tpu.dma_semaphore, #tpu.memory_space<semaphore_mem>>
        %dma_start3A_155 = arith.constant 0 : i32
        %dma_start3A_156 = tpu.memref_slice %arg6[%run_scoped3A, %run_scoped3A_139, %dma_start3A_155] : memref<2x2x128xi32, #tpu.memory_space<vmem>> -> memref<1x1x128xi32, #tpu.memory_space<vmem>>
        %dma_start3A_157 = tpu.memref_squeeze %dma_start3A_156 : memref<1x1x128xi32, #tpu.memory_space<vmem>> -> memref<128xi32, #tpu.memory_space<vmem>>
        %dma_start3A_158 = arith.constant 0 : i32
        %dma_start3A_159 = arith.constant 0 : i32
        %dma_start3A_160 = tpu.memref_slice %arg11[%dma_start3A_158, %dma_start3A_159] : memref<10112x128xf32, #tpu.memory_space<vmem_shared>> -> memref<10112x128xf32, #tpu.memory_space<vmem_shared>>
        tpu.enqueue_indirect_dma source(%arg7 : memref<128x128xf32, #tpu.memory_space<vmem>>) target(%dma_start3A_160 : memref<10112x128xf32, #tpu.memory_space<vmem_shared>>) offsets(%dma_start3A_157 : memref<128xi32, #tpu.memory_space<vmem>>) semaphore(%run_scoped3A_154 : memref<!tpu.dma_semaphore, #tpu.memory_space<semaphore_mem>>) {add = true}
        %dma_wait3A_161 = arith.constant 0 : i32
        %dma_wait3A_162 = tpu.memref_slice %arg6[%run_scoped3A, %run_scoped3A_139, %dma_wait3A_161] : memref<2x2x128xi32, #tpu.memory_space<vmem>> -> memref<1x1x128xi32, #tpu.memory_space<vmem>>
        %dma_wait3A_163 = tpu.memref_squeeze %dma_wait3A_162 : memref<1x1x128xi32, #tpu.memory_space<vmem>> -> memref<128xi32, #tpu.memory_space<vmem>>
        %dma_wait3A_164 = arith.constant 0 : i32
        %dma_wait3A_165 = arith.constant 0 : i32
        %dma_wait3A_166 = tpu.memref_slice %arg11[%dma_wait3A_164, %dma_wait3A_165] : memref<10112x128xf32, #tpu.memory_space<vmem_shared>> -> memref<10112x128xf32, #tpu.memory_space<vmem_shared>>
        tpu.wait_indirect_dma semaphore(%run_scoped3A_154 : memref<!tpu.dma_semaphore, #tpu.memory_space<semaphore_mem>>) src(%arg7 : memref<128x128xf32, #tpu.memory_space<vmem>>) dst(%dma_wait3A_166 : memref<10112x128xf32, #tpu.memory_space<vmem_shared>>)
        tpu.yield
      }) : () -> ()
      %add3A_140 = arith.constant 2 : i32
      %add3A_141 = arith.addi %mul3A_116, %add3A_140 : i32
      %lt3A_142 = arith.cmpi slt, %add3A_141, %min3A_42 : i32
      %convert_element_type3A_143 = arith.extui %lt3A_142 : i1 to i32
      %cond3A_144 = arith.constant 0 : i32
      %cond3A_145 = arith.cmpi ne, %convert_element_type3A_143, %cond3A_144 : i32
      scf.if %cond3A_145 {
        %add3A_154 = arith.constant 2 : i32
        %add3A_155 = arith.addi %mul3A_116, %add3A_154 : i32
        %scan3A_156 = arith.constant 0 : i32
        %scan3A_157 = arith.constant 0 : i32
        %scan3A_158 = arith.constant 8 : i32
        %scan3A_159 = arith.addi %scan3A_157, %scan3A_158 : i32
        %scan3A_160 = arith.constant 1 : i32
        scf.for %scan3A_172 = %scan3A_157 to %scan3A_159 step %scan3A_160  : i32 {
          %mul3A_173 = arith.constant 16 : i32
          %mul3A_174 = arith.muli %scan3A_172, %mul3A_173 : i32
          %get3A = arith.index_cast %add3A_155 : i32 to index
          %get3A_175 = arith.index_cast %mul3A_174 : i32 to index
          %get3A_176 = tpu.vector_load %arg5[%get3A, %get3A_175] {strides = array<i32>} : memref<72x128xi32, #tpu.memory_space<vmem>>, vector<1x16xi32>,
          %get3A_177 = vector.shape_cast %get3A_176 : vector<1x16xi32> to vector<16xi32>
          %and3A_178 = arith.constant 16383 : i32
          %and3A_179 = vector.broadcast %and3A_178 : i32 to vector<16xi32>
          %and3A_180 = arith.andi %get3A_177, %and3A_179 : vector<16xi32>
          %mul3A_181 = arith.constant 16 : i32
          %mul3A_182 = arith.muli %scan3A_172, %mul3A_181 : i32
          %swap3A = arith.constant 0 : i32
          %swap3A_183 = arith.constant 0 : i32
          %swap3A_184 = arith.index_cast %swap3A : i32 to index
          %swap3A_185 = arith.index_cast %swap3A_183 : i32 to index
          %swap3A_186 = arith.index_cast %mul3A_182 : i32 to index
          %swap3A_187 = tpu.vector_load %arg6[%swap3A_184, %swap3A_185, %swap3A_186] {strides = array<i32>} : memref<2x2x128xi32, #tpu.memory_space<vmem>>, vector<1x1x16xi32>,
          %swap3A_188 = vector.shape_cast %swap3A_187 : vector<1x1x16xi32> to vector<16xi32>
          %swap3A_189 = vector.shape_cast %and3A_180 : vector<16xi32> to vector<1x1x16xi32>
          tpu.vector_store %arg6[%swap3A_184, %swap3A_185, %swap3A_186], %swap3A_189 {strides = array<i32>} : memref<2x2x128xi32, #tpu.memory_space<vmem>>, vector<1x1x16xi32>,
          %shift_right_arithmetic3A = arith.constant 14 : i32
          %shift_right_arithmetic3A_190 = vector.broadcast %shift_right_arithmetic3A : i32 to vector<16xi32>
          %shift_right_arithmetic3A_191 = arith.shrsi %get3A_177, %shift_right_arithmetic3A_190 : vector<16xi32>
          %mul3A_192 = arith.constant 16 : i32
          %mul3A_193 = arith.muli %scan3A_172, %mul3A_192 : i32
          %swap3A_194 = arith.constant 0 : i32
          %swap3A_195 = arith.constant 1 : i32
          %swap3A_196 = arith.index_cast %swap3A_194 : i32 to index
          %swap3A_197 = arith.index_cast %swap3A_195 : i32 to index
          %swap3A_198 = arith.index_cast %mul3A_193 : i32 to index
          %swap3A_199 = tpu.vector_load %arg6[%swap3A_196, %swap3A_197, %swap3A_198] {strides = array<i32>} : memref<2x2x128xi32, #tpu.memory_space<vmem>>, vector<1x1x16xi32>,
          %swap3A_200 = vector.shape_cast %swap3A_199 : vector<1x1x16xi32> to vector<16xi32>
          %swap3A_201 = vector.shape_cast %shift_right_arithmetic3A_191 : vector<16xi32> to vector<1x1x16xi32>
          tpu.vector_store %arg6[%swap3A_196, %swap3A_197, %swap3A_198], %swap3A_201 {strides = array<i32>} : memref<2x2x128xi32, #tpu.memory_space<vmem>>, vector<1x1x16xi32>,
        }
        %scan3A_161 = arith.constant 8 : i32
        %add3A_162 = arith.constant 2 : i32
        %add3A_163 = arith.addi %mul3A_116, %add3A_162 : i32
        %dma_start3A_164 = arith.constant 0 : i32
        %dma_start3A_165 = arith.constant 0 : i32
        %dma_start3A_166 = arith.constant 0 : i32
        %dma_start3A_167 = tpu.memref_slice %arg6[%dma_start3A_164, %dma_start3A_165, %dma_start3A_166] : memref<2x2x128xi32, #tpu.memory_space<vmem>> -> memref<1x1x128xi32, #tpu.memory_space<vmem>>
        %dma_start3A_168 = tpu.memref_squeeze %dma_start3A_167 : memref<1x1x128xi32, #tpu.memory_space<vmem>> -> memref<128xi32, #tpu.memory_space<vmem>>
        %dma_start3A_169 = arith.constant 0 : i32
        %dma_start3A_170 = arith.constant 0 : i32
        %dma_start3A_171 = tpu.memref_slice %arg2[%dma_start3A_169, %dma_start3A_170] : memref<10000x128xf32, #tpu.memory_space<hbm>> -> memref<10000x128xf32, #tpu.memory_space<hbm>>
        tpu.enqueue_indirect_dma source(%dma_start3A_171 : memref<10000x128xf32, #tpu.memory_space<hbm>>) target(%arg7 : memref<128x128xf32, #tpu.memory_space<vmem>>) offsets(%dma_start3A_168 : memref<128xi32, #tpu.memory_space<vmem>>) semaphore(%arg9 : memref<!tpu.dma_semaphore, #tpu.memory_space<semaphore_mem>>)
      } else {
      }
      %dma_wait3A_146 = arith.constant 0 : i32
      %dma_wait3A_147 = arith.constant 0 : i32
      %dma_wait3A_148 = tpu.memref_slice %arg2[%dma_wait3A_146, %dma_wait3A_147] : memref<10000x128xf32, #tpu.memory_space<hbm>> -> memref<128x128xf32, #tpu.memory_space<hbm>>
      %dma_wait3A_149 = arith.constant 0 : i32
      %dma_wait3A_150 = arith.constant 0 : i32
      %dma_wait3A_151 = tpu.memref_slice %arg2[%dma_wait3A_149, %dma_wait3A_150] : memref<10000x128xf32, #tpu.memory_space<hbm>> -> memref<128x128xf32, #tpu.memory_space<hbm>>
      tpu.wait_dma2 semaphore(%arg10 : memref<!tpu.dma_semaphore, #tpu.memory_space<semaphore_mem>>) src(%dma_wait3A_151 : memref<128x128xf32, #tpu.memory_space<hbm>>) dst(%arg8 : memref<128x128xf32, #tpu.memory_space<vmem>>)
      %run_scoped3A_152 = arith.constant 1 : i32
      %run_scoped3A_153 = arith.constant 1 : i32
      "tpu.region"() ({
        %run_scoped3A_154 = tpu.sem_alloc : memref<!tpu.dma_semaphore, #tpu.memory_space<semaphore_mem>>
        %dma_start3A_155 = arith.constant 0 : i32
        %dma_start3A_156 = tpu.memref_slice %arg6[%run_scoped3A_152, %run_scoped3A_153, %dma_start3A_155] : memref<2x2x128xi32, #tpu.memory_space<vmem>> -> memref<1x1x128xi32, #tpu.memory_space<vmem>>
        %dma_start3A_157 = tpu.memref_squeeze %dma_start3A_156 : memref<1x1x128xi32, #tpu.memory_space<vmem>> -> memref<128xi32, #tpu.memory_space<vmem>>
        %dma_start3A_158 = arith.constant 0 : i32
        %dma_start3A_159 = arith.constant 0 : i32
        %dma_start3A_160 = tpu.memref_slice %arg11[%dma_start3A_158, %dma_start3A_159] : memref<10112x128xf32, #tpu.memory_space<vmem_shared>> -> memref<10112x128xf32, #tpu.memory_space<vmem_shared>>
        tpu.enqueue_indirect_dma source(%arg8 : memref<128x128xf32, #tpu.memory_space<vmem>>) target(%dma_start3A_160 : memref<10112x128xf32, #tpu.memory_space<vmem_shared>>) offsets(%dma_start3A_157 : memref<128xi32, #tpu.memory_space<vmem>>) semaphore(%run_scoped3A_154 : memref<!tpu.dma_semaphore, #tpu.memory_space<semaphore_mem>>) {add = true}
        %dma_wait3A_161 = arith.constant 0 : i32
        %dma_wait3A_162 = tpu.memref_slice %arg6[%run_scoped3A_152, %run_scoped3A_153, %dma_wait3A_161] : memref<2x2x128xi32, #tpu.memory_space<vmem>> -> memref<1x1x128xi32, #tpu.memory_space<vmem>>
        %dma_wait3A_163 = tpu.memref_squeeze %dma_wait3A_162 : memref<1x1x128xi32, #tpu.memory_space<vmem>> -> memref<128xi32, #tpu.memory_space<vmem>>
        %dma_wait3A_164 = arith.constant 0 : i32
        %dma_wait3A_165 = arith.constant 0 : i32
        %dma_wait3A_166 = tpu.memref_slice %arg11[%dma_wait3A_164, %dma_wait3A_165] : memref<10112x128xf32, #tpu.memory_space<vmem_shared>> -> memref<10112x128xf32, #tpu.memory_space<vmem_shared>>
        tpu.wait_indirect_dma semaphore(%run_scoped3A_154 : memref<!tpu.dma_semaphore, #tpu.memory_space<semaphore_mem>>) src(%arg8 : memref<128x128xf32, #tpu.memory_space<vmem>>) dst(%dma_wait3A_166 : memref<10112x128xf32, #tpu.memory_space<vmem_shared>>)
        tpu.yield
      }) : () -> ()
    }
    %gt3A_73 = arith.constant 72 : i32
    %gt3A_74 = arith.cmpi sgt, %select_n3A_3, %gt3A_73 : i32
    %convert_element_type3A_75 = arith.extui %gt3A_74 : i1 to i32
    %cond3A_76 = arith.constant 0 : i32
    %cond3A_77 = arith.cmpi ne, %convert_element_type3A_75, %cond3A_76 : i32
    scf.if %cond3A_77 {
      "tpu.region"() ({
        %run_scoped3A = tpu.sem_alloc : memref<!tpu.dma_semaphore, #tpu.memory_space<semaphore_mem>>
        %dma_start3A = arith.constant 0 : i32
        %dma_start3A_155 = arith.constant 0 : i32
        %dma_start3A_156 = tpu.memref_slice %arg5[%dma_start3A, %dma_start3A_155] : memref<72x128xi32, #tpu.memory_space<vmem>> -> memref<60x128xi32, #tpu.memory_space<vmem>>
        %dma_start3A_157 = arith.constant 72 : i32
        %dma_start3A_158 = arith.constant 0 : i32
        %dma_start3A_159 = tpu.memref_slice %arg3[%add3A, %dma_start3A_157, %dma_start3A_158] : memref<32x132x128xi32, #tpu.memory_space<hbm>> -> memref<1x60x128xi32, #tpu.memory_space<hbm>>
        %dma_start3A_160 = tpu.memref_squeeze %dma_start3A_159 : memref<1x60x128xi32, #tpu.memory_space<hbm>> -> memref<60x128xi32, #tpu.memory_space<hbm>>
        %dma_start3A_161 = arith.constant 0 : i32
        %dma_start3A_162 = arith.constant 0 : i32
        %dma_start3A_163 = tpu.memref_slice %arg5[%dma_start3A_161, %dma_start3A_162] : memref<72x128xi32, #tpu.memory_space<vmem>> -> memref<60x128xi32, #tpu.memory_space<vmem>>
        %dma_start3A_164 = arith.constant 72 : i32
        %dma_start3A_165 = arith.constant 0 : i32
        %dma_start3A_166 = tpu.memref_slice %arg3[%add3A, %dma_start3A_164, %dma_start3A_165] : memref<32x132x128xi32, #tpu.memory_space<hbm>> -> memref<1x60x128xi32, #tpu.memory_space<hbm>>
        %dma_start3A_167 = tpu.memref_squeeze %dma_start3A_166 : memref<1x60x128xi32, #tpu.memory_space<hbm>> -> memref<60x128xi32, #tpu.memory_space<hbm>>
        tpu.enqueue_dma source(%dma_start3A_167 : memref<60x128xi32, #tpu.memory_space<hbm>>) target(%dma_start3A_163 : memref<60x128xi32, #tpu.memory_space<vmem>>) target_semaphore(%run_scoped3A : memref<!tpu.dma_semaphore, #tpu.memory_space<semaphore_mem>>)
        %dma_wait3A = arith.constant 0 : i32
        %dma_wait3A_168 = arith.constant 0 : i32
        %dma_wait3A_169 = tpu.memref_slice %arg5[%dma_wait3A, %dma_wait3A_168] : memref<72x128xi32, #tpu.memory_space<vmem>> -> memref<60x128xi32, #tpu.memory_space<vmem>>
        %dma_wait3A_170 = arith.constant 72 : i32
        %dma_wait3A_171 = arith.constant 0 : i32
        %dma_wait3A_172 = tpu.memref_slice %arg3[%add3A, %dma_wait3A_170, %dma_wait3A_171] : memref<32x132x128xi32, #tpu.memory_space<hbm>> -> memref<1x60x128xi32, #tpu.memory_space<hbm>>
        %dma_wait3A_173 = tpu.memref_squeeze %dma_wait3A_172 : memref<1x60x128xi32, #tpu.memory_space<hbm>> -> memref<60x128xi32, #tpu.memory_space<hbm>>
        %dma_wait3A_174 = arith.constant 0 : i32
        %dma_wait3A_175 = arith.constant 0 : i32
        %dma_wait3A_176 = tpu.memref_slice %arg5[%dma_wait3A_174, %dma_wait3A_175] : memref<72x128xi32, #tpu.memory_space<vmem>> -> memref<60x128xi32, #tpu.memory_space<vmem>>
        %dma_wait3A_177 = arith.constant 72 : i32
        %dma_wait3A_178 = arith.constant 0 : i32
        %dma_wait3A_179 = tpu.memref_slice %arg3[%add3A, %dma_wait3A_177, %dma_wait3A_178] : memref<32x132x128xi32, #tpu.memory_space<hbm>> -> memref<1x60x128xi32, #tpu.memory_space<hbm>>
        %dma_wait3A_180 = tpu.memref_squeeze %dma_wait3A_179 : memref<1x60x128xi32, #tpu.memory_space<hbm>> -> memref<60x128xi32, #tpu.memory_space<hbm>>
        tpu.wait_dma2 semaphore(%run_scoped3A : memref<!tpu.dma_semaphore, #tpu.memory_space<semaphore_mem>>) src(%dma_wait3A_180 : memref<60x128xi32, #tpu.memory_space<hbm>>) dst(%dma_wait3A_176 : memref<60x128xi32, #tpu.memory_space<vmem>>)
        tpu.yield
      }) : () -> ()
      %sub3A_114 = arith.constant 72 : i32
      %sub3A_115 = arith.subi %select_n3A_3, %sub3A_114 : i32
      %gt3A_116 = arith.constant 0 : i32
      %gt3A_117 = arith.cmpi sgt, %sub3A_115, %gt3A_116 : i32
      %convert_element_type3A_118 = arith.extui %gt3A_117 : i1 to i32
      %cond3A_119 = arith.constant 0 : i32
      %cond3A_120 = arith.cmpi ne, %convert_element_type3A_118, %cond3A_119 : i32
      scf.if %cond3A_120 {
        %scan3A_155 = arith.constant 0 : i32
        %scan3A_156 = arith.constant 0 : i32
        %scan3A_157 = arith.constant 8 : i32
        %scan3A_158 = arith.addi %scan3A_156, %scan3A_157 : i32
        %scan3A_159 = arith.constant 1 : i32
        scf.for %scan3A_168 = %scan3A_156 to %scan3A_158 step %scan3A_159  : i32 {
          %mul3A_169 = arith.constant 16 : i32
          %mul3A_170 = arith.muli %scan3A_168, %mul3A_169 : i32
          %get3A = arith.constant 0 : i32
          %get3A_171 = arith.index_cast %get3A : i32 to index
          %get3A_172 = arith.index_cast %mul3A_170 : i32 to index
          %get3A_173 = tpu.vector_load %arg5[%get3A_171, %get3A_172] {strides = array<i32>} : memref<72x128xi32, #tpu.memory_space<vmem>>, vector<1x16xi32>,
          %get3A_174 = vector.shape_cast %get3A_173 : vector<1x16xi32> to vector<16xi32>
          %and3A_175 = arith.constant 16383 : i32
          %and3A_176 = vector.broadcast %and3A_175 : i32 to vector<16xi32>
          %and3A_177 = arith.andi %get3A_174, %and3A_176 : vector<16xi32>
          %mul3A_178 = arith.constant 16 : i32
          %mul3A_179 = arith.muli %scan3A_168, %mul3A_178 : i32
          %swap3A = arith.constant 0 : i32
          %swap3A_180 = arith.constant 0 : i32
          %swap3A_181 = arith.index_cast %swap3A : i32 to index
          %swap3A_182 = arith.index_cast %swap3A_180 : i32 to index
          %swap3A_183 = arith.index_cast %mul3A_179 : i32 to index
          %swap3A_184 = tpu.vector_load %arg6[%swap3A_181, %swap3A_182, %swap3A_183] {strides = array<i32>} : memref<2x2x128xi32, #tpu.memory_space<vmem>>, vector<1x1x16xi32>,
          %swap3A_185 = vector.shape_cast %swap3A_184 : vector<1x1x16xi32> to vector<16xi32>
          %swap3A_186 = vector.shape_cast %and3A_177 : vector<16xi32> to vector<1x1x16xi32>
          tpu.vector_store %arg6[%swap3A_181, %swap3A_182, %swap3A_183], %swap3A_186 {strides = array<i32>} : memref<2x2x128xi32, #tpu.memory_space<vmem>>, vector<1x1x16xi32>,
          %shift_right_arithmetic3A = arith.constant 14 : i32
          %shift_right_arithmetic3A_187 = vector.broadcast %shift_right_arithmetic3A : i32 to vector<16xi32>
          %shift_right_arithmetic3A_188 = arith.shrsi %get3A_174, %shift_right_arithmetic3A_187 : vector<16xi32>
          %mul3A_189 = arith.constant 16 : i32
          %mul3A_190 = arith.muli %scan3A_168, %mul3A_189 : i32
          %swap3A_191 = arith.constant 0 : i32
          %swap3A_192 = arith.constant 1 : i32
          %swap3A_193 = arith.index_cast %swap3A_191 : i32 to index
          %swap3A_194 = arith.index_cast %swap3A_192 : i32 to index
          %swap3A_195 = arith.index_cast %mul3A_190 : i32 to index
          %swap3A_196 = tpu.vector_load %arg6[%swap3A_193, %swap3A_194, %swap3A_195] {strides = array<i32>} : memref<2x2x128xi32, #tpu.memory_space<vmem>>, vector<1x1x16xi32>,
          %swap3A_197 = vector.shape_cast %swap3A_196 : vector<1x1x16xi32> to vector<16xi32>
          %swap3A_198 = vector.shape_cast %shift_right_arithmetic3A_188 : vector<16xi32> to vector<1x1x16xi32>
          tpu.vector_store %arg6[%swap3A_193, %swap3A_194, %swap3A_195], %swap3A_198 {strides = array<i32>} : memref<2x2x128xi32, #tpu.memory_space<vmem>>, vector<1x1x16xi32>,
        }
        %scan3A_160 = arith.constant 8 : i32
        %dma_start3A = arith.constant 0 : i32
        %dma_start3A_161 = arith.constant 0 : i32
        %dma_start3A_162 = arith.constant 0 : i32
        %dma_start3A_163 = tpu.memref_slice %arg6[%dma_start3A, %dma_start3A_161, %dma_start3A_162] : memref<2x2x128xi32, #tpu.memory_space<vmem>> -> memref<1x1x128xi32, #tpu.memory_space<vmem>>
        %dma_start3A_164 = tpu.memref_squeeze %dma_start3A_163 : memref<1x1x128xi32, #tpu.memory_space<vmem>> -> memref<128xi32, #tpu.memory_space<vmem>>
        %dma_start3A_165 = arith.constant 0 : i32
        %dma_start3A_166 = arith.constant 0 : i32
        %dma_start3A_167 = tpu.memref_slice %arg2[%dma_start3A_165, %dma_start3A_166] : memref<10000x128xf32, #tpu.memory_space<hbm>> -> memref<10000x128xf32, #tpu.memory_space<hbm>>
        tpu.enqueue_indirect_dma source(%dma_start3A_167 : memref<10000x128xf32, #tpu.memory_space<hbm>>) target(%arg7 : memref<128x128xf32, #tpu.memory_space<vmem>>) offsets(%dma_start3A_164 : memref<128xi32, #tpu.memory_space<vmem>>) semaphore(%arg9 : memref<!tpu.dma_semaphore, #tpu.memory_space<semaphore_mem>>)
      } else {
      }
      %jit3A_121 = arith.constant 2 : i32
      %div3A_122 = arith.divsi %sub3A_115, %jit3A_121 : i32
      %sign3A_123 = arith.constant 0 : i32
      %sign3A_124 = arith.cmpi sgt, %sub3A_115, %sign3A_123 : i32
      %sign3A_125 = arith.extui %sign3A_124 : i1 to i32
      %sign3A_126 = arith.constant 0 : i32
      %sign3A_127 = arith.cmpi slt, %sub3A_115, %sign3A_126 : i32
      %sign3A_128 = arith.extui %sign3A_127 : i1 to i32
      %sign3A_129 = arith.subi %sign3A_125, %sign3A_128 : i32
      %sign3A_130 = arith.constant 0 : i32
      %sign3A_131 = arith.cmpi sgt, %jit3A_121, %sign3A_130 : i32
      %sign3A_132 = arith.extui %sign3A_131 : i1 to i32
      %sign3A_133 = arith.constant 0 : i32
      %sign3A_134 = arith.cmpi slt, %jit3A_121, %sign3A_133 : i32
      %sign3A_135 = arith.extui %sign3A_134 : i1 to i32
      %sign3A_136 = arith.subi %sign3A_132, %sign3A_135 : i32
      %ne3A_137 = arith.cmpi ne, %sign3A_129, %sign3A_136 : i32
      %rem3A_138 = arith.remsi %sub3A_115, %jit3A_121 : i32
      %ne3A_139 = arith.constant 0 : i32
      %ne3A_140 = arith.cmpi ne, %rem3A_138, %ne3A_139 : i32
      %and3A_141 = arith.andi %ne3A_137, %ne3A_140 : i1
      %sub3A_142 = arith.constant 1 : i32
      %sub3A_143 = arith.subi %div3A_122, %sub3A_142 : i32
      %select_n3A_144 = arith.select %and3A_141, %sub3A_143, %div3A_122 : i32
      %while3A_145 = arith.constant 0 : i32
      %while3A_146 = arith.constant 0 : i32
      %while3A_147 = arith.subi %select_n3A_144, %while3A_146 : i32
      %while3A_148 = arith.addi %while3A_146, %while3A_147 : i32
      %while3A_149 = arith.constant 1 : i32
      %while3A_150 = arith.divsi %while3A_147, %while3A_149 : i32
      %while3A_151 = arith.muli %while3A_150, %while3A_149 : i32
      %while3A_152 = arith.addi %while3A_146, %while3A_151 : i32
      %while3A_153 = arith.constant 1 : i32
      scf.for %while3A_155 = %while3A_146 to %while3A_152 step %while3A_153  : i32 {
        %mul3A_156 = arith.constant 2 : i32
        %mul3A_157 = arith.muli %mul3A_156, %while3A_155 : i32
        %add3A_158 = arith.constant 1 : i32
        %add3A_159 = arith.addi %mul3A_157, %add3A_158 : i32
        %scan3A_160 = arith.constant 0 : i32
        %scan3A_161 = arith.constant 0 : i32
        %scan3A_162 = arith.constant 8 : i32
        %scan3A_163 = arith.addi %scan3A_161, %scan3A_162 : i32
        %scan3A_164 = arith.constant 1 : i32
        scf.for %scan3A_195 = %scan3A_161 to %scan3A_163 step %scan3A_164  : i32 {
          %mul3A_196 = arith.constant 16 : i32
          %mul3A_197 = arith.muli %scan3A_195, %mul3A_196 : i32
          %get3A = arith.index_cast %add3A_159 : i32 to index
          %get3A_198 = arith.index_cast %mul3A_197 : i32 to index
          %get3A_199 = tpu.vector_load %arg5[%get3A, %get3A_198] {strides = array<i32>} : memref<72x128xi32, #tpu.memory_space<vmem>>, vector<1x16xi32>,
          %get3A_200 = vector.shape_cast %get3A_199 : vector<1x16xi32> to vector<16xi32>
          %and3A_201 = arith.constant 16383 : i32
          %and3A_202 = vector.broadcast %and3A_201 : i32 to vector<16xi32>
          %and3A_203 = arith.andi %get3A_200, %and3A_202 : vector<16xi32>
          %mul3A_204 = arith.constant 16 : i32
          %mul3A_205 = arith.muli %scan3A_195, %mul3A_204 : i32
          %swap3A = arith.constant 1 : i32
          %swap3A_206 = arith.constant 0 : i32
          %swap3A_207 = arith.index_cast %swap3A : i32 to index
          %swap3A_208 = arith.index_cast %swap3A_206 : i32 to index
          %swap3A_209 = arith.index_cast %mul3A_205 : i32 to index
          %swap3A_210 = tpu.vector_load %arg6[%swap3A_207, %swap3A_208, %swap3A_209] {strides = array<i32>} : memref<2x2x128xi32, #tpu.memory_space<vmem>>, vector<1x1x16xi32>,
          %swap3A_211 = vector.shape_cast %swap3A_210 : vector<1x1x16xi32> to vector<16xi32>
          %swap3A_212 = vector.shape_cast %and3A_203 : vector<16xi32> to vector<1x1x16xi32>
          tpu.vector_store %arg6[%swap3A_207, %swap3A_208, %swap3A_209], %swap3A_212 {strides = array<i32>} : memref<2x2x128xi32, #tpu.memory_space<vmem>>, vector<1x1x16xi32>,
          %shift_right_arithmetic3A = arith.constant 14 : i32
          %shift_right_arithmetic3A_213 = vector.broadcast %shift_right_arithmetic3A : i32 to vector<16xi32>
          %shift_right_arithmetic3A_214 = arith.shrsi %get3A_200, %shift_right_arithmetic3A_213 : vector<16xi32>
          %mul3A_215 = arith.constant 16 : i32
          %mul3A_216 = arith.muli %scan3A_195, %mul3A_215 : i32
          %swap3A_217 = arith.constant 1 : i32
          %swap3A_218 = arith.constant 1 : i32
          %swap3A_219 = arith.index_cast %swap3A_217 : i32 to index
          %swap3A_220 = arith.index_cast %swap3A_218 : i32 to index
          %swap3A_221 = arith.index_cast %mul3A_216 : i32 to index
          %swap3A_222 = tpu.vector_load %arg6[%swap3A_219, %swap3A_220, %swap3A_221] {strides = array<i32>} : memref<2x2x128xi32, #tpu.memory_space<vmem>>, vector<1x1x16xi32>,
          %swap3A_223 = vector.shape_cast %swap3A_222 : vector<1x1x16xi32> to vector<16xi32>
          %swap3A_224 = vector.shape_cast %shift_right_arithmetic3A_214 : vector<16xi32> to vector<1x1x16xi32>
          tpu.vector_store %arg6[%swap3A_219, %swap3A_220, %swap3A_221], %swap3A_224 {strides = array<i32>} : memref<2x2x128xi32, #tpu.memory_space<vmem>>, vector<1x1x16xi32>,
        }
        %scan3A_165 = arith.constant 8 : i32
        %add3A_166 = arith.constant 1 : i32
        %add3A_167 = arith.addi %mul3A_157, %add3A_166 : i32
        %dma_start3A = arith.constant 1 : i32
        %dma_start3A_168 = arith.constant 0 : i32
        %dma_start3A_169 = arith.constant 0 : i32
        %dma_start3A_170 = tpu.memref_slice %arg6[%dma_start3A, %dma_start3A_168, %dma_start3A_169] : memref<2x2x128xi32, #tpu.memory_space<vmem>> -> memref<1x1x128xi32, #tpu.memory_space<vmem>>
        %dma_start3A_171 = tpu.memref_squeeze %dma_start3A_170 : memref<1x1x128xi32, #tpu.memory_space<vmem>> -> memref<128xi32, #tpu.memory_space<vmem>>
        %dma_start3A_172 = arith.constant 0 : i32
        %dma_start3A_173 = arith.constant 0 : i32
        %dma_start3A_174 = tpu.memref_slice %arg2[%dma_start3A_172, %dma_start3A_173] : memref<10000x128xf32, #tpu.memory_space<hbm>> -> memref<10000x128xf32, #tpu.memory_space<hbm>>
        tpu.enqueue_indirect_dma source(%dma_start3A_174 : memref<10000x128xf32, #tpu.memory_space<hbm>>) target(%arg8 : memref<128x128xf32, #tpu.memory_space<vmem>>) offsets(%dma_start3A_171 : memref<128xi32, #tpu.memory_space<vmem>>) semaphore(%arg10 : memref<!tpu.dma_semaphore, #tpu.memory_space<semaphore_mem>>)
        %dma_wait3A = arith.constant 0 : i32
        %dma_wait3A_175 = arith.constant 0 : i32
        %dma_wait3A_176 = tpu.memref_slice %arg2[%dma_wait3A, %dma_wait3A_175] : memref<10000x128xf32, #tpu.memory_space<hbm>> -> memref<128x128xf32, #tpu.memory_space<hbm>>
        %dma_wait3A_177 = arith.constant 0 : i32
        %dma_wait3A_178 = arith.constant 0 : i32
        %dma_wait3A_179 = tpu.memref_slice %arg2[%dma_wait3A_177, %dma_wait3A_178] : memref<10000x128xf32, #tpu.memory_space<hbm>> -> memref<128x128xf32, #tpu.memory_space<hbm>>
        tpu.wait_dma2 semaphore(%arg9 : memref<!tpu.dma_semaphore, #tpu.memory_space<semaphore_mem>>) src(%dma_wait3A_179 : memref<128x128xf32, #tpu.memory_space<hbm>>) dst(%arg7 : memref<128x128xf32, #tpu.memory_space<vmem>>)
        %run_scoped3A = arith.constant 0 : i32
        %run_scoped3A_180 = arith.constant 1 : i32
        "tpu.region"() ({
          %run_scoped3A_195 = tpu.sem_alloc : memref<!tpu.dma_semaphore, #tpu.memory_space<semaphore_mem>>
          %dma_start3A_196 = arith.constant 0 : i32
          %dma_start3A_197 = tpu.memref_slice %arg6[%run_scoped3A, %run_scoped3A_180, %dma_start3A_196] : memref<2x2x128xi32, #tpu.memory_space<vmem>> -> memref<1x1x128xi32, #tpu.memory_space<vmem>>
          %dma_start3A_198 = tpu.memref_squeeze %dma_start3A_197 : memref<1x1x128xi32, #tpu.memory_space<vmem>> -> memref<128xi32, #tpu.memory_space<vmem>>
          %dma_start3A_199 = arith.constant 0 : i32
          %dma_start3A_200 = arith.constant 0 : i32
          %dma_start3A_201 = tpu.memref_slice %arg11[%dma_start3A_199, %dma_start3A_200] : memref<10112x128xf32, #tpu.memory_space<vmem_shared>> -> memref<10112x128xf32, #tpu.memory_space<vmem_shared>>
          tpu.enqueue_indirect_dma source(%arg7 : memref<128x128xf32, #tpu.memory_space<vmem>>) target(%dma_start3A_201 : memref<10112x128xf32, #tpu.memory_space<vmem_shared>>) offsets(%dma_start3A_198 : memref<128xi32, #tpu.memory_space<vmem>>) semaphore(%run_scoped3A_195 : memref<!tpu.dma_semaphore, #tpu.memory_space<semaphore_mem>>) {add = true}
          %dma_wait3A_202 = arith.constant 0 : i32
          %dma_wait3A_203 = tpu.memref_slice %arg6[%run_scoped3A, %run_scoped3A_180, %dma_wait3A_202] : memref<2x2x128xi32, #tpu.memory_space<vmem>> -> memref<1x1x128xi32, #tpu.memory_space<vmem>>
          %dma_wait3A_204 = tpu.memref_squeeze %dma_wait3A_203 : memref<1x1x128xi32, #tpu.memory_space<vmem>> -> memref<128xi32, #tpu.memory_space<vmem>>
          %dma_wait3A_205 = arith.constant 0 : i32
          %dma_wait3A_206 = arith.constant 0 : i32
          %dma_wait3A_207 = tpu.memref_slice %arg11[%dma_wait3A_205, %dma_wait3A_206] : memref<10112x128xf32, #tpu.memory_space<vmem_shared>> -> memref<10112x128xf32, #tpu.memory_space<vmem_shared>>
          tpu.wait_indirect_dma semaphore(%run_scoped3A_195 : memref<!tpu.dma_semaphore, #tpu.memory_space<semaphore_mem>>) src(%arg7 : memref<128x128xf32, #tpu.memory_space<vmem>>) dst(%dma_wait3A_207 : memref<10112x128xf32, #tpu.memory_space<vmem_shared>>)
          tpu.yield
        }) : () -> ()
        %add3A_181 = arith.constant 2 : i32
        %add3A_182 = arith.addi %mul3A_157, %add3A_181 : i32
        %lt3A_183 = arith.cmpi slt, %add3A_182, %sub3A_115 : i32
        %convert_element_type3A_184 = arith.extui %lt3A_183 : i1 to i32
        %cond3A_185 = arith.constant 0 : i32
        %cond3A_186 = arith.cmpi ne, %convert_element_type3A_184, %cond3A_185 : i32
        scf.if %cond3A_186 {
          %add3A_195 = arith.constant 2 : i32
          %add3A_196 = arith.addi %mul3A_157, %add3A_195 : i32
          %scan3A_197 = arith.constant 0 : i32
          %scan3A_198 = arith.constant 0 : i32
          %scan3A_199 = arith.constant 8 : i32
          %scan3A_200 = arith.addi %scan3A_198, %scan3A_199 : i32
          %scan3A_201 = arith.constant 1 : i32
          scf.for %scan3A_213 = %scan3A_198 to %scan3A_200 step %scan3A_201  : i32 {
            %mul3A_214 = arith.constant 16 : i32
            %mul3A_215 = arith.muli %scan3A_213, %mul3A_214 : i32
            %get3A = arith.index_cast %add3A_196 : i32 to index
            %get3A_216 = arith.index_cast %mul3A_215 : i32 to index
            %get3A_217 = tpu.vector_load %arg5[%get3A, %get3A_216] {strides = array<i32>} : memref<72x128xi32, #tpu.memory_space<vmem>>, vector<1x16xi32>,
            %get3A_218 = vector.shape_cast %get3A_217 : vector<1x16xi32> to vector<16xi32>
            %and3A_219 = arith.constant 16383 : i32
            %and3A_220 = vector.broadcast %and3A_219 : i32 to vector<16xi32>
            %and3A_221 = arith.andi %get3A_218, %and3A_220 : vector<16xi32>
            %mul3A_222 = arith.constant 16 : i32
            %mul3A_223 = arith.muli %scan3A_213, %mul3A_222 : i32
            %swap3A = arith.constant 0 : i32
            %swap3A_224 = arith.constant 0 : i32
            %swap3A_225 = arith.index_cast %swap3A : i32 to index
            %swap3A_226 = arith.index_cast %swap3A_224 : i32 to index
            %swap3A_227 = arith.index_cast %mul3A_223 : i32 to index
            %swap3A_228 = tpu.vector_load %arg6[%swap3A_225, %swap3A_226, %swap3A_227] {strides = array<i32>} : memref<2x2x128xi32, #tpu.memory_space<vmem>>, vector<1x1x16xi32>,
            %swap3A_229 = vector.shape_cast %swap3A_228 : vector<1x1x16xi32> to vector<16xi32>
            %swap3A_230 = vector.shape_cast %and3A_221 : vector<16xi32> to vector<1x1x16xi32>
            tpu.vector_store %arg6[%swap3A_225, %swap3A_226, %swap3A_227], %swap3A_230 {strides = array<i32>} : memref<2x2x128xi32, #tpu.memory_space<vmem>>, vector<1x1x16xi32>,
            %shift_right_arithmetic3A = arith.constant 14 : i32
            %shift_right_arithmetic3A_231 = vector.broadcast %shift_right_arithmetic3A : i32 to vector<16xi32>
            %shift_right_arithmetic3A_232 = arith.shrsi %get3A_218, %shift_right_arithmetic3A_231 : vector<16xi32>
            %mul3A_233 = arith.constant 16 : i32
            %mul3A_234 = arith.muli %scan3A_213, %mul3A_233 : i32
            %swap3A_235 = arith.constant 0 : i32
            %swap3A_236 = arith.constant 1 : i32
            %swap3A_237 = arith.index_cast %swap3A_235 : i32 to index
            %swap3A_238 = arith.index_cast %swap3A_236 : i32 to index
            %swap3A_239 = arith.index_cast %mul3A_234 : i32 to index
            %swap3A_240 = tpu.vector_load %arg6[%swap3A_237, %swap3A_238, %swap3A_239] {strides = array<i32>} : memref<2x2x128xi32, #tpu.memory_space<vmem>>, vector<1x1x16xi32>,
            %swap3A_241 = vector.shape_cast %swap3A_240 : vector<1x1x16xi32> to vector<16xi32>
            %swap3A_242 = vector.shape_cast %shift_right_arithmetic3A_232 : vector<16xi32> to vector<1x1x16xi32>
            tpu.vector_store %arg6[%swap3A_237, %swap3A_238, %swap3A_239], %swap3A_242 {strides = array<i32>} : memref<2x2x128xi32, #tpu.memory_space<vmem>>, vector<1x1x16xi32>,
          }
          %scan3A_202 = arith.constant 8 : i32
          %add3A_203 = arith.constant 2 : i32
          %add3A_204 = arith.addi %mul3A_157, %add3A_203 : i32
          %dma_start3A_205 = arith.constant 0 : i32
          %dma_start3A_206 = arith.constant 0 : i32
          %dma_start3A_207 = arith.constant 0 : i32
          %dma_start3A_208 = tpu.memref_slice %arg6[%dma_start3A_205, %dma_start3A_206, %dma_start3A_207] : memref<2x2x128xi32, #tpu.memory_space<vmem>> -> memref<1x1x128xi32, #tpu.memory_space<vmem>>
          %dma_start3A_209 = tpu.memref_squeeze %dma_start3A_208 : memref<1x1x128xi32, #tpu.memory_space<vmem>> -> memref<128xi32, #tpu.memory_space<vmem>>
          %dma_start3A_210 = arith.constant 0 : i32
          %dma_start3A_211 = arith.constant 0 : i32
          %dma_start3A_212 = tpu.memref_slice %arg2[%dma_start3A_210, %dma_start3A_211] : memref<10000x128xf32, #tpu.memory_space<hbm>> -> memref<10000x128xf32, #tpu.memory_space<hbm>>
          tpu.enqueue_indirect_dma source(%dma_start3A_212 : memref<10000x128xf32, #tpu.memory_space<hbm>>) target(%arg7 : memref<128x128xf32, #tpu.memory_space<vmem>>) offsets(%dma_start3A_209 : memref<128xi32, #tpu.memory_space<vmem>>) semaphore(%arg9 : memref<!tpu.dma_semaphore, #tpu.memory_space<semaphore_mem>>)
        } else {
        }
        %dma_wait3A_187 = arith.constant 0 : i32
        %dma_wait3A_188 = arith.constant 0 : i32
        %dma_wait3A_189 = tpu.memref_slice %arg2[%dma_wait3A_187, %dma_wait3A_188] : memref<10000x128xf32, #tpu.memory_space<hbm>> -> memref<128x128xf32, #tpu.memory_space<hbm>>
        %dma_wait3A_190 = arith.constant 0 : i32
        %dma_wait3A_191 = arith.constant 0 : i32
        %dma_wait3A_192 = tpu.memref_slice %arg2[%dma_wait3A_190, %dma_wait3A_191] : memref<10000x128xf32, #tpu.memory_space<hbm>> -> memref<128x128xf32, #tpu.memory_space<hbm>>
        tpu.wait_dma2 semaphore(%arg10 : memref<!tpu.dma_semaphore, #tpu.memory_space<semaphore_mem>>) src(%dma_wait3A_192 : memref<128x128xf32, #tpu.memory_space<hbm>>) dst(%arg8 : memref<128x128xf32, #tpu.memory_space<vmem>>)
        %run_scoped3A_193 = arith.constant 1 : i32
        %run_scoped3A_194 = arith.constant 1 : i32
        "tpu.region"() ({
          %run_scoped3A_195 = tpu.sem_alloc : memref<!tpu.dma_semaphore, #tpu.memory_space<semaphore_mem>>
          %dma_start3A_196 = arith.constant 0 : i32
          %dma_start3A_197 = tpu.memref_slice %arg6[%run_scoped3A_193, %run_scoped3A_194, %dma_start3A_196] : memref<2x2x128xi32, #tpu.memory_space<vmem>> -> memref<1x1x128xi32, #tpu.memory_space<vmem>>
          %dma_start3A_198 = tpu.memref_squeeze %dma_start3A_197 : memref<1x1x128xi32, #tpu.memory_space<vmem>> -> memref<128xi32, #tpu.memory_space<vmem>>
          %dma_start3A_199 = arith.constant 0 : i32
          %dma_start3A_200 = arith.constant 0 : i32
          %dma_start3A_201 = tpu.memref_slice %arg11[%dma_start3A_199, %dma_start3A_200] : memref<10112x128xf32, #tpu.memory_space<vmem_shared>> -> memref<10112x128xf32, #tpu.memory_space<vmem_shared>>
          tpu.enqueue_indirect_dma source(%arg8 : memref<128x128xf32, #tpu.memory_space<vmem>>) target(%dma_start3A_201 : memref<10112x128xf32, #tpu.memory_space<vmem_shared>>) offsets(%dma_start3A_198 : memref<128xi32, #tpu.memory_space<vmem>>) semaphore(%run_scoped3A_195 : memref<!tpu.dma_semaphore, #tpu.memory_space<semaphore_mem>>) {add = true}
          %dma_wait3A_202 = arith.constant 0 : i32
          %dma_wait3A_203 = tpu.memref_slice %arg6[%run_scoped3A_193, %run_scoped3A_194, %dma_wait3A_202] : memref<2x2x128xi32, #tpu.memory_space<vmem>> -> memref<1x1x128xi32, #tpu.memory_space<vmem>>
          %dma_wait3A_204 = tpu.memref_squeeze %dma_wait3A_203 : memref<1x1x128xi32, #tpu.memory_space<vmem>> -> memref<128xi32, #tpu.memory_space<vmem>>
          %dma_wait3A_205 = arith.constant 0 : i32
          %dma_wait3A_206 = arith.constant 0 : i32
          %dma_wait3A_207 = tpu.memref_slice %arg11[%dma_wait3A_205, %dma_wait3A_206] : memref<10112x128xf32, #tpu.memory_space<vmem_shared>> -> memref<10112x128xf32, #tpu.memory_space<vmem_shared>>
          tpu.wait_indirect_dma semaphore(%run_scoped3A_195 : memref<!tpu.dma_semaphore, #tpu.memory_space<semaphore_mem>>) src(%arg8 : memref<128x128xf32, #tpu.memory_space<vmem>>) dst(%dma_wait3A_207 : memref<10112x128xf32, #tpu.memory_space<vmem_shared>>)
          tpu.yield
        }) : () -> ()
      }
      %while3A_154 = arith.constant 1 : i32
      scf.for %while3A_155 = %while3A_152 to %while3A_148 step %while3A_154  : i32 {
        %mul3A_156 = arith.constant 2 : i32
        %mul3A_157 = arith.muli %mul3A_156, %while3A_155 : i32
        %add3A_158 = arith.constant 1 : i32
        %add3A_159 = arith.addi %mul3A_157, %add3A_158 : i32
        %scan3A_160 = arith.constant 0 : i32
        %scan3A_161 = arith.constant 0 : i32
        %scan3A_162 = arith.constant 8 : i32
        %scan3A_163 = arith.addi %scan3A_161, %scan3A_162 : i32
        %scan3A_164 = arith.constant 1 : i32
        scf.for %scan3A_195 = %scan3A_161 to %scan3A_163 step %scan3A_164  : i32 {
          %mul3A_196 = arith.constant 16 : i32
          %mul3A_197 = arith.muli %scan3A_195, %mul3A_196 : i32
          %get3A = arith.index_cast %add3A_159 : i32 to index
          %get3A_198 = arith.index_cast %mul3A_197 : i32 to index
          %get3A_199 = tpu.vector_load %arg5[%get3A, %get3A_198] {strides = array<i32>} : memref<72x128xi32, #tpu.memory_space<vmem>>, vector<1x16xi32>,
          %get3A_200 = vector.shape_cast %get3A_199 : vector<1x16xi32> to vector<16xi32>
          %and3A_201 = arith.constant 16383 : i32
          %and3A_202 = vector.broadcast %and3A_201 : i32 to vector<16xi32>
          %and3A_203 = arith.andi %get3A_200, %and3A_202 : vector<16xi32>
          %mul3A_204 = arith.constant 16 : i32
          %mul3A_205 = arith.muli %scan3A_195, %mul3A_204 : i32
          %swap3A = arith.constant 1 : i32
          %swap3A_206 = arith.constant 0 : i32
          %swap3A_207 = arith.index_cast %swap3A : i32 to index
          %swap3A_208 = arith.index_cast %swap3A_206 : i32 to index
          %swap3A_209 = arith.index_cast %mul3A_205 : i32 to index
          %swap3A_210 = tpu.vector_load %arg6[%swap3A_207, %swap3A_208, %swap3A_209] {strides = array<i32>} : memref<2x2x128xi32, #tpu.memory_space<vmem>>, vector<1x1x16xi32>,
          %swap3A_211 = vector.shape_cast %swap3A_210 : vector<1x1x16xi32> to vector<16xi32>
          %swap3A_212 = vector.shape_cast %and3A_203 : vector<16xi32> to vector<1x1x16xi32>
          tpu.vector_store %arg6[%swap3A_207, %swap3A_208, %swap3A_209], %swap3A_212 {strides = array<i32>} : memref<2x2x128xi32, #tpu.memory_space<vmem>>, vector<1x1x16xi32>,
          %shift_right_arithmetic3A = arith.constant 14 : i32
          %shift_right_arithmetic3A_213 = vector.broadcast %shift_right_arithmetic3A : i32 to vector<16xi32>
          %shift_right_arithmetic3A_214 = arith.shrsi %get3A_200, %shift_right_arithmetic3A_213 : vector<16xi32>
          %mul3A_215 = arith.constant 16 : i32
          %mul3A_216 = arith.muli %scan3A_195, %mul3A_215 : i32
          %swap3A_217 = arith.constant 1 : i32
          %swap3A_218 = arith.constant 1 : i32
          %swap3A_219 = arith.index_cast %swap3A_217 : i32 to index
          %swap3A_220 = arith.index_cast %swap3A_218 : i32 to index
          %swap3A_221 = arith.index_cast %mul3A_216 : i32 to index
          %swap3A_222 = tpu.vector_load %arg6[%swap3A_219, %swap3A_220, %swap3A_221] {strides = array<i32>} : memref<2x2x128xi32, #tpu.memory_space<vmem>>, vector<1x1x16xi32>,
          %swap3A_223 = vector.shape_cast %swap3A_222 : vector<1x1x16xi32> to vector<16xi32>
          %swap3A_224 = vector.shape_cast %shift_right_arithmetic3A_214 : vector<16xi32> to vector<1x1x16xi32>
          tpu.vector_store %arg6[%swap3A_219, %swap3A_220, %swap3A_221], %swap3A_224 {strides = array<i32>} : memref<2x2x128xi32, #tpu.memory_space<vmem>>, vector<1x1x16xi32>,
        }
        %scan3A_165 = arith.constant 8 : i32
        %add3A_166 = arith.constant 1 : i32
        %add3A_167 = arith.addi %mul3A_157, %add3A_166 : i32
        %dma_start3A = arith.constant 1 : i32
        %dma_start3A_168 = arith.constant 0 : i32
        %dma_start3A_169 = arith.constant 0 : i32
        %dma_start3A_170 = tpu.memref_slice %arg6[%dma_start3A, %dma_start3A_168, %dma_start3A_169] : memref<2x2x128xi32, #tpu.memory_space<vmem>> -> memref<1x1x128xi32, #tpu.memory_space<vmem>>
        %dma_start3A_171 = tpu.memref_squeeze %dma_start3A_170 : memref<1x1x128xi32, #tpu.memory_space<vmem>> -> memref<128xi32, #tpu.memory_space<vmem>>
        %dma_start3A_172 = arith.constant 0 : i32
        %dma_start3A_173 = arith.constant 0 : i32
        %dma_start3A_174 = tpu.memref_slice %arg2[%dma_start3A_172, %dma_start3A_173] : memref<10000x128xf32, #tpu.memory_space<hbm>> -> memref<10000x128xf32, #tpu.memory_space<hbm>>
        tpu.enqueue_indirect_dma source(%dma_start3A_174 : memref<10000x128xf32, #tpu.memory_space<hbm>>) target(%arg8 : memref<128x128xf32, #tpu.memory_space<vmem>>) offsets(%dma_start3A_171 : memref<128xi32, #tpu.memory_space<vmem>>) semaphore(%arg10 : memref<!tpu.dma_semaphore, #tpu.memory_space<semaphore_mem>>)
        %dma_wait3A = arith.constant 0 : i32
        %dma_wait3A_175 = arith.constant 0 : i32
        %dma_wait3A_176 = tpu.memref_slice %arg2[%dma_wait3A, %dma_wait3A_175] : memref<10000x128xf32, #tpu.memory_space<hbm>> -> memref<128x128xf32, #tpu.memory_space<hbm>>
        %dma_wait3A_177 = arith.constant 0 : i32
        %dma_wait3A_178 = arith.constant 0 : i32
        %dma_wait3A_179 = tpu.memref_slice %arg2[%dma_wait3A_177, %dma_wait3A_178] : memref<10000x128xf32, #tpu.memory_space<hbm>> -> memref<128x128xf32, #tpu.memory_space<hbm>>
        tpu.wait_dma2 semaphore(%arg9 : memref<!tpu.dma_semaphore, #tpu.memory_space<semaphore_mem>>) src(%dma_wait3A_179 : memref<128x128xf32, #tpu.memory_space<hbm>>) dst(%arg7 : memref<128x128xf32, #tpu.memory_space<vmem>>)
        %run_scoped3A = arith.constant 0 : i32
        %run_scoped3A_180 = arith.constant 1 : i32
        "tpu.region"() ({
          %run_scoped3A_195 = tpu.sem_alloc : memref<!tpu.dma_semaphore, #tpu.memory_space<semaphore_mem>>
          %dma_start3A_196 = arith.constant 0 : i32
          %dma_start3A_197 = tpu.memref_slice %arg6[%run_scoped3A, %run_scoped3A_180, %dma_start3A_196] : memref<2x2x128xi32, #tpu.memory_space<vmem>> -> memref<1x1x128xi32, #tpu.memory_space<vmem>>
          %dma_start3A_198 = tpu.memref_squeeze %dma_start3A_197 : memref<1x1x128xi32, #tpu.memory_space<vmem>> -> memref<128xi32, #tpu.memory_space<vmem>>
          %dma_start3A_199 = arith.constant 0 : i32
          %dma_start3A_200 = arith.constant 0 : i32
          %dma_start3A_201 = tpu.memref_slice %arg11[%dma_start3A_199, %dma_start3A_200] : memref<10112x128xf32, #tpu.memory_space<vmem_shared>> -> memref<10112x128xf32, #tpu.memory_space<vmem_shared>>
          tpu.enqueue_indirect_dma source(%arg7 : memref<128x128xf32, #tpu.memory_space<vmem>>) target(%dma_start3A_201 : memref<10112x128xf32, #tpu.memory_space<vmem_shared>>) offsets(%dma_start3A_198 : memref<128xi32, #tpu.memory_space<vmem>>) semaphore(%run_scoped3A_195 : memref<!tpu.dma_semaphore, #tpu.memory_space<semaphore_mem>>) {add = true}
          %dma_wait3A_202 = arith.constant 0 : i32
          %dma_wait3A_203 = tpu.memref_slice %arg6[%run_scoped3A, %run_scoped3A_180, %dma_wait3A_202] : memref<2x2x128xi32, #tpu.memory_space<vmem>> -> memref<1x1x128xi32, #tpu.memory_space<vmem>>
          %dma_wait3A_204 = tpu.memref_squeeze %dma_wait3A_203 : memref<1x1x128xi32, #tpu.memory_space<vmem>> -> memref<128xi32, #tpu.memory_space<vmem>>
          %dma_wait3A_205 = arith.constant 0 : i32
          %dma_wait3A_206 = arith.constant 0 : i32
          %dma_wait3A_207 = tpu.memref_slice %arg11[%dma_wait3A_205, %dma_wait3A_206] : memref<10112x128xf32, #tpu.memory_space<vmem_shared>> -> memref<10112x128xf32, #tpu.memory_space<vmem_shared>>
          tpu.wait_indirect_dma semaphore(%run_scoped3A_195 : memref<!tpu.dma_semaphore, #tpu.memory_space<semaphore_mem>>) src(%arg7 : memref<128x128xf32, #tpu.memory_space<vmem>>) dst(%dma_wait3A_207 : memref<10112x128xf32, #tpu.memory_space<vmem_shared>>)
          tpu.yield
        }) : () -> ()
        %add3A_181 = arith.constant 2 : i32
        %add3A_182 = arith.addi %mul3A_157, %add3A_181 : i32
        %lt3A_183 = arith.cmpi slt, %add3A_182, %sub3A_115 : i32
        %convert_element_type3A_184 = arith.extui %lt3A_183 : i1 to i32
        %cond3A_185 = arith.constant 0 : i32
        %cond3A_186 = arith.cmpi ne, %convert_element_type3A_184, %cond3A_185 : i32
        scf.if %cond3A_186 {
          %add3A_195 = arith.constant 2 : i32
          %add3A_196 = arith.addi %mul3A_157, %add3A_195 : i32
          %scan3A_197 = arith.constant 0 : i32
          %scan3A_198 = arith.constant 0 : i32
          %scan3A_199 = arith.constant 8 : i32
          %scan3A_200 = arith.addi %scan3A_198, %scan3A_199 : i32
          %scan3A_201 = arith.constant 1 : i32
          scf.for %scan3A_213 = %scan3A_198 to %scan3A_200 step %scan3A_201  : i32 {
            %mul3A_214 = arith.constant 16 : i32
            %mul3A_215 = arith.muli %scan3A_213, %mul3A_214 : i32
            %get3A = arith.index_cast %add3A_196 : i32 to index
            %get3A_216 = arith.index_cast %mul3A_215 : i32 to index
            %get3A_217 = tpu.vector_load %arg5[%get3A, %get3A_216] {strides = array<i32>} : memref<72x128xi32, #tpu.memory_space<vmem>>, vector<1x16xi32>,
            %get3A_218 = vector.shape_cast %get3A_217 : vector<1x16xi32> to vector<16xi32>
            %and3A_219 = arith.constant 16383 : i32
            %and3A_220 = vector.broadcast %and3A_219 : i32 to vector<16xi32>
            %and3A_221 = arith.andi %get3A_218, %and3A_220 : vector<16xi32>
            %mul3A_222 = arith.constant 16 : i32
            %mul3A_223 = arith.muli %scan3A_213, %mul3A_222 : i32
            %swap3A = arith.constant 0 : i32
            %swap3A_224 = arith.constant 0 : i32
            %swap3A_225 = arith.index_cast %swap3A : i32 to index
            %swap3A_226 = arith.index_cast %swap3A_224 : i32 to index
            %swap3A_227 = arith.index_cast %mul3A_223 : i32 to index
            %swap3A_228 = tpu.vector_load %arg6[%swap3A_225, %swap3A_226, %swap3A_227] {strides = array<i32>} : memref<2x2x128xi32, #tpu.memory_space<vmem>>, vector<1x1x16xi32>,
            %swap3A_229 = vector.shape_cast %swap3A_228 : vector<1x1x16xi32> to vector<16xi32>
            %swap3A_230 = vector.shape_cast %and3A_221 : vector<16xi32> to vector<1x1x16xi32>
            tpu.vector_store %arg6[%swap3A_225, %swap3A_226, %swap3A_227], %swap3A_230 {strides = array<i32>} : memref<2x2x128xi32, #tpu.memory_space<vmem>>, vector<1x1x16xi32>,
            %shift_right_arithmetic3A = arith.constant 14 : i32
            %shift_right_arithmetic3A_231 = vector.broadcast %shift_right_arithmetic3A : i32 to vector<16xi32>
            %shift_right_arithmetic3A_232 = arith.shrsi %get3A_218, %shift_right_arithmetic3A_231 : vector<16xi32>
            %mul3A_233 = arith.constant 16 : i32
            %mul3A_234 = arith.muli %scan3A_213, %mul3A_233 : i32
            %swap3A_235 = arith.constant 0 : i32
            %swap3A_236 = arith.constant 1 : i32
            %swap3A_237 = arith.index_cast %swap3A_235 : i32 to index
            %swap3A_238 = arith.index_cast %swap3A_236 : i32 to index
            %swap3A_239 = arith.index_cast %mul3A_234 : i32 to index
            %swap3A_240 = tpu.vector_load %arg6[%swap3A_237, %swap3A_238, %swap3A_239] {strides = array<i32>} : memref<2x2x128xi32, #tpu.memory_space<vmem>>, vector<1x1x16xi32>,
            %swap3A_241 = vector.shape_cast %swap3A_240 : vector<1x1x16xi32> to vector<16xi32>
            %swap3A_242 = vector.shape_cast %shift_right_arithmetic3A_232 : vector<16xi32> to vector<1x1x16xi32>
            tpu.vector_store %arg6[%swap3A_237, %swap3A_238, %swap3A_239], %swap3A_242 {strides = array<i32>} : memref<2x2x128xi32, #tpu.memory_space<vmem>>, vector<1x1x16xi32>,
          }
          %scan3A_202 = arith.constant 8 : i32
          %add3A_203 = arith.constant 2 : i32
          %add3A_204 = arith.addi %mul3A_157, %add3A_203 : i32
          %dma_start3A_205 = arith.constant 0 : i32
          %dma_start3A_206 = arith.constant 0 : i32
          %dma_start3A_207 = arith.constant 0 : i32
          %dma_start3A_208 = tpu.memref_slice %arg6[%dma_start3A_205, %dma_start3A_206, %dma_start3A_207] : memref<2x2x128xi32, #tpu.memory_space<vmem>> -> memref<1x1x128xi32, #tpu.memory_space<vmem>>
          %dma_start3A_209 = tpu.memref_squeeze %dma_start3A_208 : memref<1x1x128xi32, #tpu.memory_space<vmem>> -> memref<128xi32, #tpu.memory_space<vmem>>
          %dma_start3A_210 = arith.constant 0 : i32
          %dma_start3A_211 = arith.constant 0 : i32
          %dma_start3A_212 = tpu.memref_slice %arg2[%dma_start3A_210, %dma_start3A_211] : memref<10000x128xf32, #tpu.memory_space<hbm>> -> memref<10000x128xf32, #tpu.memory_space<hbm>>
          tpu.enqueue_indirect_dma source(%dma_start3A_212 : memref<10000x128xf32, #tpu.memory_space<hbm>>) target(%arg7 : memref<128x128xf32, #tpu.memory_space<vmem>>) offsets(%dma_start3A_209 : memref<128xi32, #tpu.memory_space<vmem>>) semaphore(%arg9 : memref<!tpu.dma_semaphore, #tpu.memory_space<semaphore_mem>>)
        } else {
        }
        %dma_wait3A_187 = arith.constant 0 : i32
        %dma_wait3A_188 = arith.constant 0 : i32
        %dma_wait3A_189 = tpu.memref_slice %arg2[%dma_wait3A_187, %dma_wait3A_188] : memref<10000x128xf32, #tpu.memory_space<hbm>> -> memref<128x128xf32, #tpu.memory_space<hbm>>
        %dma_wait3A_190 = arith.constant 0 : i32
        %dma_wait3A_191 = arith.constant 0 : i32
        %dma_wait3A_192 = tpu.memref_slice %arg2[%dma_wait3A_190, %dma_wait3A_191] : memref<10000x128xf32, #tpu.memory_space<hbm>> -> memref<128x128xf32, #tpu.memory_space<hbm>>
        tpu.wait_dma2 semaphore(%arg10 : memref<!tpu.dma_semaphore, #tpu.memory_space<semaphore_mem>>) src(%dma_wait3A_192 : memref<128x128xf32, #tpu.memory_space<hbm>>) dst(%arg8 : memref<128x128xf32, #tpu.memory_space<vmem>>)
        %run_scoped3A_193 = arith.constant 1 : i32
        %run_scoped3A_194 = arith.constant 1 : i32
        "tpu.region"() ({
          %run_scoped3A_195 = tpu.sem_alloc : memref<!tpu.dma_semaphore, #tpu.memory_space<semaphore_mem>>
          %dma_start3A_196 = arith.constant 0 : i32
          %dma_start3A_197 = tpu.memref_slice %arg6[%run_scoped3A_193, %run_scoped3A_194, %dma_start3A_196] : memref<2x2x128xi32, #tpu.memory_space<vmem>> -> memref<1x1x128xi32, #tpu.memory_space<vmem>>
          %dma_start3A_198 = tpu.memref_squeeze %dma_start3A_197 : memref<1x1x128xi32, #tpu.memory_space<vmem>> -> memref<128xi32, #tpu.memory_space<vmem>>
          %dma_start3A_199 = arith.constant 0 : i32
          %dma_start3A_200 = arith.constant 0 : i32
          %dma_start3A_201 = tpu.memref_slice %arg11[%dma_start3A_199, %dma_start3A_200] : memref<10112x128xf32, #tpu.memory_space<vmem_shared>> -> memref<10112x128xf32, #tpu.memory_space<vmem_shared>>
          tpu.enqueue_indirect_dma source(%arg8 : memref<128x128xf32, #tpu.memory_space<vmem>>) target(%dma_start3A_201 : memref<10112x128xf32, #tpu.memory_space<vmem_shared>>) offsets(%dma_start3A_198 : memref<128xi32, #tpu.memory_space<vmem>>) semaphore(%run_scoped3A_195 : memref<!tpu.dma_semaphore, #tpu.memory_space<semaphore_mem>>) {add = true}
          %dma_wait3A_202 = arith.constant 0 : i32
          %dma_wait3A_203 = tpu.memref_slice %arg6[%run_scoped3A_193, %run_scoped3A_194, %dma_wait3A_202] : memref<2x2x128xi32, #tpu.memory_space<vmem>> -> memref<1x1x128xi32, #tpu.memory_space<vmem>>
          %dma_wait3A_204 = tpu.memref_squeeze %dma_wait3A_203 : memref<1x1x128xi32, #tpu.memory_space<vmem>> -> memref<128xi32, #tpu.memory_space<vmem>>
          %dma_wait3A_205 = arith.constant 0 : i32
          %dma_wait3A_206 = arith.constant 0 : i32
          %dma_wait3A_207 = tpu.memref_slice %arg11[%dma_wait3A_205, %dma_wait3A_206] : memref<10112x128xf32, #tpu.memory_space<vmem_shared>> -> memref<10112x128xf32, #tpu.memory_space<vmem_shared>>
          tpu.wait_indirect_dma semaphore(%run_scoped3A_195 : memref<!tpu.dma_semaphore, #tpu.memory_space<semaphore_mem>>) src(%arg8 : memref<128x128xf32, #tpu.memory_space<vmem>>) dst(%dma_wait3A_207 : memref<10112x128xf32, #tpu.memory_space<vmem_shared>>)
          tpu.yield
        }) : () -> ()
      }
    } else {
    }
    %barrier3A_78 = arith.constant 0 : index
    tpu.barrier barrier_id(%barrier3A_78)
    %add3A_79 = arith.constant 0 : i32
    %add3A_80 = arith.addi %arg1, %add3A_79 : i32
    %lt3A_81 = arith.constant 79 : i32
    %lt3A_82 = arith.cmpi slt, %add3A_80, %lt3A_81 : i32
    %convert_element_type3A_83 = arith.extui %lt3A_82 : i1 to i32
    %cond3A_84 = arith.constant 0 : i32
    %cond3A_85 = arith.cmpi ne, %convert_element_type3A_83, %cond3A_84 : i32
    scf.if %cond3A_85 {
      %mul3A_114 = arith.constant 128 : i32
      %mul3A_115 = arith.muli %add3A_80, %mul3A_114 : i32
      %mul3A_116 = arith.constant 128 : i32
      %mul3A_117 = arith.muli %add3A_80, %mul3A_116 : i32
      "tpu.region"() ({
        %run_scoped3A = tpu.sem_alloc : memref<!tpu.dma_semaphore, #tpu.memory_space<semaphore_mem>>
        %dma_start3A = arith.constant 0 : i32
        %dma_start3A_118 = tpu.memref_slice %arg4[%arg0, %mul3A_117, %dma_start3A] : memref<2x10112x128xf32, #tpu.memory_space<hbm>> -> memref<1x128x128xf32, #tpu.memory_space<hbm>>
        %dma_start3A_119 = tpu.memref_squeeze %dma_start3A_118 : memref<1x128x128xf32, #tpu.memory_space<hbm>> -> memref<128x128xf32, #tpu.memory_space<hbm>>
        %dma_start3A_120 = arith.constant 0 : i32
        %dma_start3A_121 = tpu.memref_slice %arg11[%mul3A_115, %dma_start3A_120] : memref<10112x128xf32, #tpu.memory_space<vmem_shared>> -> memref<128x128xf32, #tpu.memory_space<vmem_shared>>
        tpu.enqueue_dma source(%dma_start3A_121 : memref<128x128xf32, #tpu.memory_space<vmem_shared>>) target(%dma_start3A_119 : memref<128x128xf32, #tpu.memory_space<hbm>>) target_semaphore(%run_scoped3A : memref<!tpu.dma_semaphore, #tpu.memory_space<semaphore_mem>>)
        %dma_wait3A = arith.constant 0 : i32
        %dma_wait3A_122 = tpu.memref_slice %arg4[%arg0, %mul3A_117, %dma_wait3A] : memref<2x10112x128xf32, #tpu.memory_space<hbm>> -> memref<1x128x128xf32, #tpu.memory_space<hbm>>
        %dma_wait3A_123 = tpu.memref_squeeze %dma_wait3A_122 : memref<1x128x128xf32, #tpu.memory_space<hbm>> -> memref<128x128xf32, #tpu.memory_space<hbm>>
        %dma_wait3A_124 = arith.constant 0 : i32
        %dma_wait3A_125 = tpu.memref_slice %arg11[%mul3A_115, %dma_wait3A_124] : memref<10112x128xf32, #tpu.memory_space<vmem_shared>> -> memref<128x128xf32, #tpu.memory_space<vmem_shared>>
        tpu.wait_dma2 semaphore(%run_scoped3A : memref<!tpu.dma_semaphore, #tpu.memory_space<semaphore_mem>>) src(%dma_wait3A_125 : memref<128x128xf32, #tpu.memory_space<vmem_shared>>) dst(%dma_wait3A_123 : memref<128x128xf32, #tpu.memory_space<hbm>>)
        tpu.yield
      }) : () -> ()
    } else {
    }
    %add3A_86 = arith.constant 16 : i32
    %add3A_87 = arith.addi %arg1, %add3A_86 : i32
    %lt3A_88 = arith.constant 79 : i32
    %lt3A_89 = arith.cmpi slt, %add3A_87, %lt3A_88 : i32
    %convert_element_type3A_90 = arith.extui %lt3A_89 : i1 to i32
    %cond3A_91 = arith.constant 0 : i32
    %cond3A_92 = arith.cmpi ne, %convert_element_type3A_90, %cond3A_91 : i32
    scf.if %cond3A_92 {
      %mul3A_114 = arith.constant 128 : i32
      %mul3A_115 = arith.muli %add3A_87, %mul3A_114 : i32
      %mul3A_116 = arith.constant 128 : i32
      %mul3A_117 = arith.muli %add3A_87, %mul3A_116 : i32
      "tpu.region"() ({
        %run_scoped3A = tpu.sem_alloc : memref<!tpu.dma_semaphore, #tpu.memory_space<semaphore_mem>>
        %dma_start3A = arith.constant 0 : i32
        %dma_start3A_118 = tpu.memref_slice %arg4[%arg0, %mul3A_117, %dma_start3A] : memref<2x10112x128xf32, #tpu.memory_space<hbm>> -> memref<1x128x128xf32, #tpu.memory_space<hbm>>
        %dma_start3A_119 = tpu.memref_squeeze %dma_start3A_118 : memref<1x128x128xf32, #tpu.memory_space<hbm>> -> memref<128x128xf32, #tpu.memory_space<hbm>>
        %dma_start3A_120 = arith.constant 0 : i32
        %dma_start3A_121 = tpu.memref_slice %arg11[%mul3A_115, %dma_start3A_120] : memref<10112x128xf32, #tpu.memory_space<vmem_shared>> -> memref<128x128xf32, #tpu.memory_space<vmem_shared>>
        tpu.enqueue_dma source(%dma_start3A_121 : memref<128x128xf32, #tpu.memory_space<vmem_shared>>) target(%dma_start3A_119 : memref<128x128xf32, #tpu.memory_space<hbm>>) target_semaphore(%run_scoped3A : memref<!tpu.dma_semaphore, #tpu.memory_space<semaphore_mem>>)
        %dma_wait3A = arith.constant 0 : i32
        %dma_wait3A_122 = tpu.memref_slice %arg4[%arg0, %mul3A_117, %dma_wait3A] : memref<2x10112x128xf32, #tpu.memory_space<hbm>> -> memref<1x128x128xf32, #tpu.memory_space<hbm>>
        %dma_wait3A_123 = tpu.memref_squeeze %dma_wait3A_122 : memref<1x128x128xf32, #tpu.memory_space<hbm>> -> memref<128x128xf32, #tpu.memory_space<hbm>>
        %dma_wait3A_124 = arith.constant 0 : i32
        %dma_wait3A_125 = tpu.memref_slice %arg11[%mul3A_115, %dma_wait3A_124] : memref<10112x128xf32, #tpu.memory_space<vmem_shared>> -> memref<128x128xf32, #tpu.memory_space<vmem_shared>>
        tpu.wait_dma2 semaphore(%run_scoped3A : memref<!tpu.dma_semaphore, #tpu.memory_space<semaphore_mem>>) src(%dma_wait3A_125 : memref<128x128xf32, #tpu.memory_space<vmem_shared>>) dst(%dma_wait3A_123 : memref<128x128xf32, #tpu.memory_space<hbm>>)
        tpu.yield
      }) : () -> ()
    } else {
    }
    %add3A_93 = arith.constant 32 : i32
    %add3A_94 = arith.addi %arg1, %add3A_93 : i32
    %lt3A_95 = arith.constant 79 : i32
    %lt3A_96 = arith.cmpi slt, %add3A_94, %lt3A_95 : i32
    %convert_element_type3A_97 = arith.extui %lt3A_96 : i1 to i32
    %cond3A_98 = arith.constant 0 : i32
    %cond3A_99 = arith.cmpi ne, %convert_element_type3A_97, %cond3A_98 : i32
    scf.if %cond3A_99 {
      %mul3A_114 = arith.constant 128 : i32
      %mul3A_115 = arith.muli %add3A_94, %mul3A_114 : i32
      %mul3A_116 = arith.constant 128 : i32
      %mul3A_117 = arith.muli %add3A_94, %mul3A_116 : i32
      "tpu.region"() ({
        %run_scoped3A = tpu.sem_alloc : memref<!tpu.dma_semaphore, #tpu.memory_space<semaphore_mem>>
        %dma_start3A = arith.constant 0 : i32
        %dma_start3A_118 = tpu.memref_slice %arg4[%arg0, %mul3A_117, %dma_start3A] : memref<2x10112x128xf32, #tpu.memory_space<hbm>> -> memref<1x128x128xf32, #tpu.memory_space<hbm>>
        %dma_start3A_119 = tpu.memref_squeeze %dma_start3A_118 : memref<1x128x128xf32, #tpu.memory_space<hbm>> -> memref<128x128xf32, #tpu.memory_space<hbm>>
        %dma_start3A_120 = arith.constant 0 : i32
        %dma_start3A_121 = tpu.memref_slice %arg11[%mul3A_115, %dma_start3A_120] : memref<10112x128xf32, #tpu.memory_space<vmem_shared>> -> memref<128x128xf32, #tpu.memory_space<vmem_shared>>
        tpu.enqueue_dma source(%dma_start3A_121 : memref<128x128xf32, #tpu.memory_space<vmem_shared>>) target(%dma_start3A_119 : memref<128x128xf32, #tpu.memory_space<hbm>>) target_semaphore(%run_scoped3A : memref<!tpu.dma_semaphore, #tpu.memory_space<semaphore_mem>>)
        %dma_wait3A = arith.constant 0 : i32
        %dma_wait3A_122 = tpu.memref_slice %arg4[%arg0, %mul3A_117, %dma_wait3A] : memref<2x10112x128xf32, #tpu.memory_space<hbm>> -> memref<1x128x128xf32, #tpu.memory_space<hbm>>
        %dma_wait3A_123 = tpu.memref_squeeze %dma_wait3A_122 : memref<1x128x128xf32, #tpu.memory_space<hbm>> -> memref<128x128xf32, #tpu.memory_space<hbm>>
        %dma_wait3A_124 = arith.constant 0 : i32
        %dma_wait3A_125 = tpu.memref_slice %arg11[%mul3A_115, %dma_wait3A_124] : memref<10112x128xf32, #tpu.memory_space<vmem_shared>> -> memref<128x128xf32, #tpu.memory_space<vmem_shared>>
        tpu.wait_dma2 semaphore(%run_scoped3A : memref<!tpu.dma_semaphore, #tpu.memory_space<semaphore_mem>>) src(%dma_wait3A_125 : memref<128x128xf32, #tpu.memory_space<vmem_shared>>) dst(%dma_wait3A_123 : memref<128x128xf32, #tpu.memory_space<hbm>>)
        tpu.yield
      }) : () -> ()
    } else {
    }
    %add3A_100 = arith.constant 48 : i32
    %add3A_101 = arith.addi %arg1, %add3A_100 : i32
    %lt3A_102 = arith.constant 79 : i32
    %lt3A_103 = arith.cmpi slt, %add3A_101, %lt3A_102 : i32
    %convert_element_type3A_104 = arith.extui %lt3A_103 : i1 to i32
    %cond3A_105 = arith.constant 0 : i32
    %cond3A_106 = arith.cmpi ne, %convert_element_type3A_104, %cond3A_105 : i32
    scf.if %cond3A_106 {
      %mul3A_114 = arith.constant 128 : i32
      %mul3A_115 = arith.muli %add3A_101, %mul3A_114 : i32
      %mul3A_116 = arith.constant 128 : i32
      %mul3A_117 = arith.muli %add3A_101, %mul3A_116 : i32
      "tpu.region"() ({
        %run_scoped3A = tpu.sem_alloc : memref<!tpu.dma_semaphore, #tpu.memory_space<semaphore_mem>>
        %dma_start3A = arith.constant 0 : i32
        %dma_start3A_118 = tpu.memref_slice %arg4[%arg0, %mul3A_117, %dma_start3A] : memref<2x10112x128xf32, #tpu.memory_space<hbm>> -> memref<1x128x128xf32, #tpu.memory_space<hbm>>
        %dma_start3A_119 = tpu.memref_squeeze %dma_start3A_118 : memref<1x128x128xf32, #tpu.memory_space<hbm>> -> memref<128x128xf32, #tpu.memory_space<hbm>>
        %dma_start3A_120 = arith.constant 0 : i32
        %dma_start3A_121 = tpu.memref_slice %arg11[%mul3A_115, %dma_start3A_120] : memref<10112x128xf32, #tpu.memory_space<vmem_shared>> -> memref<128x128xf32, #tpu.memory_space<vmem_shared>>
        tpu.enqueue_dma source(%dma_start3A_121 : memref<128x128xf32, #tpu.memory_space<vmem_shared>>) target(%dma_start3A_119 : memref<128x128xf32, #tpu.memory_space<hbm>>) target_semaphore(%run_scoped3A : memref<!tpu.dma_semaphore, #tpu.memory_space<semaphore_mem>>)
        %dma_wait3A = arith.constant 0 : i32
        %dma_wait3A_122 = tpu.memref_slice %arg4[%arg0, %mul3A_117, %dma_wait3A] : memref<2x10112x128xf32, #tpu.memory_space<hbm>> -> memref<1x128x128xf32, #tpu.memory_space<hbm>>
        %dma_wait3A_123 = tpu.memref_squeeze %dma_wait3A_122 : memref<1x128x128xf32, #tpu.memory_space<hbm>> -> memref<128x128xf32, #tpu.memory_space<hbm>>
        %dma_wait3A_124 = arith.constant 0 : i32
        %dma_wait3A_125 = tpu.memref_slice %arg11[%mul3A_115, %dma_wait3A_124] : memref<10112x128xf32, #tpu.memory_space<vmem_shared>> -> memref<128x128xf32, #tpu.memory_space<vmem_shared>>
        tpu.wait_dma2 semaphore(%run_scoped3A : memref<!tpu.dma_semaphore, #tpu.memory_space<semaphore_mem>>) src(%dma_wait3A_125 : memref<128x128xf32, #tpu.memory_space<vmem_shared>>) dst(%dma_wait3A_123 : memref<128x128xf32, #tpu.memory_space<hbm>>)
        tpu.yield
      }) : () -> ()
    } else {
    }
    %add3A_107 = arith.constant 64 : i32
    %add3A_108 = arith.addi %arg1, %add3A_107 : i32
    %lt3A_109 = arith.constant 79 : i32
    %lt3A_110 = arith.cmpi slt, %add3A_108, %lt3A_109 : i32
    %convert_element_type3A_111 = arith.extui %lt3A_110 : i1 to i32
    %cond3A_112 = arith.constant 0 : i32
    %cond3A_113 = arith.cmpi ne, %convert_element_type3A_111, %cond3A_112 : i32
    scf.if %cond3A_113 {
      %mul3A_114 = arith.constant 128 : i32
      %mul3A_115 = arith.muli %add3A_108, %mul3A_114 : i32
      %mul3A_116 = arith.constant 128 : i32
      %mul3A_117 = arith.muli %add3A_108, %mul3A_116 : i32
      "tpu.region"() ({
        %run_scoped3A = tpu.sem_alloc : memref<!tpu.dma_semaphore, #tpu.memory_space<semaphore_mem>>
        %dma_start3A = arith.constant 0 : i32
        %dma_start3A_118 = tpu.memref_slice %arg4[%arg0, %mul3A_117, %dma_start3A] : memref<2x10112x128xf32, #tpu.memory_space<hbm>> -> memref<1x128x128xf32, #tpu.memory_space<hbm>>
        %dma_start3A_119 = tpu.memref_squeeze %dma_start3A_118 : memref<1x128x128xf32, #tpu.memory_space<hbm>> -> memref<128x128xf32, #tpu.memory_space<hbm>>
        %dma_start3A_120 = arith.constant 0 : i32
        %dma_start3A_121 = tpu.memref_slice %arg11[%mul3A_115, %dma_start3A_120] : memref<10112x128xf32, #tpu.memory_space<vmem_shared>> -> memref<128x128xf32, #tpu.memory_space<vmem_shared>>
        tpu.enqueue_dma source(%dma_start3A_121 : memref<128x128xf32, #tpu.memory_space<vmem_shared>>) target(%dma_start3A_119 : memref<128x128xf32, #tpu.memory_space<hbm>>) target_semaphore(%run_scoped3A : memref<!tpu.dma_semaphore, #tpu.memory_space<semaphore_mem>>)
        %dma_wait3A = arith.constant 0 : i32
        %dma_wait3A_122 = tpu.memref_slice %arg4[%arg0, %mul3A_117, %dma_wait3A] : memref<2x10112x128xf32, #tpu.memory_space<hbm>> -> memref<1x128x128xf32, #tpu.memory_space<hbm>>
        %dma_wait3A_123 = tpu.memref_squeeze %dma_wait3A_122 : memref<1x128x128xf32, #tpu.memory_space<hbm>> -> memref<128x128xf32, #tpu.memory_space<hbm>>
        %dma_wait3A_124 = arith.constant 0 : i32
        %dma_wait3A_125 = tpu.memref_slice %arg11[%mul3A_115, %dma_wait3A_124] : memref<10112x128xf32, #tpu.memory_space<vmem_shared>> -> memref<128x128xf32, #tpu.memory_space<vmem_shared>>
        tpu.wait_dma2 semaphore(%run_scoped3A : memref<!tpu.dma_semaphore, #tpu.memory_space<semaphore_mem>>) src(%dma_wait3A_125 : memref<128x128xf32, #tpu.memory_space<vmem_shared>>) dst(%dma_wait3A_123 : memref<128x128xf32, #tpu.memory_space<hbm>>)
        tpu.yield
      }) : () -> ()
    } else {
    }
    return
  }
}

module attributes {stable_mosaic.version = 14 : i64} {
  func.func @_prep_body(%arg0: i32, %arg1: memref<512x128xf32, #tpu.memory_space<vmem>>, %arg2: memref<128x128xf32, #tpu.memory_space<vmem>>, %arg3: memref<2x512x128xf32, #tpu.memory_space<vmem>>, %arg4: memref<512x128xf32, #tpu.memory_space<vmem>>, %arg5: memref<512x1xf32, #tpu.memory_space<vmem>>) attributes {dimension_semantics = [#tpu.dimension_semantics<arbitrary>], iteration_bounds = array<i64: 20>, scalar_prefetch = 0 : i64, scratch_operands = 0 : i64, tpu.core_type = #tpu.core_type<tc>, window_params = [{transform_indices = @transform_0, window_bounds = array<i64: 512, 128>}, {pipeline_mode = #tpu.pipeline_mode<synchronous>, transform_indices = @transform_1, window_bounds = array<i64: 128, 128>}, {transform_indices = @transform_2, window_bounds = array<i64: 2, 512, 128>}, {transform_indices = @transform_3, window_bounds = array<i64: 512, 128>}, {transform_indices = @transform_4, window_bounds = array<i64: 512, 1>}]} {
    %get3A = arith.constant 0 : index
    %get3A_0 = arith.constant 0 : index
    %get3A_1 = arith.constant 0 : index
    %get3A_2 = vector.load %arg3[%get3A, %get3A_0, %get3A_1] : memref<2x512x128xf32, #tpu.memory_space<vmem>>, vector<1x512x1xf32>
    %get3A_3 = vector.shape_cast %get3A_2 : vector<1x512x1xf32> to vector<512x1xf32>
    %get3A_4 = arith.constant 1 : index
    %get3A_5 = arith.constant 0 : index
    %get3A_6 = arith.constant 0 : index
    %get3A_7 = vector.load %arg3[%get3A_4, %get3A_5, %get3A_6] : memref<2x512x128xf32, #tpu.memory_space<vmem>>, vector<1x512x1xf32>
    %get3A_8 = vector.shape_cast %get3A_7 : vector<1x512x1xf32> to vector<512x1xf32>
    %add3A = arith.addf %get3A_3, %get3A_8 : vector<512x1xf32>
    %add3A_9 = arith.constant 1.000000e+00 : f32
    %add3A_10 = vector.broadcast %add3A_9 : f32 to vector<512x1xf32>
    %add3A_11 = arith.addf %add3A, %add3A_10 : vector<512x1xf32>
    %rsqrt3A = math.rsqrt %add3A_11 : vector<512x1xf32>
    %get3A_12 = arith.constant 0 : index
    %get3A_13 = arith.constant 0 : index
    %get3A_14 = vector.load %arg1[%get3A_12, %get3A_13] : memref<512x128xf32, #tpu.memory_space<vmem>>, vector<512x128xf32>
    %get3A_15 = arith.constant 0 : index
    %get3A_16 = arith.constant 0 : index
    %get3A_17 = vector.load %arg2[%get3A_15, %get3A_16] : memref<128x128xf32, #tpu.memory_space<vmem>>, vector<128x128xf32>
    %dot_general3A = arith.constant dense<0.000000e+00> : vector<512x128xf32>
    %dot_general3A_18 = tpu.matmul %get3A_14, %get3A_17, %dot_general3A {dimension_numbers = #tpu.dot_dimension_numbers<[1], [0], [0], [1], [0, 0, 1, 1], [], []>, transpose_lhs_hint = false} : vector<512x128xf32>, vector<128x128xf32>, vector<512x128xf32> -> vector<512x128xf32>
    %mul3A = vector.broadcast %rsqrt3A : vector<512x1xf32> to vector<512x128xf32>
    %mul3A_19 = arith.mulf %mul3A, %dot_general3A_18 : vector<512x128xf32>
    %swap3A = arith.constant 0 : index
    %swap3A_20 = arith.constant 0 : index
    %swap3A_21 = vector.load %arg4[%swap3A, %swap3A_20] : memref<512x128xf32, #tpu.memory_space<vmem>>, vector<512x128xf32>
    tpu.vector_store %arg4[%swap3A, %swap3A_20], %mul3A_19 {strides = array<i32>} : memref<512x128xf32, #tpu.memory_space<vmem>>, vector<512x128xf32>,
    %swap3A_22 = arith.constant 0 : index
    %swap3A_23 = arith.constant 0 : index
    %swap3A_24 = vector.load %arg5[%swap3A_22, %swap3A_23] : memref<512x1xf32, #tpu.memory_space<vmem>>, vector<512x1xf32>
    tpu.vector_store %arg5[%swap3A_22, %swap3A_23], %rsqrt3A {strides = array<i32>} : memref<512x1xf32, #tpu.memory_space<vmem>>, vector<512x1xf32>,
    return
  }
  func.func @transform_0(%arg0: i32) -> (i32, i32) {
    %c0_i32 = arith.constant 0 : i32
    %c0_i32_0 = arith.constant 0 : i32
    return %arg0, %c0_i32 : i32, i32
  }
  func.func @transform_1(%arg0: i32) -> (i32, i32) {
    %c0_i32 = arith.constant 0 : i32
    %c0_i32_0 = arith.constant 0 : i32
    %c0_i32_1 = arith.constant 0 : i32
    return %c0_i32, %c0_i32_0 : i32, i32
  }
  func.func @transform_2(%arg0: i32) -> (i32, i32, i32) {
    %c0_i32 = arith.constant 0 : i32
    %c0_i32_0 = arith.constant 0 : i32
    %c0_i32_1 = arith.constant 0 : i32
    return %c0_i32, %arg0, %c0_i32_0 : i32, i32, i32
  }
  func.func @transform_3(%arg0: i32) -> (i32, i32) {
    %c0_i32 = arith.constant 0 : i32
    %c0_i32_0 = arith.constant 0 : i32
    return %arg0, %c0_i32 : i32, i32
  }
  func.func @transform_4(%arg0: i32) -> (i32, i32) {
    %c0_i32 = arith.constant 0 : i32
    %c0_i32_0 = arith.constant 0 : i32
    return %arg0, %c0_i32 : i32, i32
  }
}

module attributes {stable_mosaic.version = 14 : i64} {
  func.func @_mid_body(%arg0: i32, %arg1: memref<2x512x128xf32, #tpu.memory_space<vmem>>, %arg2: memref<512x128xf32, #tpu.memory_space<vmem>>, %arg3: memref<512x1xf32, #tpu.memory_space<vmem>>, %arg4: memref<1x128xf32, #tpu.memory_space<vmem>>, %arg5: memref<512x128xf32, #tpu.memory_space<vmem>>, %arg6: memref<512x128xf32, #tpu.memory_space<vmem>>) attributes {dimension_semantics = [#tpu.dimension_semantics<arbitrary>], iteration_bounds = array<i64: 20>, scalar_prefetch = 0 : i64, scratch_operands = 0 : i64, tpu.core_type = #tpu.core_type<tc>, window_params = [{transform_indices = @transform_0, window_bounds = array<i64: 2, 512, 128>}, {transform_indices = @transform_1, window_bounds = array<i64: 512, 128>}, {transform_indices = @transform_2, window_bounds = array<i64: 512, 1>}, {pipeline_mode = #tpu.pipeline_mode<synchronous>, transform_indices = @transform_3, window_bounds = array<i64: 1, 128>}, {transform_indices = @transform_4, window_bounds = array<i64: 512, 128>}, {transform_indices = @transform_5, window_bounds = array<i64: 512, 128>}]} {
    %get3A = arith.constant 0 : index
    %get3A_0 = arith.constant 0 : index
    %get3A_1 = vector.load %arg3[%get3A, %get3A_0] : memref<512x1xf32, #tpu.memory_space<vmem>>, vector<512x1xf32>
    %get3A_2 = arith.constant 0 : index
    %get3A_3 = arith.constant 0 : index
    %get3A_4 = arith.constant 0 : index
    %get3A_5 = vector.load %arg1[%get3A_2, %get3A_3, %get3A_4] : memref<2x512x128xf32, #tpu.memory_space<vmem>>, vector<1x512x128xf32>
    %get3A_6 = vector.shape_cast %get3A_5 : vector<1x512x128xf32> to vector<512x128xf32>
    %get3A_7 = arith.constant 1 : index
    %get3A_8 = arith.constant 0 : index
    %get3A_9 = arith.constant 0 : index
    %get3A_10 = vector.load %arg1[%get3A_7, %get3A_8, %get3A_9] : memref<2x512x128xf32, #tpu.memory_space<vmem>>, vector<1x512x128xf32>
    %get3A_11 = vector.shape_cast %get3A_10 : vector<1x512x128xf32> to vector<512x128xf32>
    %add3A = arith.addf %get3A_6, %get3A_11 : vector<512x128xf32>
    %get3A_12 = arith.constant 0 : index
    %get3A_13 = arith.constant 0 : index
    %get3A_14 = vector.load %arg2[%get3A_12, %get3A_13] : memref<512x128xf32, #tpu.memory_space<vmem>>, vector<512x128xf32>
    %add3A_15 = arith.addf %add3A, %get3A_14 : vector<512x128xf32>
    %mul3A = vector.broadcast %get3A_1 : vector<512x1xf32> to vector<512x128xf32>
    %mul3A_16 = arith.mulf %mul3A, %add3A_15 : vector<512x128xf32>
    %get3A_17 = arith.constant 0 : index
    %get3A_18 = arith.constant 0 : index
    %get3A_19 = vector.load %arg4[%get3A_17, %get3A_18] : memref<1x128xf32, #tpu.memory_space<vmem>>, vector<1x128xf32>
    %add3A_20 = vector.broadcast %get3A_19 : vector<1x128xf32> to vector<512x128xf32>
    %add3A_21 = arith.addf %mul3A_16, %add3A_20 : vector<512x128xf32>
    %max3A = arith.constant 0.000000e+00 : f32
    %max3A_22 = vector.broadcast %max3A : f32 to vector<512x128xf32>
    %max3A_23 = arith.maximumf %add3A_21, %max3A_22 : vector<512x128xf32>
    %swap3A = arith.constant 0 : index
    %swap3A_24 = arith.constant 0 : index
    %swap3A_25 = vector.load %arg5[%swap3A, %swap3A_24] : memref<512x128xf32, #tpu.memory_space<vmem>>, vector<512x128xf32>
    tpu.vector_store %arg5[%swap3A, %swap3A_24], %max3A_23 {strides = array<i32>} : memref<512x128xf32, #tpu.memory_space<vmem>>, vector<512x128xf32>,
    %mul3A_26 = vector.broadcast %get3A_1 : vector<512x1xf32> to vector<512x128xf32>
    %mul3A_27 = arith.mulf %mul3A_26, %max3A_23 : vector<512x128xf32>
    %swap3A_28 = arith.constant 0 : index
    %swap3A_29 = arith.constant 0 : index
    %swap3A_30 = vector.load %arg6[%swap3A_28, %swap3A_29] : memref<512x128xf32, #tpu.memory_space<vmem>>, vector<512x128xf32>
    tpu.vector_store %arg6[%swap3A_28, %swap3A_29], %mul3A_27 {strides = array<i32>} : memref<512x128xf32, #tpu.memory_space<vmem>>, vector<512x128xf32>,
    return
  }
  func.func @transform_0(%arg0: i32) -> (i32, i32, i32) {
    %c0_i32 = arith.constant 0 : i32
    %c0_i32_0 = arith.constant 0 : i32
    %c0_i32_1 = arith.constant 0 : i32
    return %c0_i32, %arg0, %c0_i32_0 : i32, i32, i32
  }
  func.func @transform_1(%arg0: i32) -> (i32, i32) {
    %c0_i32 = arith.constant 0 : i32
    %c0_i32_0 = arith.constant 0 : i32
    return %arg0, %c0_i32 : i32, i32
  }
  func.func @transform_2(%arg0: i32) -> (i32, i32) {
    %c0_i32 = arith.constant 0 : i32
    %c0_i32_0 = arith.constant 0 : i32
    return %arg0, %c0_i32 : i32, i32
  }
  func.func @transform_3(%arg0: i32) -> (i32, i32) {
    %c0_i32 = arith.constant 0 : i32
    %c0_i32_0 = arith.constant 0 : i32
    %c0_i32_1 = arith.constant 0 : i32
    return %c0_i32, %c0_i32_0 : i32, i32
  }
  func.func @transform_4(%arg0: i32) -> (i32, i32) {
    %c0_i32 = arith.constant 0 : i32
    %c0_i32_0 = arith.constant 0 : i32
    return %arg0, %c0_i32 : i32, i32
  }
  func.func @transform_5(%arg0: i32) -> (i32, i32) {
    %c0_i32 = arith.constant 0 : i32
    %c0_i32_0 = arith.constant 0 : i32
    return %arg0, %c0_i32 : i32, i32
  }
}

module attributes {stable_mosaic.version = 14 : i64} {
  func.func @_fin_body(%arg0: i32, %arg1: memref<2x512x128xf32, #tpu.memory_space<vmem>>, %arg2: memref<512x128xf32, #tpu.memory_space<vmem>>, %arg3: memref<512x1xf32, #tpu.memory_space<vmem>>, %arg4: memref<128x64xf32, #tpu.memory_space<vmem>>, %arg5: memref<1x64xf32, #tpu.memory_space<vmem>>, %arg6: memref<512x64xf32, #tpu.memory_space<vmem>>) attributes {dimension_semantics = [#tpu.dimension_semantics<arbitrary>], iteration_bounds = array<i64: 20>, scalar_prefetch = 0 : i64, scratch_operands = 0 : i64, tpu.core_type = #tpu.core_type<tc>, window_params = [{transform_indices = @transform_0, window_bounds = array<i64: 2, 512, 128>}, {transform_indices = @transform_1, window_bounds = array<i64: 512, 128>}, {transform_indices = @transform_2, window_bounds = array<i64: 512, 1>}, {pipeline_mode = #tpu.pipeline_mode<synchronous>, transform_indices = @transform_3, window_bounds = array<i64: 128, 64>}, {pipeline_mode = #tpu.pipeline_mode<synchronous>, transform_indices = @transform_4, window_bounds = array<i64: 1, 64>}, {transform_indices = @transform_5, window_bounds = array<i64: 512, 64>}]} {
    %get3A = arith.constant 0 : index
    %get3A_0 = arith.constant 0 : index
    %get3A_1 = arith.constant 0 : index
    %get3A_2 = vector.load %arg1[%get3A, %get3A_0, %get3A_1] : memref<2x512x128xf32, #tpu.memory_space<vmem>>, vector<1x512x128xf32>
    %get3A_3 = vector.shape_cast %get3A_2 : vector<1x512x128xf32> to vector<512x128xf32>
    %get3A_4 = arith.constant 1 : index
    %get3A_5 = arith.constant 0 : index
    %get3A_6 = arith.constant 0 : index
    %get3A_7 = vector.load %arg1[%get3A_4, %get3A_5, %get3A_6] : memref<2x512x128xf32, #tpu.memory_space<vmem>>, vector<1x512x128xf32>
    %get3A_8 = vector.shape_cast %get3A_7 : vector<1x512x128xf32> to vector<512x128xf32>
    %add3A = arith.addf %get3A_3, %get3A_8 : vector<512x128xf32>
    %get3A_9 = arith.constant 0 : index
    %get3A_10 = arith.constant 0 : index
    %get3A_11 = vector.load %arg2[%get3A_9, %get3A_10] : memref<512x128xf32, #tpu.memory_space<vmem>>, vector<512x128xf32>
    %add3A_12 = arith.addf %add3A, %get3A_11 : vector<512x128xf32>
    %get3A_13 = arith.constant 0 : index
    %get3A_14 = arith.constant 0 : index
    %get3A_15 = vector.load %arg3[%get3A_13, %get3A_14] : memref<512x1xf32, #tpu.memory_space<vmem>>, vector<512x1xf32>
    %get3A_16 = arith.constant 0 : index
    %get3A_17 = arith.constant 0 : index
    %get3A_18 = vector.load %arg4[%get3A_16, %get3A_17] : memref<128x64xf32, #tpu.memory_space<vmem>>, vector<128x64xf32>
    %dot_general3A = arith.constant dense<0.000000e+00> : vector<512x64xf32>
    %dot_general3A_19 = tpu.matmul %add3A_12, %get3A_18, %dot_general3A {dimension_numbers = #tpu.dot_dimension_numbers<[1], [0], [0], [1], [0, 0, 1, 1], [], []>, transpose_lhs_hint = false} : vector<512x128xf32>, vector<128x64xf32>, vector<512x64xf32> -> vector<512x64xf32>
    %mul3A = vector.broadcast %get3A_15 : vector<512x1xf32> to vector<512x64xf32>
    %mul3A_20 = arith.mulf %mul3A, %dot_general3A_19 : vector<512x64xf32>
    %get3A_21 = arith.constant 0 : index
    %get3A_22 = arith.constant 0 : index
    %get3A_23 = vector.load %arg5[%get3A_21, %get3A_22] : memref<1x64xf32, #tpu.memory_space<vmem>>, vector<1x64xf32>
    %add3A_24 = vector.broadcast %get3A_23 : vector<1x64xf32> to vector<512x64xf32>
    %add3A_25 = arith.addf %mul3A_20, %add3A_24 : vector<512x64xf32>
    %swap3A = arith.constant 0 : index
    %swap3A_26 = arith.constant 0 : index
    %swap3A_27 = vector.load %arg6[%swap3A, %swap3A_26] : memref<512x64xf32, #tpu.memory_space<vmem>>, vector<512x64xf32>
    tpu.vector_store %arg6[%swap3A, %swap3A_26], %add3A_25 {strides = array<i32>} : memref<512x64xf32, #tpu.memory_space<vmem>>, vector<512x64xf32>,
    return
  }
  func.func @transform_0(%arg0: i32) -> (i32, i32, i32) {
    %c0_i32 = arith.constant 0 : i32
    %c0_i32_0 = arith.constant 0 : i32
    %c0_i32_1 = arith.constant 0 : i32
    return %c0_i32, %arg0, %c0_i32_0 : i32, i32, i32
  }
  func.func @transform_1(%arg0: i32) -> (i32, i32) {
    %c0_i32 = arith.constant 0 : i32
    %c0_i32_0 = arith.constant 0 : i32
    return %arg0, %c0_i32 : i32, i32
  }
  func.func @transform_2(%arg0: i32) -> (i32, i32) {
    %c0_i32 = arith.constant 0 : i32
    %c0_i32_0 = arith.constant 0 : i32
    return %arg0, %c0_i32 : i32, i32
  }
  func.func @transform_3(%arg0: i32) -> (i32, i32) {
    %c0_i32 = arith.constant 0 : i32
    %c0_i32_0 = arith.constant 0 : i32
    %c0_i32_1 = arith.constant 0 : i32
    return %c0_i32, %c0_i32_0 : i32, i32
  }
  func.func @transform_4(%arg0: i32) -> (i32, i32) {
    %c0_i32 = arith.constant 0 : i32
    %c0_i32_0 = arith.constant 0 : i32
    %c0_i32_1 = arith.constant 0 : i32
    return %c0_i32, %c0_i32_0 : i32, i32
  }
  func.func @transform_5(%arg0: i32) -> (i32, i32) {
    %c0_i32 = arith.constant 0 : i32
    %c0_i32_0 = arith.constant 0 : i32
    return %arg0, %c0_i32 : i32, i32
  }
}

</mosaic_0001>

<sc_bundles>
// kernel: kernel.11.cloned.1.call-start
scs
__scs_entry_jumppad:
0x0: {  	(pc) =	sbr.rel $0x88, $3  }
0x1: {  	(tag) =	ssettag $0x0;
	lr =	simm.s32 $0x1  }
0x2: {  	[smem:$0x3F9B] =	sst lr;
	_ =	strace $0xD0000000  }
0x3: {  	_ = 	snop  }
0x4: {  	_ = 	snop  }
0x5: {  	_ = 	snop  }
0x6: {  	_ = 	snop  }
0x7: {  	_ = 	snop  }
__scs_overlays_trampoline_lowered:
0x8: {  	[smem:$0x3FAA] =	sst s0  }
0x9: {  	[smem:$0x3FAB] =	sst s1  }
0xa: {  	[smem:$0x3FAC] =	sst s2  }
0xb: {  	[smem:$0x3FAD] =	sst s3  }
0xc: {  	[smem:$0x3FAE] =	sst s4  }
0xd: {  	[smem:$0x3FAF] =	sst s5  }
0xe: {  	[smem:$0x3FB0] =	sst s6  }
0xf: {  	[smem:$0x3FB1] =	sst s7  }
0x10: {  	[smem:$0x3FB2] =	sst s8  }
0x11: {  	[smem:$0x3FB3] =	sst s9;
	s0 =	simm.s32 @!p0 $0x0  }
0x12: {  	s1 =	sld [smem:$0x3F99];
	s0 =	simm.s32 @p0 $0x1  }
0x13: {  	[smem:$0x3FB4] =	sst s0;
	s0 =	simm.s32 @!p1 $0x0  }
0x14: {  	s2 =	sld [smem:$0x3F98];
	s0 =	simm.s32 @p1 $0x1  }
0x15: {  	[smem:$0x3FB5] =	sst s0;
	s0 =	simm.s32 @!p2 $0x0  }
0x16: {  	s3 =	sld [smem:$0x3FDB];
	s0 =	simm.s32 @p2 $0x1  }
0x17: {  	s4 =	simm.s32 $0x1BF5;
	[smem:$0x3FB7] =	sst s0  }
0x18: {  	s0 =	sld [smem:$0x3F9A];
	_ =	swait.ge [sflag:s4], $0x0  }
0x19: {  	s7 =	sld [smem:$0x3F9B]  }
0x1a: {  	s8 =	sadd.s32 $0xFFFFE003, lr  }
0x1b: {  	s9 =	sadd.s32 $0xFFFFFEF7, lr;
	s5 =	simm.s32 $0xFFFFFFFF;
	p2 =	slt.u32 s8, $0xFFFFF086  }
0x1c: {  	p1 =	slt.u32 s9, $0xF7A;
	s5 =	simm.s32 @!p2 $0x0  }
0x1d: {  	s5 =	simm.s32 @p1 $0x1;
	p0 =	seq.s32 s7, s2  }
0x1e: {  	s7 =	smul.u32 @!p0 $0xF7A, s2;
	p2 =	seq.s32 @!p0 s5, $0x0  }
0x1f: {  	s9 =	smul.u32 $0xF7A, s1;
	s8 =	simm.s32 @!p0 $0x1BF5;
	p2 =	por !p2, p0  }
0x20: {  	[sflag:s8] =	ssyncset.s32 @!p0 $0xFFFFF086;
	s6 =	sadd.s32 @!p0 s3, s7;
	s7 =	simm.s32 @!p0 $0x108  }
0x21: {  	s3 =	sadd.s32 s3, s9;
	s6 =	sadd.s32 @!p0 $0x88, s6;
	s7 =	simm.s32 @p2 $0x1082  }
0x22: {  	[simem:s7], [sflag:s8] =	dma.local @!p0 [hbm:s6], $0xF7A  }
0x23: {  	s9 =	sor.u32 $0xD0000000, s2;
	s6 =	simm.s32 $0x108;
	_ =	swait.ge @!p0 [sflag:s8], $0x0  }
0x24: {  	s3 =	sadd.s32 $0x88, s3;
	s6 =	simm.s32 @!p1 $0x1082;
	[sflag:s4] =	ssyncset.s32 $0xFFFFF086  }
0x25: {  	[simem:s6], [sflag:s4] =	dma.local [hbm:s3], $0xF7A  }
0x26: {  	[smem:$0x3F9B] =	sst s1;
	(tag) =	ssettag s2;
	_ =	strace s9  }
0x27: {  	s1 =	sld [smem:$0x3FAB]  }
0x28: {  	s2 =	sld [smem:$0x3FAC]  }
0x29: {  	s4 =	sld [smem:$0x3FAE]  }
0x2a: {  	p0 =	seq.s32 s5, $0x0;
	s5 =	sld [smem:$0x3FAF]  }
0x2b: {  	s6 =	sld [smem:$0x3FB0]  }
0x2c: {  	s7 =	sld [smem:$0x3FB1]  }
0x2d: {  	s3 =	simm.s32 $0x108;
	s8 =	sld [smem:$0x3FB2]  }
0x2e: {  	s3 =	simm.s32 @!p0 $0x1082;
	s9 =	sld [smem:$0x3FB3]  }
0x2f: {  	lr =	sadd.s32 s0, s3;
	s0 =	sld [smem:$0x3FAA]  }
0x30: {  	s3 =	sld [smem:$0x3FAD]  }
0x31: {  	[smem:$0x3FB6] =	sst s10  }
0x32: {  	s10 =	sld [smem:$0x3FB4];
	_ =	sdelay $0x3  }
0x33: {  	p0 =	seq.s32 s10, $0x1;
	s10 =	sld [smem:$0x3FB6];
	_ =	sdelay $0x3  }
0x34: {  	[smem:$0x3FB6] =	sst s10  }
0x35: {  	s10 =	sld [smem:$0x3FB5];
	_ =	sdelay $0x3  }
0x36: {  	p1 =	seq.s32 s10, $0x1;
	s10 =	sld [smem:$0x3FB6];
	_ =	sdelay $0x3  }
0x37: {  	[smem:$0x3FB6] =	sst s10  }
0x38: {  	s10 =	sld [smem:$0x3FB7]  }
0x39: {  	_ = 	snop;
	(pc) =	sbr.ind lr, $3  }
0x3a: {  	_ = 	snop  }
0x3b: {  	_ = 	snop  }
0x3c: {  	p2 =	seq.s32 s10, $0x1;
	s10 =	sld [smem:$0x3FB6]  }
0x3d: {  	_ =	shalt  }
0x3e: {  	_ =	shalt  }
0x3f: {  	_ =	shalt  }
0x40: {  	_ =	shalt  }
0x41: {  	_ =	shalt  }
0x42: {  	_ =	shalt  }
0x43: {  	_ =	shalt  }
0x44: {  	_ =	shalt  }
0x45: {  	_ =	shalt  }
0x46: {  	_ =	shalt  }
0x47: {  	_ =	shalt  }
0x48: {  	_ =	shalt  }
0x49: {  	_ =	shalt  }
0x4a: {  	_ =	shalt  }
0x4b: {  	_ =	shalt  }
0x4c: {  	_ =	shalt  }
0x4d: {  	_ =	shalt  }
0x4e: {  	_ =	shalt  }
0x4f: {  	_ =	shalt  }
0x50: {  	_ =	shalt  }
0x51: {  	_ =	shalt  }
0x52: {  	_ =	shalt  }
0x53: {  	_ =	shalt  }
0x54: {  	_ =	shalt  }
0x55: {  	_ =	shalt  }
0x56: {  	_ =	shalt  }
0x57: {  	_ =	shalt  }
0x58: {  	_ =	shalt  }
0x59: {  	_ =	shalt  }
0x5a: {  	_ =	shalt  }
0x5b: {  	_ =	shalt  }
0x5c: {  	_ =	shalt  }
0x5d: {  	_ =	shalt  }
0x5e: {  	_ =	shalt  }
0x5f: {  	_ =	shalt  }
0x60: {  	_ =	shalt  }
0x61: {  	_ =	shalt  }
0x62: {  	_ =	shalt  }
0x63: {  	_ =	shalt  }
0x64: {  	_ =	shalt  }
0x65: {  	_ =	shalt  }
0x66: {  	_ =	shalt  }
0x67: {  	_ =	shalt  }
0x68: {  	_ =	shalt  }
0x69: {  	_ =	shalt  }
0x6a: {  	_ =	shalt  }
0x6b: {  	_ =	shalt  }
0x6c: {  	_ =	shalt  }
0x6d: {  	_ =	shalt  }
0x6e: {  	_ =	shalt  }
0x6f: {  	_ =	shalt  }
0x70: {  	_ =	shalt  }
0x71: {  	_ =	shalt  }
0x72: {  	_ =	shalt  }
0x73: {  	_ =	shalt  }
0x74: {  	_ =	shalt  }
0x75: {  	_ =	shalt  }
0x76: {  	_ =	shalt  }
0x77: {  	_ =	shalt  }
0x78: {  	_ =	shalt  }
0x79: {  	_ =	shalt  }
0x7a: {  	_ =	shalt  }
0x7b: {  	_ =	shalt  }
0x7c: {  	_ =	shalt  }
0x7d: {  	_ =	shalt  }
0x7e: {  	_ =	shalt  }
0x7f: {  	_ =	shalt  }
0x80: {  	_ =	shalt  }
0x81: {  	_ =	shalt  }
0x82: {  	_ =	shalt  }
0x83: {  	_ =	shalt  }
0x84: {  	_ =	shalt  }
0x85: {  	_ =	shalt  }
0x86: {  	_ =	shalt  }
0x87: {  	_ =	shalt  }
.Lfunc_end0:
.L_simem_size_0:
called_computation.1_lowered:
.L_overlay_start_0:
0x88: {  	s2 =	sld [smem:$0x3FD9]  }
0x89: {  	s3 =	sld [smem:$0x3FFE];
	_ =	sdelay $0x1  }
0x8a: {  	s1 =	srdreg.scid  }
0x8b: {  	s0 =	sand.u32 $0x1, s1  }
0x8c: {  	s14 =	sshll.u32 s0, $0xA;
	s2 =	sadd.s32 s3, s2  }
0x8d: {  	s2 =	sadd.s32 s2, s14  }
0x8e: {  	[smem:$0x3FC2] =	sst s2  }
0x8f: {  	_ = 	snop  }
0x90: {  	s2 =	sld [smem:$0x3FD0];
	_ =	sdelay $0x2  }
0x91: {  	s15 =	simm.s32 $0xA;
	s4 =	simm.s32 $0x10  }
0x92: {  	[smem:s4], [sflag:s15] =	dma.local [hbm:s2], $0x1  }
0x93: {  	_ =	swait.eq [sflag:s15], $0x1  }
0x94: {  	[sflag:s15] =	ssyncset.done $0x0  }
0x95: {  	s16 =	sld [smem:$0x10];
	[sflag:s15] =	ssyncadd.s32 $0xFFFFFFFF  }
0x96: {  	s17 =	sld [smem:$0x11];
	(tm) =	ssettm $0x1  }
0x97: {  	s18 =	sld [smem:$0x3FFB];
	_ =	sdelay $0x3  }
0x98: {  	_ =	strace s18  }
0x99: {  	s4 =	sld [smem:$0x3FFC];
	_ =	sdelay $0x3  }
0x9a: {  	_ =	strace s4  }
0x9b: {  	s4 =	sld [smem:$0x3FFD];
	_ =	sdelay $0x3  }
0x9c: {  	_ =	strace s4  }
0x9d: {  	_ =	strace $0x8FFFFFFF  }
0x9e: {  	s19 =	sld [smem:$0x3FDB];
	_ =	sdelay $0x1  }
0x9f: {  	s5 =	simm.s32 $_scs_section_size  }
0xa0: {  	s6 =	simm.s32 $_size__tile_overlayer_lowered;
	s7 =	simm.s32 $_tile_overlayer_lowered  }
0xa1: {  	s22 =	simm.s32 $0x1BFF;
	s21 =	sshll.u32 s7, $0x1;
	s4 =	sadd.s32 s5, s19  }
0xa2: {  	s8 =	simm.s32 $0x0;
	s20 =	sshll.u32 s6, $0x1;
	s6 =	sadd.s32 s21, s4  }
0xa3: {  	[timem:s8], [sflag:s22] =	dma.local [hbm:s6], s20  }
0xa4: {  	_ =	swait.ge [sflag:s22], s20  }
0xa5: {  	s5 =	ssub.s32 $0x0, s20;
	[sflag:s22] =	ssyncset.done $0x0  }
0xa6: {  	[sflag:s22] =	ssyncadd.s32 s5;
	_ =	sdelay $0x1  }
0xa7: {  	s23 =	simm.s32 $0x1B8B  }
0xa8: {  	_ =	swait.ge [sflag:s23], $0x1  }
0xa9: {  	[sflag:s23] =	ssyncset.done $0x0  }
0xaa: {  	s25 =	simm.s32 $0x1B8E;
	s24 =	sld [smem:$0x3FFE];
	[sflag:s23] =	ssyncadd.s32 $0xFFFFFFFF  }
0xab: {  	s26 =	simm.s32 $execute0_lowered;
	[smem:$0x3FD2] =	sst s25  }
0xac: {  	s6 =	sshll.u32 s26, $0x1;
	_ =	strace $0x80000049;
	[dreg:$0x1] =	wrdreg $0xFFFFFFFF  }
0xad: {  	s28 =	simm.s32 $_size_execute0_lowered;
	s4 =	sadd.s32 s4, s6;
	[dreg:$0x0] =	wrdreg $0x0  }
0xae: {  	s6 =	sshll.u32 s28, $0x1;
	[dreg:$0x2] =	wrdreg s4  }
0xaf: {  	[dreg:$0x3] =	wrdreg s6  }
0xb0: {  	[dreg:$0x4] =	wrdreg $0xC0  }
0xb1: {  	_ =	task [dreg:s8], $0x5FFFF  }
0xb2: {  	[dreg:$0x1] =	wrdreg $0xFFFFFFFF  }
0xb3: {  	[dreg:$0x0] =	wrdreg $0x60  }
0xb4: {  	[dreg:$0x2] =	wrdreg s17  }
0xb5: {  	[dreg:$0x3] =	wrdreg s16  }
0xb6: {  	[dreg:$0x4] =	wrdreg s24  }
0xb7: {  	[dreg:$0x5] =	wrdreg $0xA6000  }
0xb8: {  	[dreg:$0x6] =	wrdreg $0x9  }
0xb9: {  	_ =	task.clear_ibuf [dreg:s8], $0x7FFFF;
	_ =	strace $0x90000049  }
0xba: {  	s29 =	simm.s32 $0x9;
	_ =	strace $0x8000004B  }
0xbb: {  	_ =	swait.ge [sflag:s29], $0x1  }
0xbc: {  	[sflag:s29] =	ssyncadd.s32 $0xFFFFFFFF  }
0xbd: {  	_ =	strace $0x9000004B  }
0xbe: {  	_ =	sfence  }
0xbf: {  	s30 =	sld [smem:$0x0];
	_ =	sdelay $0x2  }
0xc0: {  	s31 =	sshll.u32 s1, $0xD;
	s1 =	sshrl.u32 s1, $0x2  }
0xc1: {  	s3 =	sand.u32 $0x4000, s31;
	s1 =	sadd.s32 s1, s30  }
0xc2: {  	s0 =	sor.u32 s3, s0;
	s1 =	sshll.u32 s1, $0x11  }
0xc3: {  	s0 =	sor.u32 s1, s0  }
0xc4: {  	s0 =	sadd.s32 $0x8F2B, s0  }
0xc5: {  	[sflag:s0] =	ssyncadd.remote.s32 $0x1  }
0xc6: {  	_ =	sfence.sel $0xFFFF  }
0xc7: {  	[dreg:$0x0] =	wrdreg $0xFFFFFFFF;
	(pc) =	sbr.abs _section_cstart, $3  }
0xc8: {  	[dreg:$0x1] =	wrdreg $0xFFFFFFFF  }
0xc9: {  	_ =	task.clear_ibuf [dreg:s8], $0x2FFFF;
	_ =	strace $0x9FFFFFFF  }
0xca: {  	(tm) =	ssettm $0x7FFFFFFF  }
0xcb: {  	_ =	shalt  }
tec
execute0_lowered:
.L_overlay_start_1:
0x0: {  	(tag) =	ssettag $0x1  }
0x1: {  	s1 =	rddreg [dreg:$0x0]  }
0x2: {  	s0 =	rddreg [dreg:$0x1]  }
0x3: {  	s2 =	rddreg [dreg:$0x2];
	s4 =	srdreg.scid  }
0x4: {  	s21 =	stileid.u32;
	s3 =	rddreg [dreg:$0x3];
	s6 =	simm.s32 $0x0  }
0x5: {  	s10 =	simm.s32 $0x48;
	s28 =	simm.s32 $0x2480;
	s29 =	simm.s32 $0x2  }
0x6: {  	s30 =	simm.s32 $0x2580;
	s31 =	simm.s32 $0x0;
	s4 =	sand.u32 $0x1, s4  }
0x7: {  	s5 =	sshll.u32 s21, $0x1;
	[smem:$0x7FF] =	sst s6;
	s2 =	sadd.s32 $0x2E00, s2  }
0x8: {  	s13 =	sshll.u32 s21, $0xE;
	s5 =	sor.u32 s4, s5;
	s19 =	ssub.s32 $0x2, s4  }
0x9: {  	_ =	strace $0x8000004A;
	p0 =	seq.s32 s4, $0x0;
	s20 =	sor.u32 $0x40000, s13  }
0xa: {  	s6 =	sadd.s32 s13, s3;
	s14 =	sor.u32 $0x80000, s13;
	s16 =	sor.u32 $0xC0000, s13  }
0xb: {  	s17 =	smul.u32 $0x13C000, s4;
	s18 =	sor.u32 $0x100000, s13;
	p1 =	sne.s32 s4, $0x0  }
0xc: {  	s5 =	smul.u32 $0x4400, s5;
	s7 =	sshrl.u32 s19, $0x1;
	s8 =	sadd.s32 s14, s3  }
0xd: {  	s9 =	sadd.s32 s16, s3;
	s11 =	sadd.s32 s18, s3;
	s10 =	simm.s32 @!p0 $0x1A  }
0xe: {  	p0 =	seq.s32 s21, $0xF;
	s21 =	simm.s32 $0x2600;
	s12 =	ssub.s32 s19, s7  }
0xf: {  	s7 =	sadd.s32 s20, s3;
	s13 =	sadd.s32 s13, s17;
	s15 =	sshrl.u32 s10, $0x1  }
0x10: {  	s23 =	sadd.s32 s17, s14;
	s24 =	sadd.s32 s17, s16;
	s25 =	sadd.s32 s17, s18  }
0x11: {  	s5 =	sshrl.u32 s5, $0x3;
	[dreg:$0x5] =	wrdreg s15;
	s13 =	sshrl.u32 s13, $0x3  }
0x12: {  	s26 =	sshrl.u32 s25, $0x3;
	s19 =	smax.u32 s12, $0x1;
	s25 =	simm.s32 $0x6600  }
0x13: {  	s5 =	sadd.s32 s0, s5;
	s0 =	sadd.s32 s17, s20;
	s13 =	sadd.s32 s2, s13  }
.Ltmp0:
0x14: {  	s18 =	sadd.s32 s2, s26;
	s20 =	simm.s32 $0x3;
	(pc) =	sbr.rel .LBB2_1-.Ltmp0, $4  }
0x15: {  	s26 =	simm.s32 $0x1;
	s22 =	sadd.s32 $0x480, s5;
	[dreg:$0x7] =	wrdreg s13  }
0x16: {  	s0 =	sshrl.u32 s0, $0x3;
	s13 =	sshrl.u32 s24, $0x3;
	s24 =	simm.s32 $0x2500  }
0x17: {  	[dreg:$0x6] =	wrdreg s22;
	s15 =	sadd.s32 s2, s0;
	s0 =	sshrl.u32 s23, $0x3  }
0x18: {  	v0 =	vimm.f32 $0.0e+00;
	s17 =	sadd.s32 s2, s13;
	s22 =	simm.s32 $0x80;
	s16 =	sadd.s32 s2, s0  }
.LBB2_8:
0x19: {  	[tilespmem:$0x24E0] =	vst @!p3 v1  }
0x1a: {  	v1 =	vld @!p3 [tilespmem:s0+$0x170];
	_ =	sdelay $0x4  }
0x1b: {  	v2 =	vand.u32 @!p3 $0x3FFF, v1  }
0x1c: {  	v1 =	vshra.s32 @!p3 v1, $0xE;
	[tilespmem:$0x2470] =	vst @!p3 v2  }
0x1d: {  	[tilespmem:$0x24F0] =	vst @!p3 v1  }
0x1e: {  	[tilespmem:s14], [sflag:$0x1] =	stream.indirect.gather @!p3 [hbm4b:s1+s12], $0x80, s13, s12, $0xb8;
	[tilespmem:$0x1E200] =	vst v63  }
0x1f: {  	_ =	swait.ge [sflag:s29], $0x4000  }
0x20: {  	[sflag:s29] =	ssyncset.done $0x0  }
0x21: {  	[sflag:s29] =	ssyncadd.s32 $0xFFFFC000  }
0x22: {  	[spmem:s3] =	stream.indirect.scatter.add.f32 [tilespmem:s25], [sflag:$0x3], $0x80, s30, s22, $0xb8;
	[tilespmem:$0x1E200] =	vst v63  }
0x23: {  	_ =	swait.ge [sflag:s20], $0x4000  }
0x24: {  	[sflag:s20] =	ssyncset.done $0x0  }
0x25: {  	[sflag:s20] =	ssyncadd.s32 $0xFFFFC000  }
.LBB2_9:
0x26: {  	s0 =	stileid.u32  }
0x27: {  	[bflag:$0x0] =	sbarrier.arrive $0xFFFF;
	s0 =	sshll.u32 s0, $0x6  }
0x28: {  	s2 =	sshrl.u32 s6, $0x3;
	s4 =	rddreg [dreg:$0x7];
	s0 =	sor.u32 $0x1C03, s0  }
0x29: {  	[hbm:s4], [sflag:s0] =	dma.local [spmem:s2], $0x800  }
0x2a: {  	_ =	swait.ge [sflag:s20], $0x800  }
0x2b: {  	[sflag:s20] =	ssyncset.done $0x0  }
0x2c: {  	s13 =	sshrl.u32 s7, $0x3;
	[sflag:s20] =	ssyncadd.s32 $0xFFFFF800  }
0x2d: {  	[hbm:s15], [sflag:s0] =	dma.local [spmem:s13], $0x800  }
0x2e: {  	_ =	swait.ge [sflag:s20], $0x800  }
0x2f: {  	[sflag:s20] =	ssyncset.done $0x0  }
0x30: {  	s14 =	sshrl.u32 s8, $0x3;
	[sflag:s20] =	ssyncadd.s32 $0xFFFFF800  }
0x31: {  	[hbm:s16], [sflag:s0] =	dma.local [spmem:s14], $0x800  }
0x32: {  	_ =	swait.ge [sflag:s20], $0x800  }
0x33: {  	[sflag:s20] =	ssyncset.done $0x0  }
0x34: {  	s23 =	sshrl.u32 s9, $0x3;
	[sflag:s20] =	ssyncadd.s32 $0xFFFFF800  }
0x35: {  	[hbm:s17], [sflag:s0] =	dma.local [spmem:s23], $0x800  }
0x36: {  	_ =	swait.ge [sflag:s20], $0x800  }
0x37: {  	s31 =	sadd.s32 $0x1, s31;
	[sflag:s20] =	ssyncset.done $0x0  }
0x38: {  	p2 =	sne.s32 s31, s19;
	s2 =	sshrl.u32 @!p0 s11, $0x3;
	[sflag:s20] =	ssyncadd.s32 $0xFFFFF800  }
0x39: {  	[hbm:s18], [sflag:s0] =	dma.local @!p0 [spmem:s2], $0x800  }
.Ltmp1:
0x3a: {  	_ = 	snop;
	(pc) =	sbr.rel @!p2 .LBB2_10-.Ltmp1, $4  }
0x3b: {  	s0 =	simm.s32 @!p0 $0x3  }
0x3c: {  	_ =	swait.ge @!p0 [sflag:s0], $0x800  }
0x3d: {  	[sflag:s0] =	ssyncset.done @!p0 $0x0  }
0x3e: {  	[sflag:s0] =	ssyncadd.s32 @!p0 $0xFFFFF800  }
.LBB2_1:
0x3f: {  	s0 =	simm.s32 $0x0  }
0x40: {  	[tilespmem:s0], [sflag:$0x3] =	stream.linear.gather [hbm4b:s5+s0], $0x2400, $0x38;
	[tilespmem:$0x1E200] =	vst v63  }
0x41: {  	_ =	swait.ge [sflag:s20], $0x2400  }
0x42: {  	[sflag:s20] =	ssyncset.done $0x0  }
0x43: {  	s2 =	simm.s32 $0x200;
	s0 =	simm.s32 $0x0;
	[sflag:s20] =	ssyncadd.s32 $0xFFFFDC00  }
.LBB2_2:
0x44: {  	p2 =	sne.s32 s2, $0xFE00;
	[tilespmem:s0+$0x2670] =	vst v0  }
0x45: {  	[tilespmem:s0+$0x2600] =	vst v0  }
0x46: {  	[tilespmem:s0+$0x2610] =	vst v0  }
.Ltmp2:
0x47: {  	[tilespmem:s0+$0x2620] =	vst v0;
	(pc) =	sbr.rel @p2 .LBB2_2-.Ltmp2, $4  }
0x48: {  	[tilespmem:s0+$0x2630] =	vst v0  }
0x49: {  	[tilespmem:s0+$0x2640] =	vst v0  }
0x4a: {  	[tilespmem:s0+$0x2650] =	vst v0  }
0x4b: {  	[tilespmem:s0+$0x2660] =	vst v0;
	s0 =	sshra.s32 s2, $0x2;
	s2 =	sadd.s32 $0x200, s2  }
0x4c: {  	[tilespmem:s0+$0x2670] =	vst v0  }
0x4d: {  	[tilespmem:s0+$0x2600] =	vst v0  }
0x4e: {  	[tilespmem:s0+$0x2610] =	vst v0  }
0x4f: {  	[tilespmem:s0+$0x2620] =	vst v0  }
0x50: {  	[tilespmem:s0+$0x2630] =	vst v0  }
0x51: {  	[tilespmem:s0+$0x2640] =	vst v0  }
0x52: {  	[tilespmem:s0+$0x2650] =	vst v0  }
0x53: {  	[tilespmem:s0+$0x2660] =	vst v0  }
0x54: {  	[spmem:s6] =	stream.linear.scatter [tilespmem:s21], [sflag:$0x3], $0x4000, $0x38;
	[tilespmem:$0x1E200] =	vst v63  }
0x55: {  	_ =	swait.ge [sflag:s20], $0x4000  }
0x56: {  	[sflag:s20] =	ssyncset.done $0x0  }
0x57: {  	[sflag:s20] =	ssyncadd.s32 $0xFFFFC000  }
0x58: {  	[spmem:s7] =	stream.linear.scatter [tilespmem:s21], [sflag:$0x3], $0x4000, $0x38;
	[tilespmem:$0x1E200] =	vst v63  }
0x59: {  	_ =	swait.ge [sflag:s20], $0x4000  }
0x5a: {  	[sflag:s20] =	ssyncset.done $0x0  }
0x5b: {  	[sflag:s20] =	ssyncadd.s32 $0xFFFFC000  }
0x5c: {  	[spmem:s8] =	stream.linear.scatter [tilespmem:s21], [sflag:$0x3], $0x4000, $0x38;
	[tilespmem:$0x1E200] =	vst v63  }
0x5d: {  	_ =	swait.ge [sflag:s20], $0x4000  }
0x5e: {  	[sflag:s20] =	ssyncset.done $0x0  }
0x5f: {  	[sflag:s20] =	ssyncadd.s32 $0xFFFFC000  }
0x60: {  	[spmem:s9] =	stream.linear.scatter [tilespmem:s21], [sflag:$0x3], $0x4000, $0x38;
	[tilespmem:$0x1E200] =	vst v63  }
0x61: {  	_ =	swait.ge [sflag:s20], $0x4000  }
0x62: {  	[sflag:s20] =	ssyncset.done $0x0  }
0x63: {  	s0 =	simm.s32 @!p0 $0x2600;
	[sflag:s20] =	ssyncadd.s32 $0xFFFFC000  }
0x64: {  	[spmem:s11] =	stream.linear.scatter @!p0 [tilespmem:s0], [sflag:$0x3], $0x4000, $0x38;
	[tilespmem:$0x1E200] =	vst v63  }
0x65: {  	s0 =	simm.s32 @!p0 $0x3  }
0x66: {  	_ =	swait.ge @!p0 [sflag:s0], $0x4000  }
0x67: {  	[sflag:s0] =	ssyncset.done @!p0 $0x0  }
0x68: {  	[sflag:s0] =	ssyncadd.s32 @!p0 $0xFFFFC000  }
0x69: {  	[bflag:$0x0] =	sbarrier.arrive $0xFFFF  }
0x6a: {  	v1 =	vld [tilespmem:$0x0];
	_ =	sdelay $0x1  }
0x6b: {  	v2 =	vld [tilespmem:$0x10];
	_ =	sdelay $0x1  }
0x6c: {  	v3 =	vld [tilespmem:$0x20]  }
0x6d: {  	v4 =	vand.u32 $0x3FFF, v1  }
0x6e: {  	v62 =	vld [tilespmem:$0x30];
	v1 =	vshra.s32 v1, $0xE;
	[tilespmem:$0x2400] =	vst v4  }
0x6f: {  	[tilespmem:$0x2480] =	vst v1;
	v1 =	vand.u32 $0x3FFF, v2  }
0x70: {  	[tilespmem:$0x2410] =	vst v1;
	v1 =	vshra.s32 v2, $0xE;
	v2 =	vld [tilespmem:$0x40]  }
0x71: {  	[tilespmem:$0x2490] =	vst v1;
	v1 =	vand.u32 $0x3FFF, v3  }
0x72: {  	[tilespmem:$0x2420] =	vst v1;
	v1 =	vshra.s32 v3, $0xE;
	v3 =	vld [tilespmem:$0x50]  }
0x73: {  	[tilespmem:$0x24A0] =	vst v1;
	v1 =	vand.u32 $0x3FFF, v62  }
0x74: {  	v63 =	vld [tilespmem:$0x60];
	[tilespmem:$0x2430] =	vst v1;
	v1 =	vshra.s32 v62, $0xE  }
0x75: {  	[tilespmem:$0x24B0] =	vst v1;
	v1 =	vand.u32 $0x3FFF, v2  }
0x76: {  	[tilespmem:$0x2440] =	vst v1;
	v1 =	vshra.s32 v2, $0xE;
	v2 =	vld [tilespmem:$0x70]  }
0x77: {  	[tilespmem:$0x24C0] =	vst v1;
	v1 =	vand.u32 $0x3FFF, v3  }
0x78: {  	[tilespmem:$0x2450] =	vst v1;
	v1 =	vshra.s32 v3, $0xE  }
0x79: {  	[tilespmem:$0x24D0] =	vst v1;
	v1 =	vand.u32 $0x3FFF, v63  }
0x7a: {  	[tilespmem:$0x2460] =	vst v1;
	v1 =	vshra.s32 v63, $0xE  }
0x7b: {  	[tilespmem:$0x24E0] =	vst v1;
	v1 =	vand.u32 $0x3FFF, v2  }
0x7c: {  	[tilespmem:$0x2470] =	vst v1;
	v1 =	vshra.s32 v2, $0xE  }
0x7d: {  	s14 =	simm.s32 $0x2400;
	s2 =	simm.s32 $0xC0;
	[tilespmem:$0x24F0] =	vst v1  }
0x7e: {  	[tilespmem:s21], [sflag:$0x1] =	stream.indirect.gather [hbm4b:s1+s22], $0x80, s14, s22, $0xb8;
	[tilespmem:$0x1E200] =	vst v63  }
0x7f: {  	v1 =	vld [tilespmem:s2+$0xFFFFFFC0];
	_ =	sdelay $0x4  }
0x80: {  	v2 =	vand.u32 $0x3FFF, v1  }
0x81: {  	v1 =	vshra.s32 v1, $0xE;
	[tilespmem:$0x2500] =	vst v2  }
0x82: {  	[tilespmem:$0x2580] =	vst v1  }
0x83: {  	v1 =	vld [tilespmem:s2+$0xFFFFFFD0];
	_ =	sdelay $0x4  }
0x84: {  	v2 =	vand.u32 $0x3FFF, v1  }
0x85: {  	v1 =	vshra.s32 v1, $0xE;
	[tilespmem:$0x2510] =	vst v2  }
0x86: {  	[tilespmem:$0x2590] =	vst v1  }
0x87: {  	v1 =	vld [tilespmem:s2+$0xFFFFFFE0];
	_ =	sdelay $0x4  }
0x88: {  	v2 =	vand.u32 $0x3FFF, v1  }
0x89: {  	v1 =	vshra.s32 v1, $0xE;
	[tilespmem:$0x2520] =	vst v2  }
0x8a: {  	[tilespmem:$0x25A0] =	vst v1  }
0x8b: {  	v1 =	vld [tilespmem:s2+$0xFFFFFFF0];
	_ =	sdelay $0x4  }
0x8c: {  	v2 =	vand.u32 $0x3FFF, v1  }
0x8d: {  	v1 =	vshra.s32 v1, $0xE;
	[tilespmem:$0x2530] =	vst v2  }
0x8e: {  	[tilespmem:$0x25B0] =	vst v1  }
0x8f: {  	v1 =	vld [tilespmem:s2+$0x0];
	_ =	sdelay $0x4  }
0x90: {  	v2 =	vand.u32 $0x3FFF, v1  }
0x91: {  	v1 =	vshra.s32 v1, $0xE;
	[tilespmem:$0x2540] =	vst v2  }
0x92: {  	[tilespmem:$0x25C0] =	vst v1  }
0x93: {  	v1 =	vld [tilespmem:s2+$0x10];
	_ =	sdelay $0x4  }
0x94: {  	v2 =	vand.u32 $0x3FFF, v1  }
0x95: {  	v1 =	vshra.s32 v1, $0xE;
	[tilespmem:$0x2550] =	vst v2  }
0x96: {  	[tilespmem:$0x25D0] =	vst v1  }
0x97: {  	v1 =	vld [tilespmem:s2+$0x20];
	_ =	sdelay $0x4  }
0x98: {  	v2 =	vand.u32 $0x3FFF, v1  }
0x99: {  	v1 =	vshra.s32 v1, $0xE;
	[tilespmem:$0x2560] =	vst v2  }
0x9a: {  	[tilespmem:$0x25E0] =	vst v1  }
0x9b: {  	v1 =	vld [tilespmem:s2+$0x30];
	_ =	sdelay $0x4  }
0x9c: {  	v2 =	vand.u32 $0x3FFF, v1  }
0x9d: {  	v1 =	vshra.s32 v1, $0xE;
	[tilespmem:$0x2570] =	vst v2  }
0x9e: {  	[tilespmem:$0x25F0] =	vst v1  }
0x9f: {  	[tilespmem:s25], [sflag:$0x2] =	stream.indirect.gather [hbm4b:s1+s22], $0x80, s24, s22, $0xb8;
	[tilespmem:$0x1E200] =	vst v63  }
0xa0: {  	_ =	swait.ge [sflag:s26], $0x4000  }
0xa1: {  	[sflag:s26] =	ssyncset.done $0x0  }
0xa2: {  	[sflag:s26] =	ssyncadd.s32 $0xFFFFC000  }
0xa3: {  	[spmem:s3] =	stream.indirect.scatter.add.f32 [tilespmem:s21], [sflag:$0x3], $0x80, s28, s22, $0xb8;
	[tilespmem:$0x1E200] =	vst v63  }
0xa4: {  	_ =	swait.ge [sflag:s20], $0x4000  }
0xa5: {  	[sflag:s20] =	ssyncset.done $0x0  }
0xa6: {  	p3 =	sle.u32 s10, $0x2;
	[sflag:s20] =	ssyncadd.s32 $0xFFFFC000  }
0xa7: {  	v1 =	vld @!p3 [tilespmem:s2+$0x40];
	_ =	sdelay $0x4  }
0xa8: {  	v2 =	vand.u32 @!p3 $0x3FFF, v1  }
0xa9: {  	v1 =	vshra.s32 @!p3 v1, $0xE;
	[tilespmem:$0x2400] =	vst @!p3 v2  }
0xaa: {  	[tilespmem:$0x2480] =	vst @!p3 v1  }
0xab: {  	v1 =	vld @!p3 [tilespmem:s2+$0x50];
	_ =	sdelay $0x4  }
0xac: {  	v2 =	vand.u32 @!p3 $0x3FFF, v1  }
0xad: {  	v1 =	vshra.s32 @!p3 v1, $0xE;
	[tilespmem:$0x2410] =	vst @!p3 v2  }
0xae: {  	[tilespmem:$0x2490] =	vst @!p3 v1  }
0xaf: {  	v1 =	vld @!p3 [tilespmem:s2+$0x60];
	_ =	sdelay $0x4  }
0xb0: {  	v2 =	vand.u32 @!p3 $0x3FFF, v1  }
0xb1: {  	v1 =	vshra.s32 @!p3 v1, $0xE;
	[tilespmem:$0x2420] =	vst @!p3 v2  }
0xb2: {  	[tilespmem:$0x24A0] =	vst @!p3 v1  }
0xb3: {  	v1 =	vld @!p3 [tilespmem:s2+$0x70];
	_ =	sdelay $0x4  }
0xb4: {  	v2 =	vand.u32 @!p3 $0x3FFF, v1  }
0xb5: {  	v1 =	vshra.s32 @!p3 v1, $0xE;
	[tilespmem:$0x2430] =	vst @!p3 v2  }
0xb6: {  	[tilespmem:$0x24B0] =	vst @!p3 v1  }
0xb7: {  	v1 =	vld @!p3 [tilespmem:s2+$0x80];
	_ =	sdelay $0x4  }
0xb8: {  	v2 =	vand.u32 @!p3 $0x3FFF, v1  }
0xb9: {  	v1 =	vshra.s32 @!p3 v1, $0xE;
	[tilespmem:$0x2440] =	vst @!p3 v2  }
0xba: {  	[tilespmem:$0x24C0] =	vst @!p3 v1  }
0xbb: {  	v1 =	vld @!p3 [tilespmem:s2+$0x90];
	_ =	sdelay $0x4  }
0xbc: {  	v2 =	vand.u32 @!p3 $0x3FFF, v1  }
0xbd: {  	v1 =	vshra.s32 @!p3 v1, $0xE;
	[tilespmem:$0x2450] =	vst @!p3 v2  }
0xbe: {  	s23 =	rddreg [dreg:$0x5];
	[tilespmem:$0x24D0] =	vst @!p3 v1  }
0xbf: {  	s4 =	sadd.s32 $0xFFFFFFFF, s23;
	v1 =	vld @!p3 [tilespmem:s2+$0xA0]  }
0xc0: {  	p2 =	sne.s32 s4, $0x0  }
.Ltmp3:
0xc1: {  	_ = 	snop;
	(pc) =	sbr.rel @!p2 .LBB2_5-.Ltmp3, $3  }
0xc2: {  	_ =	sdelay $0x1  }
0xc3: {  	s13 =	simm.s32 $0x2;
	s12 =	simm.s32 @!p3 $0x2400;
	v2 =	vand.u32 @!p3 $0x3FFF, v1  }
0xc4: {  	s0 =	simm.s32 $0xC0;
	s14 =	simm.s32 @!p3 $0x2600;
	s23 =	simm.s32 @!p3 $0x80;
	v1 =	vshra.s32 @!p3 v1, $0xE;
	[tilespmem:$0x2460] =	vst @!p3 v2  }
.LBB2_4:
0xc5: {  	s4 =	sadd.s32 $0xFFFFFFFF, s4;
	[tilespmem:$0x24E0] =	vst @!p3 v1;
	s13 =	sadd.s32 $0x2, s13;
	s0 =	sadd.s32 $0x100, s0  }
0xc6: {  	p2 =	sne.s32 s4, $0x0;
	v1 =	vld @!p3 [tilespmem:s2+$0xB0];
	s2 =	smov.u32 s0;
	_ =	sdelay $0x4  }
0xc7: {  	v2 =	vand.u32 @!p3 $0x3FFF, v1;
	v1 =	vshra.s32 @!p3 v1, $0xE  }
0xc8: {  	[tilespmem:$0x2470] =	vst @!p3 v2  }
0xc9: {  	[tilespmem:$0x24F0] =	vst @!p3 v1  }
0xca: {  	[tilespmem:s14], [sflag:$0x1] =	stream.indirect.gather @!p3 [hbm4b:s1+s23], $0x80, s12, s23, $0xb8;
	[tilespmem:$0x1E200] =	vst v63  }
0xcb: {  	_ =	swait.ge [sflag:s29], $0x4000  }
0xcc: {  	[sflag:s29] =	ssyncset.done $0x0  }
0xcd: {  	[sflag:s29] =	ssyncadd.s32 $0xFFFFC000  }
0xce: {  	[spmem:s3] =	stream.indirect.scatter.add.f32 [tilespmem:s25], [sflag:$0x3], $0x80, s30, s22, $0xb8;
	[tilespmem:$0x1E200] =	vst v63  }
0xcf: {  	_ =	swait.ge [sflag:s20], $0x4000  }
0xd0: {  	[sflag:s20] =	ssyncset.done $0x0  }
0xd1: {  	[sflag:s20] =	ssyncadd.s32 $0xFFFFC000  }
0xd2: {  	v1 =	vld [tilespmem:s0+$0xFFFFFFC0];
	_ =	sdelay $0x4  }
0xd3: {  	v2 =	vand.u32 $0x3FFF, v1;
	v1 =	vshra.s32 v1, $0xE  }
0xd4: {  	[tilespmem:$0x2500] =	vst v2  }
0xd5: {  	[tilespmem:$0x2580] =	vst v1  }
0xd6: {  	v1 =	vld [tilespmem:s0+$0xFFFFFFD0];
	_ =	sdelay $0x4  }
0xd7: {  	v2 =	vand.u32 $0x3FFF, v1;
	v1 =	vshra.s32 v1, $0xE  }
0xd8: {  	[tilespmem:$0x2510] =	vst v2  }
0xd9: {  	[tilespmem:$0x2590] =	vst v1  }
0xda: {  	v1 =	vld [tilespmem:s0+$0xFFFFFFE0];
	_ =	sdelay $0x4  }
0xdb: {  	v2 =	vand.u32 $0x3FFF, v1;
	v1 =	vshra.s32 v1, $0xE  }
0xdc: {  	[tilespmem:$0x2520] =	vst v2  }
0xdd: {  	[tilespmem:$0x25A0] =	vst v1  }
0xde: {  	v1 =	vld [tilespmem:s0+$0xFFFFFFF0];
	_ =	sdelay $0x4  }
0xdf: {  	v2 =	vand.u32 $0x3FFF, v1;
	v1 =	vshra.s32 v1, $0xE  }
0xe0: {  	[tilespmem:$0x2530] =	vst v2  }
0xe1: {  	[tilespmem:$0x25B0] =	vst v1  }
0xe2: {  	v1 =	vld [tilespmem:s0+$0x0];
	_ =	sdelay $0x4  }
0xe3: {  	v2 =	vand.u32 $0x3FFF, v1;
	v1 =	vshra.s32 v1, $0xE  }
0xe4: {  	[tilespmem:$0x2540] =	vst v2  }
0xe5: {  	[tilespmem:$0x25C0] =	vst v1  }
0xe6: {  	v1 =	vld [tilespmem:s0+$0x10];
	_ =	sdelay $0x4  }
0xe7: {  	v2 =	vand.u32 $0x3FFF, v1;
	v1 =	vshra.s32 v1, $0xE  }
0xe8: {  	[tilespmem:$0x2550] =	vst v2  }
0xe9: {  	[tilespmem:$0x25D0] =	vst v1  }
0xea: {  	v1 =	vld [tilespmem:s0+$0x20];
	_ =	sdelay $0x4  }
0xeb: {  	v2 =	vand.u32 $0x3FFF, v1;
	v1 =	vshra.s32 v1, $0xE  }
0xec: {  	[tilespmem:$0x2560] =	vst v2  }
0xed: {  	[tilespmem:$0x25E0] =	vst v1  }
0xee: {  	v1 =	vld [tilespmem:s0+$0x30];
	_ =	sdelay $0x4  }
0xef: {  	v2 =	vand.u32 $0x3FFF, v1;
	v1 =	vshra.s32 v1, $0xE  }
0xf0: {  	[tilespmem:$0x2570] =	vst v2  }
0xf1: {  	[tilespmem:$0x25F0] =	vst v1  }
0xf2: {  	[tilespmem:s25], [sflag:$0x2] =	stream.indirect.gather [hbm4b:s1+s22], $0x80, s24, s22, $0xb8;
	[tilespmem:$0x1E200] =	vst v63  }
0xf3: {  	_ =	swait.ge [sflag:s26], $0x4000  }
0xf4: {  	[sflag:s26] =	ssyncset.done $0x0  }
0xf5: {  	[sflag:s26] =	ssyncadd.s32 $0xFFFFC000  }
0xf6: {  	[spmem:s3] =	stream.indirect.scatter.add.f32 [tilespmem:s21], [sflag:$0x3], $0x80, s28, s22, $0xb8;
	[tilespmem:$0x1E200] =	vst v63  }
0xf7: {  	_ =	swait.ge [sflag:s20], $0x4000  }
0xf8: {  	[sflag:s20] =	ssyncset.done $0x0  }
0xf9: {  	p3 =	sge.u32 s13, s10;
	[sflag:s20] =	ssyncadd.s32 $0xFFFFC000  }
0xfa: {  	v1 =	vld @!p3 [tilespmem:s0+$0x40];
	_ =	sdelay $0x4  }
0xfb: {  	v2 =	vand.u32 @!p3 $0x3FFF, v1;
	v1 =	vshra.s32 @!p3 v1, $0xE  }
0xfc: {  	[tilespmem:$0x2400] =	vst @!p3 v2  }
0xfd: {  	[tilespmem:$0x2480] =	vst @!p3 v1  }
0xfe: {  	v1 =	vld @!p3 [tilespmem:s0+$0x50];
	_ =	sdelay $0x4  }
0xff: {  	v2 =	vand.u32 @!p3 $0x3FFF, v1;
	v1 =	vshra.s32 @!p3 v1, $0xE  }
0x100: {  	[tilespmem:$0x2410] =	vst @!p3 v2  }
0x101: {  	[tilespmem:$0x2490] =	vst @!p3 v1  }
0x102: {  	v1 =	vld @!p3 [tilespmem:s0+$0x60];
	_ =	sdelay $0x4  }
0x103: {  	v2 =	vand.u32 @!p3 $0x3FFF, v1;
	v1 =	vshra.s32 @!p3 v1, $0xE  }
0x104: {  	[tilespmem:$0x2420] =	vst @!p3 v2  }
0x105: {  	[tilespmem:$0x24A0] =	vst @!p3 v1  }
0x106: {  	v1 =	vld @!p3 [tilespmem:s0+$0x70];
	_ =	sdelay $0x4  }
0x107: {  	v2 =	vand.u32 @!p3 $0x3FFF, v1;
	v1 =	vshra.s32 @!p3 v1, $0xE  }
0x108: {  	[tilespmem:$0x2430] =	vst @!p3 v2  }
0x109: {  	[tilespmem:$0x24B0] =	vst @!p3 v1  }
0x10a: {  	v1 =	vld @!p3 [tilespmem:s0+$0x80];
	_ =	sdelay $0x4  }
0x10b: {  	v2 =	vand.u32 @!p3 $0x3FFF, v1;
	v1 =	vshra.s32 @!p3 v1, $0xE  }
0x10c: {  	[tilespmem:$0x2440] =	vst @!p3 v2  }
0x10d: {  	[tilespmem:$0x24C0] =	vst @!p3 v1  }
0x10e: {  	v1 =	vld @!p3 [tilespmem:s0+$0x90];
	_ =	sdelay $0x4  }
0x10f: {  	v2 =	vand.u32 @!p3 $0x3FFF, v1;
	v1 =	vshra.s32 @!p3 v1, $0xE  }
0x110: {  	[tilespmem:$0x2450] =	vst @!p3 v2  }
0x111: {  	s23 =	simm.s32 @!p3 $0x80;
	s12 =	simm.s32 @!p3 $0x2400;
	s14 =	simm.s32 @!p3 $0x2600;
	[tilespmem:$0x24D0] =	vst @!p3 v1  }
0x112: {  	v1 =	vld @!p3 [tilespmem:s0+$0xA0];
	_ =	sdelay $0x1  }
.Ltmp4:
0x113: {  	(pc) =	sbr.rel @p2 .LBB2_4-.Ltmp4, $3  }
0x114: {  	_ =	sdelay $0x1  }
0x115: {  	v2 =	vand.u32 @!p3 $0x3FFF, v1;
	v1 =	vshra.s32 @!p3 v1, $0xE  }
0x116: {  	[tilespmem:$0x2460] =	vst @!p3 v2  }
.LBB2_5:
0x117: {  	[tilespmem:$0x24E0] =	vst @!p3 v1  }
0x118: {  	v1 =	vld @!p3 [tilespmem:s2+$0xB0];
	_ =	sdelay $0x4  }
0x119: {  	v2 =	vand.u32 @!p3 $0x3FFF, v1  }
0x11a: {  	v1 =	vshra.s32 @!p3 v1, $0xE;
	[tilespmem:$0x2470] =	vst @!p3 v2  }
0x11b: {  	[tilespmem:$0x24F0] =	vst @!p3 v1  }
0x11c: {  	[tilespmem:s14], [sflag:$0x1] =	stream.indirect.gather @!p3 [hbm4b:s1+s23], $0x80, s12, s23, $0xb8;
	[tilespmem:$0x1E200] =	vst v63  }
0x11d: {  	_ =	swait.ge [sflag:s29], $0x4000  }
0x11e: {  	[sflag:s29] =	ssyncset.done $0x0  }
.Ltmp5:
0x11f: {  	[sflag:s29] =	ssyncadd.s32 $0xFFFFC000;
	(pc) =	sbr.rel @p1 .LBB2_9-.Ltmp5, $4  }
0x120: {  	[spmem:s3] =	stream.indirect.scatter.add.f32 [tilespmem:s25], [sflag:$0x3], $0x80, s30, s22, $0xb8;
	[tilespmem:$0x1E200] =	vst v63  }
0x121: {  	_ =	swait.ge [sflag:s20], $0x4000  }
0x122: {  	[sflag:s20] =	ssyncset.done $0x0  }
0x123: {  	[sflag:s20] =	ssyncadd.s32 $0xFFFFC000  }
0x124: {  	s0 =	simm.s32 $0x0;
	s2 =	rddreg [dreg:$0x6]  }
0x125: {  	[tilespmem:s0], [sflag:$0x3] =	stream.linear.gather [hbm4b:s2+s0], $0x1E00, $0x38;
	[tilespmem:$0x1E200] =	vst v63  }
0x126: {  	_ =	swait.ge [sflag:s20], $0x1E00  }
0x127: {  	[sflag:s20] =	ssyncset.done $0x0  }
0x128: {  	[sflag:s20] =	ssyncadd.s32 $0xFFFFE200  }
0x129: {  	v1 =	vld [tilespmem:$0x0];
	_ =	sdelay $0x1  }
0x12a: {  	v2 =	vld [tilespmem:$0x10];
	_ =	sdelay $0x1  }
0x12b: {  	v3 =	vld [tilespmem:$0x20]  }
0x12c: {  	v4 =	vand.u32 $0x3FFF, v1  }
0x12d: {  	v62 =	vld [tilespmem:$0x30];
	v1 =	vshra.s32 v1, $0xE;
	[tilespmem:$0x2400] =	vst v4  }
0x12e: {  	[tilespmem:$0x2480] =	vst v1;
	v1 =	vand.u32 $0x3FFF, v2  }
0x12f: {  	[tilespmem:$0x2410] =	vst v1;
	v1 =	vshra.s32 v2, $0xE;
	v2 =	vld [tilespmem:$0x40]  }
0x130: {  	[tilespmem:$0x2490] =	vst v1;
	v1 =	vand.u32 $0x3FFF, v3  }
0x131: {  	[tilespmem:$0x2420] =	vst v1;
	v1 =	vshra.s32 v3, $0xE;
	v3 =	vld [tilespmem:$0x50]  }
0x132: {  	[tilespmem:$0x24A0] =	vst v1;
	v1 =	vand.u32 $0x3FFF, v62  }
0x133: {  	v63 =	vld [tilespmem:$0x60];
	[tilespmem:$0x2430] =	vst v1;
	v1 =	vshra.s32 v62, $0xE  }
0x134: {  	[tilespmem:$0x24B0] =	vst v1;
	v1 =	vand.u32 $0x3FFF, v2  }
0x135: {  	[tilespmem:$0x2440] =	vst v1;
	v1 =	vshra.s32 v2, $0xE;
	v2 =	vld [tilespmem:$0x70]  }
0x136: {  	[tilespmem:$0x24C0] =	vst v1;
	v1 =	vand.u32 $0x3FFF, v3  }
0x137: {  	[tilespmem:$0x2450] =	vst v1;
	v1 =	vshra.s32 v3, $0xE  }
0x138: {  	[tilespmem:$0x24D0] =	vst v1;
	v1 =	vand.u32 $0x3FFF, v63  }
0x139: {  	[tilespmem:$0x2460] =	vst v1;
	v1 =	vshra.s32 v63, $0xE  }
0x13a: {  	[tilespmem:$0x24E0] =	vst v1;
	v1 =	vand.u32 $0x3FFF, v2  }
0x13b: {  	[tilespmem:$0x2470] =	vst v1;
	v1 =	vshra.s32 v2, $0xE  }
0x13c: {  	s14 =	simm.s32 $0x2400;
	s23 =	simm.s32 $0x0;
	[tilespmem:$0x24F0] =	vst v1  }
0x13d: {  	[tilespmem:s21], [sflag:$0x1] =	stream.indirect.gather [hbm4b:s1+s22], $0x80, s14, s22, $0xb8;
	[tilespmem:$0x1E200] =	vst v63  }
0x13e: {  	v1 =	vld [tilespmem:s23+$0x80];
	_ =	sdelay $0x4  }
0x13f: {  	v2 =	vand.u32 $0x3FFF, v1  }
0x140: {  	v1 =	vshra.s32 v1, $0xE;
	[tilespmem:$0x2500] =	vst v2  }
0x141: {  	[tilespmem:$0x2580] =	vst v1  }
0x142: {  	v1 =	vld [tilespmem:s23+$0x90];
	_ =	sdelay $0x4  }
0x143: {  	v2 =	vand.u32 $0x3FFF, v1  }
0x144: {  	v1 =	vshra.s32 v1, $0xE;
	[tilespmem:$0x2510] =	vst v2  }
0x145: {  	[tilespmem:$0x2590] =	vst v1  }
0x146: {  	v1 =	vld [tilespmem:s23+$0xA0];
	_ =	sdelay $0x4  }
0x147: {  	v2 =	vand.u32 $0x3FFF, v1  }
0x148: {  	v1 =	vshra.s32 v1, $0xE;
	[tilespmem:$0x2520] =	vst v2  }
0x149: {  	[tilespmem:$0x25A0] =	vst v1  }
0x14a: {  	v1 =	vld [tilespmem:s23+$0xB0];
	_ =	sdelay $0x4  }
0x14b: {  	v2 =	vand.u32 $0x3FFF, v1  }
0x14c: {  	v1 =	vshra.s32 v1, $0xE;
	[tilespmem:$0x2530] =	vst v2  }
0x14d: {  	[tilespmem:$0x25B0] =	vst v1  }
0x14e: {  	v1 =	vld [tilespmem:s23+$0xC0];
	_ =	sdelay $0x4  }
0x14f: {  	v2 =	vand.u32 $0x3FFF, v1  }
0x150: {  	v1 =	vshra.s32 v1, $0xE;
	[tilespmem:$0x2540] =	vst v2  }
0x151: {  	[tilespmem:$0x25C0] =	vst v1  }
0x152: {  	v1 =	vld [tilespmem:s23+$0xD0];
	_ =	sdelay $0x4  }
0x153: {  	v2 =	vand.u32 $0x3FFF, v1  }
0x154: {  	v1 =	vshra.s32 v1, $0xE;
	[tilespmem:$0x2550] =	vst v2  }
0x155: {  	[tilespmem:$0x25D0] =	vst v1  }
0x156: {  	v1 =	vld [tilespmem:s23+$0xE0];
	_ =	sdelay $0x4  }
0x157: {  	v2 =	vand.u32 $0x3FFF, v1  }
0x158: {  	v1 =	vshra.s32 v1, $0xE;
	[tilespmem:$0x2560] =	vst v2  }
0x159: {  	[tilespmem:$0x25E0] =	vst v1  }
0x15a: {  	v1 =	vld [tilespmem:s23+$0xF0];
	_ =	sdelay $0x4  }
0x15b: {  	v2 =	vand.u32 $0x3FFF, v1  }
0x15c: {  	v1 =	vshra.s32 v1, $0xE;
	[tilespmem:$0x2570] =	vst v2  }
0x15d: {  	[tilespmem:$0x25F0] =	vst v1  }
0x15e: {  	[tilespmem:s25], [sflag:$0x2] =	stream.indirect.gather [hbm4b:s1+s22], $0x80, s24, s22, $0xb8;
	[tilespmem:$0x1E200] =	vst v63  }
0x15f: {  	_ =	swait.ge [sflag:s26], $0x4000  }
0x160: {  	[sflag:s26] =	ssyncset.done $0x0  }
0x161: {  	[sflag:s26] =	ssyncadd.s32 $0xFFFFC000  }
0x162: {  	[spmem:s3] =	stream.indirect.scatter.add.f32 [tilespmem:s21], [sflag:$0x3], $0x80, s28, s22, $0xb8;
	[tilespmem:$0x1E200] =	vst v63  }
0x163: {  	_ =	swait.ge [sflag:s20], $0x4000  }
0x164: {  	p3 =	por $0x0, $0x0;
	[sflag:s20] =	ssyncset.done $0x0  }
0x165: {  	s0 =	simm.s32 @!p3 $0x0;
	[sflag:s20] =	ssyncadd.s32 $0xFFFFC000  }
0x166: {  	v1 =	vld @!p3 [tilespmem:s0+$0x100];
	_ =	sdelay $0x4  }
0x167: {  	v2 =	vand.u32 @!p3 $0x3FFF, v1  }
0x168: {  	v1 =	vshra.s32 @!p3 v1, $0xE;
	[tilespmem:$0x2400] =	vst @!p3 v2  }
0x169: {  	[tilespmem:$0x2480] =	vst @!p3 v1  }
0x16a: {  	v1 =	vld @!p3 [tilespmem:s0+$0x110];
	_ =	sdelay $0x4  }
0x16b: {  	v2 =	vand.u32 @!p3 $0x3FFF, v1  }
0x16c: {  	v1 =	vshra.s32 @!p3 v1, $0xE;
	[tilespmem:$0x2410] =	vst @!p3 v2  }
0x16d: {  	[tilespmem:$0x2490] =	vst @!p3 v1  }
0x16e: {  	v1 =	vld @!p3 [tilespmem:s0+$0x120];
	_ =	sdelay $0x4  }
0x16f: {  	v2 =	vand.u32 @!p3 $0x3FFF, v1  }
0x170: {  	v1 =	vshra.s32 @!p3 v1, $0xE;
	[tilespmem:$0x2420] =	vst @!p3 v2  }
0x171: {  	[tilespmem:$0x24A0] =	vst @!p3 v1  }
0x172: {  	v1 =	vld @!p3 [tilespmem:s0+$0x130];
	_ =	sdelay $0x4  }
0x173: {  	v2 =	vand.u32 @!p3 $0x3FFF, v1  }
0x174: {  	v1 =	vshra.s32 @!p3 v1, $0xE;
	[tilespmem:$0x2430] =	vst @!p3 v2  }
0x175: {  	[tilespmem:$0x24B0] =	vst @!p3 v1  }
0x176: {  	v1 =	vld @!p3 [tilespmem:s0+$0x140];
	_ =	sdelay $0x4  }
0x177: {  	v2 =	vand.u32 @!p3 $0x3FFF, v1  }
0x178: {  	v1 =	vshra.s32 @!p3 v1, $0xE;
	[tilespmem:$0x2440] =	vst @!p3 v2  }
0x179: {  	[tilespmem:$0x24C0] =	vst @!p3 v1  }
0x17a: {  	v1 =	vld @!p3 [tilespmem:s0+$0x150];
	_ =	sdelay $0x4  }
0x17b: {  	v2 =	vand.u32 @!p3 $0x3FFF, v1  }
0x17c: {  	v1 =	vshra.s32 @!p3 v1, $0xE;
	[tilespmem:$0x2450] =	vst @!p3 v2  }
0x17d: {  	[tilespmem:$0x24D0] =	vst @!p3 v1  }
0x17e: {  	v1 =	vld @!p3 [tilespmem:s0+$0x160];
	_ =	sdelay $0x4  }
0x17f: {  	s2 =	simm.s32 $0x400;
	v2 =	vand.u32 @!p3 $0x3FFF, v1  }
0x180: {  	s12 =	simm.s32 @!p3 $0x80;
	s13 =	simm.s32 @!p3 $0x2400;
	s14 =	simm.s32 @!p3 $0x2600;
	v1 =	vshra.s32 @!p3 v1, $0xE;
	[tilespmem:$0x2460] =	vst @!p3 v2  }
.LBB2_7:
0x181: {  	[tilespmem:$0x24E0] =	vst @!p3 v1;
	s4 =	smov.u32 s2;
	s2 =	sadd.s32 $0x400, s2  }
0x182: {  	p2 =	sne.s32 s2, $0x7800;
	v1 =	vld @!p3 [tilespmem:s0+$0x170];
	_ =	sdelay $0x4  }
0x183: {  	v2 =	vand.u32 @!p3 $0x3FFF, v1;
	v1 =	vshra.s32 @!p3 v1, $0xE  }
0x184: {  	[tilespmem:$0x2470] =	vst @!p3 v2  }
0x185: {  	[tilespmem:$0x24F0] =	vst @!p3 v1  }
0x186: {  	[tilespmem:s14], [sflag:$0x1] =	stream.indirect.gather @!p3 [hbm4b:s1+s12], $0x80, s13, s12, $0xb8;
	[tilespmem:$0x1E200] =	vst v63  }
0x187: {  	_ =	swait.ge [sflag:s29], $0x4000  }
0x188: {  	[sflag:s29] =	ssyncset.done $0x0  }
0x189: {  	[sflag:s29] =	ssyncadd.s32 $0xFFFFC000  }
0x18a: {  	[spmem:s3] =	stream.indirect.scatter.add.f32 [tilespmem:s25], [sflag:$0x3], $0x80, s30, s22, $0xb8;
	[tilespmem:$0x1E200] =	vst v63  }
0x18b: {  	_ =	swait.ge [sflag:s20], $0x4000  }
0x18c: {  	[sflag:s20] =	ssyncset.done $0x0  }
0x18d: {  	s0 =	sshra.s32 s4, $0x2;
	[sflag:s20] =	ssyncadd.s32 $0xFFFFC000  }
0x18e: {  	v1 =	vld [tilespmem:s0+$0x80];
	_ =	sdelay $0x4  }
0x18f: {  	v2 =	vand.u32 $0x3FFF, v1;
	v1 =	vshra.s32 v1, $0xE  }
0x190: {  	[tilespmem:$0x2500] =	vst v2  }
0x191: {  	[tilespmem:$0x2580] =	vst v1  }
0x192: {  	v1 =	vld [tilespmem:s0+$0x90];
	_ =	sdelay $0x4  }
0x193: {  	v2 =	vand.u32 $0x3FFF, v1;
	v1 =	vshra.s32 v1, $0xE  }
0x194: {  	[tilespmem:$0x2510] =	vst v2  }
0x195: {  	[tilespmem:$0x2590] =	vst v1  }
0x196: {  	v1 =	vld [tilespmem:s0+$0xA0];
	_ =	sdelay $0x4  }
0x197: {  	v2 =	vand.u32 $0x3FFF, v1;
	v1 =	vshra.s32 v1, $0xE  }
0x198: {  	[tilespmem:$0x2520] =	vst v2  }
0x199: {  	[tilespmem:$0x25A0] =	vst v1  }
0x19a: {  	v1 =	vld [tilespmem:s0+$0xB0];
	_ =	sdelay $0x4  }
0x19b: {  	v2 =	vand.u32 $0x3FFF, v1;
	v1 =	vshra.s32 v1, $0xE  }
0x19c: {  	[tilespmem:$0x2530] =	vst v2  }
0x19d: {  	[tilespmem:$0x25B0] =	vst v1  }
0x19e: {  	v1 =	vld [tilespmem:s0+$0xC0];
	_ =	sdelay $0x4  }
0x19f: {  	v2 =	vand.u32 $0x3FFF, v1;
	v1 =	vshra.s32 v1, $0xE  }
0x1a0: {  	[tilespmem:$0x2540] =	vst v2  }
0x1a1: {  	[tilespmem:$0x25C0] =	vst v1  }
0x1a2: {  	v1 =	vld [tilespmem:s0+$0xD0];
	_ =	sdelay $0x4  }
0x1a3: {  	v2 =	vand.u32 $0x3FFF, v1;
	v1 =	vshra.s32 v1, $0xE  }
0x1a4: {  	[tilespmem:$0x2550] =	vst v2  }
0x1a5: {  	[tilespmem:$0x25D0] =	vst v1  }
0x1a6: {  	v1 =	vld [tilespmem:s0+$0xE0];
	_ =	sdelay $0x4  }
0x1a7: {  	v2 =	vand.u32 $0x3FFF, v1;
	v1 =	vshra.s32 v1, $0xE  }
0x1a8: {  	[tilespmem:$0x2560] =	vst v2  }
0x1a9: {  	[tilespmem:$0x25E0] =	vst v1  }
0x1aa: {  	v1 =	vld [tilespmem:s0+$0xF0];
	_ =	sdelay $0x4  }
0x1ab: {  	v2 =	vand.u32 $0x3FFF, v1;
	v1 =	vshra.s32 v1, $0xE  }
0x1ac: {  	p3 =	seq.s32 s4, $0x7400;
	[tilespmem:$0x2570] =	vst v2  }
0x1ad: {  	s0 =	sshra.s32 @!p3 s4, $0x2;
	[tilespmem:$0x25F0] =	vst v1  }
0x1ae: {  	[tilespmem:s25], [sflag:$0x2] =	stream.indirect.gather [hbm4b:s1+s22], $0x80, s24, s22, $0xb8;
	[tilespmem:$0x1E200] =	vst v63  }
0x1af: {  	_ =	swait.ge [sflag:s26], $0x4000  }
0x1b0: {  	[sflag:s26] =	ssyncset.done $0x0  }
0x1b1: {  	[sflag:s26] =	ssyncadd.s32 $0xFFFFC000  }
0x1b2: {  	[spmem:s3] =	stream.indirect.scatter.add.f32 [tilespmem:s21], [sflag:$0x3], $0x80, s28, s22, $0xb8;
	[tilespmem:$0x1E200] =	vst v63  }
0x1b3: {  	_ =	swait.ge [sflag:s20], $0x4000  }
0x1b4: {  	[sflag:s20] =	ssyncset.done $0x0  }
0x1b5: {  	[sflag:s20] =	ssyncadd.s32 $0xFFFFC000  }
0x1b6: {  	v1 =	vld @!p3 [tilespmem:s0+$0x100];
	_ =	sdelay $0x4  }
0x1b7: {  	v2 =	vand.u32 @!p3 $0x3FFF, v1;
	v1 =	vshra.s32 @!p3 v1, $0xE  }
0x1b8: {  	[tilespmem:$0x2400] =	vst @!p3 v2  }
0x1b9: {  	[tilespmem:$0x2480] =	vst @!p3 v1  }
0x1ba: {  	v1 =	vld @!p3 [tilespmem:s0+$0x110];
	_ =	sdelay $0x4  }
0x1bb: {  	v2 =	vand.u32 @!p3 $0x3FFF, v1;
	v1 =	vshra.s32 @!p3 v1, $0xE  }
0x1bc: {  	[tilespmem:$0x2410] =	vst @!p3 v2  }
0x1bd: {  	[tilespmem:$0x2490] =	vst @!p3 v1  }
0x1be: {  	v1 =	vld @!p3 [tilespmem:s0+$0x120];
	_ =	sdelay $0x4  }
0x1bf: {  	v2 =	vand.u32 @!p3 $0x3FFF, v1;
	v1 =	vshra.s32 @!p3 v1, $0xE  }
0x1c0: {  	[tilespmem:$0x2420] =	vst @!p3 v2  }
0x1c1: {  	[tilespmem:$0x24A0] =	vst @!p3 v1  }
0x1c2: {  	v1 =	vld @!p3 [tilespmem:s0+$0x130];
	_ =	sdelay $0x4  }
0x1c3: {  	v2 =	vand.u32 @!p3 $0x3FFF, v1;
	v1 =	vshra.s32 @!p3 v1, $0xE  }
0x1c4: {  	[tilespmem:$0x2430] =	vst @!p3 v2  }
0x1c5: {  	[tilespmem:$0x24B0] =	vst @!p3 v1  }
0x1c6: {  	v1 =	vld @!p3 [tilespmem:s0+$0x140];
	_ =	sdelay $0x4  }
0x1c7: {  	v2 =	vand.u32 @!p3 $0x3FFF, v1;
	v1 =	vshra.s32 @!p3 v1, $0xE  }
0x1c8: {  	[tilespmem:$0x2440] =	vst @!p3 v2  }
0x1c9: {  	[tilespmem:$0x24C0] =	vst @!p3 v1  }
0x1ca: {  	v1 =	vld @!p3 [tilespmem:s0+$0x150];
	_ =	sdelay $0x4  }
0x1cb: {  	v2 =	vand.u32 @!p3 $0x3FFF, v1;
	v1 =	vshra.s32 @!p3 v1, $0xE  }
0x1cc: {  	[tilespmem:$0x2450] =	vst @!p3 v2  }
0x1cd: {  	s12 =	simm.s32 @!p3 $0x80;
	s13 =	simm.s32 @!p3 $0x2400;
	s14 =	simm.s32 @!p3 $0x2600;
	[tilespmem:$0x24D0] =	vst @!p3 v1  }
0x1ce: {  	v1 =	vld @!p3 [tilespmem:s0+$0x160];
	_ =	sdelay $0x1  }
.Ltmp6:
0x1cf: {  	(pc) =	sbr.rel @p2 .LBB2_7-.Ltmp6, $3  }
0x1d0: {  	_ =	sdelay $0x1  }
0x1d1: {  	v2 =	vand.u32 @!p3 $0x3FFF, v1;
	v1 =	vshra.s32 @!p3 v1, $0xE  }
0x1d2: {  	[tilespmem:$0x2460] =	vst @!p3 v2  }
.Ltmp7:
0x1d3: {  	_ = 	snop;
	(pc) =	sbr.rel .LBB2_8-.Ltmp7, $1  }
0x1d4: {  	_ =	sdelay $0x3  }
.LBB2_10:
0x1d5: {  	_ =	sfence.sel $0x180000  }
0x1d6: {  	[bflag:$0x0] =	sbarrier.arrive $0xFFFF  }
0x1d7: {  	_ =	strace $0x9000004A  }
0x1d8: {  	s0 =	stileid.u32;
	[bflag:$0x2] =	sbarrier.arrive $0xFFFF  }
0x1d9: {  	p0 =	sne.s32 s0, $0x0;
	s0 =	rddreg [dreg:$0x4]  }
0x1da: {  	s0 =	sadd.s32 @!p0 $0x100000, s0  }
0x1db: {  	[sflag:s0] =	ssyncadd.tile.s32 @!p0 $0x1;
	_ =	shalt  }
.Lfunc_end2:
_tile_overlayer_lowered:
.L_overlay_start_2:
0x1dc: {  	(tag) =	ssettag $0x2  }
0x1dd: {  	s0 =	rddreg [dreg:$0x0];
	s2 =	stileid.u32  }
0x1de: {  	s1 =	rddreg [dreg:$0x1];
	p0 =	sne.s32 s2, $0x0  }
0x1df: {  	s3 =	rddreg [dreg:$0x2];
	[bflag:$0x3] =	sbarrier.arrive $0xFFFF;
	s2 =	simm.s32 @!p0 $0x1C03  }
0x1e0: {  	[timem:s3], [sflag:s2] =	dma.local @!p0 [hbm:s0], s1  }
0x1e1: {  	s0 =	simm.s32 @!p0 $0x3  }
0x1e2: {  	_ =	swait.ge @!p0 [sflag:s0], s1  }
0x1e3: {  	s1 =	ssub.s32 @!p0 $0x0, s1;
	[sflag:s0] =	ssyncset.done @!p0 $0x0  }
0x1e4: {  	[sflag:s0] =	ssyncadd.s32 @!p0 s1  }
0x1e5: {  	[bflag:$0x3] =	sbarrier.arrive $0xFFFF  }
0x1e6: {  	_ =	shalt  }

// kernel: kernel.14.cloned.1.call-start
scs
__scs_entry_jumppad:
0x0: {  	(pc) =	sbr.rel $0x88, $3  }
0x1: {  	(tag) =	ssettag $0x0;
	lr =	simm.s32 $0x1  }
0x2: {  	[smem:$0x3F9B] =	sst lr;
	_ =	strace $0xD0000000  }
0x3: {  	_ = 	snop  }
0x4: {  	_ = 	snop  }
0x5: {  	_ = 	snop  }
0x6: {  	_ = 	snop  }
0x7: {  	_ = 	snop  }
__scs_overlays_trampoline_lowered:
0x8: {  	[smem:$0x3FAA] =	sst s0  }
0x9: {  	[smem:$0x3FAB] =	sst s1  }
0xa: {  	[smem:$0x3FAC] =	sst s2  }
0xb: {  	[smem:$0x3FAD] =	sst s3  }
0xc: {  	[smem:$0x3FAE] =	sst s4  }
0xd: {  	[smem:$0x3FAF] =	sst s5  }
0xe: {  	[smem:$0x3FB0] =	sst s6  }
0xf: {  	[smem:$0x3FB1] =	sst s7  }
0x10: {  	[smem:$0x3FB2] =	sst s8  }
0x11: {  	[smem:$0x3FB3] =	sst s9;
	s0 =	simm.s32 @!p0 $0x0  }
0x12: {  	s1 =	sld [smem:$0x3F99];
	s0 =	simm.s32 @p0 $0x1  }
0x13: {  	[smem:$0x3FB4] =	sst s0;
	s0 =	simm.s32 @!p1 $0x0  }
0x14: {  	s2 =	sld [smem:$0x3F98];
	s0 =	simm.s32 @p1 $0x1  }
0x15: {  	[smem:$0x3FB5] =	sst s0;
	s0 =	simm.s32 @!p2 $0x0  }
0x16: {  	s3 =	sld [smem:$0x3FDB];
	s0 =	simm.s32 @p2 $0x1  }
0x17: {  	s4 =	simm.s32 $0x1BF5;
	[smem:$0x3FB7] =	sst s0  }
0x18: {  	s0 =	sld [smem:$0x3F9A];
	_ =	swait.ge [sflag:s4], $0x0  }
0x19: {  	s7 =	sld [smem:$0x3F9B]  }
0x1a: {  	s8 =	sadd.s32 $0xFFFFE003, lr  }
0x1b: {  	s9 =	sadd.s32 $0xFFFFFEF7, lr;
	s5 =	simm.s32 $0xFFFFFFFF;
	p2 =	slt.u32 s8, $0xFFFFF086  }
0x1c: {  	p1 =	slt.u32 s9, $0xF7A;
	s5 =	simm.s32 @!p2 $0x0  }
0x1d: {  	s5 =	simm.s32 @p1 $0x1;
	p0 =	seq.s32 s7, s2  }
0x1e: {  	s7 =	smul.u32 @!p0 $0xF7A, s2;
	p2 =	seq.s32 @!p0 s5, $0x0  }
0x1f: {  	s9 =	smul.u32 $0xF7A, s1;
	s8 =	simm.s32 @!p0 $0x1BF5;
	p2 =	por !p2, p0  }
0x20: {  	[sflag:s8] =	ssyncset.s32 @!p0 $0xFFFFF086;
	s6 =	sadd.s32 @!p0 s3, s7;
	s7 =	simm.s32 @!p0 $0x108  }
0x21: {  	s3 =	sadd.s32 s3, s9;
	s6 =	sadd.s32 @!p0 $0x88, s6;
	s7 =	simm.s32 @p2 $0x1082  }
0x22: {  	[simem:s7], [sflag:s8] =	dma.local @!p0 [hbm:s6], $0xF7A  }
0x23: {  	s9 =	sor.u32 $0xD0000000, s2;
	s6 =	simm.s32 $0x108;
	_ =	swait.ge @!p0 [sflag:s8], $0x0  }
0x24: {  	s3 =	sadd.s32 $0x88, s3;
	s6 =	simm.s32 @!p1 $0x1082;
	[sflag:s4] =	ssyncset.s32 $0xFFFFF086  }
0x25: {  	[simem:s6], [sflag:s4] =	dma.local [hbm:s3], $0xF7A  }
0x26: {  	[smem:$0x3F9B] =	sst s1;
	(tag) =	ssettag s2;
	_ =	strace s9  }
0x27: {  	s1 =	sld [smem:$0x3FAB]  }
0x28: {  	s2 =	sld [smem:$0x3FAC]  }
0x29: {  	s4 =	sld [smem:$0x3FAE]  }
0x2a: {  	p0 =	seq.s32 s5, $0x0;
	s5 =	sld [smem:$0x3FAF]  }
0x2b: {  	s6 =	sld [smem:$0x3FB0]  }
0x2c: {  	s7 =	sld [smem:$0x3FB1]  }
0x2d: {  	s3 =	simm.s32 $0x108;
	s8 =	sld [smem:$0x3FB2]  }
0x2e: {  	s3 =	simm.s32 @!p0 $0x1082;
	s9 =	sld [smem:$0x3FB3]  }
0x2f: {  	lr =	sadd.s32 s0, s3;
	s0 =	sld [smem:$0x3FAA]  }
0x30: {  	s3 =	sld [smem:$0x3FAD]  }
0x31: {  	[smem:$0x3FB6] =	sst s10  }
0x32: {  	s10 =	sld [smem:$0x3FB4];
	_ =	sdelay $0x3  }
0x33: {  	p0 =	seq.s32 s10, $0x1;
	s10 =	sld [smem:$0x3FB6];
	_ =	sdelay $0x3  }
0x34: {  	[smem:$0x3FB6] =	sst s10  }
0x35: {  	s10 =	sld [smem:$0x3FB5];
	_ =	sdelay $0x3  }
0x36: {  	p1 =	seq.s32 s10, $0x1;
	s10 =	sld [smem:$0x3FB6];
	_ =	sdelay $0x3  }
0x37: {  	[smem:$0x3FB6] =	sst s10  }
0x38: {  	s10 =	sld [smem:$0x3FB7]  }
0x39: {  	_ = 	snop;
	(pc) =	sbr.ind lr, $3  }
0x3a: {  	_ = 	snop  }
0x3b: {  	_ = 	snop  }
0x3c: {  	p2 =	seq.s32 s10, $0x1;
	s10 =	sld [smem:$0x3FB6]  }
0x3d: {  	_ =	shalt  }
0x3e: {  	_ =	shalt  }
0x3f: {  	_ =	shalt  }
0x40: {  	_ =	shalt  }
0x41: {  	_ =	shalt  }
0x42: {  	_ =	shalt  }
0x43: {  	_ =	shalt  }
0x44: {  	_ =	shalt  }
0x45: {  	_ =	shalt  }
0x46: {  	_ =	shalt  }
0x47: {  	_ =	shalt  }
0x48: {  	_ =	shalt  }
0x49: {  	_ =	shalt  }
0x4a: {  	_ =	shalt  }
0x4b: {  	_ =	shalt  }
0x4c: {  	_ =	shalt  }
0x4d: {  	_ =	shalt  }
0x4e: {  	_ =	shalt  }
0x4f: {  	_ =	shalt  }
0x50: {  	_ =	shalt  }
0x51: {  	_ =	shalt  }
0x52: {  	_ =	shalt  }
0x53: {  	_ =	shalt  }
0x54: {  	_ =	shalt  }
0x55: {  	_ =	shalt  }
0x56: {  	_ =	shalt  }
0x57: {  	_ =	shalt  }
0x58: {  	_ =	shalt  }
0x59: {  	_ =	shalt  }
0x5a: {  	_ =	shalt  }
0x5b: {  	_ =	shalt  }
0x5c: {  	_ =	shalt  }
0x5d: {  	_ =	shalt  }
0x5e: {  	_ =	shalt  }
0x5f: {  	_ =	shalt  }
0x60: {  	_ =	shalt  }
0x61: {  	_ =	shalt  }
0x62: {  	_ =	shalt  }
0x63: {  	_ =	shalt  }
0x64: {  	_ =	shalt  }
0x65: {  	_ =	shalt  }
0x66: {  	_ =	shalt  }
0x67: {  	_ =	shalt  }
0x68: {  	_ =	shalt  }
0x69: {  	_ =	shalt  }
0x6a: {  	_ =	shalt  }
0x6b: {  	_ =	shalt  }
0x6c: {  	_ =	shalt  }
0x6d: {  	_ =	shalt  }
0x6e: {  	_ =	shalt  }
0x6f: {  	_ =	shalt  }
0x70: {  	_ =	shalt  }
0x71: {  	_ =	shalt  }
0x72: {  	_ =	shalt  }
0x73: {  	_ =	shalt  }
0x74: {  	_ =	shalt  }
0x75: {  	_ =	shalt  }
0x76: {  	_ =	shalt  }
0x77: {  	_ =	shalt  }
0x78: {  	_ =	shalt  }
0x79: {  	_ =	shalt  }
0x7a: {  	_ =	shalt  }
0x7b: {  	_ =	shalt  }
0x7c: {  	_ =	shalt  }
0x7d: {  	_ =	shalt  }
0x7e: {  	_ =	shalt  }
0x7f: {  	_ =	shalt  }
0x80: {  	_ =	shalt  }
0x81: {  	_ =	shalt  }
0x82: {  	_ =	shalt  }
0x83: {  	_ =	shalt  }
0x84: {  	_ =	shalt  }
0x85: {  	_ =	shalt  }
0x86: {  	_ =	shalt  }
0x87: {  	_ =	shalt  }
.Lfunc_end0:
.L_simem_size_0:
called_computation.2_lowered:
.L_overlay_start_0:
0x88: {  	s2 =	sld [smem:$0x3FD9]  }
0x89: {  	s3 =	sld [smem:$0x3FFE];
	_ =	sdelay $0x1  }
0x8a: {  	s1 =	srdreg.scid  }
0x8b: {  	s0 =	sand.u32 $0x1, s1  }
0x8c: {  	s14 =	sshll.u32 s0, $0xA;
	s2 =	sadd.s32 s3, s2  }
0x8d: {  	s2 =	sadd.s32 s2, s14  }
0x8e: {  	[smem:$0x3FC2] =	sst s2  }
0x8f: {  	_ = 	snop  }
0x90: {  	s2 =	sld [smem:$0x3FD0];
	_ =	sdelay $0x2  }
0x91: {  	s15 =	simm.s32 $0xA;
	s4 =	simm.s32 $0x10  }
0x92: {  	[smem:s4], [sflag:s15] =	dma.local [hbm:s2], $0x1  }
0x93: {  	_ =	swait.eq [sflag:s15], $0x1  }
0x94: {  	[sflag:s15] =	ssyncset.done $0x0  }
0x95: {  	[sflag:s15] =	ssyncadd.s32 $0xFFFFFFFF  }
0x96: {  	s16 =	sld [smem:$0x10];
	(tm) =	ssettm $0x1  }
0x97: {  	s17 =	sld [smem:$0x3FFB];
	_ =	sdelay $0x3  }
0x98: {  	_ =	strace s17  }
0x99: {  	s3 =	sld [smem:$0x3FFC];
	_ =	sdelay $0x3  }
0x9a: {  	_ =	strace s3  }
0x9b: {  	s3 =	sld [smem:$0x3FFD];
	_ =	sdelay $0x3  }
0x9c: {  	_ =	strace s3  }
0x9d: {  	_ =	strace $0x8FFFFFFF  }
0x9e: {  	s18 =	sld [smem:$0x3FDB];
	_ =	sdelay $0x1  }
0x9f: {  	s19 =	simm.s32 $_scs_section_size  }
0xa0: {  	s5 =	simm.s32 $_size__tile_overlayer_lowered;
	s6 =	simm.s32 $_tile_overlayer_lowered  }
0xa1: {  	s22 =	simm.s32 $0x1BFF;
	s21 =	sshll.u32 s6, $0x1;
	s3 =	sadd.s32 s19, s18  }
0xa2: {  	s7 =	simm.s32 $0x0;
	s20 =	sshll.u32 s5, $0x1;
	s5 =	sadd.s32 s21, s3  }
0xa3: {  	[timem:s7], [sflag:s22] =	dma.local [hbm:s5], s20  }
0xa4: {  	_ =	swait.ge [sflag:s22], s20  }
0xa5: {  	s4 =	ssub.s32 $0x0, s20;
	[sflag:s22] =	ssyncset.done $0x0  }
0xa6: {  	[sflag:s22] =	ssyncadd.s32 s4;
	_ =	sdelay $0x1  }
0xa7: {  	s23 =	simm.s32 $0x1B8B  }
0xa8: {  	_ =	swait.ge [sflag:s23], $0x1  }
0xa9: {  	[sflag:s23] =	ssyncset.done $0x0  }
0xaa: {  	s25 =	simm.s32 $0x1B8E;
	s24 =	sld [smem:$0x3FFE];
	[sflag:s23] =	ssyncadd.s32 $0xFFFFFFFF  }
0xab: {  	s26 =	simm.s32 $execute0_lowered;
	[smem:$0x3FD2] =	sst s25  }
0xac: {  	s5 =	sshll.u32 s26, $0x1;
	_ =	strace $0x8000004C;
	[dreg:$0x1] =	wrdreg $0xFFFFFFFF  }
0xad: {  	s28 =	simm.s32 $_size_execute0_lowered;
	s3 =	sadd.s32 s3, s5;
	[dreg:$0x0] =	wrdreg $0x0  }
0xae: {  	s5 =	sshll.u32 s28, $0x1;
	[dreg:$0x2] =	wrdreg s3  }
0xaf: {  	[dreg:$0x3] =	wrdreg s5  }
0xb0: {  	[dreg:$0x4] =	wrdreg $0xC0  }
0xb1: {  	_ =	task [dreg:s7], $0x5FFFF  }
0xb2: {  	[dreg:$0x1] =	wrdreg $0xFFFFFFFF  }
0xb3: {  	[dreg:$0x0] =	wrdreg $0x60  }
0xb4: {  	[dreg:$0x2] =	wrdreg s24  }
0xb5: {  	[dreg:$0x3] =	wrdreg s16  }
0xb6: {  	[dreg:$0x4] =	wrdreg $0xA6000  }
0xb7: {  	[dreg:$0x5] =	wrdreg $0x9  }
0xb8: {  	_ =	task.clear_ibuf [dreg:s7], $0x6FFFF;
	_ =	strace $0x9000004C  }
0xb9: {  	s29 =	simm.s32 $0x9;
	_ =	strace $0x8000004E  }
0xba: {  	_ =	swait.ge [sflag:s29], $0x1  }
0xbb: {  	[sflag:s29] =	ssyncadd.s32 $0xFFFFFFFF  }
0xbc: {  	_ =	strace $0x9000004E  }
0xbd: {  	_ =	sfence  }
0xbe: {  	s30 =	sld [smem:$0x0];
	_ =	sdelay $0x2  }
0xbf: {  	s31 =	sshll.u32 s1, $0xD;
	s1 =	sshrl.u32 s1, $0x2  }
0xc0: {  	s3 =	sand.u32 $0x4000, s31;
	s1 =	sadd.s32 s1, s30  }
0xc1: {  	s0 =	sor.u32 s3, s0;
	s1 =	sshll.u32 s1, $0x11  }
0xc2: {  	s0 =	sor.u32 s1, s0  }
0xc3: {  	s0 =	sadd.s32 $0x8F2B, s0  }
0xc4: {  	[sflag:s0] =	ssyncadd.remote.s32 $0x1  }
0xc5: {  	_ =	sfence.sel $0xFFFF  }
0xc6: {  	[dreg:$0x0] =	wrdreg $0xFFFFFFFF;
	(pc) =	sbr.abs _section_cstart, $3  }
0xc7: {  	[dreg:$0x1] =	wrdreg $0xFFFFFFFF  }
0xc8: {  	_ =	task.clear_ibuf [dreg:s7], $0x2FFFF;
	_ =	strace $0x9FFFFFFF  }
0xc9: {  	(tm) =	ssettm $0x7FFFFFFF  }
tec
execute0_lowered:
.L_overlay_start_1:
0x0: {  	(tag) =	ssettag $0x1  }
0x1: {  	s0 =	rddreg [dreg:$0x0]  }
0x2: {  	s1 =	rddreg [dreg:$0x1]  }
0x3: {  	s2 =	rddreg [dreg:$0x2];
	s3 =	srdreg.scid  }
0x4: {  	s21 =	stileid.u32;
	s5 =	simm.s32 $0x0;
	s10 =	simm.s32 $0x48  }
0x5: {  	s28 =	simm.s32 $0x2480;
	s29 =	simm.s32 $0x2;
	s30 =	simm.s32 $0x2580  }
0x6: {  	s31 =	simm.s32 $0x0;
	s3 =	sand.u32 $0x1, s3;
	s4 =	sshll.u32 s21, $0x1  }
0x7: {  	[smem:$0x7FF] =	sst s5;
	s13 =	sshll.u32 s21, $0xE;
	s4 =	sor.u32 s3, s4  }
0x8: {  	_ =	strace $0x8000004D;
	s18 =	ssub.s32 $0x2, s3;
	p0 =	seq.s32 s3, $0x0  }
0x9: {  	s20 =	sor.u32 $0x40000, s13;
	s14 =	sor.u32 $0x80000, s13;
	s17 =	smul.u32 $0x13C000, s3  }
0xa: {  	s16 =	sor.u32 $0xC0000, s13;
	p1 =	sne.s32 s3, $0x0;
	s6 =	smul.u32 $0x4400, s4  }
0xb: {  	s4 =	sadd.s32 $0x2E00, s0;
	s0 =	sadd.s32 $0x2A000, s0;
	s7 =	sshrl.u32 s18, $0x1  }
0xc: {  	s8 =	sadd.s32 s14, s2;
	s9 =	sadd.s32 s16, s2;
	s10 =	simm.s32 @!p0 $0x1A  }
0xd: {  	p0 =	seq.s32 s21, $0xF;
	s21 =	simm.s32 $0x2600;
	s12 =	ssub.s32 s18, s7  }
0xe: {  	s7 =	sadd.s32 s20, s2;
	s18 =	sor.u32 $0x100000, s13;
	s15 =	sshrl.u32 s10, $0x1  }
0xf: {  	s23 =	sadd.s32 s17, s14;
	s24 =	sadd.s32 s17, s16;
	s19 =	sshrl.u32 s6, $0x3  }
0x10: {  	s6 =	sadd.s32 s13, s2;
	s11 =	sadd.s32 s18, s2;
	s13 =	sadd.s32 s13, s17  }
0x11: {  	[dreg:$0x4] =	wrdreg s15;
	s25 =	sadd.s32 s17, s18;
	s5 =	sadd.s32 s1, s19  }
0x12: {  	s13 =	sshrl.u32 s13, $0x3;
	s1 =	sadd.s32 s17, s20;
	s26 =	sshrl.u32 s25, $0x3  }
0x13: {  	s19 =	smax.u32 s12, $0x1;
	s20 =	simm.s32 $0x3;
	s25 =	simm.s32 $0x6600  }
.Ltmp0:
0x14: {  	s22 =	sadd.s32 $0x480, s5;
	s13 =	sadd.s32 s0, s13;
	(pc) =	sbr.rel .LBB2_1-.Ltmp0, $4  }
0x15: {  	s1 =	sshrl.u32 s1, $0x3;
	s18 =	sadd.s32 s0, s26;
	[dreg:$0x5] =	wrdreg s22  }
0x16: {  	s26 =	simm.s32 $0x1;
	[dreg:$0x6] =	wrdreg s13;
	s15 =	sadd.s32 s0, s1  }
0x17: {  	s1 =	sshrl.u32 s23, $0x3;
	s13 =	sshrl.u32 s24, $0x3;
	s22 =	simm.s32 $0x80  }
0x18: {  	v0 =	vimm.f32 $0.0e+00;
	s24 =	simm.s32 $0x2500;
	s16 =	sadd.s32 s0, s1;
	s17 =	sadd.s32 s0, s13  }
.LBB2_8:
0x19: {  	[tilespmem:$0x24E0] =	vst @!p3 v1  }
0x1a: {  	v1 =	vld @!p3 [tilespmem:s1+$0x170];
	_ =	sdelay $0x4  }
0x1b: {  	v2 =	vand.u32 @!p3 $0x3FFF, v1  }
0x1c: {  	v1 =	vshra.s32 @!p3 v1, $0xE;
	[tilespmem:$0x2470] =	vst @!p3 v2  }
0x1d: {  	[tilespmem:$0x24F0] =	vst @!p3 v1  }
0x1e: {  	[tilespmem:s14], [sflag:$0x1] =	stream.indirect.gather @!p3 [hbm4b:s4+s12], $0x80, s13, s12, $0xb8;
	[tilespmem:$0x1E200] =	vst v63  }
0x1f: {  	_ =	swait.ge [sflag:s29], $0x4000  }
0x20: {  	[sflag:s29] =	ssyncset.done $0x0  }
0x21: {  	[sflag:s29] =	ssyncadd.s32 $0xFFFFC000  }
0x22: {  	[spmem:s2] =	stream.indirect.scatter.add.f32 [tilespmem:s25], [sflag:$0x3], $0x80, s30, s22, $0xb8;
	[tilespmem:$0x1E200] =	vst v63  }
0x23: {  	_ =	swait.ge [sflag:s20], $0x4000  }
0x24: {  	[sflag:s20] =	ssyncset.done $0x0  }
0x25: {  	[sflag:s20] =	ssyncadd.s32 $0xFFFFC000  }
.LBB2_9:
0x26: {  	s0 =	stileid.u32  }
0x27: {  	[bflag:$0x0] =	sbarrier.arrive $0xFFFF;
	s0 =	sshll.u32 s0, $0x6  }
0x28: {  	s1 =	sshrl.u32 s6, $0x3;
	s3 =	rddreg [dreg:$0x6];
	s0 =	sor.u32 $0x1C03, s0  }
0x29: {  	[hbm:s3], [sflag:s0] =	dma.local [spmem:s1], $0x800  }
0x2a: {  	_ =	swait.ge [sflag:s20], $0x800  }
0x2b: {  	[sflag:s20] =	ssyncset.done $0x0  }
0x2c: {  	s13 =	sshrl.u32 s7, $0x3;
	[sflag:s20] =	ssyncadd.s32 $0xFFFFF800  }
0x2d: {  	[hbm:s15], [sflag:s0] =	dma.local [spmem:s13], $0x800  }
0x2e: {  	_ =	swait.ge [sflag:s20], $0x800  }
0x2f: {  	[sflag:s20] =	ssyncset.done $0x0  }
0x30: {  	s14 =	sshrl.u32 s8, $0x3;
	[sflag:s20] =	ssyncadd.s32 $0xFFFFF800  }
0x31: {  	[hbm:s16], [sflag:s0] =	dma.local [spmem:s14], $0x800  }
0x32: {  	_ =	swait.ge [sflag:s20], $0x800  }
0x33: {  	[sflag:s20] =	ssyncset.done $0x0  }
0x34: {  	s23 =	sshrl.u32 s9, $0x3;
	[sflag:s20] =	ssyncadd.s32 $0xFFFFF800  }
0x35: {  	[hbm:s17], [sflag:s0] =	dma.local [spmem:s23], $0x800  }
0x36: {  	_ =	swait.ge [sflag:s20], $0x800  }
0x37: {  	s31 =	sadd.s32 $0x1, s31;
	[sflag:s20] =	ssyncset.done $0x0  }
0x38: {  	p2 =	sne.s32 s31, s19;
	s1 =	sshrl.u32 @!p0 s11, $0x3;
	[sflag:s20] =	ssyncadd.s32 $0xFFFFF800  }
0x39: {  	[hbm:s18], [sflag:s0] =	dma.local @!p0 [spmem:s1], $0x800  }
.Ltmp1:
0x3a: {  	_ = 	snop;
	(pc) =	sbr.rel @!p2 .LBB2_10-.Ltmp1, $4  }
0x3b: {  	s0 =	simm.s32 @!p0 $0x3  }
0x3c: {  	_ =	swait.ge @!p0 [sflag:s0], $0x800  }
0x3d: {  	[sflag:s0] =	ssyncset.done @!p0 $0x0  }
0x3e: {  	[sflag:s0] =	ssyncadd.s32 @!p0 $0xFFFFF800  }
.LBB2_1:
0x3f: {  	s0 =	simm.s32 $0x0  }
0x40: {  	[tilespmem:s0], [sflag:$0x3] =	stream.linear.gather [hbm4b:s5+s0], $0x2400, $0x38;
	[tilespmem:$0x1E200] =	vst v63  }
0x41: {  	_ =	swait.ge [sflag:s20], $0x2400  }
0x42: {  	[sflag:s20] =	ssyncset.done $0x0  }
0x43: {  	s1 =	simm.s32 $0x200;
	s0 =	simm.s32 $0x0;
	[sflag:s20] =	ssyncadd.s32 $0xFFFFDC00  }
.LBB2_2:
0x44: {  	p2 =	sne.s32 s1, $0xFE00;
	[tilespmem:s0+$0x2670] =	vst v0  }
0x45: {  	[tilespmem:s0+$0x2600] =	vst v0  }
0x46: {  	[tilespmem:s0+$0x2610] =	vst v0  }
.Ltmp2:
0x47: {  	[tilespmem:s0+$0x2620] =	vst v0;
	(pc) =	sbr.rel @p2 .LBB2_2-.Ltmp2, $4  }
0x48: {  	[tilespmem:s0+$0x2630] =	vst v0  }
0x49: {  	[tilespmem:s0+$0x2640] =	vst v0  }
0x4a: {  	[tilespmem:s0+$0x2650] =	vst v0  }
0x4b: {  	[tilespmem:s0+$0x2660] =	vst v0;
	s0 =	sshra.s32 s1, $0x2;
	s1 =	sadd.s32 $0x200, s1  }
0x4c: {  	[tilespmem:s0+$0x2670] =	vst v0  }
0x4d: {  	[tilespmem:s0+$0x2600] =	vst v0  }
0x4e: {  	[tilespmem:s0+$0x2610] =	vst v0  }
0x4f: {  	[tilespmem:s0+$0x2620] =	vst v0  }
0x50: {  	[tilespmem:s0+$0x2630] =	vst v0  }
0x51: {  	[tilespmem:s0+$0x2640] =	vst v0  }
0x52: {  	[tilespmem:s0+$0x2650] =	vst v0  }
0x53: {  	[tilespmem:s0+$0x2660] =	vst v0  }
0x54: {  	[spmem:s6] =	stream.linear.scatter [tilespmem:s21], [sflag:$0x3], $0x4000, $0x38;
	[tilespmem:$0x1E200] =	vst v63  }
0x55: {  	_ =	swait.ge [sflag:s20], $0x4000  }
0x56: {  	[sflag:s20] =	ssyncset.done $0x0  }
0x57: {  	[sflag:s20] =	ssyncadd.s32 $0xFFFFC000  }
0x58: {  	[spmem:s7] =	stream.linear.scatter [tilespmem:s21], [sflag:$0x3], $0x4000, $0x38;
	[tilespmem:$0x1E200] =	vst v63  }
0x59: {  	_ =	swait.ge [sflag:s20], $0x4000  }
0x5a: {  	[sflag:s20] =	ssyncset.done $0x0  }
0x5b: {  	[sflag:s20] =	ssyncadd.s32 $0xFFFFC000  }
0x5c: {  	[spmem:s8] =	stream.linear.scatter [tilespmem:s21], [sflag:$0x3], $0x4000, $0x38;
	[tilespmem:$0x1E200] =	vst v63  }
0x5d: {  	_ =	swait.ge [sflag:s20], $0x4000  }
0x5e: {  	[sflag:s20] =	ssyncset.done $0x0  }
0x5f: {  	[sflag:s20] =	ssyncadd.s32 $0xFFFFC000  }
0x60: {  	[spmem:s9] =	stream.linear.scatter [tilespmem:s21], [sflag:$0x3], $0x4000, $0x38;
	[tilespmem:$0x1E200] =	vst v63  }
0x61: {  	_ =	swait.ge [sflag:s20], $0x4000  }
0x62: {  	[sflag:s20] =	ssyncset.done $0x0  }
0x63: {  	s0 =	simm.s32 @!p0 $0x2600;
	[sflag:s20] =	ssyncadd.s32 $0xFFFFC000  }
0x64: {  	[spmem:s11] =	stream.linear.scatter @!p0 [tilespmem:s0], [sflag:$0x3], $0x4000, $0x38;
	[tilespmem:$0x1E200] =	vst v63  }
0x65: {  	s0 =	simm.s32 @!p0 $0x3  }
0x66: {  	_ =	swait.ge @!p0 [sflag:s0], $0x4000  }
0x67: {  	[sflag:s0] =	ssyncset.done @!p0 $0x0  }
0x68: {  	[sflag:s0] =	ssyncadd.s32 @!p0 $0xFFFFC000  }
0x69: {  	[bflag:$0x0] =	sbarrier.arrive $0xFFFF  }
0x6a: {  	v1 =	vld [tilespmem:$0x0];
	_ =	sdelay $0x1  }
0x6b: {  	v2 =	vld [tilespmem:$0x10];
	_ =	sdelay $0x1  }
0x6c: {  	v3 =	vld [tilespmem:$0x20]  }
0x6d: {  	v4 =	vand.u32 $0x3FFF, v1  }
0x6e: {  	v62 =	vld [tilespmem:$0x30];
	v1 =	vshra.s32 v1, $0xE;
	[tilespmem:$0x2400] =	vst v4  }
0x6f: {  	[tilespmem:$0x2480] =	vst v1;
	v1 =	vand.u32 $0x3FFF, v2  }
0x70: {  	[tilespmem:$0x2410] =	vst v1;
	v1 =	vshra.s32 v2, $0xE;
	v2 =	vld [tilespmem:$0x40]  }
0x71: {  	[tilespmem:$0x2490] =	vst v1;
	v1 =	vand.u32 $0x3FFF, v3  }
0x72: {  	[tilespmem:$0x2420] =	vst v1;
	v1 =	vshra.s32 v3, $0xE;
	v3 =	vld [tilespmem:$0x50]  }
0x73: {  	[tilespmem:$0x24A0] =	vst v1;
	v1 =	vand.u32 $0x3FFF, v62  }
0x74: {  	v63 =	vld [tilespmem:$0x60];
	[tilespmem:$0x2430] =	vst v1;
	v1 =	vshra.s32 v62, $0xE  }
0x75: {  	[tilespmem:$0x24B0] =	vst v1;
	v1 =	vand.u32 $0x3FFF, v2  }
0x76: {  	[tilespmem:$0x2440] =	vst v1;
	v1 =	vshra.s32 v2, $0xE;
	v2 =	vld [tilespmem:$0x70]  }
0x77: {  	[tilespmem:$0x24C0] =	vst v1;
	v1 =	vand.u32 $0x3FFF, v3  }
0x78: {  	[tilespmem:$0x2450] =	vst v1;
	v1 =	vshra.s32 v3, $0xE  }
0x79: {  	[tilespmem:$0x24D0] =	vst v1;
	v1 =	vand.u32 $0x3FFF, v63  }
0x7a: {  	[tilespmem:$0x2460] =	vst v1;
	v1 =	vshra.s32 v63, $0xE  }
0x7b: {  	[tilespmem:$0x24E0] =	vst v1;
	v1 =	vand.u32 $0x3FFF, v2  }
0x7c: {  	[tilespmem:$0x2470] =	vst v1;
	v1 =	vshra.s32 v2, $0xE  }
0x7d: {  	s23 =	simm.s32 $0x2400;
	s0 =	simm.s32 $0xC0;
	[tilespmem:$0x24F0] =	vst v1  }
0x7e: {  	[tilespmem:s21], [sflag:$0x1] =	stream.indirect.gather [hbm4b:s4+s22], $0x80, s23, s22, $0xb8;
	[tilespmem:$0x1E200] =	vst v63  }
0x7f: {  	v1 =	vld [tilespmem:s0+$0xFFFFFFC0];
	_ =	sdelay $0x4  }
0x80: {  	v2 =	vand.u32 $0x3FFF, v1  }
0x81: {  	v1 =	vshra.s32 v1, $0xE;
	[tilespmem:$0x2500] =	vst v2  }
0x82: {  	[tilespmem:$0x2580] =	vst v1  }
0x83: {  	v1 =	vld [tilespmem:s0+$0xFFFFFFD0];
	_ =	sdelay $0x4  }
0x84: {  	v2 =	vand.u32 $0x3FFF, v1  }
0x85: {  	v1 =	vshra.s32 v1, $0xE;
	[tilespmem:$0x2510] =	vst v2  }
0x86: {  	[tilespmem:$0x2590] =	vst v1  }
0x87: {  	v1 =	vld [tilespmem:s0+$0xFFFFFFE0];
	_ =	sdelay $0x4  }
0x88: {  	v2 =	vand.u32 $0x3FFF, v1  }
0x89: {  	v1 =	vshra.s32 v1, $0xE;
	[tilespmem:$0x2520] =	vst v2  }
0x8a: {  	[tilespmem:$0x25A0] =	vst v1  }
0x8b: {  	v1 =	vld [tilespmem:s0+$0xFFFFFFF0];
	_ =	sdelay $0x4  }
0x8c: {  	v2 =	vand.u32 $0x3FFF, v1  }
0x8d: {  	v1 =	vshra.s32 v1, $0xE;
	[tilespmem:$0x2530] =	vst v2  }
0x8e: {  	[tilespmem:$0x25B0] =	vst v1  }
0x8f: {  	v1 =	vld [tilespmem:s0+$0x0];
	_ =	sdelay $0x4  }
0x90: {  	v2 =	vand.u32 $0x3FFF, v1  }
0x91: {  	v1 =	vshra.s32 v1, $0xE;
	[tilespmem:$0x2540] =	vst v2  }
0x92: {  	[tilespmem:$0x25C0] =	vst v1  }
0x93: {  	v1 =	vld [tilespmem:s0+$0x10];
	_ =	sdelay $0x4  }
0x94: {  	v2 =	vand.u32 $0x3FFF, v1  }
0x95: {  	v1 =	vshra.s32 v1, $0xE;
	[tilespmem:$0x2550] =	vst v2  }
0x96: {  	[tilespmem:$0x25D0] =	vst v1  }
0x97: {  	v1 =	vld [tilespmem:s0+$0x20];
	_ =	sdelay $0x4  }
0x98: {  	v2 =	vand.u32 $0x3FFF, v1  }
0x99: {  	v1 =	vshra.s32 v1, $0xE;
	[tilespmem:$0x2560] =	vst v2  }
0x9a: {  	[tilespmem:$0x25E0] =	vst v1  }
0x9b: {  	v1 =	vld [tilespmem:s0+$0x30];
	_ =	sdelay $0x4  }
0x9c: {  	v2 =	vand.u32 $0x3FFF, v1  }
0x9d: {  	v1 =	vshra.s32 v1, $0xE;
	[tilespmem:$0x2570] =	vst v2  }
0x9e: {  	[tilespmem:$0x25F0] =	vst v1  }
0x9f: {  	[tilespmem:s25], [sflag:$0x2] =	stream.indirect.gather [hbm4b:s4+s22], $0x80, s24, s22, $0xb8;
	[tilespmem:$0x1E200] =	vst v63  }
0xa0: {  	_ =	swait.ge [sflag:s26], $0x4000  }
0xa1: {  	[sflag:s26] =	ssyncset.done $0x0  }
0xa2: {  	[sflag:s26] =	ssyncadd.s32 $0xFFFFC000  }
0xa3: {  	[spmem:s2] =	stream.indirect.scatter.add.f32 [tilespmem:s21], [sflag:$0x3], $0x80, s28, s22, $0xb8;
	[tilespmem:$0x1E200] =	vst v63  }
0xa4: {  	_ =	swait.ge [sflag:s20], $0x4000  }
0xa5: {  	[sflag:s20] =	ssyncset.done $0x0  }
0xa6: {  	p3 =	sle.u32 s10, $0x2;
	[sflag:s20] =	ssyncadd.s32 $0xFFFFC000  }
0xa7: {  	v1 =	vld @!p3 [tilespmem:s0+$0x40];
	_ =	sdelay $0x4  }
0xa8: {  	v2 =	vand.u32 @!p3 $0x3FFF, v1  }
0xa9: {  	v1 =	vshra.s32 @!p3 v1, $0xE;
	[tilespmem:$0x2400] =	vst @!p3 v2  }
0xaa: {  	[tilespmem:$0x2480] =	vst @!p3 v1  }
0xab: {  	v1 =	vld @!p3 [tilespmem:s0+$0x50];
	_ =	sdelay $0x4  }
0xac: {  	v2 =	vand.u32 @!p3 $0x3FFF, v1  }
0xad: {  	v1 =	vshra.s32 @!p3 v1, $0xE;
	[tilespmem:$0x2410] =	vst @!p3 v2  }
0xae: {  	[tilespmem:$0x2490] =	vst @!p3 v1  }
0xaf: {  	v1 =	vld @!p3 [tilespmem:s0+$0x60];
	_ =	sdelay $0x4  }
0xb0: {  	v2 =	vand.u32 @!p3 $0x3FFF, v1  }
0xb1: {  	v1 =	vshra.s32 @!p3 v1, $0xE;
	[tilespmem:$0x2420] =	vst @!p3 v2  }
0xb2: {  	[tilespmem:$0x24A0] =	vst @!p3 v1  }
0xb3: {  	v1 =	vld @!p3 [tilespmem:s0+$0x70];
	_ =	sdelay $0x4  }
0xb4: {  	v2 =	vand.u32 @!p3 $0x3FFF, v1  }
0xb5: {  	v1 =	vshra.s32 @!p3 v1, $0xE;
	[tilespmem:$0x2430] =	vst @!p3 v2  }
0xb6: {  	[tilespmem:$0x24B0] =	vst @!p3 v1  }
0xb7: {  	v1 =	vld @!p3 [tilespmem:s0+$0x80];
	_ =	sdelay $0x4  }
0xb8: {  	v2 =	vand.u32 @!p3 $0x3FFF, v1  }
0xb9: {  	v1 =	vshra.s32 @!p3 v1, $0xE;
	[tilespmem:$0x2440] =	vst @!p3 v2  }
0xba: {  	[tilespmem:$0x24C0] =	vst @!p3 v1  }
0xbb: {  	v1 =	vld @!p3 [tilespmem:s0+$0x90];
	_ =	sdelay $0x4  }
0xbc: {  	v2 =	vand.u32 @!p3 $0x3FFF, v1  }
0xbd: {  	v1 =	vshra.s32 @!p3 v1, $0xE;
	[tilespmem:$0x2450] =	vst @!p3 v2  }
0xbe: {  	s1 =	rddreg [dreg:$0x4];
	[tilespmem:$0x24D0] =	vst @!p3 v1  }
0xbf: {  	s3 =	sadd.s32 $0xFFFFFFFF, s1;
	v1 =	vld @!p3 [tilespmem:s0+$0xA0]  }
0xc0: {  	p2 =	sne.s32 s3, $0x0  }
.Ltmp3:
0xc1: {  	_ = 	snop;
	(pc) =	sbr.rel @!p2 .LBB2_5-.Ltmp3, $3  }
0xc2: {  	_ =	sdelay $0x1  }
0xc3: {  	s13 =	simm.s32 $0x2;
	s12 =	simm.s32 @!p3 $0x2400;
	v2 =	vand.u32 @!p3 $0x3FFF, v1  }
0xc4: {  	s14 =	simm.s32 @!p3 $0x2600;
	s23 =	simm.s32 @!p3 $0x80;
	s1 =	simm.s32 $0xC0;
	v1 =	vshra.s32 @!p3 v1, $0xE;
	[tilespmem:$0x2460] =	vst @!p3 v2  }
.LBB2_4:
0xc5: {  	s3 =	sadd.s32 $0xFFFFFFFF, s3;
	[tilespmem:$0x24E0] =	vst @!p3 v1;
	s13 =	sadd.s32 $0x2, s13;
	s1 =	sadd.s32 $0x100, s1  }
0xc6: {  	p2 =	sne.s32 s3, $0x0;
	v1 =	vld @!p3 [tilespmem:s0+$0xB0];
	s0 =	smov.u32 s1;
	_ =	sdelay $0x4  }
0xc7: {  	v2 =	vand.u32 @!p3 $0x3FFF, v1;
	v1 =	vshra.s32 @!p3 v1, $0xE  }
0xc8: {  	[tilespmem:$0x2470] =	vst @!p3 v2  }
0xc9: {  	[tilespmem:$0x24F0] =	vst @!p3 v1  }
0xca: {  	[tilespmem:s14], [sflag:$0x1] =	stream.indirect.gather @!p3 [hbm4b:s4+s23], $0x80, s12, s23, $0xb8;
	[tilespmem:$0x1E200] =	vst v63  }
0xcb: {  	_ =	swait.ge [sflag:s29], $0x4000  }
0xcc: {  	[sflag:s29] =	ssyncset.done $0x0  }
0xcd: {  	[sflag:s29] =	ssyncadd.s32 $0xFFFFC000  }
0xce: {  	[spmem:s2] =	stream.indirect.scatter.add.f32 [tilespmem:s25], [sflag:$0x3], $0x80, s30, s22, $0xb8;
	[tilespmem:$0x1E200] =	vst v63  }
0xcf: {  	_ =	swait.ge [sflag:s20], $0x4000  }
0xd0: {  	[sflag:s20] =	ssyncset.done $0x0  }
0xd1: {  	[sflag:s20] =	ssyncadd.s32 $0xFFFFC000  }
0xd2: {  	v1 =	vld [tilespmem:s1+$0xFFFFFFC0];
	_ =	sdelay $0x4  }
0xd3: {  	v2 =	vand.u32 $0x3FFF, v1;
	v1 =	vshra.s32 v1, $0xE  }
0xd4: {  	[tilespmem:$0x2500] =	vst v2  }
0xd5: {  	[tilespmem:$0x2580] =	vst v1  }
0xd6: {  	v1 =	vld [tilespmem:s1+$0xFFFFFFD0];
	_ =	sdelay $0x4  }
0xd7: {  	v2 =	vand.u32 $0x3FFF, v1;
	v1 =	vshra.s32 v1, $0xE  }
0xd8: {  	[tilespmem:$0x2510] =	vst v2  }
0xd9: {  	[tilespmem:$0x2590] =	vst v1  }
0xda: {  	v1 =	vld [tilespmem:s1+$0xFFFFFFE0];
	_ =	sdelay $0x4  }
0xdb: {  	v2 =	vand.u32 $0x3FFF, v1;
	v1 =	vshra.s32 v1, $0xE  }
0xdc: {  	[tilespmem:$0x2520] =	vst v2  }
0xdd: {  	[tilespmem:$0x25A0] =	vst v1  }
0xde: {  	v1 =	vld [tilespmem:s1+$0xFFFFFFF0];
	_ =	sdelay $0x4  }
0xdf: {  	v2 =	vand.u32 $0x3FFF, v1;
	v1 =	vshra.s32 v1, $0xE  }
0xe0: {  	[tilespmem:$0x2530] =	vst v2  }
0xe1: {  	[tilespmem:$0x25B0] =	vst v1  }
0xe2: {  	v1 =	vld [tilespmem:s1+$0x0];
	_ =	sdelay $0x4  }
0xe3: {  	v2 =	vand.u32 $0x3FFF, v1;
	v1 =	vshra.s32 v1, $0xE  }
0xe4: {  	[tilespmem:$0x2540] =	vst v2  }
0xe5: {  	[tilespmem:$0x25C0] =	vst v1  }
0xe6: {  	v1 =	vld [tilespmem:s1+$0x10];
	_ =	sdelay $0x4  }
0xe7: {  	v2 =	vand.u32 $0x3FFF, v1;
	v1 =	vshra.s32 v1, $0xE  }
0xe8: {  	[tilespmem:$0x2550] =	vst v2  }
0xe9: {  	[tilespmem:$0x25D0] =	vst v1  }
0xea: {  	v1 =	vld [tilespmem:s1+$0x20];
	_ =	sdelay $0x4  }
0xeb: {  	v2 =	vand.u32 $0x3FFF, v1;
	v1 =	vshra.s32 v1, $0xE  }
0xec: {  	[tilespmem:$0x2560] =	vst v2  }
0xed: {  	[tilespmem:$0x25E0] =	vst v1  }
0xee: {  	v1 =	vld [tilespmem:s1+$0x30];
	_ =	sdelay $0x4  }
0xef: {  	v2 =	vand.u32 $0x3FFF, v1;
	v1 =	vshra.s32 v1, $0xE  }
0xf0: {  	[tilespmem:$0x2570] =	vst v2  }
0xf1: {  	[tilespmem:$0x25F0] =	vst v1  }
0xf2: {  	[tilespmem:s25], [sflag:$0x2] =	stream.indirect.gather [hbm4b:s4+s22], $0x80, s24, s22, $0xb8;
	[tilespmem:$0x1E200] =	vst v63  }
0xf3: {  	_ =	swait.ge [sflag:s26], $0x4000  }
0xf4: {  	[sflag:s26] =	ssyncset.done $0x0  }
0xf5: {  	[sflag:s26] =	ssyncadd.s32 $0xFFFFC000  }
0xf6: {  	[spmem:s2] =	stream.indirect.scatter.add.f32 [tilespmem:s21], [sflag:$0x3], $0x80, s28, s22, $0xb8;
	[tilespmem:$0x1E200] =	vst v63  }
0xf7: {  	_ =	swait.ge [sflag:s20], $0x4000  }
0xf8: {  	[sflag:s20] =	ssyncset.done $0x0  }
0xf9: {  	p3 =	sge.u32 s13, s10;
	[sflag:s20] =	ssyncadd.s32 $0xFFFFC000  }
0xfa: {  	v1 =	vld @!p3 [tilespmem:s1+$0x40];
	_ =	sdelay $0x4  }
0xfb: {  	v2 =	vand.u32 @!p3 $0x3FFF, v1;
	v1 =	vshra.s32 @!p3 v1, $0xE  }
0xfc: {  	[tilespmem:$0x2400] =	vst @!p3 v2  }
0xfd: {  	[tilespmem:$0x2480] =	vst @!p3 v1  }
0xfe: {  	v1 =	vld @!p3 [tilespmem:s1+$0x50];
	_ =	sdelay $0x4  }
0xff: {  	v2 =	vand.u32 @!p3 $0x3FFF, v1;
	v1 =	vshra.s32 @!p3 v1, $0xE  }
0x100: {  	[tilespmem:$0x2410] =	vst @!p3 v2  }
0x101: {  	[tilespmem:$0x2490] =	vst @!p3 v1  }
0x102: {  	v1 =	vld @!p3 [tilespmem:s1+$0x60];
	_ =	sdelay $0x4  }
0x103: {  	v2 =	vand.u32 @!p3 $0x3FFF, v1;
	v1 =	vshra.s32 @!p3 v1, $0xE  }
0x104: {  	[tilespmem:$0x2420] =	vst @!p3 v2  }
0x105: {  	[tilespmem:$0x24A0] =	vst @!p3 v1  }
0x106: {  	v1 =	vld @!p3 [tilespmem:s1+$0x70];
	_ =	sdelay $0x4  }
0x107: {  	v2 =	vand.u32 @!p3 $0x3FFF, v1;
	v1 =	vshra.s32 @!p3 v1, $0xE  }
0x108: {  	[tilespmem:$0x2430] =	vst @!p3 v2  }
0x109: {  	[tilespmem:$0x24B0] =	vst @!p3 v1  }
0x10a: {  	v1 =	vld @!p3 [tilespmem:s1+$0x80];
	_ =	sdelay $0x4  }
0x10b: {  	v2 =	vand.u32 @!p3 $0x3FFF, v1;
	v1 =	vshra.s32 @!p3 v1, $0xE  }
0x10c: {  	[tilespmem:$0x2440] =	vst @!p3 v2  }
0x10d: {  	[tilespmem:$0x24C0] =	vst @!p3 v1  }
0x10e: {  	v1 =	vld @!p3 [tilespmem:s1+$0x90];
	_ =	sdelay $0x4  }
0x10f: {  	v2 =	vand.u32 @!p3 $0x3FFF, v1;
	v1 =	vshra.s32 @!p3 v1, $0xE  }
0x110: {  	[tilespmem:$0x2450] =	vst @!p3 v2  }
0x111: {  	s23 =	simm.s32 @!p3 $0x80;
	s12 =	simm.s32 @!p3 $0x2400;
	s14 =	simm.s32 @!p3 $0x2600;
	[tilespmem:$0x24D0] =	vst @!p3 v1  }
0x112: {  	v1 =	vld @!p3 [tilespmem:s1+$0xA0];
	_ =	sdelay $0x1  }
.Ltmp4:
0x113: {  	(pc) =	sbr.rel @p2 .LBB2_4-.Ltmp4, $3  }
0x114: {  	_ =	sdelay $0x1  }
0x115: {  	v2 =	vand.u32 @!p3 $0x3FFF, v1;
	v1 =	vshra.s32 @!p3 v1, $0xE  }
0x116: {  	[tilespmem:$0x2460] =	vst @!p3 v2  }
.LBB2_5:
0x117: {  	[tilespmem:$0x24E0] =	vst @!p3 v1  }
0x118: {  	v1 =	vld @!p3 [tilespmem:s0+$0xB0];
	_ =	sdelay $0x4  }
0x119: {  	v2 =	vand.u32 @!p3 $0x3FFF, v1  }
0x11a: {  	v1 =	vshra.s32 @!p3 v1, $0xE;
	[tilespmem:$0x2470] =	vst @!p3 v2  }
0x11b: {  	[tilespmem:$0x24F0] =	vst @!p3 v1  }
0x11c: {  	[tilespmem:s14], [sflag:$0x1] =	stream.indirect.gather @!p3 [hbm4b:s4+s23], $0x80, s12, s23, $0xb8;
	[tilespmem:$0x1E200] =	vst v63  }
0x11d: {  	_ =	swait.ge [sflag:s29], $0x4000  }
0x11e: {  	[sflag:s29] =	ssyncset.done $0x0  }
.Ltmp5:
0x11f: {  	[sflag:s29] =	ssyncadd.s32 $0xFFFFC000;
	(pc) =	sbr.rel @p1 .LBB2_9-.Ltmp5, $4  }
0x120: {  	[spmem:s2] =	stream.indirect.scatter.add.f32 [tilespmem:s25], [sflag:$0x3], $0x80, s30, s22, $0xb8;
	[tilespmem:$0x1E200] =	vst v63  }
0x121: {  	_ =	swait.ge [sflag:s20], $0x4000  }
0x122: {  	[sflag:s20] =	ssyncset.done $0x0  }
0x123: {  	[sflag:s20] =	ssyncadd.s32 $0xFFFFC000  }
0x124: {  	s0 =	simm.s32 $0x0;
	s1 =	rddreg [dreg:$0x5]  }
0x125: {  	[tilespmem:s0], [sflag:$0x3] =	stream.linear.gather [hbm4b:s1+s0], $0x1E00, $0x38;
	[tilespmem:$0x1E200] =	vst v63  }
0x126: {  	_ =	swait.ge [sflag:s20], $0x1E00  }
0x127: {  	[sflag:s20] =	ssyncset.done $0x0  }
0x128: {  	[sflag:s20] =	ssyncadd.s32 $0xFFFFE200  }
0x129: {  	v1 =	vld [tilespmem:$0x0];
	_ =	sdelay $0x1  }
0x12a: {  	v2 =	vld [tilespmem:$0x10];
	_ =	sdelay $0x1  }
0x12b: {  	v3 =	vld [tilespmem:$0x20]  }
0x12c: {  	v4 =	vand.u32 $0x3FFF, v1  }
0x12d: {  	v62 =	vld [tilespmem:$0x30];
	v1 =	vshra.s32 v1, $0xE;
	[tilespmem:$0x2400] =	vst v4  }
0x12e: {  	[tilespmem:$0x2480] =	vst v1;
	v1 =	vand.u32 $0x3FFF, v2  }
0x12f: {  	[tilespmem:$0x2410] =	vst v1;
	v1 =	vshra.s32 v2, $0xE;
	v2 =	vld [tilespmem:$0x40]  }
0x130: {  	[tilespmem:$0x2490] =	vst v1;
	v1 =	vand.u32 $0x3FFF, v3  }
0x131: {  	[tilespmem:$0x2420] =	vst v1;
	v1 =	vshra.s32 v3, $0xE;
	v3 =	vld [tilespmem:$0x50]  }
0x132: {  	[tilespmem:$0x24A0] =	vst v1;
	v1 =	vand.u32 $0x3FFF, v62  }
0x133: {  	v63 =	vld [tilespmem:$0x60];
	[tilespmem:$0x2430] =	vst v1;
	v1 =	vshra.s32 v62, $0xE  }
0x134: {  	[tilespmem:$0x24B0] =	vst v1;
	v1 =	vand.u32 $0x3FFF, v2  }
0x135: {  	[tilespmem:$0x2440] =	vst v1;
	v1 =	vshra.s32 v2, $0xE;
	v2 =	vld [tilespmem:$0x70]  }
0x136: {  	[tilespmem:$0x24C0] =	vst v1;
	v1 =	vand.u32 $0x3FFF, v3  }
0x137: {  	[tilespmem:$0x2450] =	vst v1;
	v1 =	vshra.s32 v3, $0xE  }
0x138: {  	[tilespmem:$0x24D0] =	vst v1;
	v1 =	vand.u32 $0x3FFF, v63  }
0x139: {  	[tilespmem:$0x2460] =	vst v1;
	v1 =	vshra.s32 v63, $0xE  }
0x13a: {  	[tilespmem:$0x24E0] =	vst v1;
	v1 =	vand.u32 $0x3FFF, v2  }
0x13b: {  	[tilespmem:$0x2470] =	vst v1;
	v1 =	vshra.s32 v2, $0xE  }
0x13c: {  	s14 =	simm.s32 $0x2400;
	s23 =	simm.s32 $0x0;
	[tilespmem:$0x24F0] =	vst v1  }
0x13d: {  	[tilespmem:s21], [sflag:$0x1] =	stream.indirect.gather [hbm4b:s4+s22], $0x80, s14, s22, $0xb8;
	[tilespmem:$0x1E200] =	vst v63  }
0x13e: {  	v1 =	vld [tilespmem:s23+$0x80];
	_ =	sdelay $0x4  }
0x13f: {  	v2 =	vand.u32 $0x3FFF, v1  }
0x140: {  	v1 =	vshra.s32 v1, $0xE;
	[tilespmem:$0x2500] =	vst v2  }
0x141: {  	[tilespmem:$0x2580] =	vst v1  }
0x142: {  	v1 =	vld [tilespmem:s23+$0x90];
	_ =	sdelay $0x4  }
0x143: {  	v2 =	vand.u32 $0x3FFF, v1  }
0x144: {  	v1 =	vshra.s32 v1, $0xE;
	[tilespmem:$0x2510] =	vst v2  }
0x145: {  	[tilespmem:$0x2590] =	vst v1  }
0x146: {  	v1 =	vld [tilespmem:s23+$0xA0];
	_ =	sdelay $0x4  }
0x147: {  	v2 =	vand.u32 $0x3FFF, v1  }
0x148: {  	v1 =	vshra.s32 v1, $0xE;
	[tilespmem:$0x2520] =	vst v2  }
0x149: {  	[tilespmem:$0x25A0] =	vst v1  }
0x14a: {  	v1 =	vld [tilespmem:s23+$0xB0];
	_ =	sdelay $0x4  }
0x14b: {  	v2 =	vand.u32 $0x3FFF, v1  }
0x14c: {  	v1 =	vshra.s32 v1, $0xE;
	[tilespmem:$0x2530] =	vst v2  }
0x14d: {  	[tilespmem:$0x25B0] =	vst v1  }
0x14e: {  	v1 =	vld [tilespmem:s23+$0xC0];
	_ =	sdelay $0x4  }
0x14f: {  	v2 =	vand.u32 $0x3FFF, v1  }
0x150: {  	v1 =	vshra.s32 v1, $0xE;
	[tilespmem:$0x2540] =	vst v2  }
0x151: {  	[tilespmem:$0x25C0] =	vst v1  }
0x152: {  	v1 =	vld [tilespmem:s23+$0xD0];
	_ =	sdelay $0x4  }
0x153: {  	v2 =	vand.u32 $0x3FFF, v1  }
0x154: {  	v1 =	vshra.s32 v1, $0xE;
	[tilespmem:$0x2550] =	vst v2  }
0x155: {  	[tilespmem:$0x25D0] =	vst v1  }
0x156: {  	v1 =	vld [tilespmem:s23+$0xE0];
	_ =	sdelay $0x4  }
0x157: {  	v2 =	vand.u32 $0x3FFF, v1  }
0x158: {  	v1 =	vshra.s32 v1, $0xE;
	[tilespmem:$0x2560] =	vst v2  }
0x159: {  	[tilespmem:$0x25E0] =	vst v1  }
0x15a: {  	v1 =	vld [tilespmem:s23+$0xF0];
	_ =	sdelay $0x4  }
0x15b: {  	v2 =	vand.u32 $0x3FFF, v1  }
0x15c: {  	v1 =	vshra.s32 v1, $0xE;
	[tilespmem:$0x2570] =	vst v2  }
0x15d: {  	[tilespmem:$0x25F0] =	vst v1  }
0x15e: {  	[tilespmem:s25], [sflag:$0x2] =	stream.indirect.gather [hbm4b:s4+s22], $0x80, s24, s22, $0xb8;
	[tilespmem:$0x1E200] =	vst v63  }
0x15f: {  	_ =	swait.ge [sflag:s26], $0x4000  }
0x160: {  	[sflag:s26] =	ssyncset.done $0x0  }
0x161: {  	[sflag:s26] =	ssyncadd.s32 $0xFFFFC000  }
0x162: {  	[spmem:s2] =	stream.indirect.scatter.add.f32 [tilespmem:s21], [sflag:$0x3], $0x80, s28, s22, $0xb8;
	[tilespmem:$0x1E200] =	vst v63  }
0x163: {  	_ =	swait.ge [sflag:s20], $0x4000  }
0x164: {  	p3 =	por $0x0, $0x0;
	[sflag:s20] =	ssyncset.done $0x0  }
0x165: {  	s1 =	simm.s32 @!p3 $0x0;
	[sflag:s20] =	ssyncadd.s32 $0xFFFFC000  }
0x166: {  	v1 =	vld @!p3 [tilespmem:s1+$0x100];
	_ =	sdelay $0x4  }
0x167: {  	v2 =	vand.u32 @!p3 $0x3FFF, v1  }
0x168: {  	v1 =	vshra.s32 @!p3 v1, $0xE;
	[tilespmem:$0x2400] =	vst @!p3 v2  }
0x169: {  	[tilespmem:$0x2480] =	vst @!p3 v1  }
0x16a: {  	v1 =	vld @!p3 [tilespmem:s1+$0x110];
	_ =	sdelay $0x4  }
0x16b: {  	v2 =	vand.u32 @!p3 $0x3FFF, v1  }
0x16c: {  	v1 =	vshra.s32 @!p3 v1, $0xE;
	[tilespmem:$0x2410] =	vst @!p3 v2  }
0x16d: {  	[tilespmem:$0x2490] =	vst @!p3 v1  }
0x16e: {  	v1 =	vld @!p3 [tilespmem:s1+$0x120];
	_ =	sdelay $0x4  }
0x16f: {  	v2 =	vand.u32 @!p3 $0x3FFF, v1  }
0x170: {  	v1 =	vshra.s32 @!p3 v1, $0xE;
	[tilespmem:$0x2420] =	vst @!p3 v2  }
0x171: {  	[tilespmem:$0x24A0] =	vst @!p3 v1  }
0x172: {  	v1 =	vld @!p3 [tilespmem:s1+$0x130];
	_ =	sdelay $0x4  }
0x173: {  	v2 =	vand.u32 @!p3 $0x3FFF, v1  }
0x174: {  	v1 =	vshra.s32 @!p3 v1, $0xE;
	[tilespmem:$0x2430] =	vst @!p3 v2  }
0x175: {  	[tilespmem:$0x24B0] =	vst @!p3 v1  }
0x176: {  	v1 =	vld @!p3 [tilespmem:s1+$0x140];
	_ =	sdelay $0x4  }
0x177: {  	v2 =	vand.u32 @!p3 $0x3FFF, v1  }
0x178: {  	v1 =	vshra.s32 @!p3 v1, $0xE;
	[tilespmem:$0x2440] =	vst @!p3 v2  }
0x179: {  	[tilespmem:$0x24C0] =	vst @!p3 v1  }
0x17a: {  	v1 =	vld @!p3 [tilespmem:s1+$0x150];
	_ =	sdelay $0x4  }
0x17b: {  	v2 =	vand.u32 @!p3 $0x3FFF, v1  }
0x17c: {  	v1 =	vshra.s32 @!p3 v1, $0xE;
	[tilespmem:$0x2450] =	vst @!p3 v2  }
0x17d: {  	[tilespmem:$0x24D0] =	vst @!p3 v1  }
0x17e: {  	v1 =	vld @!p3 [tilespmem:s1+$0x160];
	_ =	sdelay $0x4  }
0x17f: {  	s0 =	simm.s32 $0x400;
	v2 =	vand.u32 @!p3 $0x3FFF, v1  }
0x180: {  	s12 =	simm.s32 @!p3 $0x80;
	s13 =	simm.s32 @!p3 $0x2400;
	s14 =	simm.s32 @!p3 $0x2600;
	v1 =	vshra.s32 @!p3 v1, $0xE;
	[tilespmem:$0x2460] =	vst @!p3 v2  }
.LBB2_7:
0x181: {  	[tilespmem:$0x24E0] =	vst @!p3 v1;
	s3 =	smov.u32 s0;
	s0 =	sadd.s32 $0x400, s0  }
0x182: {  	p2 =	sne.s32 s0, $0x7800;
	v1 =	vld @!p3 [tilespmem:s1+$0x170];
	_ =	sdelay $0x4  }
0x183: {  	v2 =	vand.u32 @!p3 $0x3FFF, v1;
	v1 =	vshra.s32 @!p3 v1, $0xE  }
0x184: {  	[tilespmem:$0x2470] =	vst @!p3 v2  }
0x185: {  	[tilespmem:$0x24F0] =	vst @!p3 v1  }
0x186: {  	[tilespmem:s14], [sflag:$0x1] =	stream.indirect.gather @!p3 [hbm4b:s4+s12], $0x80, s13, s12, $0xb8;
	[tilespmem:$0x1E200] =	vst v63  }
0x187: {  	_ =	swait.ge [sflag:s29], $0x4000  }
0x188: {  	[sflag:s29] =	ssyncset.done $0x0  }
0x189: {  	[sflag:s29] =	ssyncadd.s32 $0xFFFFC000  }
0x18a: {  	[spmem:s2] =	stream.indirect.scatter.add.f32 [tilespmem:s25], [sflag:$0x3], $0x80, s30, s22, $0xb8;
	[tilespmem:$0x1E200] =	vst v63  }
0x18b: {  	_ =	swait.ge [sflag:s20], $0x4000  }
0x18c: {  	[sflag:s20] =	ssyncset.done $0x0  }
0x18d: {  	s1 =	sshra.s32 s3, $0x2;
	[sflag:s20] =	ssyncadd.s32 $0xFFFFC000  }
0x18e: {  	v1 =	vld [tilespmem:s1+$0x80];
	_ =	sdelay $0x4  }
0x18f: {  	v2 =	vand.u32 $0x3FFF, v1;
	v1 =	vshra.s32 v1, $0xE  }
0x190: {  	[tilespmem:$0x2500] =	vst v2  }
0x191: {  	[tilespmem:$0x2580] =	vst v1  }
0x192: {  	v1 =	vld [tilespmem:s1+$0x90];
	_ =	sdelay $0x4  }
0x193: {  	v2 =	vand.u32 $0x3FFF, v1;
	v1 =	vshra.s32 v1, $0xE  }
0x194: {  	[tilespmem:$0x2510] =	vst v2  }
0x195: {  	[tilespmem:$0x2590] =	vst v1  }
0x196: {  	v1 =	vld [tilespmem:s1+$0xA0];
	_ =	sdelay $0x4  }
0x197: {  	v2 =	vand.u32 $0x3FFF, v1;
	v1 =	vshra.s32 v1, $0xE  }
0x198: {  	[tilespmem:$0x2520] =	vst v2  }
0x199: {  	[tilespmem:$0x25A0] =	vst v1  }
0x19a: {  	v1 =	vld [tilespmem:s1+$0xB0];
	_ =	sdelay $0x4  }
0x19b: {  	v2 =	vand.u32 $0x3FFF, v1;
	v1 =	vshra.s32 v1, $0xE  }
0x19c: {  	[tilespmem:$0x2530] =	vst v2  }
0x19d: {  	[tilespmem:$0x25B0] =	vst v1  }
0x19e: {  	v1 =	vld [tilespmem:s1+$0xC0];
	_ =	sdelay $0x4  }
0x19f: {  	v2 =	vand.u32 $0x3FFF, v1;
	v1 =	vshra.s32 v1, $0xE  }
0x1a0: {  	[tilespmem:$0x2540] =	vst v2  }
0x1a1: {  	[tilespmem:$0x25C0] =	vst v1  }
0x1a2: {  	v1 =	vld [tilespmem:s1+$0xD0];
	_ =	sdelay $0x4  }
0x1a3: {  	v2 =	vand.u32 $0x3FFF, v1;
	v1 =	vshra.s32 v1, $0xE  }
0x1a4: {  	[tilespmem:$0x2550] =	vst v2  }
0x1a5: {  	[tilespmem:$0x25D0] =	vst v1  }
0x1a6: {  	v1 =	vld [tilespmem:s1+$0xE0];
	_ =	sdelay $0x4  }
0x1a7: {  	v2 =	vand.u32 $0x3FFF, v1;
	v1 =	vshra.s32 v1, $0xE  }
0x1a8: {  	[tilespmem:$0x2560] =	vst v2  }
0x1a9: {  	[tilespmem:$0x25E0] =	vst v1  }
0x1aa: {  	v1 =	vld [tilespmem:s1+$0xF0];
	_ =	sdelay $0x4  }
0x1ab: {  	v2 =	vand.u32 $0x3FFF, v1;
	v1 =	vshra.s32 v1, $0xE  }
0x1ac: {  	p3 =	seq.s32 s3, $0x7400;
	[tilespmem:$0x2570] =	vst v2  }
0x1ad: {  	s1 =	sshra.s32 @!p3 s3, $0x2;
	[tilespmem:$0x25F0] =	vst v1  }
0x1ae: {  	[tilespmem:s25], [sflag:$0x2] =	stream.indirect.gather [hbm4b:s4+s22], $0x80, s24, s22, $0xb8;
	[tilespmem:$0x1E200] =	vst v63  }
0x1af: {  	_ =	swait.ge [sflag:s26], $0x4000  }
0x1b0: {  	[sflag:s26] =	ssyncset.done $0x0  }
0x1b1: {  	[sflag:s26] =	ssyncadd.s32 $0xFFFFC000  }
0x1b2: {  	[spmem:s2] =	stream.indirect.scatter.add.f32 [tilespmem:s21], [sflag:$0x3], $0x80, s28, s22, $0xb8;
	[tilespmem:$0x1E200] =	vst v63  }
0x1b3: {  	_ =	swait.ge [sflag:s20], $0x4000  }
0x1b4: {  	[sflag:s20] =	ssyncset.done $0x0  }
0x1b5: {  	[sflag:s20] =	ssyncadd.s32 $0xFFFFC000  }
0x1b6: {  	v1 =	vld @!p3 [tilespmem:s1+$0x100];
	_ =	sdelay $0x4  }
0x1b7: {  	v2 =	vand.u32 @!p3 $0x3FFF, v1;
	v1 =	vshra.s32 @!p3 v1, $0xE  }
0x1b8: {  	[tilespmem:$0x2400] =	vst @!p3 v2  }
0x1b9: {  	[tilespmem:$0x2480] =	vst @!p3 v1  }
0x1ba: {  	v1 =	vld @!p3 [tilespmem:s1+$0x110];
	_ =	sdelay $0x4  }
0x1bb: {  	v2 =	vand.u32 @!p3 $0x3FFF, v1;
	v1 =	vshra.s32 @!p3 v1, $0xE  }
0x1bc: {  	[tilespmem:$0x2410] =	vst @!p3 v2  }
0x1bd: {  	[tilespmem:$0x2490] =	vst @!p3 v1  }
0x1be: {  	v1 =	vld @!p3 [tilespmem:s1+$0x120];
	_ =	sdelay $0x4  }
0x1bf: {  	v2 =	vand.u32 @!p3 $0x3FFF, v1;
	v1 =	vshra.s32 @!p3 v1, $0xE  }
0x1c0: {  	[tilespmem:$0x2420] =	vst @!p3 v2  }
0x1c1: {  	[tilespmem:$0x24A0] =	vst @!p3 v1  }
0x1c2: {  	v1 =	vld @!p3 [tilespmem:s1+$0x130];
	_ =	sdelay $0x4  }
0x1c3: {  	v2 =	vand.u32 @!p3 $0x3FFF, v1;
	v1 =	vshra.s32 @!p3 v1, $0xE  }
0x1c4: {  	[tilespmem:$0x2430] =	vst @!p3 v2  }
0x1c5: {  	[tilespmem:$0x24B0] =	vst @!p3 v1  }
0x1c6: {  	v1 =	vld @!p3 [tilespmem:s1+$0x140];
	_ =	sdelay $0x4  }
0x1c7: {  	v2 =	vand.u32 @!p3 $0x3FFF, v1;
	v1 =	vshra.s32 @!p3 v1, $0xE  }
0x1c8: {  	[tilespmem:$0x2440] =	vst @!p3 v2  }
0x1c9: {  	[tilespmem:$0x24C0] =	vst @!p3 v1  }
0x1ca: {  	v1 =	vld @!p3 [tilespmem:s1+$0x150];
	_ =	sdelay $0x4  }
0x1cb: {  	v2 =	vand.u32 @!p3 $0x3FFF, v1;
	v1 =	vshra.s32 @!p3 v1, $0xE  }
0x1cc: {  	[tilespmem:$0x2450] =	vst @!p3 v2  }
0x1cd: {  	s12 =	simm.s32 @!p3 $0x80;
	s13 =	simm.s32 @!p3 $0x2400;
	s14 =	simm.s32 @!p3 $0x2600;
	[tilespmem:$0x24D0] =	vst @!p3 v1  }
0x1ce: {  	v1 =	vld @!p3 [tilespmem:s1+$0x160];
	_ =	sdelay $0x1  }
.Ltmp6:
0x1cf: {  	(pc) =	sbr.rel @p2 .LBB2_7-.Ltmp6, $3  }
0x1d0: {  	_ =	sdelay $0x1  }
0x1d1: {  	v2 =	vand.u32 @!p3 $0x3FFF, v1;
	v1 =	vshra.s32 @!p3 v1, $0xE  }
0x1d2: {  	[tilespmem:$0x2460] =	vst @!p3 v2  }
.Ltmp7:
0x1d3: {  	_ = 	snop;
	(pc) =	sbr.rel .LBB2_8-.Ltmp7, $1  }
0x1d4: {  	_ =	sdelay $0x3  }
.LBB2_10:
0x1d5: {  	_ =	sfence.sel $0x180000  }
0x1d6: {  	[bflag:$0x0] =	sbarrier.arrive $0xFFFF  }
0x1d7: {  	_ =	strace $0x9000004D  }
0x1d8: {  	s0 =	stileid.u32;
	[bflag:$0x2] =	sbarrier.arrive $0xFFFF  }
0x1d9: {  	p0 =	sne.s32 s0, $0x0;
	s0 =	rddreg [dreg:$0x3]  }
0x1da: {  	s0 =	sadd.s32 @!p0 $0x100000, s0  }
0x1db: {  	[sflag:s0] =	ssyncadd.tile.s32 @!p0 $0x1;
	_ =	shalt  }
.Lfunc_end2:
_tile_overlayer_lowered:
.L_overlay_start_2:
0x1dc: {  	(tag) =	ssettag $0x2  }
0x1dd: {  	s0 =	rddreg [dreg:$0x0];
	s2 =	stileid.u32  }
0x1de: {  	s1 =	rddreg [dreg:$0x1];
	p0 =	sne.s32 s2, $0x0  }
0x1df: {  	s3 =	rddreg [dreg:$0x2];
	[bflag:$0x3] =	sbarrier.arrive $0xFFFF;
	s2 =	simm.s32 @!p0 $0x1C03  }
0x1e0: {  	[timem:s3], [sflag:s2] =	dma.local @!p0 [hbm:s0], s1  }
0x1e1: {  	s0 =	simm.s32 @!p0 $0x3  }
0x1e2: {  	_ =	swait.ge @!p0 [sflag:s0], s1  }
0x1e3: {  	s1 =	ssub.s32 @!p0 $0x0, s1;
	[sflag:s0] =	ssyncset.done @!p0 $0x0  }
0x1e4: {  	[sflag:s0] =	ssyncadd.s32 @!p0 s1  }
0x1e5: {  	[bflag:$0x3] =	sbarrier.arrive $0xFFFF  }
0x1e6: {  	_ =	shalt  }

// kernel: kernel.8.cloned.1.call-start
scs
__scs_entry_jumppad:
0x0: {  	(pc) =	sbr.rel $0x88, $3  }
0x1: {  	(tag) =	ssettag $0x0;
	lr =	simm.s32 $0x1  }
0x2: {  	[smem:$0x3F9B] =	sst lr;
	_ =	strace $0xD0000000  }
0x3: {  	_ = 	snop  }
0x4: {  	_ = 	snop  }
0x5: {  	_ = 	snop  }
0x6: {  	_ = 	snop  }
0x7: {  	_ = 	snop  }
__scs_overlays_trampoline_lowered:
0x8: {  	[smem:$0x3FAA] =	sst s0  }
0x9: {  	[smem:$0x3FAB] =	sst s1  }
0xa: {  	[smem:$0x3FAC] =	sst s2  }
0xb: {  	[smem:$0x3FAD] =	sst s3  }
0xc: {  	[smem:$0x3FAE] =	sst s4  }
0xd: {  	[smem:$0x3FAF] =	sst s5  }
0xe: {  	[smem:$0x3FB0] =	sst s6  }
0xf: {  	[smem:$0x3FB1] =	sst s7  }
0x10: {  	[smem:$0x3FB2] =	sst s8  }
0x11: {  	[smem:$0x3FB3] =	sst s9;
	s0 =	simm.s32 @!p0 $0x0  }
0x12: {  	s1 =	sld [smem:$0x3F99];
	s0 =	simm.s32 @p0 $0x1  }
0x13: {  	[smem:$0x3FB4] =	sst s0;
	s0 =	simm.s32 @!p1 $0x0  }
0x14: {  	s2 =	sld [smem:$0x3F98];
	s0 =	simm.s32 @p1 $0x1  }
0x15: {  	[smem:$0x3FB5] =	sst s0;
	s0 =	simm.s32 @!p2 $0x0  }
0x16: {  	s3 =	sld [smem:$0x3FDB];
	s0 =	simm.s32 @p2 $0x1  }
0x17: {  	s4 =	simm.s32 $0x1BF5;
	[smem:$0x3FB7] =	sst s0  }
0x18: {  	s0 =	sld [smem:$0x3F9A];
	_ =	swait.ge [sflag:s4], $0x0  }
0x19: {  	s7 =	sld [smem:$0x3F9B]  }
0x1a: {  	s8 =	sadd.s32 $0xFFFFE003, lr  }
0x1b: {  	s9 =	sadd.s32 $0xFFFFFEF7, lr;
	s5 =	simm.s32 $0xFFFFFFFF;
	p2 =	slt.u32 s8, $0xFFFFF086  }
0x1c: {  	p1 =	slt.u32 s9, $0xF7A;
	s5 =	simm.s32 @!p2 $0x0  }
0x1d: {  	s5 =	simm.s32 @p1 $0x1;
	p0 =	seq.s32 s7, s2  }
0x1e: {  	s7 =	smul.u32 @!p0 $0xF7A, s2;
	p2 =	seq.s32 @!p0 s5, $0x0  }
0x1f: {  	s9 =	smul.u32 $0xF7A, s1;
	s8 =	simm.s32 @!p0 $0x1BF5;
	p2 =	por !p2, p0  }
0x20: {  	[sflag:s8] =	ssyncset.s32 @!p0 $0xFFFFF086;
	s6 =	sadd.s32 @!p0 s3, s7;
	s7 =	simm.s32 @!p0 $0x108  }
0x21: {  	s3 =	sadd.s32 s3, s9;
	s6 =	sadd.s32 @!p0 $0x88, s6;
	s7 =	simm.s32 @p2 $0x1082  }
0x22: {  	[simem:s7], [sflag:s8] =	dma.local @!p0 [hbm:s6], $0xF7A  }
0x23: {  	s9 =	sor.u32 $0xD0000000, s2;
	s6 =	simm.s32 $0x108;
	_ =	swait.ge @!p0 [sflag:s8], $0x0  }
0x24: {  	s3 =	sadd.s32 $0x88, s3;
	s6 =	simm.s32 @!p1 $0x1082;
	[sflag:s4] =	ssyncset.s32 $0xFFFFF086  }
0x25: {  	[simem:s6], [sflag:s4] =	dma.local [hbm:s3], $0xF7A  }
0x26: {  	[smem:$0x3F9B] =	sst s1;
	(tag) =	ssettag s2;
	_ =	strace s9  }
0x27: {  	s1 =	sld [smem:$0x3FAB]  }
0x28: {  	s2 =	sld [smem:$0x3FAC]  }
0x29: {  	s4 =	sld [smem:$0x3FAE]  }
0x2a: {  	p0 =	seq.s32 s5, $0x0;
	s5 =	sld [smem:$0x3FAF]  }
0x2b: {  	s6 =	sld [smem:$0x3FB0]  }
0x2c: {  	s7 =	sld [smem:$0x3FB1]  }
0x2d: {  	s3 =	simm.s32 $0x108;
	s8 =	sld [smem:$0x3FB2]  }
0x2e: {  	s3 =	simm.s32 @!p0 $0x1082;
	s9 =	sld [smem:$0x3FB3]  }
0x2f: {  	lr =	sadd.s32 s0, s3;
	s0 =	sld [smem:$0x3FAA]  }
0x30: {  	s3 =	sld [smem:$0x3FAD]  }
0x31: {  	[smem:$0x3FB6] =	sst s10  }
0x32: {  	s10 =	sld [smem:$0x3FB4];
	_ =	sdelay $0x3  }
0x33: {  	p0 =	seq.s32 s10, $0x1;
	s10 =	sld [smem:$0x3FB6];
	_ =	sdelay $0x3  }
0x34: {  	[smem:$0x3FB6] =	sst s10  }
0x35: {  	s10 =	sld [smem:$0x3FB5];
	_ =	sdelay $0x3  }
0x36: {  	p1 =	seq.s32 s10, $0x1;
	s10 =	sld [smem:$0x3FB6];
	_ =	sdelay $0x3  }
0x37: {  	[smem:$0x3FB6] =	sst s10  }
0x38: {  	s10 =	sld [smem:$0x3FB7]  }
0x39: {  	_ = 	snop;
	(pc) =	sbr.ind lr, $3  }
0x3a: {  	_ = 	snop  }
0x3b: {  	_ = 	snop  }
0x3c: {  	p2 =	seq.s32 s10, $0x1;
	s10 =	sld [smem:$0x3FB6]  }
0x3d: {  	_ =	shalt  }
0x3e: {  	_ =	shalt  }
0x3f: {  	_ =	shalt  }
0x40: {  	_ =	shalt  }
0x41: {  	_ =	shalt  }
0x42: {  	_ =	shalt  }
0x43: {  	_ =	shalt  }
0x44: {  	_ =	shalt  }
0x45: {  	_ =	shalt  }
0x46: {  	_ =	shalt  }
0x47: {  	_ =	shalt  }
0x48: {  	_ =	shalt  }
0x49: {  	_ =	shalt  }
0x4a: {  	_ =	shalt  }
0x4b: {  	_ =	shalt  }
0x4c: {  	_ =	shalt  }
0x4d: {  	_ =	shalt  }
0x4e: {  	_ =	shalt  }
0x4f: {  	_ =	shalt  }
0x50: {  	_ =	shalt  }
0x51: {  	_ =	shalt  }
0x52: {  	_ =	shalt  }
0x53: {  	_ =	shalt  }
0x54: {  	_ =	shalt  }
0x55: {  	_ =	shalt  }
0x56: {  	_ =	shalt  }
0x57: {  	_ =	shalt  }
0x58: {  	_ =	shalt  }
0x59: {  	_ =	shalt  }
0x5a: {  	_ =	shalt  }
0x5b: {  	_ =	shalt  }
0x5c: {  	_ =	shalt  }
0x5d: {  	_ =	shalt  }
0x5e: {  	_ =	shalt  }
0x5f: {  	_ =	shalt  }
0x60: {  	_ =	shalt  }
0x61: {  	_ =	shalt  }
0x62: {  	_ =	shalt  }
0x63: {  	_ =	shalt  }
0x64: {  	_ =	shalt  }
0x65: {  	_ =	shalt  }
0x66: {  	_ =	shalt  }
0x67: {  	_ =	shalt  }
0x68: {  	_ =	shalt  }
0x69: {  	_ =	shalt  }
0x6a: {  	_ =	shalt  }
0x6b: {  	_ =	shalt  }
0x6c: {  	_ =	shalt  }
0x6d: {  	_ =	shalt  }
0x6e: {  	_ =	shalt  }
0x6f: {  	_ =	shalt  }
0x70: {  	_ =	shalt  }
0x71: {  	_ =	shalt  }
0x72: {  	_ =	shalt  }
0x73: {  	_ =	shalt  }
0x74: {  	_ =	shalt  }
0x75: {  	_ =	shalt  }
0x76: {  	_ =	shalt  }
0x77: {  	_ =	shalt  }
0x78: {  	_ =	shalt  }
0x79: {  	_ =	shalt  }
0x7a: {  	_ =	shalt  }
0x7b: {  	_ =	shalt  }
0x7c: {  	_ =	shalt  }
0x7d: {  	_ =	shalt  }
0x7e: {  	_ =	shalt  }
0x7f: {  	_ =	shalt  }
0x80: {  	_ =	shalt  }
0x81: {  	_ =	shalt  }
0x82: {  	_ =	shalt  }
0x83: {  	_ =	shalt  }
0x84: {  	_ =	shalt  }
0x85: {  	_ =	shalt  }
0x86: {  	_ =	shalt  }
0x87: {  	_ =	shalt  }
.Lfunc_end0:
.L_simem_size_0:
called_computation_lowered:
.L_overlay_start_0:
0x88: {  	s2 =	sld [smem:$0x3FD9]  }
0x89: {  	s3 =	sld [smem:$0x3FFE];
	_ =	sdelay $0x1  }
0x8a: {  	s1 =	srdreg.scid  }
0x8b: {  	s0 =	sand.u32 $0x1, s1  }
0x8c: {  	s14 =	sshll.u32 s0, $0xA;
	s2 =	sadd.s32 s3, s2  }
0x8d: {  	s2 =	sadd.s32 s2, s14  }
0x8e: {  	[smem:$0x3FC2] =	sst s2  }
0x8f: {  	_ = 	snop  }
0x90: {  	s2 =	sld [smem:$0x3FD0];
	_ =	sdelay $0x2  }
0x91: {  	s15 =	simm.s32 $0xA;
	s4 =	simm.s32 $0x10  }
0x92: {  	[smem:s4], [sflag:s15] =	dma.local [hbm:s2], $0x1  }
0x93: {  	_ =	swait.eq [sflag:s15], $0x1  }
0x94: {  	[sflag:s15] =	ssyncset.done $0x0  }
0x95: {  	[sflag:s15] =	ssyncadd.s32 $0xFFFFFFFF  }
0x96: {  	s16 =	sld [smem:$0x11];
	(tm) =	ssettm $0x1  }
0x97: {  	s17 =	sld [smem:$0x3FFB];
	_ =	sdelay $0x3  }
0x98: {  	_ =	strace s17  }
0x99: {  	s3 =	sld [smem:$0x3FFC];
	_ =	sdelay $0x3  }
0x9a: {  	_ =	strace s3  }
0x9b: {  	s3 =	sld [smem:$0x3FFD];
	_ =	sdelay $0x3  }
0x9c: {  	_ =	strace s3  }
0x9d: {  	_ =	strace $0x8FFFFFFF  }
0x9e: {  	s18 =	sld [smem:$0x3FDB];
	_ =	sdelay $0x1  }
0x9f: {  	s19 =	simm.s32 $_scs_section_size  }
0xa0: {  	s5 =	simm.s32 $_size__tile_overlayer_lowered;
	s6 =	simm.s32 $_tile_overlayer_lowered  }
0xa1: {  	s22 =	simm.s32 $0x1BFF;
	s21 =	sshll.u32 s6, $0x1;
	s3 =	sadd.s32 s19, s18  }
0xa2: {  	s7 =	simm.s32 $0x0;
	s20 =	sshll.u32 s5, $0x1;
	s5 =	sadd.s32 s21, s3  }
0xa3: {  	[timem:s7], [sflag:s22] =	dma.local [hbm:s5], s20  }
0xa4: {  	_ =	swait.ge [sflag:s22], s20  }
0xa5: {  	s4 =	ssub.s32 $0x0, s20;
	[sflag:s22] =	ssyncset.done $0x0  }
0xa6: {  	[sflag:s22] =	ssyncadd.s32 s4;
	_ =	sdelay $0x1  }
0xa7: {  	s23 =	simm.s32 $0x1B8B  }
0xa8: {  	_ =	swait.ge [sflag:s23], $0x1  }
0xa9: {  	[sflag:s23] =	ssyncset.done $0x0  }
0xaa: {  	s25 =	simm.s32 $0x1B8E;
	s24 =	sld [smem:$0x3FFE];
	[sflag:s23] =	ssyncadd.s32 $0xFFFFFFFF  }
0xab: {  	s26 =	simm.s32 $execute0_lowered;
	[smem:$0x3FD2] =	sst s25  }
0xac: {  	s5 =	sshll.u32 s26, $0x1;
	_ =	strace $0x80000046;
	[dreg:$0x1] =	wrdreg $0xFFFFFFFF  }
0xad: {  	s28 =	simm.s32 $_size_execute0_lowered;
	s3 =	sadd.s32 s3, s5;
	[dreg:$0x0] =	wrdreg $0x0  }
0xae: {  	s5 =	sshll.u32 s28, $0x1;
	[dreg:$0x2] =	wrdreg s3  }
0xaf: {  	[dreg:$0x3] =	wrdreg s5  }
0xb0: {  	[dreg:$0x4] =	wrdreg $0xC0  }
0xb1: {  	_ =	task [dreg:s7], $0x5FFFF  }
0xb2: {  	[dreg:$0x1] =	wrdreg $0xFFFFFFFF  }
0xb3: {  	[dreg:$0x0] =	wrdreg $0x60  }
0xb4: {  	[dreg:$0x2] =	wrdreg s16  }
0xb5: {  	[dreg:$0x3] =	wrdreg s24  }
0xb6: {  	[dreg:$0x4] =	wrdreg $0x68000  }
0xb7: {  	[dreg:$0x5] =	wrdreg $0x9  }
0xb8: {  	_ =	task.clear_ibuf [dreg:s7], $0x6FFFF;
	_ =	strace $0x90000046  }
0xb9: {  	s29 =	simm.s32 $0x9;
	_ =	strace $0x80000048  }
0xba: {  	_ =	swait.ge [sflag:s29], $0x1  }
0xbb: {  	[sflag:s29] =	ssyncadd.s32 $0xFFFFFFFF  }
0xbc: {  	_ =	strace $0x90000048  }
0xbd: {  	_ =	sfence  }
0xbe: {  	s30 =	sld [smem:$0x0];
	_ =	sdelay $0x2  }
0xbf: {  	s31 =	sshll.u32 s1, $0xD;
	s1 =	sshrl.u32 s1, $0x2  }
0xc0: {  	s3 =	sand.u32 $0x4000, s31;
	s1 =	sadd.s32 s1, s30  }
0xc1: {  	s0 =	sor.u32 s3, s0;
	s1 =	sshll.u32 s1, $0x11  }
0xc2: {  	s0 =	sor.u32 s1, s0  }
0xc3: {  	s0 =	sadd.s32 $0x8F2B, s0  }
0xc4: {  	[sflag:s0] =	ssyncadd.remote.s32 $0x1  }
0xc5: {  	_ =	sfence.sel $0xFFFF  }
0xc6: {  	[dreg:$0x0] =	wrdreg $0xFFFFFFFF;
	(pc) =	sbr.abs _section_cstart, $3  }
0xc7: {  	[dreg:$0x1] =	wrdreg $0xFFFFFFFF  }
0xc8: {  	_ =	task.clear_ibuf [dreg:s7], $0x2FFFF;
	_ =	strace $0x9FFFFFFF  }
0xc9: {  	(tm) =	ssettm $0x7FFFFFFF  }
tec
execute0_lowered:
.L_overlay_start_1:
0x0: {  	(tag) =	ssettag $0x1  }
0x1: {  	s4 =	rddreg [dreg:$0x0]  }
0x2: {  	s5 =	rddreg [dreg:$0x1]  }
0x3: {  	s2 =	rddreg [dreg:$0x2]  }
0x4: {  	s0 =	rddreg [dreg:$0x3];
	s6 =	srdreg.scid  }
0x5: {  	s1 =	stileid.u32;
	s3 =	simm.s32 $0x0;
	s19 =	simm.s32 $0x0  }
0x6: {  	s6 =	sand.u32 $0x1, s6;
	s7 =	sshll.u32 s1, $0x1;
	[smem:$0x7FF] =	sst s3  }
0x7: {  	s14 =	sadd.s32 $0x2E00, s5;
	s9 =	sshll.u32 s1, $0xE;
	p0 =	seq.s32 s1, $0xF  }
0x8: {  	s7 =	sor.u32 s6, s7;
	_ =	strace $0x80000047;
	s8 =	ssub.s32 $0x2, s6  }
0x9: {  	s5 =	sadd.s32 s9, s2;
	s10 =	sor.u32 $0x40000, s9;
	s12 =	sor.u32 $0x80000, s9  }
0xa: {  	s13 =	smul.u32 $0x13C000, s6;
	s16 =	sor.u32 $0xC0000, s9;
	s17 =	sor.u32 $0x100000, s9  }
0xb: {  	s7 =	smul.u32 $0x500, s7;
	s31 =	sshrl.u32 s8, $0x1;
	s6 =	sadd.s32 s10, s2  }
0xc: {  	s15 =	ssub.s32 s8, s31;
	s8 =	sadd.s32 s16, s2;
	s11 =	sadd.s32 s9, s13  }
0xd: {  	s10 =	sadd.s32 s13, s10;
	s9 =	sadd.s32 s17, s2;
	s16 =	sadd.s32 s13, s16  }
0xe: {  	s4 =	sadd.s32 s4, s7;
	s7 =	sadd.s32 s12, s2;
	s11 =	sshrl.u32 s11, $0x3  }
0xf: {  	s18 =	sshrl.u32 s10, $0x3;
	s12 =	sadd.s32 s13, s12;
	s13 =	sadd.s32 s13, s17  }
0x10: {  	s16 =	sshrl.u32 s16, $0x3;
	s15 =	smax.u32 s15, $0x1;
	s10 =	sadd.s32 s14, s11  }
0x11: {  	s11 =	sadd.s32 s14, s18;
	s12 =	sshrl.u32 s12, $0x3;
	s17 =	sshrl.u32 s13, $0x3  }
0x12: {  	s13 =	sadd.s32 s14, s16;
	s16 =	simm.s32 $0x1;
	s18 =	simm.s32 $0x80  }
0x13: {  	v0 =	vimm.f32 $0.0e+00;
	v1 =	vimm.f32 $1.000000000e+00;
	s12 =	sadd.s32 s14, s12;
	s14 =	sadd.s32 s14, s17;
	s17 =	simm.s32 $0x2800  }
.LBB2_1:
0x14: {  	[tilespmem:s3], [sflag:$0x1] =	stream.linear.gather [hbm4b:s4+s3], $0x2780, $0x38;
	[tilespmem:$0x1A400] =	vst v63  }
0x15: {  	_ =	swait.ge [sflag:s16], $0x2780  }
0x16: {  	[sflag:s16] =	ssyncset.done $0x0  }
0x17: {  	s20 =	simm.s32 $0x0;
	s21 =	simm.s32 $0x200;
	[sflag:s16] =	ssyncadd.s32 $0xFFFFD880  }
.LBB2_2:
0x18: {  	p1 =	sne.s32 s21, $0xFE00;
	[tilespmem:s20+$0x2870] =	vst v0  }
0x19: {  	[tilespmem:s20+$0x2800] =	vst v0  }
0x1a: {  	[tilespmem:s20+$0x2810] =	vst v0  }
.Ltmp0:
0x1b: {  	[tilespmem:s20+$0x2820] =	vst v0;
	(pc) =	sbr.rel @p1 .LBB2_2-.Ltmp0, $4  }
0x1c: {  	[tilespmem:s20+$0x2830] =	vst v0  }
0x1d: {  	[tilespmem:s20+$0x2840] =	vst v0  }
0x1e: {  	[tilespmem:s20+$0x2850] =	vst v0  }
0x1f: {  	[tilespmem:s20+$0x2860] =	vst v0;
	s20 =	sshra.s32 s21, $0x2;
	s21 =	sadd.s32 $0x200, s21  }
0x20: {  	[tilespmem:s20+$0x2870] =	vst v0  }
0x21: {  	[tilespmem:s20+$0x2800] =	vst v0  }
0x22: {  	[tilespmem:s20+$0x2810] =	vst v0  }
0x23: {  	[tilespmem:s20+$0x2820] =	vst v0  }
0x24: {  	[tilespmem:s20+$0x2830] =	vst v0  }
0x25: {  	[tilespmem:s20+$0x2840] =	vst v0  }
0x26: {  	[tilespmem:s20+$0x2850] =	vst v0  }
0x27: {  	[tilespmem:s20+$0x2860] =	vst v0  }
0x28: {  	[spmem:s5] =	stream.linear.scatter [tilespmem:s17], [sflag:$0x1], $0x4000, $0x38;
	[tilespmem:$0x1A400] =	vst v63  }
0x29: {  	_ =	swait.ge [sflag:s16], $0x4000  }
0x2a: {  	[sflag:s16] =	ssyncset.done $0x0  }
0x2b: {  	[sflag:s16] =	ssyncadd.s32 $0xFFFFC000  }
0x2c: {  	[spmem:s6] =	stream.linear.scatter [tilespmem:s17], [sflag:$0x1], $0x4000, $0x38;
	[tilespmem:$0x1A400] =	vst v63  }
0x2d: {  	_ =	swait.ge [sflag:s16], $0x4000  }
0x2e: {  	[sflag:s16] =	ssyncset.done $0x0  }
0x2f: {  	[sflag:s16] =	ssyncadd.s32 $0xFFFFC000  }
0x30: {  	[spmem:s7] =	stream.linear.scatter [tilespmem:s17], [sflag:$0x1], $0x4000, $0x38;
	[tilespmem:$0x1A400] =	vst v63  }
0x31: {  	_ =	swait.ge [sflag:s16], $0x4000  }
0x32: {  	[sflag:s16] =	ssyncset.done $0x0  }
0x33: {  	[sflag:s16] =	ssyncadd.s32 $0xFFFFC000  }
0x34: {  	[spmem:s8] =	stream.linear.scatter [tilespmem:s17], [sflag:$0x1], $0x4000, $0x38;
	[tilespmem:$0x1A400] =	vst v63  }
0x35: {  	_ =	swait.ge [sflag:s16], $0x4000  }
0x36: {  	[sflag:s16] =	ssyncset.done $0x0  }
0x37: {  	s20 =	simm.s32 @!p0 $0x2800;
	[sflag:s16] =	ssyncadd.s32 $0xFFFFC000  }
0x38: {  	[spmem:s9] =	stream.linear.scatter @!p0 [tilespmem:s20], [sflag:$0x1], $0x4000, $0x38;
	[tilespmem:$0x1A400] =	vst v63  }
0x39: {  	s20 =	simm.s32 @!p0 $0x1  }
0x3a: {  	_ =	swait.ge @!p0 [sflag:s20], $0x4000  }
0x3b: {  	[sflag:s20] =	ssyncset.done @!p0 $0x0  }
0x3c: {  	s21 =	simm.s32 $0x200;
	[sflag:s20] =	ssyncadd.s32 @!p0 $0xFFFFC000;
	s20 =	simm.s32 $0x0  }
.LBB2_4:
0x3d: {  	p1 =	sne.s32 s21, $0xFE00;
	[tilespmem:s20+$0x2870] =	vst v1  }
0x3e: {  	[tilespmem:s20+$0x2800] =	vst v1  }
0x3f: {  	[tilespmem:s20+$0x2810] =	vst v1  }
.Ltmp1:
0x40: {  	[tilespmem:s20+$0x2820] =	vst v1;
	(pc) =	sbr.rel @p1 .LBB2_4-.Ltmp1, $4  }
0x41: {  	[tilespmem:s20+$0x2830] =	vst v1  }
0x42: {  	[tilespmem:s20+$0x2840] =	vst v1  }
0x43: {  	[tilespmem:s20+$0x2850] =	vst v1  }
0x44: {  	[tilespmem:s20+$0x2860] =	vst v1;
	s20 =	sshra.s32 s21, $0x2;
	s21 =	sadd.s32 $0x200, s21  }
0x45: {  	[tilespmem:s20+$0x2870] =	vst v1  }
0x46: {  	[tilespmem:s20+$0x2800] =	vst v1  }
0x47: {  	[tilespmem:s20+$0x2810] =	vst v1  }
0x48: {  	[tilespmem:s20+$0x2820] =	vst v1  }
0x49: {  	[tilespmem:s20+$0x2830] =	vst v1  }
0x4a: {  	[tilespmem:s20+$0x2840] =	vst v1  }
0x4b: {  	[tilespmem:s20+$0x2850] =	vst v1  }
0x4c: {  	[tilespmem:s20+$0x2860] =	vst v1  }
0x4d: {  	s31 =	simm.s32 $0x0;
	[bflag:$0x0] =	sbarrier.arrive $0xFFFF  }
0x4e: {  	[spmem:s2] =	stream.indirect.scatter.add.f32 [tilespmem:s17], [sflag:$0x1], $0x80, s31, s18, $0xb8;
	[tilespmem:$0x1A400] =	vst v63  }
0x4f: {  	_ =	swait.ge [sflag:s16], $0x4000  }
0x50: {  	s20 =	simm.s32 $0x200;
	[sflag:s16] =	ssyncset.done $0x0  }
.LBB2_6:
0x51: {  	s21 =	sshra.s32 s20, $0x2;
	[sflag:s16] =	ssyncadd.s32 $0xFFFFC000;
	p1 =	sne.s32 s20, $0x9C00  }
0x52: {  	[spmem:s2] =	stream.indirect.scatter.add.f32 [tilespmem:s17], [sflag:$0x1], $0x80, s21, s18, $0xb8;
	[tilespmem:$0x1A400] =	vst v63  }
.Ltmp2:
0x53: {  	_ = 	snop;
	(pc) =	sbr.rel @p1 .LBB2_6-.Ltmp2, $4  }
0x54: {  	_ = 	snop  }
0x55: {  	s20 =	sadd.s32 $0x200, s20  }
0x56: {  	_ =	swait.ge [sflag:s16], $0x4000  }
0x57: {  	[sflag:s16] =	ssyncset.done $0x0  }
0x58: {  	[sflag:s16] =	ssyncadd.s32 $0xFFFFC000;
	s20 =	sshll.u32 s1, $0x6  }
0x59: {  	s21 =	sshrl.u32 s5, $0x3;
	[bflag:$0x0] =	sbarrier.arrive $0xFFFF;
	s20 =	sor.u32 $0x1C01, s20  }
0x5a: {  	[hbm:s10], [sflag:s20] =	dma.local [spmem:s21], $0x800  }
0x5b: {  	_ =	swait.ge [sflag:s16], $0x800  }
0x5c: {  	[sflag:s16] =	ssyncset.done $0x0  }
0x5d: {  	s29 =	sshrl.u32 s6, $0x3;
	[sflag:s16] =	ssyncadd.s32 $0xFFFFF800  }
0x5e: {  	[hbm:s11], [sflag:s20] =	dma.local [spmem:s29], $0x800  }
0x5f: {  	_ =	swait.ge [sflag:s16], $0x800  }
0x60: {  	[sflag:s16] =	ssyncset.done $0x0  }
0x61: {  	s30 =	sshrl.u32 s7, $0x3;
	[sflag:s16] =	ssyncadd.s32 $0xFFFFF800  }
0x62: {  	[hbm:s12], [sflag:s20] =	dma.local [spmem:s30], $0x800  }
0x63: {  	_ =	swait.ge [sflag:s16], $0x800  }
0x64: {  	[sflag:s16] =	ssyncset.done $0x0  }
0x65: {  	s31 =	sshrl.u32 s8, $0x3;
	[sflag:s16] =	ssyncadd.s32 $0xFFFFF800  }
0x66: {  	[hbm:s13], [sflag:s20] =	dma.local [spmem:s31], $0x800  }
0x67: {  	_ =	swait.ge [sflag:s16], $0x800  }
0x68: {  	s19 =	sadd.s32 $0x1, s19;
	[sflag:s16] =	ssyncset.done $0x0  }
0x69: {  	p1 =	sne.s32 s19, s15;
	s21 =	sshrl.u32 @!p0 s9, $0x3;
	[sflag:s16] =	ssyncadd.s32 $0xFFFFF800  }
0x6a: {  	[hbm:s14], [sflag:s20] =	dma.local @!p0 [spmem:s21], $0x800  }
.Ltmp3:
0x6b: {  	_ = 	snop;
	(pc) =	sbr.rel @p1 .LBB2_1-.Ltmp3, $4  }
0x6c: {  	s20 =	simm.s32 @!p0 $0x1  }
0x6d: {  	_ =	swait.ge @!p0 [sflag:s20], $0x800  }
0x6e: {  	[sflag:s20] =	ssyncset.done @!p0 $0x0  }
0x6f: {  	[sflag:s20] =	ssyncadd.s32 @!p0 $0xFFFFF800  }
0x70: {  	_ =	sfence.sel $0x180000  }
0x71: {  	[bflag:$0x0] =	sbarrier.arrive $0xFFFF  }
0x72: {  	p0 =	sne.s32 s1, $0x0;
	_ =	strace $0x90000047  }
0x73: {  	s0 =	sadd.s32 @!p0 $0x100000, s0;
	[bflag:$0x2] =	sbarrier.arrive $0xFFFF  }
0x74: {  	[sflag:s0] =	ssyncadd.tile.s32 @!p0 $0x1;
	_ =	shalt  }
.Lfunc_end2:
_tile_overlayer_lowered:
.L_overlay_start_2:
0x75: {  	(tag) =	ssettag $0x2  }
0x76: {  	s0 =	rddreg [dreg:$0x0];
	s2 =	stileid.u32  }
0x77: {  	s1 =	rddreg [dreg:$0x1];
	p0 =	sne.s32 s2, $0x0  }
0x78: {  	s3 =	rddreg [dreg:$0x2];
	[bflag:$0x3] =	sbarrier.arrive $0xFFFF;
	s2 =	simm.s32 @!p0 $0x1C01  }
0x79: {  	[timem:s3], [sflag:s2] =	dma.local @!p0 [hbm:s0], s1  }
0x7a: {  	s0 =	simm.s32 @!p0 $0x1  }
0x7b: {  	_ =	swait.ge @!p0 [sflag:s0], s1  }
0x7c: {  	s1 =	ssub.s32 @!p0 $0x0, s1;
	[sflag:s0] =	ssyncset.done @!p0 $0x0  }
0x7d: {  	[sflag:s0] =	ssyncadd.s32 @!p0 s1  }
0x7e: {  	[bflag:$0x3] =	sbarrier.arrive $0xFFFF  }
0x7f: {  	_ =	shalt  }

</sc_bundles>
